<compile_context>
chip_gen: v7x
topology: tpu7x:2x2x1
jax: 0.10.2.dev20260603
libtpu: 0.0.44.dev20260713+nightly
codegen_flags: <defaults>
</compile_context>

<pallas_src>
import functools

import jax
import jax.numpy as jnp
from jax import lax
from jax.experimental import pallas as pl
from jax.experimental.pallas import tpu as pltpu
from jax.experimental.pallas import tpu_sc as plsc

BATCH = 1024
CAST = 256
HID = 128
INP = 128
NROWS = BATCH * CAST
NW = 32
B_PER_W = BATCH // NW
ROWS_PER_W = NROWS // NW
CH = 256
NCH = ROWS_PER_W // CH


def _sc_gather():
    mesh = plsc.VectorSubcoreMesh(core_axis_name="c", subcore_axis_name="s")

    @functools.partial(
        pl.kernel,
        out_type=jax.ShapeDtypeStruct((BATCH, HID), jnp.float32),
        mesh=mesh,
        scratch_types=[
            pltpu.VMEM((B_PER_W,), jnp.int32),
            pltpu.VMEM((B_PER_W, HID), jnp.float32),
            pltpu.SemaphoreType.DMA,
        ],
    )
    def body(st_hbm, idx_hbm, out_hbm, idx_v, rows_v, sem):
        wid = lax.axis_index("s") * 2 + lax.axis_index("c")
        base = wid * B_PER_W
        pltpu.sync_copy(idx_hbm.at[pl.ds(base, B_PER_W)], idx_v)
        pltpu.async_copy(st_hbm.at[idx_v], rows_v, sem).wait()
        pltpu.sync_copy(rows_v, out_hbm.at[pl.ds(base, B_PER_W)])

    return body


def _gru_body(x_ref, h_ref, wi_ref, wh_ref, bi_ref, bh_ref, stop_ref,
              sel_ref, scat_ref, flag_ref):
    x = x_ref[...]
    h = h_ref[...]
    dn = (((1,), (1,)), ((), ()))
    gi = lax.dot_general(x, wi_ref[...], dn,
                         preferred_element_type=jnp.float32) + bi_ref[...]
    gh = lax.dot_general(h, wh_ref[...], dn,
                         preferred_element_type=jnp.float32) + bh_ref[...]
    i_r, i_z, i_n = gi[:, :HID], gi[:, HID:2 * HID], gi[:, 2 * HID:]
    h_r, h_z, h_n = gh[:, :HID], gh[:, HID:2 * HID], gh[:, 2 * HID:]
    r = jax.nn.sigmoid(i_r + h_r)
    z = jax.nn.sigmoid(i_z + h_z)
    n = jnp.tanh(i_n + r * h_n)
    new_h = (1.0 - z) * n + z * h
    sel_ref[...] = new_h
    rid = lax.broadcasted_iota(jnp.int32, (BATCH, 1), 0)
    stopped = jnp.any(rid == stop_ref[...], axis=1, keepdims=True)
    scat_ref[...] = jnp.where(stopped, 0.0, new_h)
    flag_ref[...] = stopped.astype(jnp.int32)


def _sc_update():
    mesh = plsc.VectorSubcoreMesh(core_axis_name="c", subcore_axis_name="s")

    @functools.partial(
        pl.kernel,
        out_type=jax.ShapeDtypeStruct((NROWS, HID), jnp.float32),
        mesh=mesh,
        scratch_types=[
            pltpu.VMEM((CH, HID), jnp.float32),
            pltpu.VMEM((CH, HID), jnp.float32),
            pltpu.VMEM((B_PER_W,), jnp.int32),
            pltpu.VMEM((B_PER_W, HID), jnp.float32),
            pltpu.VMEM((B_PER_W,), jnp.int32),
            pltpu.SemaphoreType.DMA,
            pltpu.SemaphoreType.DMA,
            pltpu.SemaphoreType.DMA,
            pltpu.SemaphoreType.DMA,
            pltpu.SemaphoreType.DMA,
        ],
    )
    def body(st_hbm, rows_hbm, idx_hbm, flag_hbm, zeros_hbm, out_hbm,
             buf0, buf1, idx_v, rows_v, flags_v, si0, si1, so0, so1, sx):
        wid = lax.axis_index("s") * 2 + lax.axis_index("c")
        base = wid * ROWS_PER_W
        bufs = (buf0, buf1)
        sin = (si0, si1)
        sout = (so0, so1)
        rbase = wid * B_PER_W
        pltpu.sync_copy(idx_hbm.at[pl.ds(rbase, B_PER_W)], idx_v)
        pltpu.sync_copy(rows_hbm.at[pl.ds(rbase, B_PER_W)], rows_v)
        pltpu.sync_copy(flag_hbm.at[pl.ds(rbase, B_PER_W)], flags_v)
        for k in range(NCH):
            b = k % 2
            if k >= 2:
                pltpu.make_async_copy(
                    bufs[b], out_hbm.at[pl.ds(base + (k - 2) * CH, CH)],
                    sout[b]).wait()
            cin = pltpu.make_async_copy(
                st_hbm.at[pl.ds(base + k * CH, CH)], bufs[b], sin[b])
            cin.start()
            cin.wait()
            pltpu.make_async_copy(
                bufs[b], out_hbm.at[pl.ds(base + k * CH, CH)], sout[b]).start()
        for k in (NCH - 2, NCH - 1):
            b = k % 2
            pltpu.make_async_copy(
                bufs[b], out_hbm.at[pl.ds(base + k * CH, CH)], sout[b]).wait()
        pltpu.async_copy(rows_v, out_hbm.at[idx_v], sx).wait()
        for g2 in range(B_PER_W // 16):
            fvec = flags_v[pl.ds(g2 * 16, 16)]
            for j in range(16):
                row = rbase + g2 * 16 + j
                cond = fvec[j] != 0

                def _zero(row=row):
                    pltpu.sync_copy(zeros_hbm,
                                    out_hbm.at[pl.ds(row * CAST, CAST)])
                pl.when(cond)(_zero)

    return body


def kernel(x, state, W_ih, W_hh, b_ih, b_hh, batch_idxs, actor_ids,
           story_stop_idxs):
    del batch_idxs
    aid = jnp.clip(actor_ids, 0, CAST - 1).astype(jnp.int32)
    flat_idx = jnp.arange(BATCH, dtype=jnp.int32) * CAST + aid
    stops = story_stop_idxs.astype(jnp.int32)
    zeros = jnp.zeros((CAST, HID), jnp.float32)
    st2 = state.reshape(NROWS, HID)

    h = _sc_gather()(st2, flat_idx)

    new_selected, scat_rows, stop_flags = pl.pallas_call(
        _gru_body,
        in_specs=[
            pl.BlockSpec((BATCH, INP), lambda: (0, 0)),
            pl.BlockSpec((BATCH, HID), lambda: (0, 0)),
            pl.BlockSpec((3 * HID, INP), lambda: (0, 0)),
            pl.BlockSpec((3 * HID, HID), lambda: (0, 0)),
            pl.BlockSpec((1, 3 * HID), lambda: (0, 0)),
            pl.BlockSpec((1, 3 * HID), lambda: (0, 0)),
            pl.BlockSpec((1, 16), lambda: (0, 0)),
        ],
        out_specs=[
            pl.BlockSpec((BATCH, HID), lambda: (0, 0)),
            pl.BlockSpec((BATCH, HID), lambda: (0, 0)),
            pl.BlockSpec((BATCH, 1), lambda: (0, 0)),
        ],
        out_shape=[
            jax.ShapeDtypeStruct((BATCH, HID), jnp.float32),
            jax.ShapeDtypeStruct((BATCH, HID), jnp.float32),
            jax.ShapeDtypeStruct((BATCH, 1), jnp.int32),
        ],
    )(x, h, W_ih, W_hh, b_ih.reshape(1, -1), b_hh.reshape(1, -1),
      stops.reshape(1, 16))

    new_state = _sc_update()(st2, scat_rows, flat_idx,
                             stop_flags.reshape(BATCH), zeros)
    return new_selected, new_state.reshape(BATCH, CAST, HID)

# --- scband reference (transcript-rebuilt; emitter-appended) ---
"""Pipeline reference for scband-fixed-size-actor-pool-62508954026545 (READ-ONLY COPY).

The authoritative reference and input builder live on the scoring server;
editing this copy changes nothing except your own understanding.
"""

import jax, jax.numpy as jnp
import numpy as np

BATCH = 1024
CAST = 256
HID = 128
INP = 128


def setup_inputs(seed: int = 0) -> dict:
    key = jax.random.key(seed)
    ks = jax.random.split(key, 9)
    scale = 1.0 / np.sqrt(HID)
    x = jax.random.normal(ks[0], (BATCH, INP), dtype=jnp.float32)
    state = jax.random.normal(ks[1], (BATCH, CAST, HID), dtype=jnp.float32)
    W_ih = jax.random.normal(ks[2], (3 * HID, INP), dtype=jnp.float32) * scale
    W_hh = jax.random.normal(ks[3], (3 * HID, HID), dtype=jnp.float32) * scale
    b_ih = jax.random.normal(ks[4], (3 * HID,), dtype=jnp.float32) * scale
    b_hh = jax.random.normal(ks[5], (3 * HID,), dtype=jnp.float32) * scale
    batch_idxs = jnp.arange(BATCH, dtype=jnp.int32)
    actor_ids = jax.random.randint(ks[6], (BATCH,), 0, CAST, dtype=jnp.int32)
    story_stop_idxs = jax.random.randint(ks[7], (16,), 0, BATCH, dtype=jnp.int32)
    return {
        "x": x,
        "state": state,
        "W_ih": W_ih,
        "W_hh": W_hh,
        "b_ih": b_ih,
        "b_hh": b_hh,
        "batch_idxs": batch_idxs,
        "actor_ids": actor_ids,
        "story_stop_idxs": story_stop_idxs,
    }


def _gru_cell(x, h, W_ih, W_hh, b_ih, b_hh):
    # PyTorch GRUCell semantics; gate order: r, z, n
    gi = x @ W_ih.T + b_ih
    gh = h @ W_hh.T + b_hh
    i_r, i_z, i_n = jnp.split(gi, 3, axis=1)
    h_r, h_z, h_n = jnp.split(gh, 3, axis=1)
    r = jax.nn.sigmoid(i_r + h_r)
    z = jax.nn.sigmoid(i_z + h_z)
    n = jnp.tanh(i_n + r * h_n)
    return (1.0 - z) * n + z * h


def reference(x, state, W_ih, W_hh, b_ih, b_hh, batch_idxs, actor_ids, story_stop_idxs):
    # actor_ids.clamp(0, cast_size - 1)
    actor_ids = jnp.clip(actor_ids, 0, CAST - 1)
    # convert_idxs: stack([batch_idxs, actor_ids[batch_idxs]]).t()
    sel_actor = actor_ids[batch_idxs]
    # _get_actors: gather rows from the actor memory pool (SelectND)
    selected = state[batch_idxs, sel_actor]
    # GRU update on the selected actor states
    new_selected = _gru_cell(x, selected, W_ih, W_hh, b_ih, b_hh)
    # _update_actors: scatter-overwrite updated rows (SelectiveUpdate)
    new_state = state.at[batch_idxs, sel_actor].set(new_selected)
    # end_stories: InPlaceZeroDetach zeroes the finished-story batch rows
    new_state = new_state.at[story_stop_idxs].set(0.0)
    return new_selected, new_state

if __name__ == "__main__":
    import jax
    _d = setup_inputs()
    print(jax.jit(kernel)(*tuple(_d.values())))

</pallas_src>

<mosaic_0001>
#map = affine_map<(d0, d1) -> (0, 0)>
#map1 = affine_map<(d0, d1) -> (0)>
module attributes {stable_mosaic.version = 14 : i64} {
  func.func @body(%arg0: i32, %arg1: i32, %arg2: memref<262144x128xf32, #tpu.memory_space<hbm>>, %arg3: memref<1024xi32, #tpu.memory_space<hbm>>, %arg4: memref<1024x128xf32, #tpu.memory_space<hbm>>, %arg5: memref<32xi32, #tpu.memory_space<vmem>>, %arg6: memref<32x128xf32, #tpu.memory_space<vmem>>, %arg7: memref<!tpu.dma_semaphore, #tpu.memory_space<semaphore_mem>>) attributes {dimension_semantics = [#tpu.dimension_semantics<core_parallel>, #tpu.dimension_semantics<subcore_parallel>], iteration_bounds = array<i64: 2, 16>, scalar_prefetch = 0 : i64, scratch_operands = 3 : i64, tpu.core_type = #tpu.core_type<sc_vector_subcore>, window_params = [{transform_indices = #map}, {transform_indices = #map1}, {transform_indices = #map}]} {
    %mul3A = arith.constant 2 : i32
    %mul3A_0 = arith.muli %arg1, %mul3A : i32
    %add3A = arith.addi %mul3A_0, %arg0 : i32
    %mul3A_1 = arith.constant 32 : i32
    %mul3A_2 = arith.muli %add3A, %mul3A_1 : i32
    "tpu.region"() ({
      %run_scoped3A = tpu.sem_alloc : memref<!tpu.dma_semaphore, #tpu.memory_space<semaphore_mem>>
      %dma_start3A_7 = tpu.memref_slice %arg3[%mul3A_2] : memref<1024xi32, #tpu.memory_space<hbm>> -> memref<32xi32, #tpu.memory_space<hbm>>
      %dma_start3A_8 = tpu.memref_slice %arg3[%mul3A_2] : memref<1024xi32, #tpu.memory_space<hbm>> -> memref<32xi32, #tpu.memory_space<hbm>>
      tpu.enqueue_dma source(%dma_start3A_8 : memref<32xi32, #tpu.memory_space<hbm>>) target(%arg5 : memref<32xi32, #tpu.memory_space<vmem>>) target_semaphore(%run_scoped3A : memref<!tpu.dma_semaphore, #tpu.memory_space<semaphore_mem>>)
      %dma_wait3A_9 = tpu.memref_slice %arg3[%mul3A_2] : memref<1024xi32, #tpu.memory_space<hbm>> -> memref<32xi32, #tpu.memory_space<hbm>>
      %dma_wait3A_10 = tpu.memref_slice %arg3[%mul3A_2] : memref<1024xi32, #tpu.memory_space<hbm>> -> memref<32xi32, #tpu.memory_space<hbm>>
      tpu.wait_dma2 semaphore(%run_scoped3A : memref<!tpu.dma_semaphore, #tpu.memory_space<semaphore_mem>>) src(%dma_wait3A_10 : memref<32xi32, #tpu.memory_space<hbm>>) dst(%arg5 : memref<32xi32, #tpu.memory_space<vmem>>)
      tpu.yield
    }) : () -> ()
    %dma_start3A = arith.constant 0 : i32
    %dma_start3A_3 = arith.constant 0 : i32
    %dma_start3A_4 = tpu.memref_slice %arg2[%dma_start3A, %dma_start3A_3] : memref<262144x128xf32, #tpu.memory_space<hbm>> -> memref<262144x128xf32, #tpu.memory_space<hbm>>
    tpu.enqueue_indirect_dma source(%dma_start3A_4 : memref<262144x128xf32, #tpu.memory_space<hbm>>) target(%arg6 : memref<32x128xf32, #tpu.memory_space<vmem>>) offsets(%arg5 : memref<32xi32, #tpu.memory_space<vmem>>) semaphore(%arg7 : memref<!tpu.dma_semaphore, #tpu.memory_space<semaphore_mem>>)
    %dma_wait3A = arith.constant 0 : i32
    %dma_wait3A_5 = arith.constant 0 : i32
    %dma_wait3A_6 = tpu.memref_slice %arg2[%dma_wait3A, %dma_wait3A_5] : memref<262144x128xf32, #tpu.memory_space<hbm>> -> memref<262144x128xf32, #tpu.memory_space<hbm>>
    tpu.wait_indirect_dma semaphore(%arg7 : memref<!tpu.dma_semaphore, #tpu.memory_space<semaphore_mem>>) src(%dma_wait3A_6 : memref<262144x128xf32, #tpu.memory_space<hbm>>) dst(%arg6 : memref<32x128xf32, #tpu.memory_space<vmem>>)
    "tpu.region"() ({
      %run_scoped3A = tpu.sem_alloc : memref<!tpu.dma_semaphore, #tpu.memory_space<semaphore_mem>>
      %dma_start3A_7 = arith.constant 0 : i32
      %dma_start3A_8 = tpu.memref_slice %arg4[%mul3A_2, %dma_start3A_7] : memref<1024x128xf32, #tpu.memory_space<hbm>> -> memref<32x128xf32, #tpu.memory_space<hbm>>
      %dma_start3A_9 = arith.constant 0 : i32
      %dma_start3A_10 = tpu.memref_slice %arg4[%mul3A_2, %dma_start3A_9] : memref<1024x128xf32, #tpu.memory_space<hbm>> -> memref<32x128xf32, #tpu.memory_space<hbm>>
      tpu.enqueue_dma source(%arg6 : memref<32x128xf32, #tpu.memory_space<vmem>>) target(%dma_start3A_10 : memref<32x128xf32, #tpu.memory_space<hbm>>) target_semaphore(%run_scoped3A : memref<!tpu.dma_semaphore, #tpu.memory_space<semaphore_mem>>)
      %dma_wait3A_11 = arith.constant 0 : i32
      %dma_wait3A_12 = tpu.memref_slice %arg4[%mul3A_2, %dma_wait3A_11] : memref<1024x128xf32, #tpu.memory_space<hbm>> -> memref<32x128xf32, #tpu.memory_space<hbm>>
      %dma_wait3A_13 = arith.constant 0 : i32
      %dma_wait3A_14 = tpu.memref_slice %arg4[%mul3A_2, %dma_wait3A_13] : memref<1024x128xf32, #tpu.memory_space<hbm>> -> memref<32x128xf32, #tpu.memory_space<hbm>>
      tpu.wait_dma2 semaphore(%run_scoped3A : memref<!tpu.dma_semaphore, #tpu.memory_space<semaphore_mem>>) src(%arg6 : memref<32x128xf32, #tpu.memory_space<vmem>>) dst(%dma_wait3A_14 : memref<32x128xf32, #tpu.memory_space<hbm>>)
      tpu.yield
    }) : () -> ()
    return
  }
}

#map = affine_map<(d0, d1) -> (0, 0)>
#map1 = affine_map<(d0, d1) -> (0)>
module attributes {stable_mosaic.version = 14 : i64} {
  func.func @body(%arg0: i32, %arg1: i32, %arg2: memref<262144x128xf32, #tpu.memory_space<hbm>>, %arg3: memref<1024x128xf32, #tpu.memory_space<hbm>>, %arg4: memref<1024xi32, #tpu.memory_space<hbm>>, %arg5: memref<1024xi32, #tpu.memory_space<hbm>>, %arg6: memref<256x128xf32, #tpu.memory_space<hbm>>, %arg7: memref<262144x128xf32, #tpu.memory_space<hbm>>, %arg8: memref<256x128xf32, #tpu.memory_space<vmem>>, %arg9: memref<256x128xf32, #tpu.memory_space<vmem>>, %arg10: memref<32xi32, #tpu.memory_space<vmem>>, %arg11: memref<32x128xf32, #tpu.memory_space<vmem>>, %arg12: memref<32xi32, #tpu.memory_space<vmem>>, %arg13: memref<!tpu.dma_semaphore, #tpu.memory_space<semaphore_mem>>, %arg14: memref<!tpu.dma_semaphore, #tpu.memory_space<semaphore_mem>>, %arg15: memref<!tpu.dma_semaphore, #tpu.memory_space<semaphore_mem>>, %arg16: memref<!tpu.dma_semaphore, #tpu.memory_space<semaphore_mem>>, %arg17: memref<!tpu.dma_semaphore, #tpu.memory_space<semaphore_mem>>) attributes {dimension_semantics = [#tpu.dimension_semantics<core_parallel>, #tpu.dimension_semantics<subcore_parallel>], iteration_bounds = array<i64: 2, 16>, scalar_prefetch = 0 : i64, scratch_operands = 10 : i64, tpu.core_type = #tpu.core_type<sc_vector_subcore>, window_params = [{transform_indices = #map}, {transform_indices = #map}, {transform_indices = #map1}, {transform_indices = #map1}, {transform_indices = #map}, {transform_indices = #map}]} {
    %mul3A = arith.constant 2 : i32
    %mul3A_0 = arith.muli %arg1, %mul3A : i32
    %add3A = arith.addi %mul3A_0, %arg0 : i32
    %mul3A_1 = arith.constant 8192 : i32
    %mul3A_2 = arith.muli %add3A, %mul3A_1 : i32
    %mul3A_3 = arith.constant 32 : i32
    %mul3A_4 = arith.muli %add3A, %mul3A_3 : i32
    "tpu.region"() ({
      %run_scoped3A = tpu.sem_alloc : memref<!tpu.dma_semaphore, #tpu.memory_space<semaphore_mem>>
      %dma_start3A_1065 = tpu.memref_slice %arg4[%mul3A_4] : memref<1024xi32, #tpu.memory_space<hbm>> -> memref<32xi32, #tpu.memory_space<hbm>>
      %dma_start3A_1066 = tpu.memref_slice %arg4[%mul3A_4] : memref<1024xi32, #tpu.memory_space<hbm>> -> memref<32xi32, #tpu.memory_space<hbm>>
      tpu.enqueue_dma source(%dma_start3A_1066 : memref<32xi32, #tpu.memory_space<hbm>>) target(%arg10 : memref<32xi32, #tpu.memory_space<vmem>>) target_semaphore(%run_scoped3A : memref<!tpu.dma_semaphore, #tpu.memory_space<semaphore_mem>>)
      %dma_wait3A_1067 = tpu.memref_slice %arg4[%mul3A_4] : memref<1024xi32, #tpu.memory_space<hbm>> -> memref<32xi32, #tpu.memory_space<hbm>>
      %dma_wait3A_1068 = tpu.memref_slice %arg4[%mul3A_4] : memref<1024xi32, #tpu.memory_space<hbm>> -> memref<32xi32, #tpu.memory_space<hbm>>
      tpu.wait_dma2 semaphore(%run_scoped3A : memref<!tpu.dma_semaphore, #tpu.memory_space<semaphore_mem>>) src(%dma_wait3A_1068 : memref<32xi32, #tpu.memory_space<hbm>>) dst(%arg10 : memref<32xi32, #tpu.memory_space<vmem>>)
      tpu.yield
    }) : () -> ()
    "tpu.region"() ({
      %run_scoped3A = tpu.sem_alloc : memref<!tpu.dma_semaphore, #tpu.memory_space<semaphore_mem>>
      %dma_start3A_1065 = arith.constant 0 : i32
      %dma_start3A_1066 = tpu.memref_slice %arg3[%mul3A_4, %dma_start3A_1065] : memref<1024x128xf32, #tpu.memory_space<hbm>> -> memref<32x128xf32, #tpu.memory_space<hbm>>
      %dma_start3A_1067 = arith.constant 0 : i32
      %dma_start3A_1068 = tpu.memref_slice %arg3[%mul3A_4, %dma_start3A_1067] : memref<1024x128xf32, #tpu.memory_space<hbm>> -> memref<32x128xf32, #tpu.memory_space<hbm>>
      tpu.enqueue_dma source(%dma_start3A_1068 : memref<32x128xf32, #tpu.memory_space<hbm>>) target(%arg11 : memref<32x128xf32, #tpu.memory_space<vmem>>) target_semaphore(%run_scoped3A : memref<!tpu.dma_semaphore, #tpu.memory_space<semaphore_mem>>)
      %dma_wait3A_1069 = arith.constant 0 : i32
      %dma_wait3A_1070 = tpu.memref_slice %arg3[%mul3A_4, %dma_wait3A_1069] : memref<1024x128xf32, #tpu.memory_space<hbm>> -> memref<32x128xf32, #tpu.memory_space<hbm>>
      %dma_wait3A_1071 = arith.constant 0 : i32
      %dma_wait3A_1072 = tpu.memref_slice %arg3[%mul3A_4, %dma_wait3A_1071] : memref<1024x128xf32, #tpu.memory_space<hbm>> -> memref<32x128xf32, #tpu.memory_space<hbm>>
      tpu.wait_dma2 semaphore(%run_scoped3A : memref<!tpu.dma_semaphore, #tpu.memory_space<semaphore_mem>>) src(%dma_wait3A_1072 : memref<32x128xf32, #tpu.memory_space<hbm>>) dst(%arg11 : memref<32x128xf32, #tpu.memory_space<vmem>>)
      tpu.yield
    }) : () -> ()
    "tpu.region"() ({
      %run_scoped3A = tpu.sem_alloc : memref<!tpu.dma_semaphore, #tpu.memory_space<semaphore_mem>>
      %dma_start3A_1065 = tpu.memref_slice %arg5[%mul3A_4] : memref<1024xi32, #tpu.memory_space<hbm>> -> memref<32xi32, #tpu.memory_space<hbm>>
      %dma_start3A_1066 = tpu.memref_slice %arg5[%mul3A_4] : memref<1024xi32, #tpu.memory_space<hbm>> -> memref<32xi32, #tpu.memory_space<hbm>>
      tpu.enqueue_dma source(%dma_start3A_1066 : memref<32xi32, #tpu.memory_space<hbm>>) target(%arg12 : memref<32xi32, #tpu.memory_space<vmem>>) target_semaphore(%run_scoped3A : memref<!tpu.dma_semaphore, #tpu.memory_space<semaphore_mem>>)
      %dma_wait3A_1067 = tpu.memref_slice %arg5[%mul3A_4] : memref<1024xi32, #tpu.memory_space<hbm>> -> memref<32xi32, #tpu.memory_space<hbm>>
      %dma_wait3A_1068 = tpu.memref_slice %arg5[%mul3A_4] : memref<1024xi32, #tpu.memory_space<hbm>> -> memref<32xi32, #tpu.memory_space<hbm>>
      tpu.wait_dma2 semaphore(%run_scoped3A : memref<!tpu.dma_semaphore, #tpu.memory_space<semaphore_mem>>) src(%dma_wait3A_1068 : memref<32xi32, #tpu.memory_space<hbm>>) dst(%arg12 : memref<32xi32, #tpu.memory_space<vmem>>)
      tpu.yield
    }) : () -> ()
    %add3A_5 = arith.constant 0 : i32
    %add3A_6 = arith.addi %mul3A_2, %add3A_5 : i32
    %dma_start3A = arith.constant 0 : i32
    %dma_start3A_7 = tpu.memref_slice %arg2[%add3A_6, %dma_start3A] : memref<262144x128xf32, #tpu.memory_space<hbm>> -> memref<256x128xf32, #tpu.memory_space<hbm>>
    %dma_start3A_8 = arith.constant 0 : i32
    %dma_start3A_9 = tpu.memref_slice %arg2[%add3A_6, %dma_start3A_8] : memref<262144x128xf32, #tpu.memory_space<hbm>> -> memref<256x128xf32, #tpu.memory_space<hbm>>
    tpu.enqueue_dma source(%dma_start3A_9 : memref<256x128xf32, #tpu.memory_space<hbm>>) target(%arg8 : memref<256x128xf32, #tpu.memory_space<vmem>>) target_semaphore(%arg13 : memref<!tpu.dma_semaphore, #tpu.memory_space<semaphore_mem>>)
    %dma_wait3A = arith.constant 0 : i32
    %dma_wait3A_10 = tpu.memref_slice %arg2[%add3A_6, %dma_wait3A] : memref<262144x128xf32, #tpu.memory_space<hbm>> -> memref<256x128xf32, #tpu.memory_space<hbm>>
    %dma_wait3A_11 = arith.constant 0 : i32
    %dma_wait3A_12 = tpu.memref_slice %arg2[%add3A_6, %dma_wait3A_11] : memref<262144x128xf32, #tpu.memory_space<hbm>> -> memref<256x128xf32, #tpu.memory_space<hbm>>
    tpu.wait_dma2 semaphore(%arg13 : memref<!tpu.dma_semaphore, #tpu.memory_space<semaphore_mem>>) src(%dma_wait3A_12 : memref<256x128xf32, #tpu.memory_space<hbm>>) dst(%arg8 : memref<256x128xf32, #tpu.memory_space<vmem>>)
    %add3A_13 = arith.constant 0 : i32
    %add3A_14 = arith.addi %mul3A_2, %add3A_13 : i32
    %dma_start3A_15 = arith.constant 0 : i32
    %dma_start3A_16 = tpu.memref_slice %arg7[%add3A_14, %dma_start3A_15] : memref<262144x128xf32, #tpu.memory_space<hbm>> -> memref<256x128xf32, #tpu.memory_space<hbm>>
    %dma_start3A_17 = arith.constant 0 : i32
    %dma_start3A_18 = tpu.memref_slice %arg7[%add3A_14, %dma_start3A_17] : memref<262144x128xf32, #tpu.memory_space<hbm>> -> memref<256x128xf32, #tpu.memory_space<hbm>>
    tpu.enqueue_dma source(%arg8 : memref<256x128xf32, #tpu.memory_space<vmem>>) target(%dma_start3A_18 : memref<256x128xf32, #tpu.memory_space<hbm>>) target_semaphore(%arg15 : memref<!tpu.dma_semaphore, #tpu.memory_space<semaphore_mem>>)
    %add3A_19 = arith.constant 256 : i32
    %add3A_20 = arith.addi %mul3A_2, %add3A_19 : i32
    %dma_start3A_21 = arith.constant 0 : i32
    %dma_start3A_22 = tpu.memref_slice %arg2[%add3A_20, %dma_start3A_21] : memref<262144x128xf32, #tpu.memory_space<hbm>> -> memref<256x128xf32, #tpu.memory_space<hbm>>
    %dma_start3A_23 = arith.constant 0 : i32
    %dma_start3A_24 = tpu.memref_slice %arg2[%add3A_20, %dma_start3A_23] : memref<262144x128xf32, #tpu.memory_space<hbm>> -> memref<256x128xf32, #tpu.memory_space<hbm>>
    tpu.enqueue_dma source(%dma_start3A_24 : memref<256x128xf32, #tpu.memory_space<hbm>>) target(%arg9 : memref<256x128xf32, #tpu.memory_space<vmem>>) target_semaphore(%arg14 : memref<!tpu.dma_semaphore, #tpu.memory_space<semaphore_mem>>)
    %dma_wait3A_25 = arith.constant 0 : i32
    %dma_wait3A_26 = tpu.memref_slice %arg2[%add3A_20, %dma_wait3A_25] : memref<262144x128xf32, #tpu.memory_space<hbm>> -> memref<256x128xf32, #tpu.memory_space<hbm>>
    %dma_wait3A_27 = arith.constant 0 : i32
    %dma_wait3A_28 = tpu.memref_slice %arg2[%add3A_20, %dma_wait3A_27] : memref<262144x128xf32, #tpu.memory_space<hbm>> -> memref<256x128xf32, #tpu.memory_space<hbm>>
    tpu.wait_dma2 semaphore(%arg14 : memref<!tpu.dma_semaphore, #tpu.memory_space<semaphore_mem>>) src(%dma_wait3A_28 : memref<256x128xf32, #tpu.memory_space<hbm>>) dst(%arg9 : memref<256x128xf32, #tpu.memory_space<vmem>>)
    %add3A_29 = arith.constant 256 : i32
    %add3A_30 = arith.addi %mul3A_2, %add3A_29 : i32
    %dma_start3A_31 = arith.constant 0 : i32
    %dma_start3A_32 = tpu.memref_slice %arg7[%add3A_30, %dma_start3A_31] : memref<262144x128xf32, #tpu.memory_space<hbm>> -> memref<256x128xf32, #tpu.memory_space<hbm>>
    %dma_start3A_33 = arith.constant 0 : i32
    %dma_start3A_34 = tpu.memref_slice %arg7[%add3A_30, %dma_start3A_33] : memref<262144x128xf32, #tpu.memory_space<hbm>> -> memref<256x128xf32, #tpu.memory_space<hbm>>
    tpu.enqueue_dma source(%arg9 : memref<256x128xf32, #tpu.memory_space<vmem>>) target(%dma_start3A_34 : memref<256x128xf32, #tpu.memory_space<hbm>>) target_semaphore(%arg16 : memref<!tpu.dma_semaphore, #tpu.memory_space<semaphore_mem>>)
    %add3A_35 = arith.constant 0 : i32
    %add3A_36 = arith.addi %mul3A_2, %add3A_35 : i32
    %dma_wait3A_37 = arith.constant 0 : i32
    %dma_wait3A_38 = tpu.memref_slice %arg7[%add3A_36, %dma_wait3A_37] : memref<262144x128xf32, #tpu.memory_space<hbm>> -> memref<256x128xf32, #tpu.memory_space<hbm>>
    %dma_wait3A_39 = arith.constant 0 : i32
    %dma_wait3A_40 = tpu.memref_slice %arg7[%add3A_36, %dma_wait3A_39] : memref<262144x128xf32, #tpu.memory_space<hbm>> -> memref<256x128xf32, #tpu.memory_space<hbm>>
    tpu.wait_dma2 semaphore(%arg15 : memref<!tpu.dma_semaphore, #tpu.memory_space<semaphore_mem>>) src(%arg8 : memref<256x128xf32, #tpu.memory_space<vmem>>) dst(%dma_wait3A_40 : memref<256x128xf32, #tpu.memory_space<hbm>>)
    %add3A_41 = arith.constant 512 : i32
    %add3A_42 = arith.addi %mul3A_2, %add3A_41 : i32
    %dma_start3A_43 = arith.constant 0 : i32
    %dma_start3A_44 = tpu.memref_slice %arg2[%add3A_42, %dma_start3A_43] : memref<262144x128xf32, #tpu.memory_space<hbm>> -> memref<256x128xf32, #tpu.memory_space<hbm>>
    %dma_start3A_45 = arith.constant 0 : i32
    %dma_start3A_46 = tpu.memref_slice %arg2[%add3A_42, %dma_start3A_45] : memref<262144x128xf32, #tpu.memory_space<hbm>> -> memref<256x128xf32, #tpu.memory_space<hbm>>
    tpu.enqueue_dma source(%dma_start3A_46 : memref<256x128xf32, #tpu.memory_space<hbm>>) target(%arg8 : memref<256x128xf32, #tpu.memory_space<vmem>>) target_semaphore(%arg13 : memref<!tpu.dma_semaphore, #tpu.memory_space<semaphore_mem>>)
    %dma_wait3A_47 = arith.constant 0 : i32
    %dma_wait3A_48 = tpu.memref_slice %arg2[%add3A_42, %dma_wait3A_47] : memref<262144x128xf32, #tpu.memory_space<hbm>> -> memref<256x128xf32, #tpu.memory_space<hbm>>
    %dma_wait3A_49 = arith.constant 0 : i32
    %dma_wait3A_50 = tpu.memref_slice %arg2[%add3A_42, %dma_wait3A_49] : memref<262144x128xf32, #tpu.memory_space<hbm>> -> memref<256x128xf32, #tpu.memory_space<hbm>>
    tpu.wait_dma2 semaphore(%arg13 : memref<!tpu.dma_semaphore, #tpu.memory_space<semaphore_mem>>) src(%dma_wait3A_50 : memref<256x128xf32, #tpu.memory_space<hbm>>) dst(%arg8 : memref<256x128xf32, #tpu.memory_space<vmem>>)
    %add3A_51 = arith.constant 512 : i32
    %add3A_52 = arith.addi %mul3A_2, %add3A_51 : i32
    %dma_start3A_53 = arith.constant 0 : i32
    %dma_start3A_54 = tpu.memref_slice %arg7[%add3A_52, %dma_start3A_53] : memref<262144x128xf32, #tpu.memory_space<hbm>> -> memref<256x128xf32, #tpu.memory_space<hbm>>
    %dma_start3A_55 = arith.constant 0 : i32
    %dma_start3A_56 = tpu.memref_slice %arg7[%add3A_52, %dma_start3A_55] : memref<262144x128xf32, #tpu.memory_space<hbm>> -> memref<256x128xf32, #tpu.memory_space<hbm>>
    tpu.enqueue_dma source(%arg8 : memref<256x128xf32, #tpu.memory_space<vmem>>) target(%dma_start3A_56 : memref<256x128xf32, #tpu.memory_space<hbm>>) target_semaphore(%arg15 : memref<!tpu.dma_semaphore, #tpu.memory_space<semaphore_mem>>)
    %add3A_57 = arith.constant 256 : i32
    %add3A_58 = arith.addi %mul3A_2, %add3A_57 : i32
    %dma_wait3A_59 = arith.constant 0 : i32
    %dma_wait3A_60 = tpu.memref_slice %arg7[%add3A_58, %dma_wait3A_59] : memref<262144x128xf32, #tpu.memory_space<hbm>> -> memref<256x128xf32, #tpu.memory_space<hbm>>
    %dma_wait3A_61 = arith.constant 0 : i32
    %dma_wait3A_62 = tpu.memref_slice %arg7[%add3A_58, %dma_wait3A_61] : memref<262144x128xf32, #tpu.memory_space<hbm>> -> memref<256x128xf32, #tpu.memory_space<hbm>>
    tpu.wait_dma2 semaphore(%arg16 : memref<!tpu.dma_semaphore, #tpu.memory_space<semaphore_mem>>) src(%arg9 : memref<256x128xf32, #tpu.memory_space<vmem>>) dst(%dma_wait3A_62 : memref<256x128xf32, #tpu.memory_space<hbm>>)
    %add3A_63 = arith.constant 768 : i32
    %add3A_64 = arith.addi %mul3A_2, %add3A_63 : i32
    %dma_start3A_65 = arith.constant 0 : i32
    %dma_start3A_66 = tpu.memref_slice %arg2[%add3A_64, %dma_start3A_65] : memref<262144x128xf32, #tpu.memory_space<hbm>> -> memref<256x128xf32, #tpu.memory_space<hbm>>
    %dma_start3A_67 = arith.constant 0 : i32
    %dma_start3A_68 = tpu.memref_slice %arg2[%add3A_64, %dma_start3A_67] : memref<262144x128xf32, #tpu.memory_space<hbm>> -> memref<256x128xf32, #tpu.memory_space<hbm>>
    tpu.enqueue_dma source(%dma_start3A_68 : memref<256x128xf32, #tpu.memory_space<hbm>>) target(%arg9 : memref<256x128xf32, #tpu.memory_space<vmem>>) target_semaphore(%arg14 : memref<!tpu.dma_semaphore, #tpu.memory_space<semaphore_mem>>)
    %dma_wait3A_69 = arith.constant 0 : i32
    %dma_wait3A_70 = tpu.memref_slice %arg2[%add3A_64, %dma_wait3A_69] : memref<262144x128xf32, #tpu.memory_space<hbm>> -> memref<256x128xf32, #tpu.memory_space<hbm>>
    %dma_wait3A_71 = arith.constant 0 : i32
    %dma_wait3A_72 = tpu.memref_slice %arg2[%add3A_64, %dma_wait3A_71] : memref<262144x128xf32, #tpu.memory_space<hbm>> -> memref<256x128xf32, #tpu.memory_space<hbm>>
    tpu.wait_dma2 semaphore(%arg14 : memref<!tpu.dma_semaphore, #tpu.memory_space<semaphore_mem>>) src(%dma_wait3A_72 : memref<256x128xf32, #tpu.memory_space<hbm>>) dst(%arg9 : memref<256x128xf32, #tpu.memory_space<vmem>>)
    %add3A_73 = arith.constant 768 : i32
    %add3A_74 = arith.addi %mul3A_2, %add3A_73 : i32
    %dma_start3A_75 = arith.constant 0 : i32
    %dma_start3A_76 = tpu.memref_slice %arg7[%add3A_74, %dma_start3A_75] : memref<262144x128xf32, #tpu.memory_space<hbm>> -> memref<256x128xf32, #tpu.memory_space<hbm>>
    %dma_start3A_77 = arith.constant 0 : i32
    %dma_start3A_78 = tpu.memref_slice %arg7[%add3A_74, %dma_start3A_77] : memref<262144x128xf32, #tpu.memory_space<hbm>> -> memref<256x128xf32, #tpu.memory_space<hbm>>
    tpu.enqueue_dma source(%arg9 : memref<256x128xf32, #tpu.memory_space<vmem>>) target(%dma_start3A_78 : memref<256x128xf32, #tpu.memory_space<hbm>>) target_semaphore(%arg16 : memref<!tpu.dma_semaphore, #tpu.memory_space<semaphore_mem>>)
    %add3A_79 = arith.constant 512 : i32
    %add3A_80 = arith.addi %mul3A_2, %add3A_79 : i32
    %dma_wait3A_81 = arith.constant 0 : i32
    %dma_wait3A_82 = tpu.memref_slice %arg7[%add3A_80, %dma_wait3A_81] : memref<262144x128xf32, #tpu.memory_space<hbm>> -> memref<256x128xf32, #tpu.memory_space<hbm>>
    %dma_wait3A_83 = arith.constant 0 : i32
    %dma_wait3A_84 = tpu.memref_slice %arg7[%add3A_80, %dma_wait3A_83] : memref<262144x128xf32, #tpu.memory_space<hbm>> -> memref<256x128xf32, #tpu.memory_space<hbm>>
    tpu.wait_dma2 semaphore(%arg15 : memref<!tpu.dma_semaphore, #tpu.memory_space<semaphore_mem>>) src(%arg8 : memref<256x128xf32, #tpu.memory_space<vmem>>) dst(%dma_wait3A_84 : memref<256x128xf32, #tpu.memory_space<hbm>>)
    %add3A_85 = arith.constant 1024 : i32
    %add3A_86 = arith.addi %mul3A_2, %add3A_85 : i32
    %dma_start3A_87 = arith.constant 0 : i32
    %dma_start3A_88 = tpu.memref_slice %arg2[%add3A_86, %dma_start3A_87] : memref<262144x128xf32, #tpu.memory_space<hbm>> -> memref<256x128xf32, #tpu.memory_space<hbm>>
    %dma_start3A_89 = arith.constant 0 : i32
    %dma_start3A_90 = tpu.memref_slice %arg2[%add3A_86, %dma_start3A_89] : memref<262144x128xf32, #tpu.memory_space<hbm>> -> memref<256x128xf32, #tpu.memory_space<hbm>>
    tpu.enqueue_dma source(%dma_start3A_90 : memref<256x128xf32, #tpu.memory_space<hbm>>) target(%arg8 : memref<256x128xf32, #tpu.memory_space<vmem>>) target_semaphore(%arg13 : memref<!tpu.dma_semaphore, #tpu.memory_space<semaphore_mem>>)
    %dma_wait3A_91 = arith.constant 0 : i32
    %dma_wait3A_92 = tpu.memref_slice %arg2[%add3A_86, %dma_wait3A_91] : memref<262144x128xf32, #tpu.memory_space<hbm>> -> memref<256x128xf32, #tpu.memory_space<hbm>>
    %dma_wait3A_93 = arith.constant 0 : i32
    %dma_wait3A_94 = tpu.memref_slice %arg2[%add3A_86, %dma_wait3A_93] : memref<262144x128xf32, #tpu.memory_space<hbm>> -> memref<256x128xf32, #tpu.memory_space<hbm>>
    tpu.wait_dma2 semaphore(%arg13 : memref<!tpu.dma_semaphore, #tpu.memory_space<semaphore_mem>>) src(%dma_wait3A_94 : memref<256x128xf32, #tpu.memory_space<hbm>>) dst(%arg8 : memref<256x128xf32, #tpu.memory_space<vmem>>)
    %add3A_95 = arith.constant 1024 : i32
    %add3A_96 = arith.addi %mul3A_2, %add3A_95 : i32
    %dma_start3A_97 = arith.constant 0 : i32
    %dma_start3A_98 = tpu.memref_slice %arg7[%add3A_96, %dma_start3A_97] : memref<262144x128xf32, #tpu.memory_space<hbm>> -> memref<256x128xf32, #tpu.memory_space<hbm>>
    %dma_start3A_99 = arith.constant 0 : i32
    %dma_start3A_100 = tpu.memref_slice %arg7[%add3A_96, %dma_start3A_99] : memref<262144x128xf32, #tpu.memory_space<hbm>> -> memref<256x128xf32, #tpu.memory_space<hbm>>
    tpu.enqueue_dma source(%arg8 : memref<256x128xf32, #tpu.memory_space<vmem>>) target(%dma_start3A_100 : memref<256x128xf32, #tpu.memory_space<hbm>>) target_semaphore(%arg15 : memref<!tpu.dma_semaphore, #tpu.memory_space<semaphore_mem>>)
    %add3A_101 = arith.constant 768 : i32
    %add3A_102 = arith.addi %mul3A_2, %add3A_101 : i32
    %dma_wait3A_103 = arith.constant 0 : i32
    %dma_wait3A_104 = tpu.memref_slice %arg7[%add3A_102, %dma_wait3A_103] : memref<262144x128xf32, #tpu.memory_space<hbm>> -> memref<256x128xf32, #tpu.memory_space<hbm>>
    %dma_wait3A_105 = arith.constant 0 : i32
    %dma_wait3A_106 = tpu.memref_slice %arg7[%add3A_102, %dma_wait3A_105] : memref<262144x128xf32, #tpu.memory_space<hbm>> -> memref<256x128xf32, #tpu.memory_space<hbm>>
    tpu.wait_dma2 semaphore(%arg16 : memref<!tpu.dma_semaphore, #tpu.memory_space<semaphore_mem>>) src(%arg9 : memref<256x128xf32, #tpu.memory_space<vmem>>) dst(%dma_wait3A_106 : memref<256x128xf32, #tpu.memory_space<hbm>>)
    %add3A_107 = arith.constant 1280 : i32
    %add3A_108 = arith.addi %mul3A_2, %add3A_107 : i32
    %dma_start3A_109 = arith.constant 0 : i32
    %dma_start3A_110 = tpu.memref_slice %arg2[%add3A_108, %dma_start3A_109] : memref<262144x128xf32, #tpu.memory_space<hbm>> -> memref<256x128xf32, #tpu.memory_space<hbm>>
    %dma_start3A_111 = arith.constant 0 : i32
    %dma_start3A_112 = tpu.memref_slice %arg2[%add3A_108, %dma_start3A_111] : memref<262144x128xf32, #tpu.memory_space<hbm>> -> memref<256x128xf32, #tpu.memory_space<hbm>>
    tpu.enqueue_dma source(%dma_start3A_112 : memref<256x128xf32, #tpu.memory_space<hbm>>) target(%arg9 : memref<256x128xf32, #tpu.memory_space<vmem>>) target_semaphore(%arg14 : memref<!tpu.dma_semaphore, #tpu.memory_space<semaphore_mem>>)
    %dma_wait3A_113 = arith.constant 0 : i32
    %dma_wait3A_114 = tpu.memref_slice %arg2[%add3A_108, %dma_wait3A_113] : memref<262144x128xf32, #tpu.memory_space<hbm>> -> memref<256x128xf32, #tpu.memory_space<hbm>>
    %dma_wait3A_115 = arith.constant 0 : i32
    %dma_wait3A_116 = tpu.memref_slice %arg2[%add3A_108, %dma_wait3A_115] : memref<262144x128xf32, #tpu.memory_space<hbm>> -> memref<256x128xf32, #tpu.memory_space<hbm>>
    tpu.wait_dma2 semaphore(%arg14 : memref<!tpu.dma_semaphore, #tpu.memory_space<semaphore_mem>>) src(%dma_wait3A_116 : memref<256x128xf32, #tpu.memory_space<hbm>>) dst(%arg9 : memref<256x128xf32, #tpu.memory_space<vmem>>)
    %add3A_117 = arith.constant 1280 : i32
    %add3A_118 = arith.addi %mul3A_2, %add3A_117 : i32
    %dma_start3A_119 = arith.constant 0 : i32
    %dma_start3A_120 = tpu.memref_slice %arg7[%add3A_118, %dma_start3A_119] : memref<262144x128xf32, #tpu.memory_space<hbm>> -> memref<256x128xf32, #tpu.memory_space<hbm>>
    %dma_start3A_121 = arith.constant 0 : i32
    %dma_start3A_122 = tpu.memref_slice %arg7[%add3A_118, %dma_start3A_121] : memref<262144x128xf32, #tpu.memory_space<hbm>> -> memref<256x128xf32, #tpu.memory_space<hbm>>
    tpu.enqueue_dma source(%arg9 : memref<256x128xf32, #tpu.memory_space<vmem>>) target(%dma_start3A_122 : memref<256x128xf32, #tpu.memory_space<hbm>>) target_semaphore(%arg16 : memref<!tpu.dma_semaphore, #tpu.memory_space<semaphore_mem>>)
    %add3A_123 = arith.constant 1024 : i32
    %add3A_124 = arith.addi %mul3A_2, %add3A_123 : i32
    %dma_wait3A_125 = arith.constant 0 : i32
    %dma_wait3A_126 = tpu.memref_slice %arg7[%add3A_124, %dma_wait3A_125] : memref<262144x128xf32, #tpu.memory_space<hbm>> -> memref<256x128xf32, #tpu.memory_space<hbm>>
    %dma_wait3A_127 = arith.constant 0 : i32
    %dma_wait3A_128 = tpu.memref_slice %arg7[%add3A_124, %dma_wait3A_127] : memref<262144x128xf32, #tpu.memory_space<hbm>> -> memref<256x128xf32, #tpu.memory_space<hbm>>
    tpu.wait_dma2 semaphore(%arg15 : memref<!tpu.dma_semaphore, #tpu.memory_space<semaphore_mem>>) src(%arg8 : memref<256x128xf32, #tpu.memory_space<vmem>>) dst(%dma_wait3A_128 : memref<256x128xf32, #tpu.memory_space<hbm>>)
    %add3A_129 = arith.constant 1536 : i32
    %add3A_130 = arith.addi %mul3A_2, %add3A_129 : i32
    %dma_start3A_131 = arith.constant 0 : i32
    %dma_start3A_132 = tpu.memref_slice %arg2[%add3A_130, %dma_start3A_131] : memref<262144x128xf32, #tpu.memory_space<hbm>> -> memref<256x128xf32, #tpu.memory_space<hbm>>
    %dma_start3A_133 = arith.constant 0 : i32
    %dma_start3A_134 = tpu.memref_slice %arg2[%add3A_130, %dma_start3A_133] : memref<262144x128xf32, #tpu.memory_space<hbm>> -> memref<256x128xf32, #tpu.memory_space<hbm>>
    tpu.enqueue_dma source(%dma_start3A_134 : memref<256x128xf32, #tpu.memory_space<hbm>>) target(%arg8 : memref<256x128xf32, #tpu.memory_space<vmem>>) target_semaphore(%arg13 : memref<!tpu.dma_semaphore, #tpu.memory_space<semaphore_mem>>)
    %dma_wait3A_135 = arith.constant 0 : i32
    %dma_wait3A_136 = tpu.memref_slice %arg2[%add3A_130, %dma_wait3A_135] : memref<262144x128xf32, #tpu.memory_space<hbm>> -> memref<256x128xf32, #tpu.memory_space<hbm>>
    %dma_wait3A_137 = arith.constant 0 : i32
    %dma_wait3A_138 = tpu.memref_slice %arg2[%add3A_130, %dma_wait3A_137] : memref<262144x128xf32, #tpu.memory_space<hbm>> -> memref<256x128xf32, #tpu.memory_space<hbm>>
    tpu.wait_dma2 semaphore(%arg13 : memref<!tpu.dma_semaphore, #tpu.memory_space<semaphore_mem>>) src(%dma_wait3A_138 : memref<256x128xf32, #tpu.memory_space<hbm>>) dst(%arg8 : memref<256x128xf32, #tpu.memory_space<vmem>>)
    %add3A_139 = arith.constant 1536 : i32
    %add3A_140 = arith.addi %mul3A_2, %add3A_139 : i32
    %dma_start3A_141 = arith.constant 0 : i32
    %dma_start3A_142 = tpu.memref_slice %arg7[%add3A_140, %dma_start3A_141] : memref<262144x128xf32, #tpu.memory_space<hbm>> -> memref<256x128xf32, #tpu.memory_space<hbm>>
    %dma_start3A_143 = arith.constant 0 : i32
    %dma_start3A_144 = tpu.memref_slice %arg7[%add3A_140, %dma_start3A_143] : memref<262144x128xf32, #tpu.memory_space<hbm>> -> memref<256x128xf32, #tpu.memory_space<hbm>>
    tpu.enqueue_dma source(%arg8 : memref<256x128xf32, #tpu.memory_space<vmem>>) target(%dma_start3A_144 : memref<256x128xf32, #tpu.memory_space<hbm>>) target_semaphore(%arg15 : memref<!tpu.dma_semaphore, #tpu.memory_space<semaphore_mem>>)
    %add3A_145 = arith.constant 1280 : i32
    %add3A_146 = arith.addi %mul3A_2, %add3A_145 : i32
    %dma_wait3A_147 = arith.constant 0 : i32
    %dma_wait3A_148 = tpu.memref_slice %arg7[%add3A_146, %dma_wait3A_147] : memref<262144x128xf32, #tpu.memory_space<hbm>> -> memref<256x128xf32, #tpu.memory_space<hbm>>
    %dma_wait3A_149 = arith.constant 0 : i32
    %dma_wait3A_150 = tpu.memref_slice %arg7[%add3A_146, %dma_wait3A_149] : memref<262144x128xf32, #tpu.memory_space<hbm>> -> memref<256x128xf32, #tpu.memory_space<hbm>>
    tpu.wait_dma2 semaphore(%arg16 : memref<!tpu.dma_semaphore, #tpu.memory_space<semaphore_mem>>) src(%arg9 : memref<256x128xf32, #tpu.memory_space<vmem>>) dst(%dma_wait3A_150 : memref<256x128xf32, #tpu.memory_space<hbm>>)
    %add3A_151 = arith.constant 1792 : i32
    %add3A_152 = arith.addi %mul3A_2, %add3A_151 : i32
    %dma_start3A_153 = arith.constant 0 : i32
    %dma_start3A_154 = tpu.memref_slice %arg2[%add3A_152, %dma_start3A_153] : memref<262144x128xf32, #tpu.memory_space<hbm>> -> memref<256x128xf32, #tpu.memory_space<hbm>>
    %dma_start3A_155 = arith.constant 0 : i32
    %dma_start3A_156 = tpu.memref_slice %arg2[%add3A_152, %dma_start3A_155] : memref<262144x128xf32, #tpu.memory_space<hbm>> -> memref<256x128xf32, #tpu.memory_space<hbm>>
    tpu.enqueue_dma source(%dma_start3A_156 : memref<256x128xf32, #tpu.memory_space<hbm>>) target(%arg9 : memref<256x128xf32, #tpu.memory_space<vmem>>) target_semaphore(%arg14 : memref<!tpu.dma_semaphore, #tpu.memory_space<semaphore_mem>>)
    %dma_wait3A_157 = arith.constant 0 : i32
    %dma_wait3A_158 = tpu.memref_slice %arg2[%add3A_152, %dma_wait3A_157] : memref<262144x128xf32, #tpu.memory_space<hbm>> -> memref<256x128xf32, #tpu.memory_space<hbm>>
    %dma_wait3A_159 = arith.constant 0 : i32
    %dma_wait3A_160 = tpu.memref_slice %arg2[%add3A_152, %dma_wait3A_159] : memref<262144x128xf32, #tpu.memory_space<hbm>> -> memref<256x128xf32, #tpu.memory_space<hbm>>
    tpu.wait_dma2 semaphore(%arg14 : memref<!tpu.dma_semaphore, #tpu.memory_space<semaphore_mem>>) src(%dma_wait3A_160 : memref<256x128xf32, #tpu.memory_space<hbm>>) dst(%arg9 : memref<256x128xf32, #tpu.memory_space<vmem>>)
    %add3A_161 = arith.constant 1792 : i32
    %add3A_162 = arith.addi %mul3A_2, %add3A_161 : i32
    %dma_start3A_163 = arith.constant 0 : i32
    %dma_start3A_164 = tpu.memref_slice %arg7[%add3A_162, %dma_start3A_163] : memref<262144x128xf32, #tpu.memory_space<hbm>> -> memref<256x128xf32, #tpu.memory_space<hbm>>
    %dma_start3A_165 = arith.constant 0 : i32
    %dma_start3A_166 = tpu.memref_slice %arg7[%add3A_162, %dma_start3A_165] : memref<262144x128xf32, #tpu.memory_space<hbm>> -> memref<256x128xf32, #tpu.memory_space<hbm>>
    tpu.enqueue_dma source(%arg9 : memref<256x128xf32, #tpu.memory_space<vmem>>) target(%dma_start3A_166 : memref<256x128xf32, #tpu.memory_space<hbm>>) target_semaphore(%arg16 : memref<!tpu.dma_semaphore, #tpu.memory_space<semaphore_mem>>)
    %add3A_167 = arith.constant 1536 : i32
    %add3A_168 = arith.addi %mul3A_2, %add3A_167 : i32
    %dma_wait3A_169 = arith.constant 0 : i32
    %dma_wait3A_170 = tpu.memref_slice %arg7[%add3A_168, %dma_wait3A_169] : memref<262144x128xf32, #tpu.memory_space<hbm>> -> memref<256x128xf32, #tpu.memory_space<hbm>>
    %dma_wait3A_171 = arith.constant 0 : i32
    %dma_wait3A_172 = tpu.memref_slice %arg7[%add3A_168, %dma_wait3A_171] : memref<262144x128xf32, #tpu.memory_space<hbm>> -> memref<256x128xf32, #tpu.memory_space<hbm>>
    tpu.wait_dma2 semaphore(%arg15 : memref<!tpu.dma_semaphore, #tpu.memory_space<semaphore_mem>>) src(%arg8 : memref<256x128xf32, #tpu.memory_space<vmem>>) dst(%dma_wait3A_172 : memref<256x128xf32, #tpu.memory_space<hbm>>)
    %add3A_173 = arith.constant 2048 : i32
    %add3A_174 = arith.addi %mul3A_2, %add3A_173 : i32
    %dma_start3A_175 = arith.constant 0 : i32
    %dma_start3A_176 = tpu.memref_slice %arg2[%add3A_174, %dma_start3A_175] : memref<262144x128xf32, #tpu.memory_space<hbm>> -> memref<256x128xf32, #tpu.memory_space<hbm>>
    %dma_start3A_177 = arith.constant 0 : i32
    %dma_start3A_178 = tpu.memref_slice %arg2[%add3A_174, %dma_start3A_177] : memref<262144x128xf32, #tpu.memory_space<hbm>> -> memref<256x128xf32, #tpu.memory_space<hbm>>
    tpu.enqueue_dma source(%dma_start3A_178 : memref<256x128xf32, #tpu.memory_space<hbm>>) target(%arg8 : memref<256x128xf32, #tpu.memory_space<vmem>>) target_semaphore(%arg13 : memref<!tpu.dma_semaphore, #tpu.memory_space<semaphore_mem>>)
    %dma_wait3A_179 = arith.constant 0 : i32
    %dma_wait3A_180 = tpu.memref_slice %arg2[%add3A_174, %dma_wait3A_179] : memref<262144x128xf32, #tpu.memory_space<hbm>> -> memref<256x128xf32, #tpu.memory_space<hbm>>
    %dma_wait3A_181 = arith.constant 0 : i32
    %dma_wait3A_182 = tpu.memref_slice %arg2[%add3A_174, %dma_wait3A_181] : memref<262144x128xf32, #tpu.memory_space<hbm>> -> memref<256x128xf32, #tpu.memory_space<hbm>>
    tpu.wait_dma2 semaphore(%arg13 : memref<!tpu.dma_semaphore, #tpu.memory_space<semaphore_mem>>) src(%dma_wait3A_182 : memref<256x128xf32, #tpu.memory_space<hbm>>) dst(%arg8 : memref<256x128xf32, #tpu.memory_space<vmem>>)
    %add3A_183 = arith.constant 2048 : i32
    %add3A_184 = arith.addi %mul3A_2, %add3A_183 : i32
    %dma_start3A_185 = arith.constant 0 : i32
    %dma_start3A_186 = tpu.memref_slice %arg7[%add3A_184, %dma_start3A_185] : memref<262144x128xf32, #tpu.memory_space<hbm>> -> memref<256x128xf32, #tpu.memory_space<hbm>>
    %dma_start3A_187 = arith.constant 0 : i32
    %dma_start3A_188 = tpu.memref_slice %arg7[%add3A_184, %dma_start3A_187] : memref<262144x128xf32, #tpu.memory_space<hbm>> -> memref<256x128xf32, #tpu.memory_space<hbm>>
    tpu.enqueue_dma source(%arg8 : memref<256x128xf32, #tpu.memory_space<vmem>>) target(%dma_start3A_188 : memref<256x128xf32, #tpu.memory_space<hbm>>) target_semaphore(%arg15 : memref<!tpu.dma_semaphore, #tpu.memory_space<semaphore_mem>>)
    %add3A_189 = arith.constant 1792 : i32
    %add3A_190 = arith.addi %mul3A_2, %add3A_189 : i32
    %dma_wait3A_191 = arith.constant 0 : i32
    %dma_wait3A_192 = tpu.memref_slice %arg7[%add3A_190, %dma_wait3A_191] : memref<262144x128xf32, #tpu.memory_space<hbm>> -> memref<256x128xf32, #tpu.memory_space<hbm>>
    %dma_wait3A_193 = arith.constant 0 : i32
    %dma_wait3A_194 = tpu.memref_slice %arg7[%add3A_190, %dma_wait3A_193] : memref<262144x128xf32, #tpu.memory_space<hbm>> -> memref<256x128xf32, #tpu.memory_space<hbm>>
    tpu.wait_dma2 semaphore(%arg16 : memref<!tpu.dma_semaphore, #tpu.memory_space<semaphore_mem>>) src(%arg9 : memref<256x128xf32, #tpu.memory_space<vmem>>) dst(%dma_wait3A_194 : memref<256x128xf32, #tpu.memory_space<hbm>>)
    %add3A_195 = arith.constant 2304 : i32
    %add3A_196 = arith.addi %mul3A_2, %add3A_195 : i32
    %dma_start3A_197 = arith.constant 0 : i32
    %dma_start3A_198 = tpu.memref_slice %arg2[%add3A_196, %dma_start3A_197] : memref<262144x128xf32, #tpu.memory_space<hbm>> -> memref<256x128xf32, #tpu.memory_space<hbm>>
    %dma_start3A_199 = arith.constant 0 : i32
    %dma_start3A_200 = tpu.memref_slice %arg2[%add3A_196, %dma_start3A_199] : memref<262144x128xf32, #tpu.memory_space<hbm>> -> memref<256x128xf32, #tpu.memory_space<hbm>>
    tpu.enqueue_dma source(%dma_start3A_200 : memref<256x128xf32, #tpu.memory_space<hbm>>) target(%arg9 : memref<256x128xf32, #tpu.memory_space<vmem>>) target_semaphore(%arg14 : memref<!tpu.dma_semaphore, #tpu.memory_space<semaphore_mem>>)
    %dma_wait3A_201 = arith.constant 0 : i32
    %dma_wait3A_202 = tpu.memref_slice %arg2[%add3A_196, %dma_wait3A_201] : memref<262144x128xf32, #tpu.memory_space<hbm>> -> memref<256x128xf32, #tpu.memory_space<hbm>>
    %dma_wait3A_203 = arith.constant 0 : i32
    %dma_wait3A_204 = tpu.memref_slice %arg2[%add3A_196, %dma_wait3A_203] : memref<262144x128xf32, #tpu.memory_space<hbm>> -> memref<256x128xf32, #tpu.memory_space<hbm>>
    tpu.wait_dma2 semaphore(%arg14 : memref<!tpu.dma_semaphore, #tpu.memory_space<semaphore_mem>>) src(%dma_wait3A_204 : memref<256x128xf32, #tpu.memory_space<hbm>>) dst(%arg9 : memref<256x128xf32, #tpu.memory_space<vmem>>)
    %add3A_205 = arith.constant 2304 : i32
    %add3A_206 = arith.addi %mul3A_2, %add3A_205 : i32
    %dma_start3A_207 = arith.constant 0 : i32
    %dma_start3A_208 = tpu.memref_slice %arg7[%add3A_206, %dma_start3A_207] : memref<262144x128xf32, #tpu.memory_space<hbm>> -> memref<256x128xf32, #tpu.memory_space<hbm>>
    %dma_start3A_209 = arith.constant 0 : i32
    %dma_start3A_210 = tpu.memref_slice %arg7[%add3A_206, %dma_start3A_209] : memref<262144x128xf32, #tpu.memory_space<hbm>> -> memref<256x128xf32, #tpu.memory_space<hbm>>
    tpu.enqueue_dma source(%arg9 : memref<256x128xf32, #tpu.memory_space<vmem>>) target(%dma_start3A_210 : memref<256x128xf32, #tpu.memory_space<hbm>>) target_semaphore(%arg16 : memref<!tpu.dma_semaphore, #tpu.memory_space<semaphore_mem>>)
    %add3A_211 = arith.constant 2048 : i32
    %add3A_212 = arith.addi %mul3A_2, %add3A_211 : i32
    %dma_wait3A_213 = arith.constant 0 : i32
    %dma_wait3A_214 = tpu.memref_slice %arg7[%add3A_212, %dma_wait3A_213] : memref<262144x128xf32, #tpu.memory_space<hbm>> -> memref<256x128xf32, #tpu.memory_space<hbm>>
    %dma_wait3A_215 = arith.constant 0 : i32
    %dma_wait3A_216 = tpu.memref_slice %arg7[%add3A_212, %dma_wait3A_215] : memref<262144x128xf32, #tpu.memory_space<hbm>> -> memref<256x128xf32, #tpu.memory_space<hbm>>
    tpu.wait_dma2 semaphore(%arg15 : memref<!tpu.dma_semaphore, #tpu.memory_space<semaphore_mem>>) src(%arg8 : memref<256x128xf32, #tpu.memory_space<vmem>>) dst(%dma_wait3A_216 : memref<256x128xf32, #tpu.memory_space<hbm>>)
    %add3A_217 = arith.constant 2560 : i32
    %add3A_218 = arith.addi %mul3A_2, %add3A_217 : i32
    %dma_start3A_219 = arith.constant 0 : i32
    %dma_start3A_220 = tpu.memref_slice %arg2[%add3A_218, %dma_start3A_219] : memref<262144x128xf32, #tpu.memory_space<hbm>> -> memref<256x128xf32, #tpu.memory_space<hbm>>
    %dma_start3A_221 = arith.constant 0 : i32
    %dma_start3A_222 = tpu.memref_slice %arg2[%add3A_218, %dma_start3A_221] : memref<262144x128xf32, #tpu.memory_space<hbm>> -> memref<256x128xf32, #tpu.memory_space<hbm>>
    tpu.enqueue_dma source(%dma_start3A_222 : memref<256x128xf32, #tpu.memory_space<hbm>>) target(%arg8 : memref<256x128xf32, #tpu.memory_space<vmem>>) target_semaphore(%arg13 : memref<!tpu.dma_semaphore, #tpu.memory_space<semaphore_mem>>)
    %dma_wait3A_223 = arith.constant 0 : i32
    %dma_wait3A_224 = tpu.memref_slice %arg2[%add3A_218, %dma_wait3A_223] : memref<262144x128xf32, #tpu.memory_space<hbm>> -> memref<256x128xf32, #tpu.memory_space<hbm>>
    %dma_wait3A_225 = arith.constant 0 : i32
    %dma_wait3A_226 = tpu.memref_slice %arg2[%add3A_218, %dma_wait3A_225] : memref<262144x128xf32, #tpu.memory_space<hbm>> -> memref<256x128xf32, #tpu.memory_space<hbm>>
    tpu.wait_dma2 semaphore(%arg13 : memref<!tpu.dma_semaphore, #tpu.memory_space<semaphore_mem>>) src(%dma_wait3A_226 : memref<256x128xf32, #tpu.memory_space<hbm>>) dst(%arg8 : memref<256x128xf32, #tpu.memory_space<vmem>>)
    %add3A_227 = arith.constant 2560 : i32
    %add3A_228 = arith.addi %mul3A_2, %add3A_227 : i32
    %dma_start3A_229 = arith.constant 0 : i32
    %dma_start3A_230 = tpu.memref_slice %arg7[%add3A_228, %dma_start3A_229] : memref<262144x128xf32, #tpu.memory_space<hbm>> -> memref<256x128xf32, #tpu.memory_space<hbm>>
    %dma_start3A_231 = arith.constant 0 : i32
    %dma_start3A_232 = tpu.memref_slice %arg7[%add3A_228, %dma_start3A_231] : memref<262144x128xf32, #tpu.memory_space<hbm>> -> memref<256x128xf32, #tpu.memory_space<hbm>>
    tpu.enqueue_dma source(%arg8 : memref<256x128xf32, #tpu.memory_space<vmem>>) target(%dma_start3A_232 : memref<256x128xf32, #tpu.memory_space<hbm>>) target_semaphore(%arg15 : memref<!tpu.dma_semaphore, #tpu.memory_space<semaphore_mem>>)
    %add3A_233 = arith.constant 2304 : i32
    %add3A_234 = arith.addi %mul3A_2, %add3A_233 : i32
    %dma_wait3A_235 = arith.constant 0 : i32
    %dma_wait3A_236 = tpu.memref_slice %arg7[%add3A_234, %dma_wait3A_235] : memref<262144x128xf32, #tpu.memory_space<hbm>> -> memref<256x128xf32, #tpu.memory_space<hbm>>
    %dma_wait3A_237 = arith.constant 0 : i32
    %dma_wait3A_238 = tpu.memref_slice %arg7[%add3A_234, %dma_wait3A_237] : memref<262144x128xf32, #tpu.memory_space<hbm>> -> memref<256x128xf32, #tpu.memory_space<hbm>>
    tpu.wait_dma2 semaphore(%arg16 : memref<!tpu.dma_semaphore, #tpu.memory_space<semaphore_mem>>) src(%arg9 : memref<256x128xf32, #tpu.memory_space<vmem>>) dst(%dma_wait3A_238 : memref<256x128xf32, #tpu.memory_space<hbm>>)
    %add3A_239 = arith.constant 2816 : i32
    %add3A_240 = arith.addi %mul3A_2, %add3A_239 : i32
    %dma_start3A_241 = arith.constant 0 : i32
    %dma_start3A_242 = tpu.memref_slice %arg2[%add3A_240, %dma_start3A_241] : memref<262144x128xf32, #tpu.memory_space<hbm>> -> memref<256x128xf32, #tpu.memory_space<hbm>>
    %dma_start3A_243 = arith.constant 0 : i32
    %dma_start3A_244 = tpu.memref_slice %arg2[%add3A_240, %dma_start3A_243] : memref<262144x128xf32, #tpu.memory_space<hbm>> -> memref<256x128xf32, #tpu.memory_space<hbm>>
    tpu.enqueue_dma source(%dma_start3A_244 : memref<256x128xf32, #tpu.memory_space<hbm>>) target(%arg9 : memref<256x128xf32, #tpu.memory_space<vmem>>) target_semaphore(%arg14 : memref<!tpu.dma_semaphore, #tpu.memory_space<semaphore_mem>>)
    %dma_wait3A_245 = arith.constant 0 : i32
    %dma_wait3A_246 = tpu.memref_slice %arg2[%add3A_240, %dma_wait3A_245] : memref<262144x128xf32, #tpu.memory_space<hbm>> -> memref<256x128xf32, #tpu.memory_space<hbm>>
    %dma_wait3A_247 = arith.constant 0 : i32
    %dma_wait3A_248 = tpu.memref_slice %arg2[%add3A_240, %dma_wait3A_247] : memref<262144x128xf32, #tpu.memory_space<hbm>> -> memref<256x128xf32, #tpu.memory_space<hbm>>
    tpu.wait_dma2 semaphore(%arg14 : memref<!tpu.dma_semaphore, #tpu.memory_space<semaphore_mem>>) src(%dma_wait3A_248 : memref<256x128xf32, #tpu.memory_space<hbm>>) dst(%arg9 : memref<256x128xf32, #tpu.memory_space<vmem>>)
    %add3A_249 = arith.constant 2816 : i32
    %add3A_250 = arith.addi %mul3A_2, %add3A_249 : i32
    %dma_start3A_251 = arith.constant 0 : i32
    %dma_start3A_252 = tpu.memref_slice %arg7[%add3A_250, %dma_start3A_251] : memref<262144x128xf32, #tpu.memory_space<hbm>> -> memref<256x128xf32, #tpu.memory_space<hbm>>
    %dma_start3A_253 = arith.constant 0 : i32
    %dma_start3A_254 = tpu.memref_slice %arg7[%add3A_250, %dma_start3A_253] : memref<262144x128xf32, #tpu.memory_space<hbm>> -> memref<256x128xf32, #tpu.memory_space<hbm>>
    tpu.enqueue_dma source(%arg9 : memref<256x128xf32, #tpu.memory_space<vmem>>) target(%dma_start3A_254 : memref<256x128xf32, #tpu.memory_space<hbm>>) target_semaphore(%arg16 : memref<!tpu.dma_semaphore, #tpu.memory_space<semaphore_mem>>)
    %add3A_255 = arith.constant 2560 : i32
    %add3A_256 = arith.addi %mul3A_2, %add3A_255 : i32
    %dma_wait3A_257 = arith.constant 0 : i32
    %dma_wait3A_258 = tpu.memref_slice %arg7[%add3A_256, %dma_wait3A_257] : memref<262144x128xf32, #tpu.memory_space<hbm>> -> memref<256x128xf32, #tpu.memory_space<hbm>>
    %dma_wait3A_259 = arith.constant 0 : i32
    %dma_wait3A_260 = tpu.memref_slice %arg7[%add3A_256, %dma_wait3A_259] : memref<262144x128xf32, #tpu.memory_space<hbm>> -> memref<256x128xf32, #tpu.memory_space<hbm>>
    tpu.wait_dma2 semaphore(%arg15 : memref<!tpu.dma_semaphore, #tpu.memory_space<semaphore_mem>>) src(%arg8 : memref<256x128xf32, #tpu.memory_space<vmem>>) dst(%dma_wait3A_260 : memref<256x128xf32, #tpu.memory_space<hbm>>)
    %add3A_261 = arith.constant 3072 : i32
    %add3A_262 = arith.addi %mul3A_2, %add3A_261 : i32
    %dma_start3A_263 = arith.constant 0 : i32
    %dma_start3A_264 = tpu.memref_slice %arg2[%add3A_262, %dma_start3A_263] : memref<262144x128xf32, #tpu.memory_space<hbm>> -> memref<256x128xf32, #tpu.memory_space<hbm>>
    %dma_start3A_265 = arith.constant 0 : i32
    %dma_start3A_266 = tpu.memref_slice %arg2[%add3A_262, %dma_start3A_265] : memref<262144x128xf32, #tpu.memory_space<hbm>> -> memref<256x128xf32, #tpu.memory_space<hbm>>
    tpu.enqueue_dma source(%dma_start3A_266 : memref<256x128xf32, #tpu.memory_space<hbm>>) target(%arg8 : memref<256x128xf32, #tpu.memory_space<vmem>>) target_semaphore(%arg13 : memref<!tpu.dma_semaphore, #tpu.memory_space<semaphore_mem>>)
    %dma_wait3A_267 = arith.constant 0 : i32
    %dma_wait3A_268 = tpu.memref_slice %arg2[%add3A_262, %dma_wait3A_267] : memref<262144x128xf32, #tpu.memory_space<hbm>> -> memref<256x128xf32, #tpu.memory_space<hbm>>
    %dma_wait3A_269 = arith.constant 0 : i32
    %dma_wait3A_270 = tpu.memref_slice %arg2[%add3A_262, %dma_wait3A_269] : memref<262144x128xf32, #tpu.memory_space<hbm>> -> memref<256x128xf32, #tpu.memory_space<hbm>>
    tpu.wait_dma2 semaphore(%arg13 : memref<!tpu.dma_semaphore, #tpu.memory_space<semaphore_mem>>) src(%dma_wait3A_270 : memref<256x128xf32, #tpu.memory_space<hbm>>) dst(%arg8 : memref<256x128xf32, #tpu.memory_space<vmem>>)
    %add3A_271 = arith.constant 3072 : i32
    %add3A_272 = arith.addi %mul3A_2, %add3A_271 : i32
    %dma_start3A_273 = arith.constant 0 : i32
    %dma_start3A_274 = tpu.memref_slice %arg7[%add3A_272, %dma_start3A_273] : memref<262144x128xf32, #tpu.memory_space<hbm>> -> memref<256x128xf32, #tpu.memory_space<hbm>>
    %dma_start3A_275 = arith.constant 0 : i32
    %dma_start3A_276 = tpu.memref_slice %arg7[%add3A_272, %dma_start3A_275] : memref<262144x128xf32, #tpu.memory_space<hbm>> -> memref<256x128xf32, #tpu.memory_space<hbm>>
    tpu.enqueue_dma source(%arg8 : memref<256x128xf32, #tpu.memory_space<vmem>>) target(%dma_start3A_276 : memref<256x128xf32, #tpu.memory_space<hbm>>) target_semaphore(%arg15 : memref<!tpu.dma_semaphore, #tpu.memory_space<semaphore_mem>>)
    %add3A_277 = arith.constant 2816 : i32
    %add3A_278 = arith.addi %mul3A_2, %add3A_277 : i32
    %dma_wait3A_279 = arith.constant 0 : i32
    %dma_wait3A_280 = tpu.memref_slice %arg7[%add3A_278, %dma_wait3A_279] : memref<262144x128xf32, #tpu.memory_space<hbm>> -> memref<256x128xf32, #tpu.memory_space<hbm>>
    %dma_wait3A_281 = arith.constant 0 : i32
    %dma_wait3A_282 = tpu.memref_slice %arg7[%add3A_278, %dma_wait3A_281] : memref<262144x128xf32, #tpu.memory_space<hbm>> -> memref<256x128xf32, #tpu.memory_space<hbm>>
    tpu.wait_dma2 semaphore(%arg16 : memref<!tpu.dma_semaphore, #tpu.memory_space<semaphore_mem>>) src(%arg9 : memref<256x128xf32, #tpu.memory_space<vmem>>) dst(%dma_wait3A_282 : memref<256x128xf32, #tpu.memory_space<hbm>>)
    %add3A_283 = arith.constant 3328 : i32
    %add3A_284 = arith.addi %mul3A_2, %add3A_283 : i32
    %dma_start3A_285 = arith.constant 0 : i32
    %dma_start3A_286 = tpu.memref_slice %arg2[%add3A_284, %dma_start3A_285] : memref<262144x128xf32, #tpu.memory_space<hbm>> -> memref<256x128xf32, #tpu.memory_space<hbm>>
    %dma_start3A_287 = arith.constant 0 : i32
    %dma_start3A_288 = tpu.memref_slice %arg2[%add3A_284, %dma_start3A_287] : memref<262144x128xf32, #tpu.memory_space<hbm>> -> memref<256x128xf32, #tpu.memory_space<hbm>>
    tpu.enqueue_dma source(%dma_start3A_288 : memref<256x128xf32, #tpu.memory_space<hbm>>) target(%arg9 : memref<256x128xf32, #tpu.memory_space<vmem>>) target_semaphore(%arg14 : memref<!tpu.dma_semaphore, #tpu.memory_space<semaphore_mem>>)
    %dma_wait3A_289 = arith.constant 0 : i32
    %dma_wait3A_290 = tpu.memref_slice %arg2[%add3A_284, %dma_wait3A_289] : memref<262144x128xf32, #tpu.memory_space<hbm>> -> memref<256x128xf32, #tpu.memory_space<hbm>>
    %dma_wait3A_291 = arith.constant 0 : i32
    %dma_wait3A_292 = tpu.memref_slice %arg2[%add3A_284, %dma_wait3A_291] : memref<262144x128xf32, #tpu.memory_space<hbm>> -> memref<256x128xf32, #tpu.memory_space<hbm>>
    tpu.wait_dma2 semaphore(%arg14 : memref<!tpu.dma_semaphore, #tpu.memory_space<semaphore_mem>>) src(%dma_wait3A_292 : memref<256x128xf32, #tpu.memory_space<hbm>>) dst(%arg9 : memref<256x128xf32, #tpu.memory_space<vmem>>)
    %add3A_293 = arith.constant 3328 : i32
    %add3A_294 = arith.addi %mul3A_2, %add3A_293 : i32
    %dma_start3A_295 = arith.constant 0 : i32
    %dma_start3A_296 = tpu.memref_slice %arg7[%add3A_294, %dma_start3A_295] : memref<262144x128xf32, #tpu.memory_space<hbm>> -> memref<256x128xf32, #tpu.memory_space<hbm>>
    %dma_start3A_297 = arith.constant 0 : i32
    %dma_start3A_298 = tpu.memref_slice %arg7[%add3A_294, %dma_start3A_297] : memref<262144x128xf32, #tpu.memory_space<hbm>> -> memref<256x128xf32, #tpu.memory_space<hbm>>
    tpu.enqueue_dma source(%arg9 : memref<256x128xf32, #tpu.memory_space<vmem>>) target(%dma_start3A_298 : memref<256x128xf32, #tpu.memory_space<hbm>>) target_semaphore(%arg16 : memref<!tpu.dma_semaphore, #tpu.memory_space<semaphore_mem>>)
    %add3A_299 = arith.constant 3072 : i32
    %add3A_300 = arith.addi %mul3A_2, %add3A_299 : i32
    %dma_wait3A_301 = arith.constant 0 : i32
    %dma_wait3A_302 = tpu.memref_slice %arg7[%add3A_300, %dma_wait3A_301] : memref<262144x128xf32, #tpu.memory_space<hbm>> -> memref<256x128xf32, #tpu.memory_space<hbm>>
    %dma_wait3A_303 = arith.constant 0 : i32
    %dma_wait3A_304 = tpu.memref_slice %arg7[%add3A_300, %dma_wait3A_303] : memref<262144x128xf32, #tpu.memory_space<hbm>> -> memref<256x128xf32, #tpu.memory_space<hbm>>
    tpu.wait_dma2 semaphore(%arg15 : memref<!tpu.dma_semaphore, #tpu.memory_space<semaphore_mem>>) src(%arg8 : memref<256x128xf32, #tpu.memory_space<vmem>>) dst(%dma_wait3A_304 : memref<256x128xf32, #tpu.memory_space<hbm>>)
    %add3A_305 = arith.constant 3584 : i32
    %add3A_306 = arith.addi %mul3A_2, %add3A_305 : i32
    %dma_start3A_307 = arith.constant 0 : i32
    %dma_start3A_308 = tpu.memref_slice %arg2[%add3A_306, %dma_start3A_307] : memref<262144x128xf32, #tpu.memory_space<hbm>> -> memref<256x128xf32, #tpu.memory_space<hbm>>
    %dma_start3A_309 = arith.constant 0 : i32
    %dma_start3A_310 = tpu.memref_slice %arg2[%add3A_306, %dma_start3A_309] : memref<262144x128xf32, #tpu.memory_space<hbm>> -> memref<256x128xf32, #tpu.memory_space<hbm>>
    tpu.enqueue_dma source(%dma_start3A_310 : memref<256x128xf32, #tpu.memory_space<hbm>>) target(%arg8 : memref<256x128xf32, #tpu.memory_space<vmem>>) target_semaphore(%arg13 : memref<!tpu.dma_semaphore, #tpu.memory_space<semaphore_mem>>)
    %dma_wait3A_311 = arith.constant 0 : i32
    %dma_wait3A_312 = tpu.memref_slice %arg2[%add3A_306, %dma_wait3A_311] : memref<262144x128xf32, #tpu.memory_space<hbm>> -> memref<256x128xf32, #tpu.memory_space<hbm>>
    %dma_wait3A_313 = arith.constant 0 : i32
    %dma_wait3A_314 = tpu.memref_slice %arg2[%add3A_306, %dma_wait3A_313] : memref<262144x128xf32, #tpu.memory_space<hbm>> -> memref<256x128xf32, #tpu.memory_space<hbm>>
    tpu.wait_dma2 semaphore(%arg13 : memref<!tpu.dma_semaphore, #tpu.memory_space<semaphore_mem>>) src(%dma_wait3A_314 : memref<256x128xf32, #tpu.memory_space<hbm>>) dst(%arg8 : memref<256x128xf32, #tpu.memory_space<vmem>>)
    %add3A_315 = arith.constant 3584 : i32
    %add3A_316 = arith.addi %mul3A_2, %add3A_315 : i32
    %dma_start3A_317 = arith.constant 0 : i32
    %dma_start3A_318 = tpu.memref_slice %arg7[%add3A_316, %dma_start3A_317] : memref<262144x128xf32, #tpu.memory_space<hbm>> -> memref<256x128xf32, #tpu.memory_space<hbm>>
    %dma_start3A_319 = arith.constant 0 : i32
    %dma_start3A_320 = tpu.memref_slice %arg7[%add3A_316, %dma_start3A_319] : memref<262144x128xf32, #tpu.memory_space<hbm>> -> memref<256x128xf32, #tpu.memory_space<hbm>>
    tpu.enqueue_dma source(%arg8 : memref<256x128xf32, #tpu.memory_space<vmem>>) target(%dma_start3A_320 : memref<256x128xf32, #tpu.memory_space<hbm>>) target_semaphore(%arg15 : memref<!tpu.dma_semaphore, #tpu.memory_space<semaphore_mem>>)
    %add3A_321 = arith.constant 3328 : i32
    %add3A_322 = arith.addi %mul3A_2, %add3A_321 : i32
    %dma_wait3A_323 = arith.constant 0 : i32
    %dma_wait3A_324 = tpu.memref_slice %arg7[%add3A_322, %dma_wait3A_323] : memref<262144x128xf32, #tpu.memory_space<hbm>> -> memref<256x128xf32, #tpu.memory_space<hbm>>
    %dma_wait3A_325 = arith.constant 0 : i32
    %dma_wait3A_326 = tpu.memref_slice %arg7[%add3A_322, %dma_wait3A_325] : memref<262144x128xf32, #tpu.memory_space<hbm>> -> memref<256x128xf32, #tpu.memory_space<hbm>>
    tpu.wait_dma2 semaphore(%arg16 : memref<!tpu.dma_semaphore, #tpu.memory_space<semaphore_mem>>) src(%arg9 : memref<256x128xf32, #tpu.memory_space<vmem>>) dst(%dma_wait3A_326 : memref<256x128xf32, #tpu.memory_space<hbm>>)
    %add3A_327 = arith.constant 3840 : i32
    %add3A_328 = arith.addi %mul3A_2, %add3A_327 : i32
    %dma_start3A_329 = arith.constant 0 : i32
    %dma_start3A_330 = tpu.memref_slice %arg2[%add3A_328, %dma_start3A_329] : memref<262144x128xf32, #tpu.memory_space<hbm>> -> memref<256x128xf32, #tpu.memory_space<hbm>>
    %dma_start3A_331 = arith.constant 0 : i32
    %dma_start3A_332 = tpu.memref_slice %arg2[%add3A_328, %dma_start3A_331] : memref<262144x128xf32, #tpu.memory_space<hbm>> -> memref<256x128xf32, #tpu.memory_space<hbm>>
    tpu.enqueue_dma source(%dma_start3A_332 : memref<256x128xf32, #tpu.memory_space<hbm>>) target(%arg9 : memref<256x128xf32, #tpu.memory_space<vmem>>) target_semaphore(%arg14 : memref<!tpu.dma_semaphore, #tpu.memory_space<semaphore_mem>>)
    %dma_wait3A_333 = arith.constant 0 : i32
    %dma_wait3A_334 = tpu.memref_slice %arg2[%add3A_328, %dma_wait3A_333] : memref<262144x128xf32, #tpu.memory_space<hbm>> -> memref<256x128xf32, #tpu.memory_space<hbm>>
    %dma_wait3A_335 = arith.constant 0 : i32
    %dma_wait3A_336 = tpu.memref_slice %arg2[%add3A_328, %dma_wait3A_335] : memref<262144x128xf32, #tpu.memory_space<hbm>> -> memref<256x128xf32, #tpu.memory_space<hbm>>
    tpu.wait_dma2 semaphore(%arg14 : memref<!tpu.dma_semaphore, #tpu.memory_space<semaphore_mem>>) src(%dma_wait3A_336 : memref<256x128xf32, #tpu.memory_space<hbm>>) dst(%arg9 : memref<256x128xf32, #tpu.memory_space<vmem>>)
    %add3A_337 = arith.constant 3840 : i32
    %add3A_338 = arith.addi %mul3A_2, %add3A_337 : i32
    %dma_start3A_339 = arith.constant 0 : i32
    %dma_start3A_340 = tpu.memref_slice %arg7[%add3A_338, %dma_start3A_339] : memref<262144x128xf32, #tpu.memory_space<hbm>> -> memref<256x128xf32, #tpu.memory_space<hbm>>
    %dma_start3A_341 = arith.constant 0 : i32
    %dma_start3A_342 = tpu.memref_slice %arg7[%add3A_338, %dma_start3A_341] : memref<262144x128xf32, #tpu.memory_space<hbm>> -> memref<256x128xf32, #tpu.memory_space<hbm>>
    tpu.enqueue_dma source(%arg9 : memref<256x128xf32, #tpu.memory_space<vmem>>) target(%dma_start3A_342 : memref<256x128xf32, #tpu.memory_space<hbm>>) target_semaphore(%arg16 : memref<!tpu.dma_semaphore, #tpu.memory_space<semaphore_mem>>)
    %add3A_343 = arith.constant 3584 : i32
    %add3A_344 = arith.addi %mul3A_2, %add3A_343 : i32
    %dma_wait3A_345 = arith.constant 0 : i32
    %dma_wait3A_346 = tpu.memref_slice %arg7[%add3A_344, %dma_wait3A_345] : memref<262144x128xf32, #tpu.memory_space<hbm>> -> memref<256x128xf32, #tpu.memory_space<hbm>>
    %dma_wait3A_347 = arith.constant 0 : i32
    %dma_wait3A_348 = tpu.memref_slice %arg7[%add3A_344, %dma_wait3A_347] : memref<262144x128xf32, #tpu.memory_space<hbm>> -> memref<256x128xf32, #tpu.memory_space<hbm>>
    tpu.wait_dma2 semaphore(%arg15 : memref<!tpu.dma_semaphore, #tpu.memory_space<semaphore_mem>>) src(%arg8 : memref<256x128xf32, #tpu.memory_space<vmem>>) dst(%dma_wait3A_348 : memref<256x128xf32, #tpu.memory_space<hbm>>)
    %add3A_349 = arith.constant 4096 : i32
    %add3A_350 = arith.addi %mul3A_2, %add3A_349 : i32
    %dma_start3A_351 = arith.constant 0 : i32
    %dma_start3A_352 = tpu.memref_slice %arg2[%add3A_350, %dma_start3A_351] : memref<262144x128xf32, #tpu.memory_space<hbm>> -> memref<256x128xf32, #tpu.memory_space<hbm>>
    %dma_start3A_353 = arith.constant 0 : i32
    %dma_start3A_354 = tpu.memref_slice %arg2[%add3A_350, %dma_start3A_353] : memref<262144x128xf32, #tpu.memory_space<hbm>> -> memref<256x128xf32, #tpu.memory_space<hbm>>
    tpu.enqueue_dma source(%dma_start3A_354 : memref<256x128xf32, #tpu.memory_space<hbm>>) target(%arg8 : memref<256x128xf32, #tpu.memory_space<vmem>>) target_semaphore(%arg13 : memref<!tpu.dma_semaphore, #tpu.memory_space<semaphore_mem>>)
    %dma_wait3A_355 = arith.constant 0 : i32
    %dma_wait3A_356 = tpu.memref_slice %arg2[%add3A_350, %dma_wait3A_355] : memref<262144x128xf32, #tpu.memory_space<hbm>> -> memref<256x128xf32, #tpu.memory_space<hbm>>
    %dma_wait3A_357 = arith.constant 0 : i32
    %dma_wait3A_358 = tpu.memref_slice %arg2[%add3A_350, %dma_wait3A_357] : memref<262144x128xf32, #tpu.memory_space<hbm>> -> memref<256x128xf32, #tpu.memory_space<hbm>>
    tpu.wait_dma2 semaphore(%arg13 : memref<!tpu.dma_semaphore, #tpu.memory_space<semaphore_mem>>) src(%dma_wait3A_358 : memref<256x128xf32, #tpu.memory_space<hbm>>) dst(%arg8 : memref<256x128xf32, #tpu.memory_space<vmem>>)
    %add3A_359 = arith.constant 4096 : i32
    %add3A_360 = arith.addi %mul3A_2, %add3A_359 : i32
    %dma_start3A_361 = arith.constant 0 : i32
    %dma_start3A_362 = tpu.memref_slice %arg7[%add3A_360, %dma_start3A_361] : memref<262144x128xf32, #tpu.memory_space<hbm>> -> memref<256x128xf32, #tpu.memory_space<hbm>>
    %dma_start3A_363 = arith.constant 0 : i32
    %dma_start3A_364 = tpu.memref_slice %arg7[%add3A_360, %dma_start3A_363] : memref<262144x128xf32, #tpu.memory_space<hbm>> -> memref<256x128xf32, #tpu.memory_space<hbm>>
    tpu.enqueue_dma source(%arg8 : memref<256x128xf32, #tpu.memory_space<vmem>>) target(%dma_start3A_364 : memref<256x128xf32, #tpu.memory_space<hbm>>) target_semaphore(%arg15 : memref<!tpu.dma_semaphore, #tpu.memory_space<semaphore_mem>>)
    %add3A_365 = arith.constant 3840 : i32
    %add3A_366 = arith.addi %mul3A_2, %add3A_365 : i32
    %dma_wait3A_367 = arith.constant 0 : i32
    %dma_wait3A_368 = tpu.memref_slice %arg7[%add3A_366, %dma_wait3A_367] : memref<262144x128xf32, #tpu.memory_space<hbm>> -> memref<256x128xf32, #tpu.memory_space<hbm>>
    %dma_wait3A_369 = arith.constant 0 : i32
    %dma_wait3A_370 = tpu.memref_slice %arg7[%add3A_366, %dma_wait3A_369] : memref<262144x128xf32, #tpu.memory_space<hbm>> -> memref<256x128xf32, #tpu.memory_space<hbm>>
    tpu.wait_dma2 semaphore(%arg16 : memref<!tpu.dma_semaphore, #tpu.memory_space<semaphore_mem>>) src(%arg9 : memref<256x128xf32, #tpu.memory_space<vmem>>) dst(%dma_wait3A_370 : memref<256x128xf32, #tpu.memory_space<hbm>>)
    %add3A_371 = arith.constant 4352 : i32
    %add3A_372 = arith.addi %mul3A_2, %add3A_371 : i32
    %dma_start3A_373 = arith.constant 0 : i32
    %dma_start3A_374 = tpu.memref_slice %arg2[%add3A_372, %dma_start3A_373] : memref<262144x128xf32, #tpu.memory_space<hbm>> -> memref<256x128xf32, #tpu.memory_space<hbm>>
    %dma_start3A_375 = arith.constant 0 : i32
    %dma_start3A_376 = tpu.memref_slice %arg2[%add3A_372, %dma_start3A_375] : memref<262144x128xf32, #tpu.memory_space<hbm>> -> memref<256x128xf32, #tpu.memory_space<hbm>>
    tpu.enqueue_dma source(%dma_start3A_376 : memref<256x128xf32, #tpu.memory_space<hbm>>) target(%arg9 : memref<256x128xf32, #tpu.memory_space<vmem>>) target_semaphore(%arg14 : memref<!tpu.dma_semaphore, #tpu.memory_space<semaphore_mem>>)
    %dma_wait3A_377 = arith.constant 0 : i32
    %dma_wait3A_378 = tpu.memref_slice %arg2[%add3A_372, %dma_wait3A_377] : memref<262144x128xf32, #tpu.memory_space<hbm>> -> memref<256x128xf32, #tpu.memory_space<hbm>>
    %dma_wait3A_379 = arith.constant 0 : i32
    %dma_wait3A_380 = tpu.memref_slice %arg2[%add3A_372, %dma_wait3A_379] : memref<262144x128xf32, #tpu.memory_space<hbm>> -> memref<256x128xf32, #tpu.memory_space<hbm>>
    tpu.wait_dma2 semaphore(%arg14 : memref<!tpu.dma_semaphore, #tpu.memory_space<semaphore_mem>>) src(%dma_wait3A_380 : memref<256x128xf32, #tpu.memory_space<hbm>>) dst(%arg9 : memref<256x128xf32, #tpu.memory_space<vmem>>)
    %add3A_381 = arith.constant 4352 : i32
    %add3A_382 = arith.addi %mul3A_2, %add3A_381 : i32
    %dma_start3A_383 = arith.constant 0 : i32
    %dma_start3A_384 = tpu.memref_slice %arg7[%add3A_382, %dma_start3A_383] : memref<262144x128xf32, #tpu.memory_space<hbm>> -> memref<256x128xf32, #tpu.memory_space<hbm>>
    %dma_start3A_385 = arith.constant 0 : i32
    %dma_start3A_386 = tpu.memref_slice %arg7[%add3A_382, %dma_start3A_385] : memref<262144x128xf32, #tpu.memory_space<hbm>> -> memref<256x128xf32, #tpu.memory_space<hbm>>
    tpu.enqueue_dma source(%arg9 : memref<256x128xf32, #tpu.memory_space<vmem>>) target(%dma_start3A_386 : memref<256x128xf32, #tpu.memory_space<hbm>>) target_semaphore(%arg16 : memref<!tpu.dma_semaphore, #tpu.memory_space<semaphore_mem>>)
    %add3A_387 = arith.constant 4096 : i32
    %add3A_388 = arith.addi %mul3A_2, %add3A_387 : i32
    %dma_wait3A_389 = arith.constant 0 : i32
    %dma_wait3A_390 = tpu.memref_slice %arg7[%add3A_388, %dma_wait3A_389] : memref<262144x128xf32, #tpu.memory_space<hbm>> -> memref<256x128xf32, #tpu.memory_space<hbm>>
    %dma_wait3A_391 = arith.constant 0 : i32
    %dma_wait3A_392 = tpu.memref_slice %arg7[%add3A_388, %dma_wait3A_391] : memref<262144x128xf32, #tpu.memory_space<hbm>> -> memref<256x128xf32, #tpu.memory_space<hbm>>
    tpu.wait_dma2 semaphore(%arg15 : memref<!tpu.dma_semaphore, #tpu.memory_space<semaphore_mem>>) src(%arg8 : memref<256x128xf32, #tpu.memory_space<vmem>>) dst(%dma_wait3A_392 : memref<256x128xf32, #tpu.memory_space<hbm>>)
    %add3A_393 = arith.constant 4608 : i32
    %add3A_394 = arith.addi %mul3A_2, %add3A_393 : i32
    %dma_start3A_395 = arith.constant 0 : i32
    %dma_start3A_396 = tpu.memref_slice %arg2[%add3A_394, %dma_start3A_395] : memref<262144x128xf32, #tpu.memory_space<hbm>> -> memref<256x128xf32, #tpu.memory_space<hbm>>
    %dma_start3A_397 = arith.constant 0 : i32
    %dma_start3A_398 = tpu.memref_slice %arg2[%add3A_394, %dma_start3A_397] : memref<262144x128xf32, #tpu.memory_space<hbm>> -> memref<256x128xf32, #tpu.memory_space<hbm>>
    tpu.enqueue_dma source(%dma_start3A_398 : memref<256x128xf32, #tpu.memory_space<hbm>>) target(%arg8 : memref<256x128xf32, #tpu.memory_space<vmem>>) target_semaphore(%arg13 : memref<!tpu.dma_semaphore, #tpu.memory_space<semaphore_mem>>)
    %dma_wait3A_399 = arith.constant 0 : i32
    %dma_wait3A_400 = tpu.memref_slice %arg2[%add3A_394, %dma_wait3A_399] : memref<262144x128xf32, #tpu.memory_space<hbm>> -> memref<256x128xf32, #tpu.memory_space<hbm>>
    %dma_wait3A_401 = arith.constant 0 : i32
    %dma_wait3A_402 = tpu.memref_slice %arg2[%add3A_394, %dma_wait3A_401] : memref<262144x128xf32, #tpu.memory_space<hbm>> -> memref<256x128xf32, #tpu.memory_space<hbm>>
    tpu.wait_dma2 semaphore(%arg13 : memref<!tpu.dma_semaphore, #tpu.memory_space<semaphore_mem>>) src(%dma_wait3A_402 : memref<256x128xf32, #tpu.memory_space<hbm>>) dst(%arg8 : memref<256x128xf32, #tpu.memory_space<vmem>>)
    %add3A_403 = arith.constant 4608 : i32
    %add3A_404 = arith.addi %mul3A_2, %add3A_403 : i32
    %dma_start3A_405 = arith.constant 0 : i32
    %dma_start3A_406 = tpu.memref_slice %arg7[%add3A_404, %dma_start3A_405] : memref<262144x128xf32, #tpu.memory_space<hbm>> -> memref<256x128xf32, #tpu.memory_space<hbm>>
    %dma_start3A_407 = arith.constant 0 : i32
    %dma_start3A_408 = tpu.memref_slice %arg7[%add3A_404, %dma_start3A_407] : memref<262144x128xf32, #tpu.memory_space<hbm>> -> memref<256x128xf32, #tpu.memory_space<hbm>>
    tpu.enqueue_dma source(%arg8 : memref<256x128xf32, #tpu.memory_space<vmem>>) target(%dma_start3A_408 : memref<256x128xf32, #tpu.memory_space<hbm>>) target_semaphore(%arg15 : memref<!tpu.dma_semaphore, #tpu.memory_space<semaphore_mem>>)
    %add3A_409 = arith.constant 4352 : i32
    %add3A_410 = arith.addi %mul3A_2, %add3A_409 : i32
    %dma_wait3A_411 = arith.constant 0 : i32
    %dma_wait3A_412 = tpu.memref_slice %arg7[%add3A_410, %dma_wait3A_411] : memref<262144x128xf32, #tpu.memory_space<hbm>> -> memref<256x128xf32, #tpu.memory_space<hbm>>
    %dma_wait3A_413 = arith.constant 0 : i32
    %dma_wait3A_414 = tpu.memref_slice %arg7[%add3A_410, %dma_wait3A_413] : memref<262144x128xf32, #tpu.memory_space<hbm>> -> memref<256x128xf32, #tpu.memory_space<hbm>>
    tpu.wait_dma2 semaphore(%arg16 : memref<!tpu.dma_semaphore, #tpu.memory_space<semaphore_mem>>) src(%arg9 : memref<256x128xf32, #tpu.memory_space<vmem>>) dst(%dma_wait3A_414 : memref<256x128xf32, #tpu.memory_space<hbm>>)
    %add3A_415 = arith.constant 4864 : i32
    %add3A_416 = arith.addi %mul3A_2, %add3A_415 : i32
    %dma_start3A_417 = arith.constant 0 : i32
    %dma_start3A_418 = tpu.memref_slice %arg2[%add3A_416, %dma_start3A_417] : memref<262144x128xf32, #tpu.memory_space<hbm>> -> memref<256x128xf32, #tpu.memory_space<hbm>>
    %dma_start3A_419 = arith.constant 0 : i32
    %dma_start3A_420 = tpu.memref_slice %arg2[%add3A_416, %dma_start3A_419] : memref<262144x128xf32, #tpu.memory_space<hbm>> -> memref<256x128xf32, #tpu.memory_space<hbm>>
    tpu.enqueue_dma source(%dma_start3A_420 : memref<256x128xf32, #tpu.memory_space<hbm>>) target(%arg9 : memref<256x128xf32, #tpu.memory_space<vmem>>) target_semaphore(%arg14 : memref<!tpu.dma_semaphore, #tpu.memory_space<semaphore_mem>>)
    %dma_wait3A_421 = arith.constant 0 : i32
    %dma_wait3A_422 = tpu.memref_slice %arg2[%add3A_416, %dma_wait3A_421] : memref<262144x128xf32, #tpu.memory_space<hbm>> -> memref<256x128xf32, #tpu.memory_space<hbm>>
    %dma_wait3A_423 = arith.constant 0 : i32
    %dma_wait3A_424 = tpu.memref_slice %arg2[%add3A_416, %dma_wait3A_423] : memref<262144x128xf32, #tpu.memory_space<hbm>> -> memref<256x128xf32, #tpu.memory_space<hbm>>
    tpu.wait_dma2 semaphore(%arg14 : memref<!tpu.dma_semaphore, #tpu.memory_space<semaphore_mem>>) src(%dma_wait3A_424 : memref<256x128xf32, #tpu.memory_space<hbm>>) dst(%arg9 : memref<256x128xf32, #tpu.memory_space<vmem>>)
    %add3A_425 = arith.constant 4864 : i32
    %add3A_426 = arith.addi %mul3A_2, %add3A_425 : i32
    %dma_start3A_427 = arith.constant 0 : i32
    %dma_start3A_428 = tpu.memref_slice %arg7[%add3A_426, %dma_start3A_427] : memref<262144x128xf32, #tpu.memory_space<hbm>> -> memref<256x128xf32, #tpu.memory_space<hbm>>
    %dma_start3A_429 = arith.constant 0 : i32
    %dma_start3A_430 = tpu.memref_slice %arg7[%add3A_426, %dma_start3A_429] : memref<262144x128xf32, #tpu.memory_space<hbm>> -> memref<256x128xf32, #tpu.memory_space<hbm>>
    tpu.enqueue_dma source(%arg9 : memref<256x128xf32, #tpu.memory_space<vmem>>) target(%dma_start3A_430 : memref<256x128xf32, #tpu.memory_space<hbm>>) target_semaphore(%arg16 : memref<!tpu.dma_semaphore, #tpu.memory_space<semaphore_mem>>)
    %add3A_431 = arith.constant 4608 : i32
    %add3A_432 = arith.addi %mul3A_2, %add3A_431 : i32
    %dma_wait3A_433 = arith.constant 0 : i32
    %dma_wait3A_434 = tpu.memref_slice %arg7[%add3A_432, %dma_wait3A_433] : memref<262144x128xf32, #tpu.memory_space<hbm>> -> memref<256x128xf32, #tpu.memory_space<hbm>>
    %dma_wait3A_435 = arith.constant 0 : i32
    %dma_wait3A_436 = tpu.memref_slice %arg7[%add3A_432, %dma_wait3A_435] : memref<262144x128xf32, #tpu.memory_space<hbm>> -> memref<256x128xf32, #tpu.memory_space<hbm>>
    tpu.wait_dma2 semaphore(%arg15 : memref<!tpu.dma_semaphore, #tpu.memory_space<semaphore_mem>>) src(%arg8 : memref<256x128xf32, #tpu.memory_space<vmem>>) dst(%dma_wait3A_436 : memref<256x128xf32, #tpu.memory_space<hbm>>)
    %add3A_437 = arith.constant 5120 : i32
    %add3A_438 = arith.addi %mul3A_2, %add3A_437 : i32
    %dma_start3A_439 = arith.constant 0 : i32
    %dma_start3A_440 = tpu.memref_slice %arg2[%add3A_438, %dma_start3A_439] : memref<262144x128xf32, #tpu.memory_space<hbm>> -> memref<256x128xf32, #tpu.memory_space<hbm>>
    %dma_start3A_441 = arith.constant 0 : i32
    %dma_start3A_442 = tpu.memref_slice %arg2[%add3A_438, %dma_start3A_441] : memref<262144x128xf32, #tpu.memory_space<hbm>> -> memref<256x128xf32, #tpu.memory_space<hbm>>
    tpu.enqueue_dma source(%dma_start3A_442 : memref<256x128xf32, #tpu.memory_space<hbm>>) target(%arg8 : memref<256x128xf32, #tpu.memory_space<vmem>>) target_semaphore(%arg13 : memref<!tpu.dma_semaphore, #tpu.memory_space<semaphore_mem>>)
    %dma_wait3A_443 = arith.constant 0 : i32
    %dma_wait3A_444 = tpu.memref_slice %arg2[%add3A_438, %dma_wait3A_443] : memref<262144x128xf32, #tpu.memory_space<hbm>> -> memref<256x128xf32, #tpu.memory_space<hbm>>
    %dma_wait3A_445 = arith.constant 0 : i32
    %dma_wait3A_446 = tpu.memref_slice %arg2[%add3A_438, %dma_wait3A_445] : memref<262144x128xf32, #tpu.memory_space<hbm>> -> memref<256x128xf32, #tpu.memory_space<hbm>>
    tpu.wait_dma2 semaphore(%arg13 : memref<!tpu.dma_semaphore, #tpu.memory_space<semaphore_mem>>) src(%dma_wait3A_446 : memref<256x128xf32, #tpu.memory_space<hbm>>) dst(%arg8 : memref<256x128xf32, #tpu.memory_space<vmem>>)
    %add3A_447 = arith.constant 5120 : i32
    %add3A_448 = arith.addi %mul3A_2, %add3A_447 : i32
    %dma_start3A_449 = arith.constant 0 : i32
    %dma_start3A_450 = tpu.memref_slice %arg7[%add3A_448, %dma_start3A_449] : memref<262144x128xf32, #tpu.memory_space<hbm>> -> memref<256x128xf32, #tpu.memory_space<hbm>>
    %dma_start3A_451 = arith.constant 0 : i32
    %dma_start3A_452 = tpu.memref_slice %arg7[%add3A_448, %dma_start3A_451] : memref<262144x128xf32, #tpu.memory_space<hbm>> -> memref<256x128xf32, #tpu.memory_space<hbm>>
    tpu.enqueue_dma source(%arg8 : memref<256x128xf32, #tpu.memory_space<vmem>>) target(%dma_start3A_452 : memref<256x128xf32, #tpu.memory_space<hbm>>) target_semaphore(%arg15 : memref<!tpu.dma_semaphore, #tpu.memory_space<semaphore_mem>>)
    %add3A_453 = arith.constant 4864 : i32
    %add3A_454 = arith.addi %mul3A_2, %add3A_453 : i32
    %dma_wait3A_455 = arith.constant 0 : i32
    %dma_wait3A_456 = tpu.memref_slice %arg7[%add3A_454, %dma_wait3A_455] : memref<262144x128xf32, #tpu.memory_space<hbm>> -> memref<256x128xf32, #tpu.memory_space<hbm>>
    %dma_wait3A_457 = arith.constant 0 : i32
    %dma_wait3A_458 = tpu.memref_slice %arg7[%add3A_454, %dma_wait3A_457] : memref<262144x128xf32, #tpu.memory_space<hbm>> -> memref<256x128xf32, #tpu.memory_space<hbm>>
    tpu.wait_dma2 semaphore(%arg16 : memref<!tpu.dma_semaphore, #tpu.memory_space<semaphore_mem>>) src(%arg9 : memref<256x128xf32, #tpu.memory_space<vmem>>) dst(%dma_wait3A_458 : memref<256x128xf32, #tpu.memory_space<hbm>>)
    %add3A_459 = arith.constant 5376 : i32
    %add3A_460 = arith.addi %mul3A_2, %add3A_459 : i32
    %dma_start3A_461 = arith.constant 0 : i32
    %dma_start3A_462 = tpu.memref_slice %arg2[%add3A_460, %dma_start3A_461] : memref<262144x128xf32, #tpu.memory_space<hbm>> -> memref<256x128xf32, #tpu.memory_space<hbm>>
    %dma_start3A_463 = arith.constant 0 : i32
    %dma_start3A_464 = tpu.memref_slice %arg2[%add3A_460, %dma_start3A_463] : memref<262144x128xf32, #tpu.memory_space<hbm>> -> memref<256x128xf32, #tpu.memory_space<hbm>>
    tpu.enqueue_dma source(%dma_start3A_464 : memref<256x128xf32, #tpu.memory_space<hbm>>) target(%arg9 : memref<256x128xf32, #tpu.memory_space<vmem>>) target_semaphore(%arg14 : memref<!tpu.dma_semaphore, #tpu.memory_space<semaphore_mem>>)
    %dma_wait3A_465 = arith.constant 0 : i32
    %dma_wait3A_466 = tpu.memref_slice %arg2[%add3A_460, %dma_wait3A_465] : memref<262144x128xf32, #tpu.memory_space<hbm>> -> memref<256x128xf32, #tpu.memory_space<hbm>>
    %dma_wait3A_467 = arith.constant 0 : i32
    %dma_wait3A_468 = tpu.memref_slice %arg2[%add3A_460, %dma_wait3A_467] : memref<262144x128xf32, #tpu.memory_space<hbm>> -> memref<256x128xf32, #tpu.memory_space<hbm>>
    tpu.wait_dma2 semaphore(%arg14 : memref<!tpu.dma_semaphore, #tpu.memory_space<semaphore_mem>>) src(%dma_wait3A_468 : memref<256x128xf32, #tpu.memory_space<hbm>>) dst(%arg9 : memref<256x128xf32, #tpu.memory_space<vmem>>)
    %add3A_469 = arith.constant 5376 : i32
    %add3A_470 = arith.addi %mul3A_2, %add3A_469 : i32
    %dma_start3A_471 = arith.constant 0 : i32
    %dma_start3A_472 = tpu.memref_slice %arg7[%add3A_470, %dma_start3A_471] : memref<262144x128xf32, #tpu.memory_space<hbm>> -> memref<256x128xf32, #tpu.memory_space<hbm>>
    %dma_start3A_473 = arith.constant 0 : i32
    %dma_start3A_474 = tpu.memref_slice %arg7[%add3A_470, %dma_start3A_473] : memref<262144x128xf32, #tpu.memory_space<hbm>> -> memref<256x128xf32, #tpu.memory_space<hbm>>
    tpu.enqueue_dma source(%arg9 : memref<256x128xf32, #tpu.memory_space<vmem>>) target(%dma_start3A_474 : memref<256x128xf32, #tpu.memory_space<hbm>>) target_semaphore(%arg16 : memref<!tpu.dma_semaphore, #tpu.memory_space<semaphore_mem>>)
    %add3A_475 = arith.constant 5120 : i32
    %add3A_476 = arith.addi %mul3A_2, %add3A_475 : i32
    %dma_wait3A_477 = arith.constant 0 : i32
    %dma_wait3A_478 = tpu.memref_slice %arg7[%add3A_476, %dma_wait3A_477] : memref<262144x128xf32, #tpu.memory_space<hbm>> -> memref<256x128xf32, #tpu.memory_space<hbm>>
    %dma_wait3A_479 = arith.constant 0 : i32
    %dma_wait3A_480 = tpu.memref_slice %arg7[%add3A_476, %dma_wait3A_479] : memref<262144x128xf32, #tpu.memory_space<hbm>> -> memref<256x128xf32, #tpu.memory_space<hbm>>
    tpu.wait_dma2 semaphore(%arg15 : memref<!tpu.dma_semaphore, #tpu.memory_space<semaphore_mem>>) src(%arg8 : memref<256x128xf32, #tpu.memory_space<vmem>>) dst(%dma_wait3A_480 : memref<256x128xf32, #tpu.memory_space<hbm>>)
    %add3A_481 = arith.constant 5632 : i32
    %add3A_482 = arith.addi %mul3A_2, %add3A_481 : i32
    %dma_start3A_483 = arith.constant 0 : i32
    %dma_start3A_484 = tpu.memref_slice %arg2[%add3A_482, %dma_start3A_483] : memref<262144x128xf32, #tpu.memory_space<hbm>> -> memref<256x128xf32, #tpu.memory_space<hbm>>
    %dma_start3A_485 = arith.constant 0 : i32
    %dma_start3A_486 = tpu.memref_slice %arg2[%add3A_482, %dma_start3A_485] : memref<262144x128xf32, #tpu.memory_space<hbm>> -> memref<256x128xf32, #tpu.memory_space<hbm>>
    tpu.enqueue_dma source(%dma_start3A_486 : memref<256x128xf32, #tpu.memory_space<hbm>>) target(%arg8 : memref<256x128xf32, #tpu.memory_space<vmem>>) target_semaphore(%arg13 : memref<!tpu.dma_semaphore, #tpu.memory_space<semaphore_mem>>)
    %dma_wait3A_487 = arith.constant 0 : i32
    %dma_wait3A_488 = tpu.memref_slice %arg2[%add3A_482, %dma_wait3A_487] : memref<262144x128xf32, #tpu.memory_space<hbm>> -> memref<256x128xf32, #tpu.memory_space<hbm>>
    %dma_wait3A_489 = arith.constant 0 : i32
    %dma_wait3A_490 = tpu.memref_slice %arg2[%add3A_482, %dma_wait3A_489] : memref<262144x128xf32, #tpu.memory_space<hbm>> -> memref<256x128xf32, #tpu.memory_space<hbm>>
    tpu.wait_dma2 semaphore(%arg13 : memref<!tpu.dma_semaphore, #tpu.memory_space<semaphore_mem>>) src(%dma_wait3A_490 : memref<256x128xf32, #tpu.memory_space<hbm>>) dst(%arg8 : memref<256x128xf32, #tpu.memory_space<vmem>>)
    %add3A_491 = arith.constant 5632 : i32
    %add3A_492 = arith.addi %mul3A_2, %add3A_491 : i32
    %dma_start3A_493 = arith.constant 0 : i32
    %dma_start3A_494 = tpu.memref_slice %arg7[%add3A_492, %dma_start3A_493] : memref<262144x128xf32, #tpu.memory_space<hbm>> -> memref<256x128xf32, #tpu.memory_space<hbm>>
    %dma_start3A_495 = arith.constant 0 : i32
    %dma_start3A_496 = tpu.memref_slice %arg7[%add3A_492, %dma_start3A_495] : memref<262144x128xf32, #tpu.memory_space<hbm>> -> memref<256x128xf32, #tpu.memory_space<hbm>>
    tpu.enqueue_dma source(%arg8 : memref<256x128xf32, #tpu.memory_space<vmem>>) target(%dma_start3A_496 : memref<256x128xf32, #tpu.memory_space<hbm>>) target_semaphore(%arg15 : memref<!tpu.dma_semaphore, #tpu.memory_space<semaphore_mem>>)
    %add3A_497 = arith.constant 5376 : i32
    %add3A_498 = arith.addi %mul3A_2, %add3A_497 : i32
    %dma_wait3A_499 = arith.constant 0 : i32
    %dma_wait3A_500 = tpu.memref_slice %arg7[%add3A_498, %dma_wait3A_499] : memref<262144x128xf32, #tpu.memory_space<hbm>> -> memref<256x128xf32, #tpu.memory_space<hbm>>
    %dma_wait3A_501 = arith.constant 0 : i32
    %dma_wait3A_502 = tpu.memref_slice %arg7[%add3A_498, %dma_wait3A_501] : memref<262144x128xf32, #tpu.memory_space<hbm>> -> memref<256x128xf32, #tpu.memory_space<hbm>>
    tpu.wait_dma2 semaphore(%arg16 : memref<!tpu.dma_semaphore, #tpu.memory_space<semaphore_mem>>) src(%arg9 : memref<256x128xf32, #tpu.memory_space<vmem>>) dst(%dma_wait3A_502 : memref<256x128xf32, #tpu.memory_space<hbm>>)
    %add3A_503 = arith.constant 5888 : i32
    %add3A_504 = arith.addi %mul3A_2, %add3A_503 : i32
    %dma_start3A_505 = arith.constant 0 : i32
    %dma_start3A_506 = tpu.memref_slice %arg2[%add3A_504, %dma_start3A_505] : memref<262144x128xf32, #tpu.memory_space<hbm>> -> memref<256x128xf32, #tpu.memory_space<hbm>>
    %dma_start3A_507 = arith.constant 0 : i32
    %dma_start3A_508 = tpu.memref_slice %arg2[%add3A_504, %dma_start3A_507] : memref<262144x128xf32, #tpu.memory_space<hbm>> -> memref<256x128xf32, #tpu.memory_space<hbm>>
    tpu.enqueue_dma source(%dma_start3A_508 : memref<256x128xf32, #tpu.memory_space<hbm>>) target(%arg9 : memref<256x128xf32, #tpu.memory_space<vmem>>) target_semaphore(%arg14 : memref<!tpu.dma_semaphore, #tpu.memory_space<semaphore_mem>>)
    %dma_wait3A_509 = arith.constant 0 : i32
    %dma_wait3A_510 = tpu.memref_slice %arg2[%add3A_504, %dma_wait3A_509] : memref<262144x128xf32, #tpu.memory_space<hbm>> -> memref<256x128xf32, #tpu.memory_space<hbm>>
    %dma_wait3A_511 = arith.constant 0 : i32
    %dma_wait3A_512 = tpu.memref_slice %arg2[%add3A_504, %dma_wait3A_511] : memref<262144x128xf32, #tpu.memory_space<hbm>> -> memref<256x128xf32, #tpu.memory_space<hbm>>
    tpu.wait_dma2 semaphore(%arg14 : memref<!tpu.dma_semaphore, #tpu.memory_space<semaphore_mem>>) src(%dma_wait3A_512 : memref<256x128xf32, #tpu.memory_space<hbm>>) dst(%arg9 : memref<256x128xf32, #tpu.memory_space<vmem>>)
    %add3A_513 = arith.constant 5888 : i32
    %add3A_514 = arith.addi %mul3A_2, %add3A_513 : i32
    %dma_start3A_515 = arith.constant 0 : i32
    %dma_start3A_516 = tpu.memref_slice %arg7[%add3A_514, %dma_start3A_515] : memref<262144x128xf32, #tpu.memory_space<hbm>> -> memref<256x128xf32, #tpu.memory_space<hbm>>
    %dma_start3A_517 = arith.constant 0 : i32
    %dma_start3A_518 = tpu.memref_slice %arg7[%add3A_514, %dma_start3A_517] : memref<262144x128xf32, #tpu.memory_space<hbm>> -> memref<256x128xf32, #tpu.memory_space<hbm>>
    tpu.enqueue_dma source(%arg9 : memref<256x128xf32, #tpu.memory_space<vmem>>) target(%dma_start3A_518 : memref<256x128xf32, #tpu.memory_space<hbm>>) target_semaphore(%arg16 : memref<!tpu.dma_semaphore, #tpu.memory_space<semaphore_mem>>)
    %add3A_519 = arith.constant 5632 : i32
    %add3A_520 = arith.addi %mul3A_2, %add3A_519 : i32
    %dma_wait3A_521 = arith.constant 0 : i32
    %dma_wait3A_522 = tpu.memref_slice %arg7[%add3A_520, %dma_wait3A_521] : memref<262144x128xf32, #tpu.memory_space<hbm>> -> memref<256x128xf32, #tpu.memory_space<hbm>>
    %dma_wait3A_523 = arith.constant 0 : i32
    %dma_wait3A_524 = tpu.memref_slice %arg7[%add3A_520, %dma_wait3A_523] : memref<262144x128xf32, #tpu.memory_space<hbm>> -> memref<256x128xf32, #tpu.memory_space<hbm>>
    tpu.wait_dma2 semaphore(%arg15 : memref<!tpu.dma_semaphore, #tpu.memory_space<semaphore_mem>>) src(%arg8 : memref<256x128xf32, #tpu.memory_space<vmem>>) dst(%dma_wait3A_524 : memref<256x128xf32, #tpu.memory_space<hbm>>)
    %add3A_525 = arith.constant 6144 : i32
    %add3A_526 = arith.addi %mul3A_2, %add3A_525 : i32
    %dma_start3A_527 = arith.constant 0 : i32
    %dma_start3A_528 = tpu.memref_slice %arg2[%add3A_526, %dma_start3A_527] : memref<262144x128xf32, #tpu.memory_space<hbm>> -> memref<256x128xf32, #tpu.memory_space<hbm>>
    %dma_start3A_529 = arith.constant 0 : i32
    %dma_start3A_530 = tpu.memref_slice %arg2[%add3A_526, %dma_start3A_529] : memref<262144x128xf32, #tpu.memory_space<hbm>> -> memref<256x128xf32, #tpu.memory_space<hbm>>
    tpu.enqueue_dma source(%dma_start3A_530 : memref<256x128xf32, #tpu.memory_space<hbm>>) target(%arg8 : memref<256x128xf32, #tpu.memory_space<vmem>>) target_semaphore(%arg13 : memref<!tpu.dma_semaphore, #tpu.memory_space<semaphore_mem>>)
    %dma_wait3A_531 = arith.constant 0 : i32
    %dma_wait3A_532 = tpu.memref_slice %arg2[%add3A_526, %dma_wait3A_531] : memref<262144x128xf32, #tpu.memory_space<hbm>> -> memref<256x128xf32, #tpu.memory_space<hbm>>
    %dma_wait3A_533 = arith.constant 0 : i32
    %dma_wait3A_534 = tpu.memref_slice %arg2[%add3A_526, %dma_wait3A_533] : memref<262144x128xf32, #tpu.memory_space<hbm>> -> memref<256x128xf32, #tpu.memory_space<hbm>>
    tpu.wait_dma2 semaphore(%arg13 : memref<!tpu.dma_semaphore, #tpu.memory_space<semaphore_mem>>) src(%dma_wait3A_534 : memref<256x128xf32, #tpu.memory_space<hbm>>) dst(%arg8 : memref<256x128xf32, #tpu.memory_space<vmem>>)
    %add3A_535 = arith.constant 6144 : i32
    %add3A_536 = arith.addi %mul3A_2, %add3A_535 : i32
    %dma_start3A_537 = arith.constant 0 : i32
    %dma_start3A_538 = tpu.memref_slice %arg7[%add3A_536, %dma_start3A_537] : memref<262144x128xf32, #tpu.memory_space<hbm>> -> memref<256x128xf32, #tpu.memory_space<hbm>>
    %dma_start3A_539 = arith.constant 0 : i32
    %dma_start3A_540 = tpu.memref_slice %arg7[%add3A_536, %dma_start3A_539] : memref<262144x128xf32, #tpu.memory_space<hbm>> -> memref<256x128xf32, #tpu.memory_space<hbm>>
    tpu.enqueue_dma source(%arg8 : memref<256x128xf32, #tpu.memory_space<vmem>>) target(%dma_start3A_540 : memref<256x128xf32, #tpu.memory_space<hbm>>) target_semaphore(%arg15 : memref<!tpu.dma_semaphore, #tpu.memory_space<semaphore_mem>>)
    %add3A_541 = arith.constant 5888 : i32
    %add3A_542 = arith.addi %mul3A_2, %add3A_541 : i32
    %dma_wait3A_543 = arith.constant 0 : i32
    %dma_wait3A_544 = tpu.memref_slice %arg7[%add3A_542, %dma_wait3A_543] : memref<262144x128xf32, #tpu.memory_space<hbm>> -> memref<256x128xf32, #tpu.memory_space<hbm>>
    %dma_wait3A_545 = arith.constant 0 : i32
    %dma_wait3A_546 = tpu.memref_slice %arg7[%add3A_542, %dma_wait3A_545] : memref<262144x128xf32, #tpu.memory_space<hbm>> -> memref<256x128xf32, #tpu.memory_space<hbm>>
    tpu.wait_dma2 semaphore(%arg16 : memref<!tpu.dma_semaphore, #tpu.memory_space<semaphore_mem>>) src(%arg9 : memref<256x128xf32, #tpu.memory_space<vmem>>) dst(%dma_wait3A_546 : memref<256x128xf32, #tpu.memory_space<hbm>>)
    %add3A_547 = arith.constant 6400 : i32
    %add3A_548 = arith.addi %mul3A_2, %add3A_547 : i32
    %dma_start3A_549 = arith.constant 0 : i32
    %dma_start3A_550 = tpu.memref_slice %arg2[%add3A_548, %dma_start3A_549] : memref<262144x128xf32, #tpu.memory_space<hbm>> -> memref<256x128xf32, #tpu.memory_space<hbm>>
    %dma_start3A_551 = arith.constant 0 : i32
    %dma_start3A_552 = tpu.memref_slice %arg2[%add3A_548, %dma_start3A_551] : memref<262144x128xf32, #tpu.memory_space<hbm>> -> memref<256x128xf32, #tpu.memory_space<hbm>>
    tpu.enqueue_dma source(%dma_start3A_552 : memref<256x128xf32, #tpu.memory_space<hbm>>) target(%arg9 : memref<256x128xf32, #tpu.memory_space<vmem>>) target_semaphore(%arg14 : memref<!tpu.dma_semaphore, #tpu.memory_space<semaphore_mem>>)
    %dma_wait3A_553 = arith.constant 0 : i32
    %dma_wait3A_554 = tpu.memref_slice %arg2[%add3A_548, %dma_wait3A_553] : memref<262144x128xf32, #tpu.memory_space<hbm>> -> memref<256x128xf32, #tpu.memory_space<hbm>>
    %dma_wait3A_555 = arith.constant 0 : i32
    %dma_wait3A_556 = tpu.memref_slice %arg2[%add3A_548, %dma_wait3A_555] : memref<262144x128xf32, #tpu.memory_space<hbm>> -> memref<256x128xf32, #tpu.memory_space<hbm>>
    tpu.wait_dma2 semaphore(%arg14 : memref<!tpu.dma_semaphore, #tpu.memory_space<semaphore_mem>>) src(%dma_wait3A_556 : memref<256x128xf32, #tpu.memory_space<hbm>>) dst(%arg9 : memref<256x128xf32, #tpu.memory_space<vmem>>)
    %add3A_557 = arith.constant 6400 : i32
    %add3A_558 = arith.addi %mul3A_2, %add3A_557 : i32
    %dma_start3A_559 = arith.constant 0 : i32
    %dma_start3A_560 = tpu.memref_slice %arg7[%add3A_558, %dma_start3A_559] : memref<262144x128xf32, #tpu.memory_space<hbm>> -> memref<256x128xf32, #tpu.memory_space<hbm>>
    %dma_start3A_561 = arith.constant 0 : i32
    %dma_start3A_562 = tpu.memref_slice %arg7[%add3A_558, %dma_start3A_561] : memref<262144x128xf32, #tpu.memory_space<hbm>> -> memref<256x128xf32, #tpu.memory_space<hbm>>
    tpu.enqueue_dma source(%arg9 : memref<256x128xf32, #tpu.memory_space<vmem>>) target(%dma_start3A_562 : memref<256x128xf32, #tpu.memory_space<hbm>>) target_semaphore(%arg16 : memref<!tpu.dma_semaphore, #tpu.memory_space<semaphore_mem>>)
    %add3A_563 = arith.constant 6144 : i32
    %add3A_564 = arith.addi %mul3A_2, %add3A_563 : i32
    %dma_wait3A_565 = arith.constant 0 : i32
    %dma_wait3A_566 = tpu.memref_slice %arg7[%add3A_564, %dma_wait3A_565] : memref<262144x128xf32, #tpu.memory_space<hbm>> -> memref<256x128xf32, #tpu.memory_space<hbm>>
    %dma_wait3A_567 = arith.constant 0 : i32
    %dma_wait3A_568 = tpu.memref_slice %arg7[%add3A_564, %dma_wait3A_567] : memref<262144x128xf32, #tpu.memory_space<hbm>> -> memref<256x128xf32, #tpu.memory_space<hbm>>
    tpu.wait_dma2 semaphore(%arg15 : memref<!tpu.dma_semaphore, #tpu.memory_space<semaphore_mem>>) src(%arg8 : memref<256x128xf32, #tpu.memory_space<vmem>>) dst(%dma_wait3A_568 : memref<256x128xf32, #tpu.memory_space<hbm>>)
    %add3A_569 = arith.constant 6656 : i32
    %add3A_570 = arith.addi %mul3A_2, %add3A_569 : i32
    %dma_start3A_571 = arith.constant 0 : i32
    %dma_start3A_572 = tpu.memref_slice %arg2[%add3A_570, %dma_start3A_571] : memref<262144x128xf32, #tpu.memory_space<hbm>> -> memref<256x128xf32, #tpu.memory_space<hbm>>
    %dma_start3A_573 = arith.constant 0 : i32
    %dma_start3A_574 = tpu.memref_slice %arg2[%add3A_570, %dma_start3A_573] : memref<262144x128xf32, #tpu.memory_space<hbm>> -> memref<256x128xf32, #tpu.memory_space<hbm>>
    tpu.enqueue_dma source(%dma_start3A_574 : memref<256x128xf32, #tpu.memory_space<hbm>>) target(%arg8 : memref<256x128xf32, #tpu.memory_space<vmem>>) target_semaphore(%arg13 : memref<!tpu.dma_semaphore, #tpu.memory_space<semaphore_mem>>)
    %dma_wait3A_575 = arith.constant 0 : i32
    %dma_wait3A_576 = tpu.memref_slice %arg2[%add3A_570, %dma_wait3A_575] : memref<262144x128xf32, #tpu.memory_space<hbm>> -> memref<256x128xf32, #tpu.memory_space<hbm>>
    %dma_wait3A_577 = arith.constant 0 : i32
    %dma_wait3A_578 = tpu.memref_slice %arg2[%add3A_570, %dma_wait3A_577] : memref<262144x128xf32, #tpu.memory_space<hbm>> -> memref<256x128xf32, #tpu.memory_space<hbm>>
    tpu.wait_dma2 semaphore(%arg13 : memref<!tpu.dma_semaphore, #tpu.memory_space<semaphore_mem>>) src(%dma_wait3A_578 : memref<256x128xf32, #tpu.memory_space<hbm>>) dst(%arg8 : memref<256x128xf32, #tpu.memory_space<vmem>>)
    %add3A_579 = arith.constant 6656 : i32
    %add3A_580 = arith.addi %mul3A_2, %add3A_579 : i32
    %dma_start3A_581 = arith.constant 0 : i32
    %dma_start3A_582 = tpu.memref_slice %arg7[%add3A_580, %dma_start3A_581] : memref<262144x128xf32, #tpu.memory_space<hbm>> -> memref<256x128xf32, #tpu.memory_space<hbm>>
    %dma_start3A_583 = arith.constant 0 : i32
    %dma_start3A_584 = tpu.memref_slice %arg7[%add3A_580, %dma_start3A_583] : memref<262144x128xf32, #tpu.memory_space<hbm>> -> memref<256x128xf32, #tpu.memory_space<hbm>>
    tpu.enqueue_dma source(%arg8 : memref<256x128xf32, #tpu.memory_space<vmem>>) target(%dma_start3A_584 : memref<256x128xf32, #tpu.memory_space<hbm>>) target_semaphore(%arg15 : memref<!tpu.dma_semaphore, #tpu.memory_space<semaphore_mem>>)
    %add3A_585 = arith.constant 6400 : i32
    %add3A_586 = arith.addi %mul3A_2, %add3A_585 : i32
    %dma_wait3A_587 = arith.constant 0 : i32
    %dma_wait3A_588 = tpu.memref_slice %arg7[%add3A_586, %dma_wait3A_587] : memref<262144x128xf32, #tpu.memory_space<hbm>> -> memref<256x128xf32, #tpu.memory_space<hbm>>
    %dma_wait3A_589 = arith.constant 0 : i32
    %dma_wait3A_590 = tpu.memref_slice %arg7[%add3A_586, %dma_wait3A_589] : memref<262144x128xf32, #tpu.memory_space<hbm>> -> memref<256x128xf32, #tpu.memory_space<hbm>>
    tpu.wait_dma2 semaphore(%arg16 : memref<!tpu.dma_semaphore, #tpu.memory_space<semaphore_mem>>) src(%arg9 : memref<256x128xf32, #tpu.memory_space<vmem>>) dst(%dma_wait3A_590 : memref<256x128xf32, #tpu.memory_space<hbm>>)
    %add3A_591 = arith.constant 6912 : i32
    %add3A_592 = arith.addi %mul3A_2, %add3A_591 : i32
    %dma_start3A_593 = arith.constant 0 : i32
    %dma_start3A_594 = tpu.memref_slice %arg2[%add3A_592, %dma_start3A_593] : memref<262144x128xf32, #tpu.memory_space<hbm>> -> memref<256x128xf32, #tpu.memory_space<hbm>>
    %dma_start3A_595 = arith.constant 0 : i32
    %dma_start3A_596 = tpu.memref_slice %arg2[%add3A_592, %dma_start3A_595] : memref<262144x128xf32, #tpu.memory_space<hbm>> -> memref<256x128xf32, #tpu.memory_space<hbm>>
    tpu.enqueue_dma source(%dma_start3A_596 : memref<256x128xf32, #tpu.memory_space<hbm>>) target(%arg9 : memref<256x128xf32, #tpu.memory_space<vmem>>) target_semaphore(%arg14 : memref<!tpu.dma_semaphore, #tpu.memory_space<semaphore_mem>>)
    %dma_wait3A_597 = arith.constant 0 : i32
    %dma_wait3A_598 = tpu.memref_slice %arg2[%add3A_592, %dma_wait3A_597] : memref<262144x128xf32, #tpu.memory_space<hbm>> -> memref<256x128xf32, #tpu.memory_space<hbm>>
    %dma_wait3A_599 = arith.constant 0 : i32
    %dma_wait3A_600 = tpu.memref_slice %arg2[%add3A_592, %dma_wait3A_599] : memref<262144x128xf32, #tpu.memory_space<hbm>> -> memref<256x128xf32, #tpu.memory_space<hbm>>
    tpu.wait_dma2 semaphore(%arg14 : memref<!tpu.dma_semaphore, #tpu.memory_space<semaphore_mem>>) src(%dma_wait3A_600 : memref<256x128xf32, #tpu.memory_space<hbm>>) dst(%arg9 : memref<256x128xf32, #tpu.memory_space<vmem>>)
    %add3A_601 = arith.constant 6912 : i32
    %add3A_602 = arith.addi %mul3A_2, %add3A_601 : i32
    %dma_start3A_603 = arith.constant 0 : i32
    %dma_start3A_604 = tpu.memref_slice %arg7[%add3A_602, %dma_start3A_603] : memref<262144x128xf32, #tpu.memory_space<hbm>> -> memref<256x128xf32, #tpu.memory_space<hbm>>
    %dma_start3A_605 = arith.constant 0 : i32
    %dma_start3A_606 = tpu.memref_slice %arg7[%add3A_602, %dma_start3A_605] : memref<262144x128xf32, #tpu.memory_space<hbm>> -> memref<256x128xf32, #tpu.memory_space<hbm>>
    tpu.enqueue_dma source(%arg9 : memref<256x128xf32, #tpu.memory_space<vmem>>) target(%dma_start3A_606 : memref<256x128xf32, #tpu.memory_space<hbm>>) target_semaphore(%arg16 : memref<!tpu.dma_semaphore, #tpu.memory_space<semaphore_mem>>)
    %add3A_607 = arith.constant 6656 : i32
    %add3A_608 = arith.addi %mul3A_2, %add3A_607 : i32
    %dma_wait3A_609 = arith.constant 0 : i32
    %dma_wait3A_610 = tpu.memref_slice %arg7[%add3A_608, %dma_wait3A_609] : memref<262144x128xf32, #tpu.memory_space<hbm>> -> memref<256x128xf32, #tpu.memory_space<hbm>>
    %dma_wait3A_611 = arith.constant 0 : i32
    %dma_wait3A_612 = tpu.memref_slice %arg7[%add3A_608, %dma_wait3A_611] : memref<262144x128xf32, #tpu.memory_space<hbm>> -> memref<256x128xf32, #tpu.memory_space<hbm>>
    tpu.wait_dma2 semaphore(%arg15 : memref<!tpu.dma_semaphore, #tpu.memory_space<semaphore_mem>>) src(%arg8 : memref<256x128xf32, #tpu.memory_space<vmem>>) dst(%dma_wait3A_612 : memref<256x128xf32, #tpu.memory_space<hbm>>)
    %add3A_613 = arith.constant 7168 : i32
    %add3A_614 = arith.addi %mul3A_2, %add3A_613 : i32
    %dma_start3A_615 = arith.constant 0 : i32
    %dma_start3A_616 = tpu.memref_slice %arg2[%add3A_614, %dma_start3A_615] : memref<262144x128xf32, #tpu.memory_space<hbm>> -> memref<256x128xf32, #tpu.memory_space<hbm>>
    %dma_start3A_617 = arith.constant 0 : i32
    %dma_start3A_618 = tpu.memref_slice %arg2[%add3A_614, %dma_start3A_617] : memref<262144x128xf32, #tpu.memory_space<hbm>> -> memref<256x128xf32, #tpu.memory_space<hbm>>
    tpu.enqueue_dma source(%dma_start3A_618 : memref<256x128xf32, #tpu.memory_space<hbm>>) target(%arg8 : memref<256x128xf32, #tpu.memory_space<vmem>>) target_semaphore(%arg13 : memref<!tpu.dma_semaphore, #tpu.memory_space<semaphore_mem>>)
    %dma_wait3A_619 = arith.constant 0 : i32
    %dma_wait3A_620 = tpu.memref_slice %arg2[%add3A_614, %dma_wait3A_619] : memref<262144x128xf32, #tpu.memory_space<hbm>> -> memref<256x128xf32, #tpu.memory_space<hbm>>
    %dma_wait3A_621 = arith.constant 0 : i32
    %dma_wait3A_622 = tpu.memref_slice %arg2[%add3A_614, %dma_wait3A_621] : memref<262144x128xf32, #tpu.memory_space<hbm>> -> memref<256x128xf32, #tpu.memory_space<hbm>>
    tpu.wait_dma2 semaphore(%arg13 : memref<!tpu.dma_semaphore, #tpu.memory_space<semaphore_mem>>) src(%dma_wait3A_622 : memref<256x128xf32, #tpu.memory_space<hbm>>) dst(%arg8 : memref<256x128xf32, #tpu.memory_space<vmem>>)
    %add3A_623 = arith.constant 7168 : i32
    %add3A_624 = arith.addi %mul3A_2, %add3A_623 : i32
    %dma_start3A_625 = arith.constant 0 : i32
    %dma_start3A_626 = tpu.memref_slice %arg7[%add3A_624, %dma_start3A_625] : memref<262144x128xf32, #tpu.memory_space<hbm>> -> memref<256x128xf32, #tpu.memory_space<hbm>>
    %dma_start3A_627 = arith.constant 0 : i32
    %dma_start3A_628 = tpu.memref_slice %arg7[%add3A_624, %dma_start3A_627] : memref<262144x128xf32, #tpu.memory_space<hbm>> -> memref<256x128xf32, #tpu.memory_space<hbm>>
    tpu.enqueue_dma source(%arg8 : memref<256x128xf32, #tpu.memory_space<vmem>>) target(%dma_start3A_628 : memref<256x128xf32, #tpu.memory_space<hbm>>) target_semaphore(%arg15 : memref<!tpu.dma_semaphore, #tpu.memory_space<semaphore_mem>>)
    %add3A_629 = arith.constant 6912 : i32
    %add3A_630 = arith.addi %mul3A_2, %add3A_629 : i32
    %dma_wait3A_631 = arith.constant 0 : i32
    %dma_wait3A_632 = tpu.memref_slice %arg7[%add3A_630, %dma_wait3A_631] : memref<262144x128xf32, #tpu.memory_space<hbm>> -> memref<256x128xf32, #tpu.memory_space<hbm>>
    %dma_wait3A_633 = arith.constant 0 : i32
    %dma_wait3A_634 = tpu.memref_slice %arg7[%add3A_630, %dma_wait3A_633] : memref<262144x128xf32, #tpu.memory_space<hbm>> -> memref<256x128xf32, #tpu.memory_space<hbm>>
    tpu.wait_dma2 semaphore(%arg16 : memref<!tpu.dma_semaphore, #tpu.memory_space<semaphore_mem>>) src(%arg9 : memref<256x128xf32, #tpu.memory_space<vmem>>) dst(%dma_wait3A_634 : memref<256x128xf32, #tpu.memory_space<hbm>>)
    %add3A_635 = arith.constant 7424 : i32
    %add3A_636 = arith.addi %mul3A_2, %add3A_635 : i32
    %dma_start3A_637 = arith.constant 0 : i32
    %dma_start3A_638 = tpu.memref_slice %arg2[%add3A_636, %dma_start3A_637] : memref<262144x128xf32, #tpu.memory_space<hbm>> -> memref<256x128xf32, #tpu.memory_space<hbm>>
    %dma_start3A_639 = arith.constant 0 : i32
    %dma_start3A_640 = tpu.memref_slice %arg2[%add3A_636, %dma_start3A_639] : memref<262144x128xf32, #tpu.memory_space<hbm>> -> memref<256x128xf32, #tpu.memory_space<hbm>>
    tpu.enqueue_dma source(%dma_start3A_640 : memref<256x128xf32, #tpu.memory_space<hbm>>) target(%arg9 : memref<256x128xf32, #tpu.memory_space<vmem>>) target_semaphore(%arg14 : memref<!tpu.dma_semaphore, #tpu.memory_space<semaphore_mem>>)
    %dma_wait3A_641 = arith.constant 0 : i32
    %dma_wait3A_642 = tpu.memref_slice %arg2[%add3A_636, %dma_wait3A_641] : memref<262144x128xf32, #tpu.memory_space<hbm>> -> memref<256x128xf32, #tpu.memory_space<hbm>>
    %dma_wait3A_643 = arith.constant 0 : i32
    %dma_wait3A_644 = tpu.memref_slice %arg2[%add3A_636, %dma_wait3A_643] : memref<262144x128xf32, #tpu.memory_space<hbm>> -> memref<256x128xf32, #tpu.memory_space<hbm>>
    tpu.wait_dma2 semaphore(%arg14 : memref<!tpu.dma_semaphore, #tpu.memory_space<semaphore_mem>>) src(%dma_wait3A_644 : memref<256x128xf32, #tpu.memory_space<hbm>>) dst(%arg9 : memref<256x128xf32, #tpu.memory_space<vmem>>)
    %add3A_645 = arith.constant 7424 : i32
    %add3A_646 = arith.addi %mul3A_2, %add3A_645 : i32
    %dma_start3A_647 = arith.constant 0 : i32
    %dma_start3A_648 = tpu.memref_slice %arg7[%add3A_646, %dma_start3A_647] : memref<262144x128xf32, #tpu.memory_space<hbm>> -> memref<256x128xf32, #tpu.memory_space<hbm>>
    %dma_start3A_649 = arith.constant 0 : i32
    %dma_start3A_650 = tpu.memref_slice %arg7[%add3A_646, %dma_start3A_649] : memref<262144x128xf32, #tpu.memory_space<hbm>> -> memref<256x128xf32, #tpu.memory_space<hbm>>
    tpu.enqueue_dma source(%arg9 : memref<256x128xf32, #tpu.memory_space<vmem>>) target(%dma_start3A_650 : memref<256x128xf32, #tpu.memory_space<hbm>>) target_semaphore(%arg16 : memref<!tpu.dma_semaphore, #tpu.memory_space<semaphore_mem>>)
    %add3A_651 = arith.constant 7168 : i32
    %add3A_652 = arith.addi %mul3A_2, %add3A_651 : i32
    %dma_wait3A_653 = arith.constant 0 : i32
    %dma_wait3A_654 = tpu.memref_slice %arg7[%add3A_652, %dma_wait3A_653] : memref<262144x128xf32, #tpu.memory_space<hbm>> -> memref<256x128xf32, #tpu.memory_space<hbm>>
    %dma_wait3A_655 = arith.constant 0 : i32
    %dma_wait3A_656 = tpu.memref_slice %arg7[%add3A_652, %dma_wait3A_655] : memref<262144x128xf32, #tpu.memory_space<hbm>> -> memref<256x128xf32, #tpu.memory_space<hbm>>
    tpu.wait_dma2 semaphore(%arg15 : memref<!tpu.dma_semaphore, #tpu.memory_space<semaphore_mem>>) src(%arg8 : memref<256x128xf32, #tpu.memory_space<vmem>>) dst(%dma_wait3A_656 : memref<256x128xf32, #tpu.memory_space<hbm>>)
    %add3A_657 = arith.constant 7680 : i32
    %add3A_658 = arith.addi %mul3A_2, %add3A_657 : i32
    %dma_start3A_659 = arith.constant 0 : i32
    %dma_start3A_660 = tpu.memref_slice %arg2[%add3A_658, %dma_start3A_659] : memref<262144x128xf32, #tpu.memory_space<hbm>> -> memref<256x128xf32, #tpu.memory_space<hbm>>
    %dma_start3A_661 = arith.constant 0 : i32
    %dma_start3A_662 = tpu.memref_slice %arg2[%add3A_658, %dma_start3A_661] : memref<262144x128xf32, #tpu.memory_space<hbm>> -> memref<256x128xf32, #tpu.memory_space<hbm>>
    tpu.enqueue_dma source(%dma_start3A_662 : memref<256x128xf32, #tpu.memory_space<hbm>>) target(%arg8 : memref<256x128xf32, #tpu.memory_space<vmem>>) target_semaphore(%arg13 : memref<!tpu.dma_semaphore, #tpu.memory_space<semaphore_mem>>)
    %dma_wait3A_663 = arith.constant 0 : i32
    %dma_wait3A_664 = tpu.memref_slice %arg2[%add3A_658, %dma_wait3A_663] : memref<262144x128xf32, #tpu.memory_space<hbm>> -> memref<256x128xf32, #tpu.memory_space<hbm>>
    %dma_wait3A_665 = arith.constant 0 : i32
    %dma_wait3A_666 = tpu.memref_slice %arg2[%add3A_658, %dma_wait3A_665] : memref<262144x128xf32, #tpu.memory_space<hbm>> -> memref<256x128xf32, #tpu.memory_space<hbm>>
    tpu.wait_dma2 semaphore(%arg13 : memref<!tpu.dma_semaphore, #tpu.memory_space<semaphore_mem>>) src(%dma_wait3A_666 : memref<256x128xf32, #tpu.memory_space<hbm>>) dst(%arg8 : memref<256x128xf32, #tpu.memory_space<vmem>>)
    %add3A_667 = arith.constant 7680 : i32
    %add3A_668 = arith.addi %mul3A_2, %add3A_667 : i32
    %dma_start3A_669 = arith.constant 0 : i32
    %dma_start3A_670 = tpu.memref_slice %arg7[%add3A_668, %dma_start3A_669] : memref<262144x128xf32, #tpu.memory_space<hbm>> -> memref<256x128xf32, #tpu.memory_space<hbm>>
    %dma_start3A_671 = arith.constant 0 : i32
    %dma_start3A_672 = tpu.memref_slice %arg7[%add3A_668, %dma_start3A_671] : memref<262144x128xf32, #tpu.memory_space<hbm>> -> memref<256x128xf32, #tpu.memory_space<hbm>>
    tpu.enqueue_dma source(%arg8 : memref<256x128xf32, #tpu.memory_space<vmem>>) target(%dma_start3A_672 : memref<256x128xf32, #tpu.memory_space<hbm>>) target_semaphore(%arg15 : memref<!tpu.dma_semaphore, #tpu.memory_space<semaphore_mem>>)
    %add3A_673 = arith.constant 7424 : i32
    %add3A_674 = arith.addi %mul3A_2, %add3A_673 : i32
    %dma_wait3A_675 = arith.constant 0 : i32
    %dma_wait3A_676 = tpu.memref_slice %arg7[%add3A_674, %dma_wait3A_675] : memref<262144x128xf32, #tpu.memory_space<hbm>> -> memref<256x128xf32, #tpu.memory_space<hbm>>
    %dma_wait3A_677 = arith.constant 0 : i32
    %dma_wait3A_678 = tpu.memref_slice %arg7[%add3A_674, %dma_wait3A_677] : memref<262144x128xf32, #tpu.memory_space<hbm>> -> memref<256x128xf32, #tpu.memory_space<hbm>>
    tpu.wait_dma2 semaphore(%arg16 : memref<!tpu.dma_semaphore, #tpu.memory_space<semaphore_mem>>) src(%arg9 : memref<256x128xf32, #tpu.memory_space<vmem>>) dst(%dma_wait3A_678 : memref<256x128xf32, #tpu.memory_space<hbm>>)
    %add3A_679 = arith.constant 7936 : i32
    %add3A_680 = arith.addi %mul3A_2, %add3A_679 : i32
    %dma_start3A_681 = arith.constant 0 : i32
    %dma_start3A_682 = tpu.memref_slice %arg2[%add3A_680, %dma_start3A_681] : memref<262144x128xf32, #tpu.memory_space<hbm>> -> memref<256x128xf32, #tpu.memory_space<hbm>>
    %dma_start3A_683 = arith.constant 0 : i32
    %dma_start3A_684 = tpu.memref_slice %arg2[%add3A_680, %dma_start3A_683] : memref<262144x128xf32, #tpu.memory_space<hbm>> -> memref<256x128xf32, #tpu.memory_space<hbm>>
    tpu.enqueue_dma source(%dma_start3A_684 : memref<256x128xf32, #tpu.memory_space<hbm>>) target(%arg9 : memref<256x128xf32, #tpu.memory_space<vmem>>) target_semaphore(%arg14 : memref<!tpu.dma_semaphore, #tpu.memory_space<semaphore_mem>>)
    %dma_wait3A_685 = arith.constant 0 : i32
    %dma_wait3A_686 = tpu.memref_slice %arg2[%add3A_680, %dma_wait3A_685] : memref<262144x128xf32, #tpu.memory_space<hbm>> -> memref<256x128xf32, #tpu.memory_space<hbm>>
    %dma_wait3A_687 = arith.constant 0 : i32
    %dma_wait3A_688 = tpu.memref_slice %arg2[%add3A_680, %dma_wait3A_687] : memref<262144x128xf32, #tpu.memory_space<hbm>> -> memref<256x128xf32, #tpu.memory_space<hbm>>
    tpu.wait_dma2 semaphore(%arg14 : memref<!tpu.dma_semaphore, #tpu.memory_space<semaphore_mem>>) src(%dma_wait3A_688 : memref<256x128xf32, #tpu.memory_space<hbm>>) dst(%arg9 : memref<256x128xf32, #tpu.memory_space<vmem>>)
    %add3A_689 = arith.constant 7936 : i32
    %add3A_690 = arith.addi %mul3A_2, %add3A_689 : i32
    %dma_start3A_691 = arith.constant 0 : i32
    %dma_start3A_692 = tpu.memref_slice %arg7[%add3A_690, %dma_start3A_691] : memref<262144x128xf32, #tpu.memory_space<hbm>> -> memref<256x128xf32, #tpu.memory_space<hbm>>
    %dma_start3A_693 = arith.constant 0 : i32
    %dma_start3A_694 = tpu.memref_slice %arg7[%add3A_690, %dma_start3A_693] : memref<262144x128xf32, #tpu.memory_space<hbm>> -> memref<256x128xf32, #tpu.memory_space<hbm>>
    tpu.enqueue_dma source(%arg9 : memref<256x128xf32, #tpu.memory_space<vmem>>) target(%dma_start3A_694 : memref<256x128xf32, #tpu.memory_space<hbm>>) target_semaphore(%arg16 : memref<!tpu.dma_semaphore, #tpu.memory_space<semaphore_mem>>)
    %add3A_695 = arith.constant 7680 : i32
    %add3A_696 = arith.addi %mul3A_2, %add3A_695 : i32
    %dma_wait3A_697 = arith.constant 0 : i32
    %dma_wait3A_698 = tpu.memref_slice %arg7[%add3A_696, %dma_wait3A_697] : memref<262144x128xf32, #tpu.memory_space<hbm>> -> memref<256x128xf32, #tpu.memory_space<hbm>>
    %dma_wait3A_699 = arith.constant 0 : i32
    %dma_wait3A_700 = tpu.memref_slice %arg7[%add3A_696, %dma_wait3A_699] : memref<262144x128xf32, #tpu.memory_space<hbm>> -> memref<256x128xf32, #tpu.memory_space<hbm>>
    tpu.wait_dma2 semaphore(%arg15 : memref<!tpu.dma_semaphore, #tpu.memory_space<semaphore_mem>>) src(%arg8 : memref<256x128xf32, #tpu.memory_space<vmem>>) dst(%dma_wait3A_700 : memref<256x128xf32, #tpu.memory_space<hbm>>)
    %add3A_701 = arith.constant 7936 : i32
    %add3A_702 = arith.addi %mul3A_2, %add3A_701 : i32
    %dma_wait3A_703 = arith.constant 0 : i32
    %dma_wait3A_704 = tpu.memref_slice %arg7[%add3A_702, %dma_wait3A_703] : memref<262144x128xf32, #tpu.memory_space<hbm>> -> memref<256x128xf32, #tpu.memory_space<hbm>>
    %dma_wait3A_705 = arith.constant 0 : i32
    %dma_wait3A_706 = tpu.memref_slice %arg7[%add3A_702, %dma_wait3A_705] : memref<262144x128xf32, #tpu.memory_space<hbm>> -> memref<256x128xf32, #tpu.memory_space<hbm>>
    tpu.wait_dma2 semaphore(%arg16 : memref<!tpu.dma_semaphore, #tpu.memory_space<semaphore_mem>>) src(%arg9 : memref<256x128xf32, #tpu.memory_space<vmem>>) dst(%dma_wait3A_706 : memref<256x128xf32, #tpu.memory_space<hbm>>)
    %dma_start3A_707 = arith.constant 0 : i32
    %dma_start3A_708 = arith.constant 0 : i32
    %dma_start3A_709 = tpu.memref_slice %arg7[%dma_start3A_707, %dma_start3A_708] : memref<262144x128xf32, #tpu.memory_space<hbm>> -> memref<262144x128xf32, #tpu.memory_space<hbm>>
    tpu.enqueue_indirect_dma source(%arg11 : memref<32x128xf32, #tpu.memory_space<vmem>>) target(%dma_start3A_709 : memref<262144x128xf32, #tpu.memory_space<hbm>>) offsets(%arg10 : memref<32xi32, #tpu.memory_space<vmem>>) semaphore(%arg17 : memref<!tpu.dma_semaphore, #tpu.memory_space<semaphore_mem>>)
    %dma_wait3A_710 = arith.constant 0 : i32
    %dma_wait3A_711 = arith.constant 0 : i32
    %dma_wait3A_712 = tpu.memref_slice %arg7[%dma_wait3A_710, %dma_wait3A_711] : memref<262144x128xf32, #tpu.memory_space<hbm>> -> memref<262144x128xf32, #tpu.memory_space<hbm>>
    tpu.wait_indirect_dma semaphore(%arg17 : memref<!tpu.dma_semaphore, #tpu.memory_space<semaphore_mem>>) src(%arg11 : memref<32x128xf32, #tpu.memory_space<vmem>>) dst(%dma_wait3A_712 : memref<262144x128xf32, #tpu.memory_space<hbm>>)
    %get3A = arith.constant 0 : index
    %get3A_713 = tpu.vector_load %arg12[%get3A] {strides = array<i32>} : memref<32xi32, #tpu.memory_space<vmem>>, vector<16xi32>,
    %get3A_714 = vector.shape_cast %get3A_713 : vector<16xi32> to vector<16xi32>
    %add3A_715 = arith.constant 0 : i32
    %add3A_716 = arith.addi %mul3A_4, %add3A_715 : i32
    %add3A_717 = arith.constant 0 : i32
    %add3A_718 = arith.addi %add3A_716, %add3A_717 : i32
    %slice3A = vector.extract_strided_slice %get3A_714 {offsets = [0], sizes = [1], strides = [1]} : vector<16xi32> to vector<1xi32>
    %squeeze3A = vector.extract %slice3A[0] : i32 from vector<1xi32>
    %ne3A = arith.constant 0 : i32
    %ne3A_719 = arith.cmpi ne, %squeeze3A, %ne3A : i32
    %convert_element_type3A = arith.extui %ne3A_719 : i1 to i32
    %cond3A = arith.constant 0 : i32
    %cond3A_720 = arith.cmpi ne, %convert_element_type3A, %cond3A : i32
    scf.if %cond3A_720 {
      %mul3A_1065 = arith.constant 256 : i32
      %mul3A_1066 = arith.muli %add3A_718, %mul3A_1065 : i32
      "tpu.region"() ({
        %run_scoped3A = tpu.sem_alloc : memref<!tpu.dma_semaphore, #tpu.memory_space<semaphore_mem>>
        %dma_start3A_1067 = arith.constant 0 : i32
        %dma_start3A_1068 = tpu.memref_slice %arg7[%mul3A_1066, %dma_start3A_1067] : memref<262144x128xf32, #tpu.memory_space<hbm>> -> memref<256x128xf32, #tpu.memory_space<hbm>>
        tpu.enqueue_dma source(%arg6 : memref<256x128xf32, #tpu.memory_space<hbm>>) target(%dma_start3A_1068 : memref<256x128xf32, #tpu.memory_space<hbm>>) target_semaphore(%run_scoped3A : memref<!tpu.dma_semaphore, #tpu.memory_space<semaphore_mem>>)
        %dma_wait3A_1069 = arith.constant 0 : i32
        %dma_wait3A_1070 = tpu.memref_slice %arg7[%mul3A_1066, %dma_wait3A_1069] : memref<262144x128xf32, #tpu.memory_space<hbm>> -> memref<256x128xf32, #tpu.memory_space<hbm>>
        tpu.wait_dma2 semaphore(%run_scoped3A : memref<!tpu.dma_semaphore, #tpu.memory_space<semaphore_mem>>) src(%arg6 : memref<256x128xf32, #tpu.memory_space<hbm>>) dst(%dma_wait3A_1070 : memref<256x128xf32, #tpu.memory_space<hbm>>)
        tpu.yield
      }) : () -> ()
    } else {
    }
    %add3A_721 = arith.constant 0 : i32
    %add3A_722 = arith.addi %mul3A_4, %add3A_721 : i32
    %add3A_723 = arith.constant 1 : i32
    %add3A_724 = arith.addi %add3A_722, %add3A_723 : i32
    %slice3A_725 = vector.extract_strided_slice %get3A_714 {offsets = [1], sizes = [1], strides = [1]} : vector<16xi32> to vector<1xi32>
    %squeeze3A_726 = vector.extract %slice3A_725[0] : i32 from vector<1xi32>
    %ne3A_727 = arith.constant 0 : i32
    %ne3A_728 = arith.cmpi ne, %squeeze3A_726, %ne3A_727 : i32
    %convert_element_type3A_729 = arith.extui %ne3A_728 : i1 to i32
    %cond3A_730 = arith.constant 0 : i32
    %cond3A_731 = arith.cmpi ne, %convert_element_type3A_729, %cond3A_730 : i32
    scf.if %cond3A_731 {
      %mul3A_1065 = arith.constant 256 : i32
      %mul3A_1066 = arith.muli %add3A_724, %mul3A_1065 : i32
      "tpu.region"() ({
        %run_scoped3A = tpu.sem_alloc : memref<!tpu.dma_semaphore, #tpu.memory_space<semaphore_mem>>
        %dma_start3A_1067 = arith.constant 0 : i32
        %dma_start3A_1068 = tpu.memref_slice %arg7[%mul3A_1066, %dma_start3A_1067] : memref<262144x128xf32, #tpu.memory_space<hbm>> -> memref<256x128xf32, #tpu.memory_space<hbm>>
        tpu.enqueue_dma source(%arg6 : memref<256x128xf32, #tpu.memory_space<hbm>>) target(%dma_start3A_1068 : memref<256x128xf32, #tpu.memory_space<hbm>>) target_semaphore(%run_scoped3A : memref<!tpu.dma_semaphore, #tpu.memory_space<semaphore_mem>>)
        %dma_wait3A_1069 = arith.constant 0 : i32
        %dma_wait3A_1070 = tpu.memref_slice %arg7[%mul3A_1066, %dma_wait3A_1069] : memref<262144x128xf32, #tpu.memory_space<hbm>> -> memref<256x128xf32, #tpu.memory_space<hbm>>
        tpu.wait_dma2 semaphore(%run_scoped3A : memref<!tpu.dma_semaphore, #tpu.memory_space<semaphore_mem>>) src(%arg6 : memref<256x128xf32, #tpu.memory_space<hbm>>) dst(%dma_wait3A_1070 : memref<256x128xf32, #tpu.memory_space<hbm>>)
        tpu.yield
      }) : () -> ()
    } else {
    }
    %add3A_732 = arith.constant 0 : i32
    %add3A_733 = arith.addi %mul3A_4, %add3A_732 : i32
    %add3A_734 = arith.constant 2 : i32
    %add3A_735 = arith.addi %add3A_733, %add3A_734 : i32
    %slice3A_736 = vector.extract_strided_slice %get3A_714 {offsets = [2], sizes = [1], strides = [1]} : vector<16xi32> to vector<1xi32>
    %squeeze3A_737 = vector.extract %slice3A_736[0] : i32 from vector<1xi32>
    %ne3A_738 = arith.constant 0 : i32
    %ne3A_739 = arith.cmpi ne, %squeeze3A_737, %ne3A_738 : i32
    %convert_element_type3A_740 = arith.extui %ne3A_739 : i1 to i32
    %cond3A_741 = arith.constant 0 : i32
    %cond3A_742 = arith.cmpi ne, %convert_element_type3A_740, %cond3A_741 : i32
    scf.if %cond3A_742 {
      %mul3A_1065 = arith.constant 256 : i32
      %mul3A_1066 = arith.muli %add3A_735, %mul3A_1065 : i32
      "tpu.region"() ({
        %run_scoped3A = tpu.sem_alloc : memref<!tpu.dma_semaphore, #tpu.memory_space<semaphore_mem>>
        %dma_start3A_1067 = arith.constant 0 : i32
        %dma_start3A_1068 = tpu.memref_slice %arg7[%mul3A_1066, %dma_start3A_1067] : memref<262144x128xf32, #tpu.memory_space<hbm>> -> memref<256x128xf32, #tpu.memory_space<hbm>>
        tpu.enqueue_dma source(%arg6 : memref<256x128xf32, #tpu.memory_space<hbm>>) target(%dma_start3A_1068 : memref<256x128xf32, #tpu.memory_space<hbm>>) target_semaphore(%run_scoped3A : memref<!tpu.dma_semaphore, #tpu.memory_space<semaphore_mem>>)
        %dma_wait3A_1069 = arith.constant 0 : i32
        %dma_wait3A_1070 = tpu.memref_slice %arg7[%mul3A_1066, %dma_wait3A_1069] : memref<262144x128xf32, #tpu.memory_space<hbm>> -> memref<256x128xf32, #tpu.memory_space<hbm>>
        tpu.wait_dma2 semaphore(%run_scoped3A : memref<!tpu.dma_semaphore, #tpu.memory_space<semaphore_mem>>) src(%arg6 : memref<256x128xf32, #tpu.memory_space<hbm>>) dst(%dma_wait3A_1070 : memref<256x128xf32, #tpu.memory_space<hbm>>)
        tpu.yield
      }) : () -> ()
    } else {
    }
    %add3A_743 = arith.constant 0 : i32
    %add3A_744 = arith.addi %mul3A_4, %add3A_743 : i32
    %add3A_745 = arith.constant 3 : i32
    %add3A_746 = arith.addi %add3A_744, %add3A_745 : i32
    %slice3A_747 = vector.extract_strided_slice %get3A_714 {offsets = [3], sizes = [1], strides = [1]} : vector<16xi32> to vector<1xi32>
    %squeeze3A_748 = vector.extract %slice3A_747[0] : i32 from vector<1xi32>
    %ne3A_749 = arith.constant 0 : i32
    %ne3A_750 = arith.cmpi ne, %squeeze3A_748, %ne3A_749 : i32
    %convert_element_type3A_751 = arith.extui %ne3A_750 : i1 to i32
    %cond3A_752 = arith.constant 0 : i32
    %cond3A_753 = arith.cmpi ne, %convert_element_type3A_751, %cond3A_752 : i32
    scf.if %cond3A_753 {
      %mul3A_1065 = arith.constant 256 : i32
      %mul3A_1066 = arith.muli %add3A_746, %mul3A_1065 : i32
      "tpu.region"() ({
        %run_scoped3A = tpu.sem_alloc : memref<!tpu.dma_semaphore, #tpu.memory_space<semaphore_mem>>
        %dma_start3A_1067 = arith.constant 0 : i32
        %dma_start3A_1068 = tpu.memref_slice %arg7[%mul3A_1066, %dma_start3A_1067] : memref<262144x128xf32, #tpu.memory_space<hbm>> -> memref<256x128xf32, #tpu.memory_space<hbm>>
        tpu.enqueue_dma source(%arg6 : memref<256x128xf32, #tpu.memory_space<hbm>>) target(%dma_start3A_1068 : memref<256x128xf32, #tpu.memory_space<hbm>>) target_semaphore(%run_scoped3A : memref<!tpu.dma_semaphore, #tpu.memory_space<semaphore_mem>>)
        %dma_wait3A_1069 = arith.constant 0 : i32
        %dma_wait3A_1070 = tpu.memref_slice %arg7[%mul3A_1066, %dma_wait3A_1069] : memref<262144x128xf32, #tpu.memory_space<hbm>> -> memref<256x128xf32, #tpu.memory_space<hbm>>
        tpu.wait_dma2 semaphore(%run_scoped3A : memref<!tpu.dma_semaphore, #tpu.memory_space<semaphore_mem>>) src(%arg6 : memref<256x128xf32, #tpu.memory_space<hbm>>) dst(%dma_wait3A_1070 : memref<256x128xf32, #tpu.memory_space<hbm>>)
        tpu.yield
      }) : () -> ()
    } else {
    }
    %add3A_754 = arith.constant 0 : i32
    %add3A_755 = arith.addi %mul3A_4, %add3A_754 : i32
    %add3A_756 = arith.constant 4 : i32
    %add3A_757 = arith.addi %add3A_755, %add3A_756 : i32
    %slice3A_758 = vector.extract_strided_slice %get3A_714 {offsets = [4], sizes = [1], strides = [1]} : vector<16xi32> to vector<1xi32>
    %squeeze3A_759 = vector.extract %slice3A_758[0] : i32 from vector<1xi32>
    %ne3A_760 = arith.constant 0 : i32
    %ne3A_761 = arith.cmpi ne, %squeeze3A_759, %ne3A_760 : i32
    %convert_element_type3A_762 = arith.extui %ne3A_761 : i1 to i32
    %cond3A_763 = arith.constant 0 : i32
    %cond3A_764 = arith.cmpi ne, %convert_element_type3A_762, %cond3A_763 : i32
    scf.if %cond3A_764 {
      %mul3A_1065 = arith.constant 256 : i32
      %mul3A_1066 = arith.muli %add3A_757, %mul3A_1065 : i32
      "tpu.region"() ({
        %run_scoped3A = tpu.sem_alloc : memref<!tpu.dma_semaphore, #tpu.memory_space<semaphore_mem>>
        %dma_start3A_1067 = arith.constant 0 : i32
        %dma_start3A_1068 = tpu.memref_slice %arg7[%mul3A_1066, %dma_start3A_1067] : memref<262144x128xf32, #tpu.memory_space<hbm>> -> memref<256x128xf32, #tpu.memory_space<hbm>>
        tpu.enqueue_dma source(%arg6 : memref<256x128xf32, #tpu.memory_space<hbm>>) target(%dma_start3A_1068 : memref<256x128xf32, #tpu.memory_space<hbm>>) target_semaphore(%run_scoped3A : memref<!tpu.dma_semaphore, #tpu.memory_space<semaphore_mem>>)
        %dma_wait3A_1069 = arith.constant 0 : i32
        %dma_wait3A_1070 = tpu.memref_slice %arg7[%mul3A_1066, %dma_wait3A_1069] : memref<262144x128xf32, #tpu.memory_space<hbm>> -> memref<256x128xf32, #tpu.memory_space<hbm>>
        tpu.wait_dma2 semaphore(%run_scoped3A : memref<!tpu.dma_semaphore, #tpu.memory_space<semaphore_mem>>) src(%arg6 : memref<256x128xf32, #tpu.memory_space<hbm>>) dst(%dma_wait3A_1070 : memref<256x128xf32, #tpu.memory_space<hbm>>)
        tpu.yield
      }) : () -> ()
    } else {
    }
    %add3A_765 = arith.constant 0 : i32
    %add3A_766 = arith.addi %mul3A_4, %add3A_765 : i32
    %add3A_767 = arith.constant 5 : i32
    %add3A_768 = arith.addi %add3A_766, %add3A_767 : i32
    %slice3A_769 = vector.extract_strided_slice %get3A_714 {offsets = [5], sizes = [1], strides = [1]} : vector<16xi32> to vector<1xi32>
    %squeeze3A_770 = vector.extract %slice3A_769[0] : i32 from vector<1xi32>
    %ne3A_771 = arith.constant 0 : i32
    %ne3A_772 = arith.cmpi ne, %squeeze3A_770, %ne3A_771 : i32
    %convert_element_type3A_773 = arith.extui %ne3A_772 : i1 to i32
    %cond3A_774 = arith.constant 0 : i32
    %cond3A_775 = arith.cmpi ne, %convert_element_type3A_773, %cond3A_774 : i32
    scf.if %cond3A_775 {
      %mul3A_1065 = arith.constant 256 : i32
      %mul3A_1066 = arith.muli %add3A_768, %mul3A_1065 : i32
      "tpu.region"() ({
        %run_scoped3A = tpu.sem_alloc : memref<!tpu.dma_semaphore, #tpu.memory_space<semaphore_mem>>
        %dma_start3A_1067 = arith.constant 0 : i32
        %dma_start3A_1068 = tpu.memref_slice %arg7[%mul3A_1066, %dma_start3A_1067] : memref<262144x128xf32, #tpu.memory_space<hbm>> -> memref<256x128xf32, #tpu.memory_space<hbm>>
        tpu.enqueue_dma source(%arg6 : memref<256x128xf32, #tpu.memory_space<hbm>>) target(%dma_start3A_1068 : memref<256x128xf32, #tpu.memory_space<hbm>>) target_semaphore(%run_scoped3A : memref<!tpu.dma_semaphore, #tpu.memory_space<semaphore_mem>>)
        %dma_wait3A_1069 = arith.constant 0 : i32
        %dma_wait3A_1070 = tpu.memref_slice %arg7[%mul3A_1066, %dma_wait3A_1069] : memref<262144x128xf32, #tpu.memory_space<hbm>> -> memref<256x128xf32, #tpu.memory_space<hbm>>
        tpu.wait_dma2 semaphore(%run_scoped3A : memref<!tpu.dma_semaphore, #tpu.memory_space<semaphore_mem>>) src(%arg6 : memref<256x128xf32, #tpu.memory_space<hbm>>) dst(%dma_wait3A_1070 : memref<256x128xf32, #tpu.memory_space<hbm>>)
        tpu.yield
      }) : () -> ()
    } else {
    }
    %add3A_776 = arith.constant 0 : i32
    %add3A_777 = arith.addi %mul3A_4, %add3A_776 : i32
    %add3A_778 = arith.constant 6 : i32
    %add3A_779 = arith.addi %add3A_777, %add3A_778 : i32
    %slice3A_780 = vector.extract_strided_slice %get3A_714 {offsets = [6], sizes = [1], strides = [1]} : vector<16xi32> to vector<1xi32>
    %squeeze3A_781 = vector.extract %slice3A_780[0] : i32 from vector<1xi32>
    %ne3A_782 = arith.constant 0 : i32
    %ne3A_783 = arith.cmpi ne, %squeeze3A_781, %ne3A_782 : i32
    %convert_element_type3A_784 = arith.extui %ne3A_783 : i1 to i32
    %cond3A_785 = arith.constant 0 : i32
    %cond3A_786 = arith.cmpi ne, %convert_element_type3A_784, %cond3A_785 : i32
    scf.if %cond3A_786 {
      %mul3A_1065 = arith.constant 256 : i32
      %mul3A_1066 = arith.muli %add3A_779, %mul3A_1065 : i32
      "tpu.region"() ({
        %run_scoped3A = tpu.sem_alloc : memref<!tpu.dma_semaphore, #tpu.memory_space<semaphore_mem>>
        %dma_start3A_1067 = arith.constant 0 : i32
        %dma_start3A_1068 = tpu.memref_slice %arg7[%mul3A_1066, %dma_start3A_1067] : memref<262144x128xf32, #tpu.memory_space<hbm>> -> memref<256x128xf32, #tpu.memory_space<hbm>>
        tpu.enqueue_dma source(%arg6 : memref<256x128xf32, #tpu.memory_space<hbm>>) target(%dma_start3A_1068 : memref<256x128xf32, #tpu.memory_space<hbm>>) target_semaphore(%run_scoped3A : memref<!tpu.dma_semaphore, #tpu.memory_space<semaphore_mem>>)
        %dma_wait3A_1069 = arith.constant 0 : i32
        %dma_wait3A_1070 = tpu.memref_slice %arg7[%mul3A_1066, %dma_wait3A_1069] : memref<262144x128xf32, #tpu.memory_space<hbm>> -> memref<256x128xf32, #tpu.memory_space<hbm>>
        tpu.wait_dma2 semaphore(%run_scoped3A : memref<!tpu.dma_semaphore, #tpu.memory_space<semaphore_mem>>) src(%arg6 : memref<256x128xf32, #tpu.memory_space<hbm>>) dst(%dma_wait3A_1070 : memref<256x128xf32, #tpu.memory_space<hbm>>)
        tpu.yield
      }) : () -> ()
    } else {
    }
    %add3A_787 = arith.constant 0 : i32
    %add3A_788 = arith.addi %mul3A_4, %add3A_787 : i32
    %add3A_789 = arith.constant 7 : i32
    %add3A_790 = arith.addi %add3A_788, %add3A_789 : i32
    %slice3A_791 = vector.extract_strided_slice %get3A_714 {offsets = [7], sizes = [1], strides = [1]} : vector<16xi32> to vector<1xi32>
    %squeeze3A_792 = vector.extract %slice3A_791[0] : i32 from vector<1xi32>
    %ne3A_793 = arith.constant 0 : i32
    %ne3A_794 = arith.cmpi ne, %squeeze3A_792, %ne3A_793 : i32
    %convert_element_type3A_795 = arith.extui %ne3A_794 : i1 to i32
    %cond3A_796 = arith.constant 0 : i32
    %cond3A_797 = arith.cmpi ne, %convert_element_type3A_795, %cond3A_796 : i32
    scf.if %cond3A_797 {
      %mul3A_1065 = arith.constant 256 : i32
      %mul3A_1066 = arith.muli %add3A_790, %mul3A_1065 : i32
      "tpu.region"() ({
        %run_scoped3A = tpu.sem_alloc : memref<!tpu.dma_semaphore, #tpu.memory_space<semaphore_mem>>
        %dma_start3A_1067 = arith.constant 0 : i32
        %dma_start3A_1068 = tpu.memref_slice %arg7[%mul3A_1066, %dma_start3A_1067] : memref<262144x128xf32, #tpu.memory_space<hbm>> -> memref<256x128xf32, #tpu.memory_space<hbm>>
        tpu.enqueue_dma source(%arg6 : memref<256x128xf32, #tpu.memory_space<hbm>>) target(%dma_start3A_1068 : memref<256x128xf32, #tpu.memory_space<hbm>>) target_semaphore(%run_scoped3A : memref<!tpu.dma_semaphore, #tpu.memory_space<semaphore_mem>>)
        %dma_wait3A_1069 = arith.constant 0 : i32
        %dma_wait3A_1070 = tpu.memref_slice %arg7[%mul3A_1066, %dma_wait3A_1069] : memref<262144x128xf32, #tpu.memory_space<hbm>> -> memref<256x128xf32, #tpu.memory_space<hbm>>
        tpu.wait_dma2 semaphore(%run_scoped3A : memref<!tpu.dma_semaphore, #tpu.memory_space<semaphore_mem>>) src(%arg6 : memref<256x128xf32, #tpu.memory_space<hbm>>) dst(%dma_wait3A_1070 : memref<256x128xf32, #tpu.memory_space<hbm>>)
        tpu.yield
      }) : () -> ()
    } else {
    }
    %add3A_798 = arith.constant 0 : i32
    %add3A_799 = arith.addi %mul3A_4, %add3A_798 : i32
    %add3A_800 = arith.constant 8 : i32
    %add3A_801 = arith.addi %add3A_799, %add3A_800 : i32
    %slice3A_802 = vector.extract_strided_slice %get3A_714 {offsets = [8], sizes = [1], strides = [1]} : vector<16xi32> to vector<1xi32>
    %squeeze3A_803 = vector.extract %slice3A_802[0] : i32 from vector<1xi32>
    %ne3A_804 = arith.constant 0 : i32
    %ne3A_805 = arith.cmpi ne, %squeeze3A_803, %ne3A_804 : i32
    %convert_element_type3A_806 = arith.extui %ne3A_805 : i1 to i32
    %cond3A_807 = arith.constant 0 : i32
    %cond3A_808 = arith.cmpi ne, %convert_element_type3A_806, %cond3A_807 : i32
    scf.if %cond3A_808 {
      %mul3A_1065 = arith.constant 256 : i32
      %mul3A_1066 = arith.muli %add3A_801, %mul3A_1065 : i32
      "tpu.region"() ({
        %run_scoped3A = tpu.sem_alloc : memref<!tpu.dma_semaphore, #tpu.memory_space<semaphore_mem>>
        %dma_start3A_1067 = arith.constant 0 : i32
        %dma_start3A_1068 = tpu.memref_slice %arg7[%mul3A_1066, %dma_start3A_1067] : memref<262144x128xf32, #tpu.memory_space<hbm>> -> memref<256x128xf32, #tpu.memory_space<hbm>>
        tpu.enqueue_dma source(%arg6 : memref<256x128xf32, #tpu.memory_space<hbm>>) target(%dma_start3A_1068 : memref<256x128xf32, #tpu.memory_space<hbm>>) target_semaphore(%run_scoped3A : memref<!tpu.dma_semaphore, #tpu.memory_space<semaphore_mem>>)
        %dma_wait3A_1069 = arith.constant 0 : i32
        %dma_wait3A_1070 = tpu.memref_slice %arg7[%mul3A_1066, %dma_wait3A_1069] : memref<262144x128xf32, #tpu.memory_space<hbm>> -> memref<256x128xf32, #tpu.memory_space<hbm>>
        tpu.wait_dma2 semaphore(%run_scoped3A : memref<!tpu.dma_semaphore, #tpu.memory_space<semaphore_mem>>) src(%arg6 : memref<256x128xf32, #tpu.memory_space<hbm>>) dst(%dma_wait3A_1070 : memref<256x128xf32, #tpu.memory_space<hbm>>)
        tpu.yield
      }) : () -> ()
    } else {
    }
    %add3A_809 = arith.constant 0 : i32
    %add3A_810 = arith.addi %mul3A_4, %add3A_809 : i32
    %add3A_811 = arith.constant 9 : i32
    %add3A_812 = arith.addi %add3A_810, %add3A_811 : i32
    %slice3A_813 = vector.extract_strided_slice %get3A_714 {offsets = [9], sizes = [1], strides = [1]} : vector<16xi32> to vector<1xi32>
    %squeeze3A_814 = vector.extract %slice3A_813[0] : i32 from vector<1xi32>
    %ne3A_815 = arith.constant 0 : i32
    %ne3A_816 = arith.cmpi ne, %squeeze3A_814, %ne3A_815 : i32
    %convert_element_type3A_817 = arith.extui %ne3A_816 : i1 to i32
    %cond3A_818 = arith.constant 0 : i32
    %cond3A_819 = arith.cmpi ne, %convert_element_type3A_817, %cond3A_818 : i32
    scf.if %cond3A_819 {
      %mul3A_1065 = arith.constant 256 : i32
      %mul3A_1066 = arith.muli %add3A_812, %mul3A_1065 : i32
      "tpu.region"() ({
        %run_scoped3A = tpu.sem_alloc : memref<!tpu.dma_semaphore, #tpu.memory_space<semaphore_mem>>
        %dma_start3A_1067 = arith.constant 0 : i32
        %dma_start3A_1068 = tpu.memref_slice %arg7[%mul3A_1066, %dma_start3A_1067] : memref<262144x128xf32, #tpu.memory_space<hbm>> -> memref<256x128xf32, #tpu.memory_space<hbm>>
        tpu.enqueue_dma source(%arg6 : memref<256x128xf32, #tpu.memory_space<hbm>>) target(%dma_start3A_1068 : memref<256x128xf32, #tpu.memory_space<hbm>>) target_semaphore(%run_scoped3A : memref<!tpu.dma_semaphore, #tpu.memory_space<semaphore_mem>>)
        %dma_wait3A_1069 = arith.constant 0 : i32
        %dma_wait3A_1070 = tpu.memref_slice %arg7[%mul3A_1066, %dma_wait3A_1069] : memref<262144x128xf32, #tpu.memory_space<hbm>> -> memref<256x128xf32, #tpu.memory_space<hbm>>
        tpu.wait_dma2 semaphore(%run_scoped3A : memref<!tpu.dma_semaphore, #tpu.memory_space<semaphore_mem>>) src(%arg6 : memref<256x128xf32, #tpu.memory_space<hbm>>) dst(%dma_wait3A_1070 : memref<256x128xf32, #tpu.memory_space<hbm>>)
        tpu.yield
      }) : () -> ()
    } else {
    }
    %add3A_820 = arith.constant 0 : i32
    %add3A_821 = arith.addi %mul3A_4, %add3A_820 : i32
    %add3A_822 = arith.constant 10 : i32
    %add3A_823 = arith.addi %add3A_821, %add3A_822 : i32
    %slice3A_824 = vector.extract_strided_slice %get3A_714 {offsets = [10], sizes = [1], strides = [1]} : vector<16xi32> to vector<1xi32>
    %squeeze3A_825 = vector.extract %slice3A_824[0] : i32 from vector<1xi32>
    %ne3A_826 = arith.constant 0 : i32
    %ne3A_827 = arith.cmpi ne, %squeeze3A_825, %ne3A_826 : i32
    %convert_element_type3A_828 = arith.extui %ne3A_827 : i1 to i32
    %cond3A_829 = arith.constant 0 : i32
    %cond3A_830 = arith.cmpi ne, %convert_element_type3A_828, %cond3A_829 : i32
    scf.if %cond3A_830 {
      %mul3A_1065 = arith.constant 256 : i32
      %mul3A_1066 = arith.muli %add3A_823, %mul3A_1065 : i32
      "tpu.region"() ({
        %run_scoped3A = tpu.sem_alloc : memref<!tpu.dma_semaphore, #tpu.memory_space<semaphore_mem>>
        %dma_start3A_1067 = arith.constant 0 : i32
        %dma_start3A_1068 = tpu.memref_slice %arg7[%mul3A_1066, %dma_start3A_1067] : memref<262144x128xf32, #tpu.memory_space<hbm>> -> memref<256x128xf32, #tpu.memory_space<hbm>>
        tpu.enqueue_dma source(%arg6 : memref<256x128xf32, #tpu.memory_space<hbm>>) target(%dma_start3A_1068 : memref<256x128xf32, #tpu.memory_space<hbm>>) target_semaphore(%run_scoped3A : memref<!tpu.dma_semaphore, #tpu.memory_space<semaphore_mem>>)
        %dma_wait3A_1069 = arith.constant 0 : i32
        %dma_wait3A_1070 = tpu.memref_slice %arg7[%mul3A_1066, %dma_wait3A_1069] : memref<262144x128xf32, #tpu.memory_space<hbm>> -> memref<256x128xf32, #tpu.memory_space<hbm>>
        tpu.wait_dma2 semaphore(%run_scoped3A : memref<!tpu.dma_semaphore, #tpu.memory_space<semaphore_mem>>) src(%arg6 : memref<256x128xf32, #tpu.memory_space<hbm>>) dst(%dma_wait3A_1070 : memref<256x128xf32, #tpu.memory_space<hbm>>)
        tpu.yield
      }) : () -> ()
    } else {
    }
    %add3A_831 = arith.constant 0 : i32
    %add3A_832 = arith.addi %mul3A_4, %add3A_831 : i32
    %add3A_833 = arith.constant 11 : i32
    %add3A_834 = arith.addi %add3A_832, %add3A_833 : i32
    %slice3A_835 = vector.extract_strided_slice %get3A_714 {offsets = [11], sizes = [1], strides = [1]} : vector<16xi32> to vector<1xi32>
    %squeeze3A_836 = vector.extract %slice3A_835[0] : i32 from vector<1xi32>
    %ne3A_837 = arith.constant 0 : i32
    %ne3A_838 = arith.cmpi ne, %squeeze3A_836, %ne3A_837 : i32
    %convert_element_type3A_839 = arith.extui %ne3A_838 : i1 to i32
    %cond3A_840 = arith.constant 0 : i32
    %cond3A_841 = arith.cmpi ne, %convert_element_type3A_839, %cond3A_840 : i32
    scf.if %cond3A_841 {
      %mul3A_1065 = arith.constant 256 : i32
      %mul3A_1066 = arith.muli %add3A_834, %mul3A_1065 : i32
      "tpu.region"() ({
        %run_scoped3A = tpu.sem_alloc : memref<!tpu.dma_semaphore, #tpu.memory_space<semaphore_mem>>
        %dma_start3A_1067 = arith.constant 0 : i32
        %dma_start3A_1068 = tpu.memref_slice %arg7[%mul3A_1066, %dma_start3A_1067] : memref<262144x128xf32, #tpu.memory_space<hbm>> -> memref<256x128xf32, #tpu.memory_space<hbm>>
        tpu.enqueue_dma source(%arg6 : memref<256x128xf32, #tpu.memory_space<hbm>>) target(%dma_start3A_1068 : memref<256x128xf32, #tpu.memory_space<hbm>>) target_semaphore(%run_scoped3A : memref<!tpu.dma_semaphore, #tpu.memory_space<semaphore_mem>>)
        %dma_wait3A_1069 = arith.constant 0 : i32
        %dma_wait3A_1070 = tpu.memref_slice %arg7[%mul3A_1066, %dma_wait3A_1069] : memref<262144x128xf32, #tpu.memory_space<hbm>> -> memref<256x128xf32, #tpu.memory_space<hbm>>
        tpu.wait_dma2 semaphore(%run_scoped3A : memref<!tpu.dma_semaphore, #tpu.memory_space<semaphore_mem>>) src(%arg6 : memref<256x128xf32, #tpu.memory_space<hbm>>) dst(%dma_wait3A_1070 : memref<256x128xf32, #tpu.memory_space<hbm>>)
        tpu.yield
      }) : () -> ()
    } else {
    }
    %add3A_842 = arith.constant 0 : i32
    %add3A_843 = arith.addi %mul3A_4, %add3A_842 : i32
    %add3A_844 = arith.constant 12 : i32
    %add3A_845 = arith.addi %add3A_843, %add3A_844 : i32
    %slice3A_846 = vector.extract_strided_slice %get3A_714 {offsets = [12], sizes = [1], strides = [1]} : vector<16xi32> to vector<1xi32>
    %squeeze3A_847 = vector.extract %slice3A_846[0] : i32 from vector<1xi32>
    %ne3A_848 = arith.constant 0 : i32
    %ne3A_849 = arith.cmpi ne, %squeeze3A_847, %ne3A_848 : i32
    %convert_element_type3A_850 = arith.extui %ne3A_849 : i1 to i32
    %cond3A_851 = arith.constant 0 : i32
    %cond3A_852 = arith.cmpi ne, %convert_element_type3A_850, %cond3A_851 : i32
    scf.if %cond3A_852 {
      %mul3A_1065 = arith.constant 256 : i32
      %mul3A_1066 = arith.muli %add3A_845, %mul3A_1065 : i32
      "tpu.region"() ({
        %run_scoped3A = tpu.sem_alloc : memref<!tpu.dma_semaphore, #tpu.memory_space<semaphore_mem>>
        %dma_start3A_1067 = arith.constant 0 : i32
        %dma_start3A_1068 = tpu.memref_slice %arg7[%mul3A_1066, %dma_start3A_1067] : memref<262144x128xf32, #tpu.memory_space<hbm>> -> memref<256x128xf32, #tpu.memory_space<hbm>>
        tpu.enqueue_dma source(%arg6 : memref<256x128xf32, #tpu.memory_space<hbm>>) target(%dma_start3A_1068 : memref<256x128xf32, #tpu.memory_space<hbm>>) target_semaphore(%run_scoped3A : memref<!tpu.dma_semaphore, #tpu.memory_space<semaphore_mem>>)
        %dma_wait3A_1069 = arith.constant 0 : i32
        %dma_wait3A_1070 = tpu.memref_slice %arg7[%mul3A_1066, %dma_wait3A_1069] : memref<262144x128xf32, #tpu.memory_space<hbm>> -> memref<256x128xf32, #tpu.memory_space<hbm>>
        tpu.wait_dma2 semaphore(%run_scoped3A : memref<!tpu.dma_semaphore, #tpu.memory_space<semaphore_mem>>) src(%arg6 : memref<256x128xf32, #tpu.memory_space<hbm>>) dst(%dma_wait3A_1070 : memref<256x128xf32, #tpu.memory_space<hbm>>)
        tpu.yield
      }) : () -> ()
    } else {
    }
    %add3A_853 = arith.constant 0 : i32
    %add3A_854 = arith.addi %mul3A_4, %add3A_853 : i32
    %add3A_855 = arith.constant 13 : i32
    %add3A_856 = arith.addi %add3A_854, %add3A_855 : i32
    %slice3A_857 = vector.extract_strided_slice %get3A_714 {offsets = [13], sizes = [1], strides = [1]} : vector<16xi32> to vector<1xi32>
    %squeeze3A_858 = vector.extract %slice3A_857[0] : i32 from vector<1xi32>
    %ne3A_859 = arith.constant 0 : i32
    %ne3A_860 = arith.cmpi ne, %squeeze3A_858, %ne3A_859 : i32
    %convert_element_type3A_861 = arith.extui %ne3A_860 : i1 to i32
    %cond3A_862 = arith.constant 0 : i32
    %cond3A_863 = arith.cmpi ne, %convert_element_type3A_861, %cond3A_862 : i32
    scf.if %cond3A_863 {
      %mul3A_1065 = arith.constant 256 : i32
      %mul3A_1066 = arith.muli %add3A_856, %mul3A_1065 : i32
      "tpu.region"() ({
        %run_scoped3A = tpu.sem_alloc : memref<!tpu.dma_semaphore, #tpu.memory_space<semaphore_mem>>
        %dma_start3A_1067 = arith.constant 0 : i32
        %dma_start3A_1068 = tpu.memref_slice %arg7[%mul3A_1066, %dma_start3A_1067] : memref<262144x128xf32, #tpu.memory_space<hbm>> -> memref<256x128xf32, #tpu.memory_space<hbm>>
        tpu.enqueue_dma source(%arg6 : memref<256x128xf32, #tpu.memory_space<hbm>>) target(%dma_start3A_1068 : memref<256x128xf32, #tpu.memory_space<hbm>>) target_semaphore(%run_scoped3A : memref<!tpu.dma_semaphore, #tpu.memory_space<semaphore_mem>>)
        %dma_wait3A_1069 = arith.constant 0 : i32
        %dma_wait3A_1070 = tpu.memref_slice %arg7[%mul3A_1066, %dma_wait3A_1069] : memref<262144x128xf32, #tpu.memory_space<hbm>> -> memref<256x128xf32, #tpu.memory_space<hbm>>
        tpu.wait_dma2 semaphore(%run_scoped3A : memref<!tpu.dma_semaphore, #tpu.memory_space<semaphore_mem>>) src(%arg6 : memref<256x128xf32, #tpu.memory_space<hbm>>) dst(%dma_wait3A_1070 : memref<256x128xf32, #tpu.memory_space<hbm>>)
        tpu.yield
      }) : () -> ()
    } else {
    }
    %add3A_864 = arith.constant 0 : i32
    %add3A_865 = arith.addi %mul3A_4, %add3A_864 : i32
    %add3A_866 = arith.constant 14 : i32
    %add3A_867 = arith.addi %add3A_865, %add3A_866 : i32
    %slice3A_868 = vector.extract_strided_slice %get3A_714 {offsets = [14], sizes = [1], strides = [1]} : vector<16xi32> to vector<1xi32>
    %squeeze3A_869 = vector.extract %slice3A_868[0] : i32 from vector<1xi32>
    %ne3A_870 = arith.constant 0 : i32
    %ne3A_871 = arith.cmpi ne, %squeeze3A_869, %ne3A_870 : i32
    %convert_element_type3A_872 = arith.extui %ne3A_871 : i1 to i32
    %cond3A_873 = arith.constant 0 : i32
    %cond3A_874 = arith.cmpi ne, %convert_element_type3A_872, %cond3A_873 : i32
    scf.if %cond3A_874 {
      %mul3A_1065 = arith.constant 256 : i32
      %mul3A_1066 = arith.muli %add3A_867, %mul3A_1065 : i32
      "tpu.region"() ({
        %run_scoped3A = tpu.sem_alloc : memref<!tpu.dma_semaphore, #tpu.memory_space<semaphore_mem>>
        %dma_start3A_1067 = arith.constant 0 : i32
        %dma_start3A_1068 = tpu.memref_slice %arg7[%mul3A_1066, %dma_start3A_1067] : memref<262144x128xf32, #tpu.memory_space<hbm>> -> memref<256x128xf32, #tpu.memory_space<hbm>>
        tpu.enqueue_dma source(%arg6 : memref<256x128xf32, #tpu.memory_space<hbm>>) target(%dma_start3A_1068 : memref<256x128xf32, #tpu.memory_space<hbm>>) target_semaphore(%run_scoped3A : memref<!tpu.dma_semaphore, #tpu.memory_space<semaphore_mem>>)
        %dma_wait3A_1069 = arith.constant 0 : i32
        %dma_wait3A_1070 = tpu.memref_slice %arg7[%mul3A_1066, %dma_wait3A_1069] : memref<262144x128xf32, #tpu.memory_space<hbm>> -> memref<256x128xf32, #tpu.memory_space<hbm>>
        tpu.wait_dma2 semaphore(%run_scoped3A : memref<!tpu.dma_semaphore, #tpu.memory_space<semaphore_mem>>) src(%arg6 : memref<256x128xf32, #tpu.memory_space<hbm>>) dst(%dma_wait3A_1070 : memref<256x128xf32, #tpu.memory_space<hbm>>)
        tpu.yield
      }) : () -> ()
    } else {
    }
    %add3A_875 = arith.constant 0 : i32
    %add3A_876 = arith.addi %mul3A_4, %add3A_875 : i32
    %add3A_877 = arith.constant 15 : i32
    %add3A_878 = arith.addi %add3A_876, %add3A_877 : i32
    %slice3A_879 = vector.extract_strided_slice %get3A_714 {offsets = [15], sizes = [1], strides = [1]} : vector<16xi32> to vector<1xi32>
    %squeeze3A_880 = vector.extract %slice3A_879[0] : i32 from vector<1xi32>
    %ne3A_881 = arith.constant 0 : i32
    %ne3A_882 = arith.cmpi ne, %squeeze3A_880, %ne3A_881 : i32
    %convert_element_type3A_883 = arith.extui %ne3A_882 : i1 to i32
    %cond3A_884 = arith.constant 0 : i32
    %cond3A_885 = arith.cmpi ne, %convert_element_type3A_883, %cond3A_884 : i32
    scf.if %cond3A_885 {
      %mul3A_1065 = arith.constant 256 : i32
      %mul3A_1066 = arith.muli %add3A_878, %mul3A_1065 : i32
      "tpu.region"() ({
        %run_scoped3A = tpu.sem_alloc : memref<!tpu.dma_semaphore, #tpu.memory_space<semaphore_mem>>
        %dma_start3A_1067 = arith.constant 0 : i32
        %dma_start3A_1068 = tpu.memref_slice %arg7[%mul3A_1066, %dma_start3A_1067] : memref<262144x128xf32, #tpu.memory_space<hbm>> -> memref<256x128xf32, #tpu.memory_space<hbm>>
        tpu.enqueue_dma source(%arg6 : memref<256x128xf32, #tpu.memory_space<hbm>>) target(%dma_start3A_1068 : memref<256x128xf32, #tpu.memory_space<hbm>>) target_semaphore(%run_scoped3A : memref<!tpu.dma_semaphore, #tpu.memory_space<semaphore_mem>>)
        %dma_wait3A_1069 = arith.constant 0 : i32
        %dma_wait3A_1070 = tpu.memref_slice %arg7[%mul3A_1066, %dma_wait3A_1069] : memref<262144x128xf32, #tpu.memory_space<hbm>> -> memref<256x128xf32, #tpu.memory_space<hbm>>
        tpu.wait_dma2 semaphore(%run_scoped3A : memref<!tpu.dma_semaphore, #tpu.memory_space<semaphore_mem>>) src(%arg6 : memref<256x128xf32, #tpu.memory_space<hbm>>) dst(%dma_wait3A_1070 : memref<256x128xf32, #tpu.memory_space<hbm>>)
        tpu.yield
      }) : () -> ()
    } else {
    }
    %get3A_886 = arith.constant 16 : index
    %get3A_887 = tpu.vector_load %arg12[%get3A_886] {strides = array<i32>} : memref<32xi32, #tpu.memory_space<vmem>>, vector<16xi32>,
    %get3A_888 = vector.shape_cast %get3A_887 : vector<16xi32> to vector<16xi32>
    %add3A_889 = arith.constant 16 : i32
    %add3A_890 = arith.addi %mul3A_4, %add3A_889 : i32
    %add3A_891 = arith.constant 0 : i32
    %add3A_892 = arith.addi %add3A_890, %add3A_891 : i32
    %slice3A_893 = vector.extract_strided_slice %get3A_888 {offsets = [0], sizes = [1], strides = [1]} : vector<16xi32> to vector<1xi32>
    %squeeze3A_894 = vector.extract %slice3A_893[0] : i32 from vector<1xi32>
    %ne3A_895 = arith.constant 0 : i32
    %ne3A_896 = arith.cmpi ne, %squeeze3A_894, %ne3A_895 : i32
    %convert_element_type3A_897 = arith.extui %ne3A_896 : i1 to i32
    %cond3A_898 = arith.constant 0 : i32
    %cond3A_899 = arith.cmpi ne, %convert_element_type3A_897, %cond3A_898 : i32
    scf.if %cond3A_899 {
      %mul3A_1065 = arith.constant 256 : i32
      %mul3A_1066 = arith.muli %add3A_892, %mul3A_1065 : i32
      "tpu.region"() ({
        %run_scoped3A = tpu.sem_alloc : memref<!tpu.dma_semaphore, #tpu.memory_space<semaphore_mem>>
        %dma_start3A_1067 = arith.constant 0 : i32
        %dma_start3A_1068 = tpu.memref_slice %arg7[%mul3A_1066, %dma_start3A_1067] : memref<262144x128xf32, #tpu.memory_space<hbm>> -> memref<256x128xf32, #tpu.memory_space<hbm>>
        tpu.enqueue_dma source(%arg6 : memref<256x128xf32, #tpu.memory_space<hbm>>) target(%dma_start3A_1068 : memref<256x128xf32, #tpu.memory_space<hbm>>) target_semaphore(%run_scoped3A : memref<!tpu.dma_semaphore, #tpu.memory_space<semaphore_mem>>)
        %dma_wait3A_1069 = arith.constant 0 : i32
        %dma_wait3A_1070 = tpu.memref_slice %arg7[%mul3A_1066, %dma_wait3A_1069] : memref<262144x128xf32, #tpu.memory_space<hbm>> -> memref<256x128xf32, #tpu.memory_space<hbm>>
        tpu.wait_dma2 semaphore(%run_scoped3A : memref<!tpu.dma_semaphore, #tpu.memory_space<semaphore_mem>>) src(%arg6 : memref<256x128xf32, #tpu.memory_space<hbm>>) dst(%dma_wait3A_1070 : memref<256x128xf32, #tpu.memory_space<hbm>>)
        tpu.yield
      }) : () -> ()
    } else {
    }
    %add3A_900 = arith.constant 16 : i32
    %add3A_901 = arith.addi %mul3A_4, %add3A_900 : i32
    %add3A_902 = arith.constant 1 : i32
    %add3A_903 = arith.addi %add3A_901, %add3A_902 : i32
    %slice3A_904 = vector.extract_strided_slice %get3A_888 {offsets = [1], sizes = [1], strides = [1]} : vector<16xi32> to vector<1xi32>
    %squeeze3A_905 = vector.extract %slice3A_904[0] : i32 from vector<1xi32>
    %ne3A_906 = arith.constant 0 : i32
    %ne3A_907 = arith.cmpi ne, %squeeze3A_905, %ne3A_906 : i32
    %convert_element_type3A_908 = arith.extui %ne3A_907 : i1 to i32
    %cond3A_909 = arith.constant 0 : i32
    %cond3A_910 = arith.cmpi ne, %convert_element_type3A_908, %cond3A_909 : i32
    scf.if %cond3A_910 {
      %mul3A_1065 = arith.constant 256 : i32
      %mul3A_1066 = arith.muli %add3A_903, %mul3A_1065 : i32
      "tpu.region"() ({
        %run_scoped3A = tpu.sem_alloc : memref<!tpu.dma_semaphore, #tpu.memory_space<semaphore_mem>>
        %dma_start3A_1067 = arith.constant 0 : i32
        %dma_start3A_1068 = tpu.memref_slice %arg7[%mul3A_1066, %dma_start3A_1067] : memref<262144x128xf32, #tpu.memory_space<hbm>> -> memref<256x128xf32, #tpu.memory_space<hbm>>
        tpu.enqueue_dma source(%arg6 : memref<256x128xf32, #tpu.memory_space<hbm>>) target(%dma_start3A_1068 : memref<256x128xf32, #tpu.memory_space<hbm>>) target_semaphore(%run_scoped3A : memref<!tpu.dma_semaphore, #tpu.memory_space<semaphore_mem>>)
        %dma_wait3A_1069 = arith.constant 0 : i32
        %dma_wait3A_1070 = tpu.memref_slice %arg7[%mul3A_1066, %dma_wait3A_1069] : memref<262144x128xf32, #tpu.memory_space<hbm>> -> memref<256x128xf32, #tpu.memory_space<hbm>>
        tpu.wait_dma2 semaphore(%run_scoped3A : memref<!tpu.dma_semaphore, #tpu.memory_space<semaphore_mem>>) src(%arg6 : memref<256x128xf32, #tpu.memory_space<hbm>>) dst(%dma_wait3A_1070 : memref<256x128xf32, #tpu.memory_space<hbm>>)
        tpu.yield
      }) : () -> ()
    } else {
    }
    %add3A_911 = arith.constant 16 : i32
    %add3A_912 = arith.addi %mul3A_4, %add3A_911 : i32
    %add3A_913 = arith.constant 2 : i32
    %add3A_914 = arith.addi %add3A_912, %add3A_913 : i32
    %slice3A_915 = vector.extract_strided_slice %get3A_888 {offsets = [2], sizes = [1], strides = [1]} : vector<16xi32> to vector<1xi32>
    %squeeze3A_916 = vector.extract %slice3A_915[0] : i32 from vector<1xi32>
    %ne3A_917 = arith.constant 0 : i32
    %ne3A_918 = arith.cmpi ne, %squeeze3A_916, %ne3A_917 : i32
    %convert_element_type3A_919 = arith.extui %ne3A_918 : i1 to i32
    %cond3A_920 = arith.constant 0 : i32
    %cond3A_921 = arith.cmpi ne, %convert_element_type3A_919, %cond3A_920 : i32
    scf.if %cond3A_921 {
      %mul3A_1065 = arith.constant 256 : i32
      %mul3A_1066 = arith.muli %add3A_914, %mul3A_1065 : i32
      "tpu.region"() ({
        %run_scoped3A = tpu.sem_alloc : memref<!tpu.dma_semaphore, #tpu.memory_space<semaphore_mem>>
        %dma_start3A_1067 = arith.constant 0 : i32
        %dma_start3A_1068 = tpu.memref_slice %arg7[%mul3A_1066, %dma_start3A_1067] : memref<262144x128xf32, #tpu.memory_space<hbm>> -> memref<256x128xf32, #tpu.memory_space<hbm>>
        tpu.enqueue_dma source(%arg6 : memref<256x128xf32, #tpu.memory_space<hbm>>) target(%dma_start3A_1068 : memref<256x128xf32, #tpu.memory_space<hbm>>) target_semaphore(%run_scoped3A : memref<!tpu.dma_semaphore, #tpu.memory_space<semaphore_mem>>)
        %dma_wait3A_1069 = arith.constant 0 : i32
        %dma_wait3A_1070 = tpu.memref_slice %arg7[%mul3A_1066, %dma_wait3A_1069] : memref<262144x128xf32, #tpu.memory_space<hbm>> -> memref<256x128xf32, #tpu.memory_space<hbm>>
        tpu.wait_dma2 semaphore(%run_scoped3A : memref<!tpu.dma_semaphore, #tpu.memory_space<semaphore_mem>>) src(%arg6 : memref<256x128xf32, #tpu.memory_space<hbm>>) dst(%dma_wait3A_1070 : memref<256x128xf32, #tpu.memory_space<hbm>>)
        tpu.yield
      }) : () -> ()
    } else {
    }
    %add3A_922 = arith.constant 16 : i32
    %add3A_923 = arith.addi %mul3A_4, %add3A_922 : i32
    %add3A_924 = arith.constant 3 : i32
    %add3A_925 = arith.addi %add3A_923, %add3A_924 : i32
    %slice3A_926 = vector.extract_strided_slice %get3A_888 {offsets = [3], sizes = [1], strides = [1]} : vector<16xi32> to vector<1xi32>
    %squeeze3A_927 = vector.extract %slice3A_926[0] : i32 from vector<1xi32>
    %ne3A_928 = arith.constant 0 : i32
    %ne3A_929 = arith.cmpi ne, %squeeze3A_927, %ne3A_928 : i32
    %convert_element_type3A_930 = arith.extui %ne3A_929 : i1 to i32
    %cond3A_931 = arith.constant 0 : i32
    %cond3A_932 = arith.cmpi ne, %convert_element_type3A_930, %cond3A_931 : i32
    scf.if %cond3A_932 {
      %mul3A_1065 = arith.constant 256 : i32
      %mul3A_1066 = arith.muli %add3A_925, %mul3A_1065 : i32
      "tpu.region"() ({
        %run_scoped3A = tpu.sem_alloc : memref<!tpu.dma_semaphore, #tpu.memory_space<semaphore_mem>>
        %dma_start3A_1067 = arith.constant 0 : i32
        %dma_start3A_1068 = tpu.memref_slice %arg7[%mul3A_1066, %dma_start3A_1067] : memref<262144x128xf32, #tpu.memory_space<hbm>> -> memref<256x128xf32, #tpu.memory_space<hbm>>
        tpu.enqueue_dma source(%arg6 : memref<256x128xf32, #tpu.memory_space<hbm>>) target(%dma_start3A_1068 : memref<256x128xf32, #tpu.memory_space<hbm>>) target_semaphore(%run_scoped3A : memref<!tpu.dma_semaphore, #tpu.memory_space<semaphore_mem>>)
        %dma_wait3A_1069 = arith.constant 0 : i32
        %dma_wait3A_1070 = tpu.memref_slice %arg7[%mul3A_1066, %dma_wait3A_1069] : memref<262144x128xf32, #tpu.memory_space<hbm>> -> memref<256x128xf32, #tpu.memory_space<hbm>>
        tpu.wait_dma2 semaphore(%run_scoped3A : memref<!tpu.dma_semaphore, #tpu.memory_space<semaphore_mem>>) src(%arg6 : memref<256x128xf32, #tpu.memory_space<hbm>>) dst(%dma_wait3A_1070 : memref<256x128xf32, #tpu.memory_space<hbm>>)
        tpu.yield
      }) : () -> ()
    } else {
    }
    %add3A_933 = arith.constant 16 : i32
    %add3A_934 = arith.addi %mul3A_4, %add3A_933 : i32
    %add3A_935 = arith.constant 4 : i32
    %add3A_936 = arith.addi %add3A_934, %add3A_935 : i32
    %slice3A_937 = vector.extract_strided_slice %get3A_888 {offsets = [4], sizes = [1], strides = [1]} : vector<16xi32> to vector<1xi32>
    %squeeze3A_938 = vector.extract %slice3A_937[0] : i32 from vector<1xi32>
    %ne3A_939 = arith.constant 0 : i32
    %ne3A_940 = arith.cmpi ne, %squeeze3A_938, %ne3A_939 : i32
    %convert_element_type3A_941 = arith.extui %ne3A_940 : i1 to i32
    %cond3A_942 = arith.constant 0 : i32
    %cond3A_943 = arith.cmpi ne, %convert_element_type3A_941, %cond3A_942 : i32
    scf.if %cond3A_943 {
      %mul3A_1065 = arith.constant 256 : i32
      %mul3A_1066 = arith.muli %add3A_936, %mul3A_1065 : i32
      "tpu.region"() ({
        %run_scoped3A = tpu.sem_alloc : memref<!tpu.dma_semaphore, #tpu.memory_space<semaphore_mem>>
        %dma_start3A_1067 = arith.constant 0 : i32
        %dma_start3A_1068 = tpu.memref_slice %arg7[%mul3A_1066, %dma_start3A_1067] : memref<262144x128xf32, #tpu.memory_space<hbm>> -> memref<256x128xf32, #tpu.memory_space<hbm>>
        tpu.enqueue_dma source(%arg6 : memref<256x128xf32, #tpu.memory_space<hbm>>) target(%dma_start3A_1068 : memref<256x128xf32, #tpu.memory_space<hbm>>) target_semaphore(%run_scoped3A : memref<!tpu.dma_semaphore, #tpu.memory_space<semaphore_mem>>)
        %dma_wait3A_1069 = arith.constant 0 : i32
        %dma_wait3A_1070 = tpu.memref_slice %arg7[%mul3A_1066, %dma_wait3A_1069] : memref<262144x128xf32, #tpu.memory_space<hbm>> -> memref<256x128xf32, #tpu.memory_space<hbm>>
        tpu.wait_dma2 semaphore(%run_scoped3A : memref<!tpu.dma_semaphore, #tpu.memory_space<semaphore_mem>>) src(%arg6 : memref<256x128xf32, #tpu.memory_space<hbm>>) dst(%dma_wait3A_1070 : memref<256x128xf32, #tpu.memory_space<hbm>>)
        tpu.yield
      }) : () -> ()
    } else {
    }
    %add3A_944 = arith.constant 16 : i32
    %add3A_945 = arith.addi %mul3A_4, %add3A_944 : i32
    %add3A_946 = arith.constant 5 : i32
    %add3A_947 = arith.addi %add3A_945, %add3A_946 : i32
    %slice3A_948 = vector.extract_strided_slice %get3A_888 {offsets = [5], sizes = [1], strides = [1]} : vector<16xi32> to vector<1xi32>
    %squeeze3A_949 = vector.extract %slice3A_948[0] : i32 from vector<1xi32>
    %ne3A_950 = arith.constant 0 : i32
    %ne3A_951 = arith.cmpi ne, %squeeze3A_949, %ne3A_950 : i32
    %convert_element_type3A_952 = arith.extui %ne3A_951 : i1 to i32
    %cond3A_953 = arith.constant 0 : i32
    %cond3A_954 = arith.cmpi ne, %convert_element_type3A_952, %cond3A_953 : i32
    scf.if %cond3A_954 {
      %mul3A_1065 = arith.constant 256 : i32
      %mul3A_1066 = arith.muli %add3A_947, %mul3A_1065 : i32
      "tpu.region"() ({
        %run_scoped3A = tpu.sem_alloc : memref<!tpu.dma_semaphore, #tpu.memory_space<semaphore_mem>>
        %dma_start3A_1067 = arith.constant 0 : i32
        %dma_start3A_1068 = tpu.memref_slice %arg7[%mul3A_1066, %dma_start3A_1067] : memref<262144x128xf32, #tpu.memory_space<hbm>> -> memref<256x128xf32, #tpu.memory_space<hbm>>
        tpu.enqueue_dma source(%arg6 : memref<256x128xf32, #tpu.memory_space<hbm>>) target(%dma_start3A_1068 : memref<256x128xf32, #tpu.memory_space<hbm>>) target_semaphore(%run_scoped3A : memref<!tpu.dma_semaphore, #tpu.memory_space<semaphore_mem>>)
        %dma_wait3A_1069 = arith.constant 0 : i32
        %dma_wait3A_1070 = tpu.memref_slice %arg7[%mul3A_1066, %dma_wait3A_1069] : memref<262144x128xf32, #tpu.memory_space<hbm>> -> memref<256x128xf32, #tpu.memory_space<hbm>>
        tpu.wait_dma2 semaphore(%run_scoped3A : memref<!tpu.dma_semaphore, #tpu.memory_space<semaphore_mem>>) src(%arg6 : memref<256x128xf32, #tpu.memory_space<hbm>>) dst(%dma_wait3A_1070 : memref<256x128xf32, #tpu.memory_space<hbm>>)
        tpu.yield
      }) : () -> ()
    } else {
    }
    %add3A_955 = arith.constant 16 : i32
    %add3A_956 = arith.addi %mul3A_4, %add3A_955 : i32
    %add3A_957 = arith.constant 6 : i32
    %add3A_958 = arith.addi %add3A_956, %add3A_957 : i32
    %slice3A_959 = vector.extract_strided_slice %get3A_888 {offsets = [6], sizes = [1], strides = [1]} : vector<16xi32> to vector<1xi32>
    %squeeze3A_960 = vector.extract %slice3A_959[0] : i32 from vector<1xi32>
    %ne3A_961 = arith.constant 0 : i32
    %ne3A_962 = arith.cmpi ne, %squeeze3A_960, %ne3A_961 : i32
    %convert_element_type3A_963 = arith.extui %ne3A_962 : i1 to i32
    %cond3A_964 = arith.constant 0 : i32
    %cond3A_965 = arith.cmpi ne, %convert_element_type3A_963, %cond3A_964 : i32
    scf.if %cond3A_965 {
      %mul3A_1065 = arith.constant 256 : i32
      %mul3A_1066 = arith.muli %add3A_958, %mul3A_1065 : i32
      "tpu.region"() ({
        %run_scoped3A = tpu.sem_alloc : memref<!tpu.dma_semaphore, #tpu.memory_space<semaphore_mem>>
        %dma_start3A_1067 = arith.constant 0 : i32
        %dma_start3A_1068 = tpu.memref_slice %arg7[%mul3A_1066, %dma_start3A_1067] : memref<262144x128xf32, #tpu.memory_space<hbm>> -> memref<256x128xf32, #tpu.memory_space<hbm>>
        tpu.enqueue_dma source(%arg6 : memref<256x128xf32, #tpu.memory_space<hbm>>) target(%dma_start3A_1068 : memref<256x128xf32, #tpu.memory_space<hbm>>) target_semaphore(%run_scoped3A : memref<!tpu.dma_semaphore, #tpu.memory_space<semaphore_mem>>)
        %dma_wait3A_1069 = arith.constant 0 : i32
        %dma_wait3A_1070 = tpu.memref_slice %arg7[%mul3A_1066, %dma_wait3A_1069] : memref<262144x128xf32, #tpu.memory_space<hbm>> -> memref<256x128xf32, #tpu.memory_space<hbm>>
        tpu.wait_dma2 semaphore(%run_scoped3A : memref<!tpu.dma_semaphore, #tpu.memory_space<semaphore_mem>>) src(%arg6 : memref<256x128xf32, #tpu.memory_space<hbm>>) dst(%dma_wait3A_1070 : memref<256x128xf32, #tpu.memory_space<hbm>>)
        tpu.yield
      }) : () -> ()
    } else {
    }
    %add3A_966 = arith.constant 16 : i32
    %add3A_967 = arith.addi %mul3A_4, %add3A_966 : i32
    %add3A_968 = arith.constant 7 : i32
    %add3A_969 = arith.addi %add3A_967, %add3A_968 : i32
    %slice3A_970 = vector.extract_strided_slice %get3A_888 {offsets = [7], sizes = [1], strides = [1]} : vector<16xi32> to vector<1xi32>
    %squeeze3A_971 = vector.extract %slice3A_970[0] : i32 from vector<1xi32>
    %ne3A_972 = arith.constant 0 : i32
    %ne3A_973 = arith.cmpi ne, %squeeze3A_971, %ne3A_972 : i32
    %convert_element_type3A_974 = arith.extui %ne3A_973 : i1 to i32
    %cond3A_975 = arith.constant 0 : i32
    %cond3A_976 = arith.cmpi ne, %convert_element_type3A_974, %cond3A_975 : i32
    scf.if %cond3A_976 {
      %mul3A_1065 = arith.constant 256 : i32
      %mul3A_1066 = arith.muli %add3A_969, %mul3A_1065 : i32
      "tpu.region"() ({
        %run_scoped3A = tpu.sem_alloc : memref<!tpu.dma_semaphore, #tpu.memory_space<semaphore_mem>>
        %dma_start3A_1067 = arith.constant 0 : i32
        %dma_start3A_1068 = tpu.memref_slice %arg7[%mul3A_1066, %dma_start3A_1067] : memref<262144x128xf32, #tpu.memory_space<hbm>> -> memref<256x128xf32, #tpu.memory_space<hbm>>
        tpu.enqueue_dma source(%arg6 : memref<256x128xf32, #tpu.memory_space<hbm>>) target(%dma_start3A_1068 : memref<256x128xf32, #tpu.memory_space<hbm>>) target_semaphore(%run_scoped3A : memref<!tpu.dma_semaphore, #tpu.memory_space<semaphore_mem>>)
        %dma_wait3A_1069 = arith.constant 0 : i32
        %dma_wait3A_1070 = tpu.memref_slice %arg7[%mul3A_1066, %dma_wait3A_1069] : memref<262144x128xf32, #tpu.memory_space<hbm>> -> memref<256x128xf32, #tpu.memory_space<hbm>>
        tpu.wait_dma2 semaphore(%run_scoped3A : memref<!tpu.dma_semaphore, #tpu.memory_space<semaphore_mem>>) src(%arg6 : memref<256x128xf32, #tpu.memory_space<hbm>>) dst(%dma_wait3A_1070 : memref<256x128xf32, #tpu.memory_space<hbm>>)
        tpu.yield
      }) : () -> ()
    } else {
    }
    %add3A_977 = arith.constant 16 : i32
    %add3A_978 = arith.addi %mul3A_4, %add3A_977 : i32
    %add3A_979 = arith.constant 8 : i32
    %add3A_980 = arith.addi %add3A_978, %add3A_979 : i32
    %slice3A_981 = vector.extract_strided_slice %get3A_888 {offsets = [8], sizes = [1], strides = [1]} : vector<16xi32> to vector<1xi32>
    %squeeze3A_982 = vector.extract %slice3A_981[0] : i32 from vector<1xi32>
    %ne3A_983 = arith.constant 0 : i32
    %ne3A_984 = arith.cmpi ne, %squeeze3A_982, %ne3A_983 : i32
    %convert_element_type3A_985 = arith.extui %ne3A_984 : i1 to i32
    %cond3A_986 = arith.constant 0 : i32
    %cond3A_987 = arith.cmpi ne, %convert_element_type3A_985, %cond3A_986 : i32
    scf.if %cond3A_987 {
      %mul3A_1065 = arith.constant 256 : i32
      %mul3A_1066 = arith.muli %add3A_980, %mul3A_1065 : i32
      "tpu.region"() ({
        %run_scoped3A = tpu.sem_alloc : memref<!tpu.dma_semaphore, #tpu.memory_space<semaphore_mem>>
        %dma_start3A_1067 = arith.constant 0 : i32
        %dma_start3A_1068 = tpu.memref_slice %arg7[%mul3A_1066, %dma_start3A_1067] : memref<262144x128xf32, #tpu.memory_space<hbm>> -> memref<256x128xf32, #tpu.memory_space<hbm>>
        tpu.enqueue_dma source(%arg6 : memref<256x128xf32, #tpu.memory_space<hbm>>) target(%dma_start3A_1068 : memref<256x128xf32, #tpu.memory_space<hbm>>) target_semaphore(%run_scoped3A : memref<!tpu.dma_semaphore, #tpu.memory_space<semaphore_mem>>)
        %dma_wait3A_1069 = arith.constant 0 : i32
        %dma_wait3A_1070 = tpu.memref_slice %arg7[%mul3A_1066, %dma_wait3A_1069] : memref<262144x128xf32, #tpu.memory_space<hbm>> -> memref<256x128xf32, #tpu.memory_space<hbm>>
        tpu.wait_dma2 semaphore(%run_scoped3A : memref<!tpu.dma_semaphore, #tpu.memory_space<semaphore_mem>>) src(%arg6 : memref<256x128xf32, #tpu.memory_space<hbm>>) dst(%dma_wait3A_1070 : memref<256x128xf32, #tpu.memory_space<hbm>>)
        tpu.yield
      }) : () -> ()
    } else {
    }
    %add3A_988 = arith.constant 16 : i32
    %add3A_989 = arith.addi %mul3A_4, %add3A_988 : i32
    %add3A_990 = arith.constant 9 : i32
    %add3A_991 = arith.addi %add3A_989, %add3A_990 : i32
    %slice3A_992 = vector.extract_strided_slice %get3A_888 {offsets = [9], sizes = [1], strides = [1]} : vector<16xi32> to vector<1xi32>
    %squeeze3A_993 = vector.extract %slice3A_992[0] : i32 from vector<1xi32>
    %ne3A_994 = arith.constant 0 : i32
    %ne3A_995 = arith.cmpi ne, %squeeze3A_993, %ne3A_994 : i32
    %convert_element_type3A_996 = arith.extui %ne3A_995 : i1 to i32
    %cond3A_997 = arith.constant 0 : i32
    %cond3A_998 = arith.cmpi ne, %convert_element_type3A_996, %cond3A_997 : i32
    scf.if %cond3A_998 {
      %mul3A_1065 = arith.constant 256 : i32
      %mul3A_1066 = arith.muli %add3A_991, %mul3A_1065 : i32
      "tpu.region"() ({
        %run_scoped3A = tpu.sem_alloc : memref<!tpu.dma_semaphore, #tpu.memory_space<semaphore_mem>>
        %dma_start3A_1067 = arith.constant 0 : i32
        %dma_start3A_1068 = tpu.memref_slice %arg7[%mul3A_1066, %dma_start3A_1067] : memref<262144x128xf32, #tpu.memory_space<hbm>> -> memref<256x128xf32, #tpu.memory_space<hbm>>
        tpu.enqueue_dma source(%arg6 : memref<256x128xf32, #tpu.memory_space<hbm>>) target(%dma_start3A_1068 : memref<256x128xf32, #tpu.memory_space<hbm>>) target_semaphore(%run_scoped3A : memref<!tpu.dma_semaphore, #tpu.memory_space<semaphore_mem>>)
        %dma_wait3A_1069 = arith.constant 0 : i32
        %dma_wait3A_1070 = tpu.memref_slice %arg7[%mul3A_1066, %dma_wait3A_1069] : memref<262144x128xf32, #tpu.memory_space<hbm>> -> memref<256x128xf32, #tpu.memory_space<hbm>>
        tpu.wait_dma2 semaphore(%run_scoped3A : memref<!tpu.dma_semaphore, #tpu.memory_space<semaphore_mem>>) src(%arg6 : memref<256x128xf32, #tpu.memory_space<hbm>>) dst(%dma_wait3A_1070 : memref<256x128xf32, #tpu.memory_space<hbm>>)
        tpu.yield
      }) : () -> ()
    } else {
    }
    %add3A_999 = arith.constant 16 : i32
    %add3A_1000 = arith.addi %mul3A_4, %add3A_999 : i32
    %add3A_1001 = arith.constant 10 : i32
    %add3A_1002 = arith.addi %add3A_1000, %add3A_1001 : i32
    %slice3A_1003 = vector.extract_strided_slice %get3A_888 {offsets = [10], sizes = [1], strides = [1]} : vector<16xi32> to vector<1xi32>
    %squeeze3A_1004 = vector.extract %slice3A_1003[0] : i32 from vector<1xi32>
    %ne3A_1005 = arith.constant 0 : i32
    %ne3A_1006 = arith.cmpi ne, %squeeze3A_1004, %ne3A_1005 : i32
    %convert_element_type3A_1007 = arith.extui %ne3A_1006 : i1 to i32
    %cond3A_1008 = arith.constant 0 : i32
    %cond3A_1009 = arith.cmpi ne, %convert_element_type3A_1007, %cond3A_1008 : i32
    scf.if %cond3A_1009 {
      %mul3A_1065 = arith.constant 256 : i32
      %mul3A_1066 = arith.muli %add3A_1002, %mul3A_1065 : i32
      "tpu.region"() ({
        %run_scoped3A = tpu.sem_alloc : memref<!tpu.dma_semaphore, #tpu.memory_space<semaphore_mem>>
        %dma_start3A_1067 = arith.constant 0 : i32
        %dma_start3A_1068 = tpu.memref_slice %arg7[%mul3A_1066, %dma_start3A_1067] : memref<262144x128xf32, #tpu.memory_space<hbm>> -> memref<256x128xf32, #tpu.memory_space<hbm>>
        tpu.enqueue_dma source(%arg6 : memref<256x128xf32, #tpu.memory_space<hbm>>) target(%dma_start3A_1068 : memref<256x128xf32, #tpu.memory_space<hbm>>) target_semaphore(%run_scoped3A : memref<!tpu.dma_semaphore, #tpu.memory_space<semaphore_mem>>)
        %dma_wait3A_1069 = arith.constant 0 : i32
        %dma_wait3A_1070 = tpu.memref_slice %arg7[%mul3A_1066, %dma_wait3A_1069] : memref<262144x128xf32, #tpu.memory_space<hbm>> -> memref<256x128xf32, #tpu.memory_space<hbm>>
        tpu.wait_dma2 semaphore(%run_scoped3A : memref<!tpu.dma_semaphore, #tpu.memory_space<semaphore_mem>>) src(%arg6 : memref<256x128xf32, #tpu.memory_space<hbm>>) dst(%dma_wait3A_1070 : memref<256x128xf32, #tpu.memory_space<hbm>>)
        tpu.yield
      }) : () -> ()
    } else {
    }
    %add3A_1010 = arith.constant 16 : i32
    %add3A_1011 = arith.addi %mul3A_4, %add3A_1010 : i32
    %add3A_1012 = arith.constant 11 : i32
    %add3A_1013 = arith.addi %add3A_1011, %add3A_1012 : i32
    %slice3A_1014 = vector.extract_strided_slice %get3A_888 {offsets = [11], sizes = [1], strides = [1]} : vector<16xi32> to vector<1xi32>
    %squeeze3A_1015 = vector.extract %slice3A_1014[0] : i32 from vector<1xi32>
    %ne3A_1016 = arith.constant 0 : i32
    %ne3A_1017 = arith.cmpi ne, %squeeze3A_1015, %ne3A_1016 : i32
    %convert_element_type3A_1018 = arith.extui %ne3A_1017 : i1 to i32
    %cond3A_1019 = arith.constant 0 : i32
    %cond3A_1020 = arith.cmpi ne, %convert_element_type3A_1018, %cond3A_1019 : i32
    scf.if %cond3A_1020 {
      %mul3A_1065 = arith.constant 256 : i32
      %mul3A_1066 = arith.muli %add3A_1013, %mul3A_1065 : i32
      "tpu.region"() ({
        %run_scoped3A = tpu.sem_alloc : memref<!tpu.dma_semaphore, #tpu.memory_space<semaphore_mem>>
        %dma_start3A_1067 = arith.constant 0 : i32
        %dma_start3A_1068 = tpu.memref_slice %arg7[%mul3A_1066, %dma_start3A_1067] : memref<262144x128xf32, #tpu.memory_space<hbm>> -> memref<256x128xf32, #tpu.memory_space<hbm>>
        tpu.enqueue_dma source(%arg6 : memref<256x128xf32, #tpu.memory_space<hbm>>) target(%dma_start3A_1068 : memref<256x128xf32, #tpu.memory_space<hbm>>) target_semaphore(%run_scoped3A : memref<!tpu.dma_semaphore, #tpu.memory_space<semaphore_mem>>)
        %dma_wait3A_1069 = arith.constant 0 : i32
        %dma_wait3A_1070 = tpu.memref_slice %arg7[%mul3A_1066, %dma_wait3A_1069] : memref<262144x128xf32, #tpu.memory_space<hbm>> -> memref<256x128xf32, #tpu.memory_space<hbm>>
        tpu.wait_dma2 semaphore(%run_scoped3A : memref<!tpu.dma_semaphore, #tpu.memory_space<semaphore_mem>>) src(%arg6 : memref<256x128xf32, #tpu.memory_space<hbm>>) dst(%dma_wait3A_1070 : memref<256x128xf32, #tpu.memory_space<hbm>>)
        tpu.yield
      }) : () -> ()
    } else {
    }
    %add3A_1021 = arith.constant 16 : i32
    %add3A_1022 = arith.addi %mul3A_4, %add3A_1021 : i32
    %add3A_1023 = arith.constant 12 : i32
    %add3A_1024 = arith.addi %add3A_1022, %add3A_1023 : i32
    %slice3A_1025 = vector.extract_strided_slice %get3A_888 {offsets = [12], sizes = [1], strides = [1]} : vector<16xi32> to vector<1xi32>
    %squeeze3A_1026 = vector.extract %slice3A_1025[0] : i32 from vector<1xi32>
    %ne3A_1027 = arith.constant 0 : i32
    %ne3A_1028 = arith.cmpi ne, %squeeze3A_1026, %ne3A_1027 : i32
    %convert_element_type3A_1029 = arith.extui %ne3A_1028 : i1 to i32
    %cond3A_1030 = arith.constant 0 : i32
    %cond3A_1031 = arith.cmpi ne, %convert_element_type3A_1029, %cond3A_1030 : i32
    scf.if %cond3A_1031 {
      %mul3A_1065 = arith.constant 256 : i32
      %mul3A_1066 = arith.muli %add3A_1024, %mul3A_1065 : i32
      "tpu.region"() ({
        %run_scoped3A = tpu.sem_alloc : memref<!tpu.dma_semaphore, #tpu.memory_space<semaphore_mem>>
        %dma_start3A_1067 = arith.constant 0 : i32
        %dma_start3A_1068 = tpu.memref_slice %arg7[%mul3A_1066, %dma_start3A_1067] : memref<262144x128xf32, #tpu.memory_space<hbm>> -> memref<256x128xf32, #tpu.memory_space<hbm>>
        tpu.enqueue_dma source(%arg6 : memref<256x128xf32, #tpu.memory_space<hbm>>) target(%dma_start3A_1068 : memref<256x128xf32, #tpu.memory_space<hbm>>) target_semaphore(%run_scoped3A : memref<!tpu.dma_semaphore, #tpu.memory_space<semaphore_mem>>)
        %dma_wait3A_1069 = arith.constant 0 : i32
        %dma_wait3A_1070 = tpu.memref_slice %arg7[%mul3A_1066, %dma_wait3A_1069] : memref<262144x128xf32, #tpu.memory_space<hbm>> -> memref<256x128xf32, #tpu.memory_space<hbm>>
        tpu.wait_dma2 semaphore(%run_scoped3A : memref<!tpu.dma_semaphore, #tpu.memory_space<semaphore_mem>>) src(%arg6 : memref<256x128xf32, #tpu.memory_space<hbm>>) dst(%dma_wait3A_1070 : memref<256x128xf32, #tpu.memory_space<hbm>>)
        tpu.yield
      }) : () -> ()
    } else {
    }
    %add3A_1032 = arith.constant 16 : i32
    %add3A_1033 = arith.addi %mul3A_4, %add3A_1032 : i32
    %add3A_1034 = arith.constant 13 : i32
    %add3A_1035 = arith.addi %add3A_1033, %add3A_1034 : i32
    %slice3A_1036 = vector.extract_strided_slice %get3A_888 {offsets = [13], sizes = [1], strides = [1]} : vector<16xi32> to vector<1xi32>
    %squeeze3A_1037 = vector.extract %slice3A_1036[0] : i32 from vector<1xi32>
    %ne3A_1038 = arith.constant 0 : i32
    %ne3A_1039 = arith.cmpi ne, %squeeze3A_1037, %ne3A_1038 : i32
    %convert_element_type3A_1040 = arith.extui %ne3A_1039 : i1 to i32
    %cond3A_1041 = arith.constant 0 : i32
    %cond3A_1042 = arith.cmpi ne, %convert_element_type3A_1040, %cond3A_1041 : i32
    scf.if %cond3A_1042 {
      %mul3A_1065 = arith.constant 256 : i32
      %mul3A_1066 = arith.muli %add3A_1035, %mul3A_1065 : i32
      "tpu.region"() ({
        %run_scoped3A = tpu.sem_alloc : memref<!tpu.dma_semaphore, #tpu.memory_space<semaphore_mem>>
        %dma_start3A_1067 = arith.constant 0 : i32
        %dma_start3A_1068 = tpu.memref_slice %arg7[%mul3A_1066, %dma_start3A_1067] : memref<262144x128xf32, #tpu.memory_space<hbm>> -> memref<256x128xf32, #tpu.memory_space<hbm>>
        tpu.enqueue_dma source(%arg6 : memref<256x128xf32, #tpu.memory_space<hbm>>) target(%dma_start3A_1068 : memref<256x128xf32, #tpu.memory_space<hbm>>) target_semaphore(%run_scoped3A : memref<!tpu.dma_semaphore, #tpu.memory_space<semaphore_mem>>)
        %dma_wait3A_1069 = arith.constant 0 : i32
        %dma_wait3A_1070 = tpu.memref_slice %arg7[%mul3A_1066, %dma_wait3A_1069] : memref<262144x128xf32, #tpu.memory_space<hbm>> -> memref<256x128xf32, #tpu.memory_space<hbm>>
        tpu.wait_dma2 semaphore(%run_scoped3A : memref<!tpu.dma_semaphore, #tpu.memory_space<semaphore_mem>>) src(%arg6 : memref<256x128xf32, #tpu.memory_space<hbm>>) dst(%dma_wait3A_1070 : memref<256x128xf32, #tpu.memory_space<hbm>>)
        tpu.yield
      }) : () -> ()
    } else {
    }
    %add3A_1043 = arith.constant 16 : i32
    %add3A_1044 = arith.addi %mul3A_4, %add3A_1043 : i32
    %add3A_1045 = arith.constant 14 : i32
    %add3A_1046 = arith.addi %add3A_1044, %add3A_1045 : i32
    %slice3A_1047 = vector.extract_strided_slice %get3A_888 {offsets = [14], sizes = [1], strides = [1]} : vector<16xi32> to vector<1xi32>
    %squeeze3A_1048 = vector.extract %slice3A_1047[0] : i32 from vector<1xi32>
    %ne3A_1049 = arith.constant 0 : i32
    %ne3A_1050 = arith.cmpi ne, %squeeze3A_1048, %ne3A_1049 : i32
    %convert_element_type3A_1051 = arith.extui %ne3A_1050 : i1 to i32
    %cond3A_1052 = arith.constant 0 : i32
    %cond3A_1053 = arith.cmpi ne, %convert_element_type3A_1051, %cond3A_1052 : i32
    scf.if %cond3A_1053 {
      %mul3A_1065 = arith.constant 256 : i32
      %mul3A_1066 = arith.muli %add3A_1046, %mul3A_1065 : i32
      "tpu.region"() ({
        %run_scoped3A = tpu.sem_alloc : memref<!tpu.dma_semaphore, #tpu.memory_space<semaphore_mem>>
        %dma_start3A_1067 = arith.constant 0 : i32
        %dma_start3A_1068 = tpu.memref_slice %arg7[%mul3A_1066, %dma_start3A_1067] : memref<262144x128xf32, #tpu.memory_space<hbm>> -> memref<256x128xf32, #tpu.memory_space<hbm>>
        tpu.enqueue_dma source(%arg6 : memref<256x128xf32, #tpu.memory_space<hbm>>) target(%dma_start3A_1068 : memref<256x128xf32, #tpu.memory_space<hbm>>) target_semaphore(%run_scoped3A : memref<!tpu.dma_semaphore, #tpu.memory_space<semaphore_mem>>)
        %dma_wait3A_1069 = arith.constant 0 : i32
        %dma_wait3A_1070 = tpu.memref_slice %arg7[%mul3A_1066, %dma_wait3A_1069] : memref<262144x128xf32, #tpu.memory_space<hbm>> -> memref<256x128xf32, #tpu.memory_space<hbm>>
        tpu.wait_dma2 semaphore(%run_scoped3A : memref<!tpu.dma_semaphore, #tpu.memory_space<semaphore_mem>>) src(%arg6 : memref<256x128xf32, #tpu.memory_space<hbm>>) dst(%dma_wait3A_1070 : memref<256x128xf32, #tpu.memory_space<hbm>>)
        tpu.yield
      }) : () -> ()
    } else {
    }
    %add3A_1054 = arith.constant 16 : i32
    %add3A_1055 = arith.addi %mul3A_4, %add3A_1054 : i32
    %add3A_1056 = arith.constant 15 : i32
    %add3A_1057 = arith.addi %add3A_1055, %add3A_1056 : i32
    %slice3A_1058 = vector.extract_strided_slice %get3A_888 {offsets = [15], sizes = [1], strides = [1]} : vector<16xi32> to vector<1xi32>
    %squeeze3A_1059 = vector.extract %slice3A_1058[0] : i32 from vector<1xi32>
    %ne3A_1060 = arith.constant 0 : i32
    %ne3A_1061 = arith.cmpi ne, %squeeze3A_1059, %ne3A_1060 : i32
    %convert_element_type3A_1062 = arith.extui %ne3A_1061 : i1 to i32
    %cond3A_1063 = arith.constant 0 : i32
    %cond3A_1064 = arith.cmpi ne, %convert_element_type3A_1062, %cond3A_1063 : i32
    scf.if %cond3A_1064 {
      %mul3A_1065 = arith.constant 256 : i32
      %mul3A_1066 = arith.muli %add3A_1057, %mul3A_1065 : i32
      "tpu.region"() ({
        %run_scoped3A = tpu.sem_alloc : memref<!tpu.dma_semaphore, #tpu.memory_space<semaphore_mem>>
        %dma_start3A_1067 = arith.constant 0 : i32
        %dma_start3A_1068 = tpu.memref_slice %arg7[%mul3A_1066, %dma_start3A_1067] : memref<262144x128xf32, #tpu.memory_space<hbm>> -> memref<256x128xf32, #tpu.memory_space<hbm>>
        tpu.enqueue_dma source(%arg6 : memref<256x128xf32, #tpu.memory_space<hbm>>) target(%dma_start3A_1068 : memref<256x128xf32, #tpu.memory_space<hbm>>) target_semaphore(%run_scoped3A : memref<!tpu.dma_semaphore, #tpu.memory_space<semaphore_mem>>)
        %dma_wait3A_1069 = arith.constant 0 : i32
        %dma_wait3A_1070 = tpu.memref_slice %arg7[%mul3A_1066, %dma_wait3A_1069] : memref<262144x128xf32, #tpu.memory_space<hbm>> -> memref<256x128xf32, #tpu.memory_space<hbm>>
        tpu.wait_dma2 semaphore(%run_scoped3A : memref<!tpu.dma_semaphore, #tpu.memory_space<semaphore_mem>>) src(%arg6 : memref<256x128xf32, #tpu.memory_space<hbm>>) dst(%dma_wait3A_1070 : memref<256x128xf32, #tpu.memory_space<hbm>>)
        tpu.yield
      }) : () -> ()
    } else {
    }
    return
  }
}

module attributes {stable_mosaic.version = 14 : i64} {
  func.func @_gru_body(%arg0: memref<1024x128xf32, #tpu.memory_space<vmem>>, %arg1: memref<1024x128xf32, #tpu.memory_space<vmem>>, %arg2: memref<384x128xf32, #tpu.memory_space<vmem>>, %arg3: memref<384x128xf32, #tpu.memory_space<vmem>>, %arg4: memref<1x384xf32, #tpu.memory_space<vmem>>, %arg5: memref<1x384xf32, #tpu.memory_space<vmem>>, %arg6: memref<1x16xi32, #tpu.memory_space<vmem>>, %arg7: memref<1024x128xf32, #tpu.memory_space<vmem>>, %arg8: memref<1024x128xf32, #tpu.memory_space<vmem>>, %arg9: memref<1024x1xi32, #tpu.memory_space<vmem>>) attributes {dimension_semantics = [], scalar_prefetch = 0 : i64, scratch_operands = 0 : i64, tpu.core_type = #tpu.core_type<tc>} {
    %get3A = arith.constant 0 : index
    %get3A_0 = arith.constant 0 : index
    %get3A_1 = vector.load %arg0[%get3A, %get3A_0] : memref<1024x128xf32, #tpu.memory_space<vmem>>, vector<1024x128xf32>
    %get3A_2 = arith.constant 0 : index
    %get3A_3 = arith.constant 0 : index
    %get3A_4 = vector.load %arg1[%get3A_2, %get3A_3] : memref<1024x128xf32, #tpu.memory_space<vmem>>, vector<1024x128xf32>
    %get3A_5 = arith.constant 0 : index
    %get3A_6 = arith.constant 0 : index
    %get3A_7 = vector.load %arg2[%get3A_5, %get3A_6] : memref<384x128xf32, #tpu.memory_space<vmem>>, vector<384x128xf32>
    %dot_general3A = arith.constant dense<0.000000e+00> : vector<1024x384xf32>
    %dot_general3A_8 = tpu.matmul %get3A_1, %get3A_7, %dot_general3A {dimension_numbers = #tpu.dot_dimension_numbers<[1], [1], [0], [0], [0, 0, 1, 0], [], []>, transpose_lhs_hint = false} : vector<1024x128xf32>, vector<384x128xf32>, vector<1024x384xf32> -> vector<1024x384xf32>
    %get3A_9 = arith.constant 0 : index
    %get3A_10 = arith.constant 0 : index
    %get3A_11 = vector.load %arg4[%get3A_9, %get3A_10] : memref<1x384xf32, #tpu.memory_space<vmem>>, vector<1x384xf32>
    %add3A = vector.broadcast %get3A_11 : vector<1x384xf32> to vector<1024x384xf32>
    %add3A_12 = arith.addf %dot_general3A_8, %add3A : vector<1024x384xf32>
    %get3A_13 = arith.constant 0 : index
    %get3A_14 = arith.constant 0 : index
    %get3A_15 = vector.load %arg3[%get3A_13, %get3A_14] : memref<384x128xf32, #tpu.memory_space<vmem>>, vector<384x128xf32>
    %dot_general3A_16 = arith.constant dense<0.000000e+00> : vector<1024x384xf32>
    %dot_general3A_17 = tpu.matmul %get3A_4, %get3A_15, %dot_general3A_16 {dimension_numbers = #tpu.dot_dimension_numbers<[1], [1], [0], [0], [0, 0, 1, 0], [], []>, transpose_lhs_hint = false} : vector<1024x128xf32>, vector<384x128xf32>, vector<1024x384xf32> -> vector<1024x384xf32>
    %get3A_18 = arith.constant 0 : index
    %get3A_19 = arith.constant 0 : index
    %get3A_20 = vector.load %arg5[%get3A_18, %get3A_19] : memref<1x384xf32, #tpu.memory_space<vmem>>, vector<1x384xf32>
    %add3A_21 = vector.broadcast %get3A_20 : vector<1x384xf32> to vector<1024x384xf32>
    %add3A_22 = arith.addf %dot_general3A_17, %add3A_21 : vector<1024x384xf32>
    %slice3A = vector.extract_strided_slice %add3A_12 {offsets = [0, 0], sizes = [1024, 128], strides = [1, 1]} : vector<1024x384xf32> to vector<1024x128xf32>
    %slice3A_23 = vector.extract_strided_slice %add3A_12 {offsets = [0, 128], sizes = [1024, 128], strides = [1, 1]} : vector<1024x384xf32> to vector<1024x128xf32>
    %slice3A_24 = vector.extract_strided_slice %add3A_12 {offsets = [0, 256], sizes = [1024, 128], strides = [1, 1]} : vector<1024x384xf32> to vector<1024x128xf32>
    %slice3A_25 = vector.extract_strided_slice %add3A_22 {offsets = [0, 0], sizes = [1024, 128], strides = [1, 1]} : vector<1024x384xf32> to vector<1024x128xf32>
    %slice3A_26 = vector.extract_strided_slice %add3A_22 {offsets = [0, 128], sizes = [1024, 128], strides = [1, 1]} : vector<1024x384xf32> to vector<1024x128xf32>
    %slice3A_27 = vector.extract_strided_slice %add3A_22 {offsets = [0, 256], sizes = [1024, 128], strides = [1, 1]} : vector<1024x384xf32> to vector<1024x128xf32>
    %add3A_28 = arith.addf %slice3A, %slice3A_25 : vector<1024x128xf32>
    %logistic3A = arith.negf %add3A_28 : vector<1024x128xf32>
    %logistic3A_29 = math.exp %logistic3A : vector<1024x128xf32>
    %logistic3A_30 = arith.constant 1.000000e+00 : f32
    %logistic3A_31 = vector.broadcast %logistic3A_30 : f32 to vector<1024x128xf32>
    %logistic3A_32 = arith.addf %logistic3A_31, %logistic3A_29 : vector<1024x128xf32>
    %logistic3A_33 = arith.divf %logistic3A_31, %logistic3A_32 : vector<1024x128xf32>
    %add3A_34 = arith.addf %slice3A_23, %slice3A_26 : vector<1024x128xf32>
    %logistic3A_35 = arith.negf %add3A_34 : vector<1024x128xf32>
    %logistic3A_36 = math.exp %logistic3A_35 : vector<1024x128xf32>
    %logistic3A_37 = arith.constant 1.000000e+00 : f32
    %logistic3A_38 = vector.broadcast %logistic3A_37 : f32 to vector<1024x128xf32>
    %logistic3A_39 = arith.addf %logistic3A_38, %logistic3A_36 : vector<1024x128xf32>
    %logistic3A_40 = arith.divf %logistic3A_38, %logistic3A_39 : vector<1024x128xf32>
    %mul3A = arith.mulf %logistic3A_33, %slice3A_27 : vector<1024x128xf32>
    %add3A_41 = arith.addf %slice3A_24, %mul3A : vector<1024x128xf32>
    %tanh3A = math.tanh %add3A_41 : vector<1024x128xf32>
    %sub3A = arith.constant 1.000000e+00 : f32
    %sub3A_42 = vector.broadcast %sub3A : f32 to vector<1024x128xf32>
    %sub3A_43 = arith.subf %sub3A_42, %logistic3A_40 : vector<1024x128xf32>
    %mul3A_44 = arith.mulf %sub3A_43, %tanh3A : vector<1024x128xf32>
    %mul3A_45 = arith.mulf %logistic3A_40, %get3A_4 : vector<1024x128xf32>
    %add3A_46 = arith.addf %mul3A_44, %mul3A_45 : vector<1024x128xf32>
    %swap3A = arith.constant 0 : index
    %swap3A_47 = arith.constant 0 : index
    %swap3A_48 = vector.load %arg7[%swap3A, %swap3A_47] : memref<1024x128xf32, #tpu.memory_space<vmem>>, vector<1024x128xf32>
    tpu.vector_store %arg7[%swap3A, %swap3A_47], %add3A_46 {strides = array<i32>} : memref<1024x128xf32, #tpu.memory_space<vmem>>, vector<1024x128xf32>,
    %iota3A = tpu.iota {dimensions = array<i32: 0>} : vector<1024x1xi32>
    %get3A_49 = arith.constant 0 : index
    %get3A_50 = arith.constant 0 : index
    %get3A_51 = vector.load %arg6[%get3A_49, %get3A_50] : memref<1x16xi32, #tpu.memory_space<vmem>>, vector<1x16xi32>
    %eq3A = vector.broadcast %iota3A : vector<1024x1xi32> to vector<1024x16xi32>
    %eq3A_52 = vector.broadcast %get3A_51 : vector<1x16xi32> to vector<1024x16xi32>
    %eq3A_53 = arith.cmpi eq, %eq3A, %eq3A_52 : vector<1024x16xi32>
    %reduce_or3A = arith.constant 1.000000e+00 : f32
    %reduce_or3A_54 = arith.constant 0.000000e+00 : f32
    %reduce_or3A_55 = vector.broadcast %reduce_or3A : f32 to vector<1024x16xf32>
    %reduce_or3A_56 = vector.broadcast %reduce_or3A_54 : f32 to vector<1024x16xf32>
    %reduce_or3A_57 = arith.select %eq3A_53, %reduce_or3A_55, %reduce_or3A_56 : vector<1024x16xi1>, vector<1024x16xf32>
    %reduce_or3A_58 = arith.constant dense<0xFF800000> : vector<1024xf32>
    %reduce_or3A_59 = vector.multi_reduction <maximumf>, %reduce_or3A_57, %reduce_or3A_58 [1] : vector<1024x16xf32> to vector<1024xf32>
    %reduce_or3A_60 = arith.constant 0.000000e+00 : f32
    %reduce_or3A_61 = vector.broadcast %reduce_or3A_60 : f32 to vector<1024xf32>
    %reduce_or3A_62 = arith.cmpf ogt, %reduce_or3A_59, %reduce_or3A_61 : vector<1024xf32>
    %broadcast_in_dim3A = vector.shape_cast %reduce_or3A_62 : vector<1024xi1> to vector<1024x1xi1>
    %jit3A = arith.constant 0.000000e+00 : f32
    %broadcast_in_dim3A_63 = vector.shape_cast %broadcast_in_dim3A : vector<1024x1xi1> to vector<1024x1xi1>
    %broadcast_in_dim3A_64 = vector.broadcast %broadcast_in_dim3A_63 : vector<1024x1xi1> to vector<1024x128xi1>
    %broadcast_in_dim3A_65 = vector.broadcast %jit3A : f32 to vector<1024x128xf32>
    %select_n3A = arith.select %broadcast_in_dim3A_64, %broadcast_in_dim3A_65, %add3A_46 : vector<1024x128xi1>, vector<1024x128xf32>
    %swap3A_66 = arith.constant 0 : index
    %swap3A_67 = arith.constant 0 : index
    %swap3A_68 = vector.load %arg8[%swap3A_66, %swap3A_67] : memref<1024x128xf32, #tpu.memory_space<vmem>>, vector<1024x128xf32>
    tpu.vector_store %arg8[%swap3A_66, %swap3A_67], %select_n3A {strides = array<i32>} : memref<1024x128xf32, #tpu.memory_space<vmem>>, vector<1024x128xf32>,
    %convert_element_type3A = arith.extui %broadcast_in_dim3A : vector<1024x1xi1> to vector<1024x1xi32>
    %swap3A_69 = arith.constant 0 : index
    %swap3A_70 = arith.constant 0 : index
    %swap3A_71 = vector.load %arg9[%swap3A_69, %swap3A_70] : memref<1024x1xi32, #tpu.memory_space<vmem>>, vector<1024x1xi32>
    tpu.vector_store %arg9[%swap3A_69, %swap3A_70], %convert_element_type3A {strides = array<i32>} : memref<1024x1xi32, #tpu.memory_space<vmem>>, vector<1024x1xi32>,
    return
  }
}

</mosaic_0001>

<sc_bundles>
// kernel: kernel.5.cloned.1.call-start
scs
__scs_entry_jumppad:
0x0: {  	(pc) =	sbr.rel $0x88, $3  }
0x1: {  	(tag) =	ssettag $0x0;
	lr =	simm.s32 $0x1  }
0x2: {  	[smem:$0x3F99] =	sst lr;
	_ =	strace $0xD0000000  }
0x3: {  	_ = 	snop  }
0x4: {  	_ = 	snop  }
0x5: {  	_ = 	snop  }
0x6: {  	_ = 	snop  }
0x7: {  	_ = 	snop  }
__scs_overlays_trampoline_lowered:
0x8: {  	[smem:$0x3FA8] =	sst s0  }
0x9: {  	[smem:$0x3FA9] =	sst s1  }
0xa: {  	[smem:$0x3FAA] =	sst s2  }
0xb: {  	[smem:$0x3FAB] =	sst s3  }
0xc: {  	[smem:$0x3FAC] =	sst s4  }
0xd: {  	[smem:$0x3FAD] =	sst s5  }
0xe: {  	[smem:$0x3FAE] =	sst s6  }
0xf: {  	[smem:$0x3FAF] =	sst s7  }
0x10: {  	[smem:$0x3FB0] =	sst s8  }
0x11: {  	[smem:$0x3FB1] =	sst s9;
	s0 =	simm.s32 @!p0 $0x0  }
0x12: {  	s1 =	sld [smem:$0x3F97];
	s0 =	simm.s32 @p0 $0x1  }
0x13: {  	[smem:$0x3FB2] =	sst s0;
	s0 =	simm.s32 @!p1 $0x0  }
0x14: {  	s2 =	sld [smem:$0x3F96];
	s0 =	simm.s32 @p1 $0x1  }
0x15: {  	[smem:$0x3FB3] =	sst s0;
	s0 =	simm.s32 @!p2 $0x0  }
0x16: {  	s3 =	sld [smem:$0x3FDB];
	s0 =	simm.s32 @p2 $0x1  }
0x17: {  	s4 =	simm.s32 $0x1BF5;
	[smem:$0x3FB5] =	sst s0  }
0x18: {  	s0 =	sld [smem:$0x3F98];
	_ =	swait.ge [sflag:s4], $0x0  }
0x19: {  	s7 =	sld [smem:$0x3F99]  }
0x1a: {  	s8 =	sadd.s32 $0xFFFFE003, lr  }
0x1b: {  	s9 =	sadd.s32 $0xFFFFFEF7, lr;
	s5 =	simm.s32 $0xFFFFFFFF;
	p2 =	slt.u32 s8, $0xFFFFF086  }
0x1c: {  	p1 =	slt.u32 s9, $0xF7A;
	s5 =	simm.s32 @!p2 $0x0  }
0x1d: {  	s5 =	simm.s32 @p1 $0x1;
	p0 =	seq.s32 s7, s2  }
0x1e: {  	s7 =	smul.u32 @!p0 $0xF7A, s2;
	p2 =	seq.s32 @!p0 s5, $0x0  }
0x1f: {  	s9 =	smul.u32 $0xF7A, s1;
	s8 =	simm.s32 @!p0 $0x1BF5;
	p2 =	por !p2, p0  }
0x20: {  	[sflag:s8] =	ssyncset.s32 @!p0 $0xFFFFF086;
	s6 =	sadd.s32 @!p0 s3, s7;
	s7 =	simm.s32 @!p0 $0x108  }
0x21: {  	s3 =	sadd.s32 s3, s9;
	s6 =	sadd.s32 @!p0 $0x88, s6;
	s7 =	simm.s32 @p2 $0x1082  }
0x22: {  	[simem:s7], [sflag:s8] =	dma.local @!p0 [hbm:s6], $0xF7A  }
0x23: {  	s9 =	sor.u32 $0xD0000000, s2;
	s6 =	simm.s32 $0x108;
	_ =	swait.ge @!p0 [sflag:s8], $0x0  }
0x24: {  	s3 =	sadd.s32 $0x88, s3;
	s6 =	simm.s32 @!p1 $0x1082;
	[sflag:s4] =	ssyncset.s32 $0xFFFFF086  }
0x25: {  	[simem:s6], [sflag:s4] =	dma.local [hbm:s3], $0xF7A  }
0x26: {  	[smem:$0x3F99] =	sst s1;
	(tag) =	ssettag s2;
	_ =	strace s9  }
0x27: {  	s1 =	sld [smem:$0x3FA9]  }
0x28: {  	s2 =	sld [smem:$0x3FAA]  }
0x29: {  	s4 =	sld [smem:$0x3FAC]  }
0x2a: {  	p0 =	seq.s32 s5, $0x0;
	s5 =	sld [smem:$0x3FAD]  }
0x2b: {  	s6 =	sld [smem:$0x3FAE]  }
0x2c: {  	s7 =	sld [smem:$0x3FAF]  }
0x2d: {  	s3 =	simm.s32 $0x108;
	s8 =	sld [smem:$0x3FB0]  }
0x2e: {  	s3 =	simm.s32 @!p0 $0x1082;
	s9 =	sld [smem:$0x3FB1]  }
0x2f: {  	lr =	sadd.s32 s0, s3;
	s0 =	sld [smem:$0x3FA8]  }
0x30: {  	s3 =	sld [smem:$0x3FAB]  }
0x31: {  	[smem:$0x3FB4] =	sst s10  }
0x32: {  	s10 =	sld [smem:$0x3FB2];
	_ =	sdelay $0x3  }
0x33: {  	p0 =	seq.s32 s10, $0x1;
	s10 =	sld [smem:$0x3FB4];
	_ =	sdelay $0x3  }
0x34: {  	[smem:$0x3FB4] =	sst s10  }
0x35: {  	s10 =	sld [smem:$0x3FB3];
	_ =	sdelay $0x3  }
0x36: {  	p1 =	seq.s32 s10, $0x1;
	s10 =	sld [smem:$0x3FB4];
	_ =	sdelay $0x3  }
0x37: {  	[smem:$0x3FB4] =	sst s10  }
0x38: {  	s10 =	sld [smem:$0x3FB5]  }
0x39: {  	_ = 	snop;
	(pc) =	sbr.ind lr, $3  }
0x3a: {  	_ = 	snop  }
0x3b: {  	_ = 	snop  }
0x3c: {  	p2 =	seq.s32 s10, $0x1;
	s10 =	sld [smem:$0x3FB4]  }
0x3d: {  	_ =	shalt  }
0x3e: {  	_ =	shalt  }
0x3f: {  	_ =	shalt  }
0x40: {  	_ =	shalt  }
0x41: {  	_ =	shalt  }
0x42: {  	_ =	shalt  }
0x43: {  	_ =	shalt  }
0x44: {  	_ =	shalt  }
0x45: {  	_ =	shalt  }
0x46: {  	_ =	shalt  }
0x47: {  	_ =	shalt  }
0x48: {  	_ =	shalt  }
0x49: {  	_ =	shalt  }
0x4a: {  	_ =	shalt  }
0x4b: {  	_ =	shalt  }
0x4c: {  	_ =	shalt  }
0x4d: {  	_ =	shalt  }
0x4e: {  	_ =	shalt  }
0x4f: {  	_ =	shalt  }
0x50: {  	_ =	shalt  }
0x51: {  	_ =	shalt  }
0x52: {  	_ =	shalt  }
0x53: {  	_ =	shalt  }
0x54: {  	_ =	shalt  }
0x55: {  	_ =	shalt  }
0x56: {  	_ =	shalt  }
0x57: {  	_ =	shalt  }
0x58: {  	_ =	shalt  }
0x59: {  	_ =	shalt  }
0x5a: {  	_ =	shalt  }
0x5b: {  	_ =	shalt  }
0x5c: {  	_ =	shalt  }
0x5d: {  	_ =	shalt  }
0x5e: {  	_ =	shalt  }
0x5f: {  	_ =	shalt  }
0x60: {  	_ =	shalt  }
0x61: {  	_ =	shalt  }
0x62: {  	_ =	shalt  }
0x63: {  	_ =	shalt  }
0x64: {  	_ =	shalt  }
0x65: {  	_ =	shalt  }
0x66: {  	_ =	shalt  }
0x67: {  	_ =	shalt  }
0x68: {  	_ =	shalt  }
0x69: {  	_ =	shalt  }
0x6a: {  	_ =	shalt  }
0x6b: {  	_ =	shalt  }
0x6c: {  	_ =	shalt  }
0x6d: {  	_ =	shalt  }
0x6e: {  	_ =	shalt  }
0x6f: {  	_ =	shalt  }
0x70: {  	_ =	shalt  }
0x71: {  	_ =	shalt  }
0x72: {  	_ =	shalt  }
0x73: {  	_ =	shalt  }
0x74: {  	_ =	shalt  }
0x75: {  	_ =	shalt  }
0x76: {  	_ =	shalt  }
0x77: {  	_ =	shalt  }
0x78: {  	_ =	shalt  }
0x79: {  	_ =	shalt  }
0x7a: {  	_ =	shalt  }
0x7b: {  	_ =	shalt  }
0x7c: {  	_ =	shalt  }
0x7d: {  	_ =	shalt  }
0x7e: {  	_ =	shalt  }
0x7f: {  	_ =	shalt  }
0x80: {  	_ =	shalt  }
0x81: {  	_ =	shalt  }
0x82: {  	_ =	shalt  }
0x83: {  	_ =	shalt  }
0x84: {  	_ =	shalt  }
0x85: {  	_ =	shalt  }
0x86: {  	_ =	shalt  }
0x87: {  	_ =	shalt  }
.Lfunc_end0:
.L_simem_size_0:
called_computation_lowered:
.L_overlay_start_0:
0x88: {  	s2 =	sld [smem:$0x3FD9]  }
0x89: {  	s3 =	sld [smem:$0x3FFE];
	_ =	sdelay $0x1  }
0x8a: {  	s1 =	srdreg.scid  }
0x8b: {  	s0 =	sand.u32 $0x1, s1  }
0x8c: {  	s14 =	sshll.u32 s0, $0xA;
	s2 =	sadd.s32 s3, s2  }
0x8d: {  	s2 =	sadd.s32 s2, s14  }
0x8e: {  	[smem:$0x3FC0] =	sst s2  }
0x8f: {  	_ = 	snop  }
0x90: {  	s2 =	sld [smem:$0x3FD0];
	_ =	sdelay $0x2  }
0x91: {  	s4 =	simm.s32 $0xA;
	s5 =	simm.s32 $0x10;
	s15 =	sld [smem:$0x3FC8]  }
0x92: {  	[smem:s5], [sflag:s4] =	dma.local [hbm:s2], $0x1  }
0x93: {  	_ =	swait.eq [sflag:s4], $0x1  }
0x94: {  	[sflag:s4] =	ssyncset.done $0x0  }
0x95: {  	[sflag:s4] =	ssyncadd.s32 $0xFFFFFFFF  }
0x96: {  	s16 =	sld [smem:$0x10];
	(tm) =	ssettm $0x1  }
0x97: {  	s17 =	sld [smem:$0x3FFB];
	_ =	sdelay $0x3  }
0x98: {  	_ =	strace s17  }
0x99: {  	s4 =	sld [smem:$0x3FFC];
	_ =	sdelay $0x3  }
0x9a: {  	_ =	strace s4  }
0x9b: {  	s4 =	sld [smem:$0x3FFD];
	_ =	sdelay $0x3  }
0x9c: {  	_ =	strace s4  }
0x9d: {  	_ =	strace $0x8FFFFFFF  }
0x9e: {  	s18 =	sld [smem:$0x3FDB];
	_ =	sdelay $0x1  }
0x9f: {  	s19 =	simm.s32 $_scs_section_size  }
0xa0: {  	s6 =	simm.s32 $_size__tile_overlayer_lowered;
	s7 =	simm.s32 $_tile_overlayer_lowered  }
0xa1: {  	s22 =	simm.s32 $0x1BFF;
	s21 =	sshll.u32 s7, $0x1;
	s4 =	sadd.s32 s19, s18  }
0xa2: {  	s8 =	simm.s32 $0x0;
	s20 =	sshll.u32 s6, $0x1;
	s6 =	sadd.s32 s21, s4  }
0xa3: {  	[timem:s8], [sflag:s22] =	dma.local [hbm:s6], s20  }
0xa4: {  	_ =	swait.ge [sflag:s22], s20  }
0xa5: {  	s5 =	ssub.s32 $0x0, s20;
	[sflag:s22] =	ssyncset.done $0x0  }
0xa6: {  	[sflag:s22] =	ssyncadd.s32 s5;
	_ =	sdelay $0x1  }
0xa7: {  	s23 =	simm.s32 $0x1B8B  }
0xa8: {  	_ =	swait.ge [sflag:s23], $0x1  }
0xa9: {  	[sflag:s23] =	ssyncset.done $0x0  }
0xaa: {  	s25 =	simm.s32 $0x1B8E;
	s24 =	sld [smem:$0x3FFE];
	[sflag:s23] =	ssyncadd.s32 $0xFFFFFFFF  }
0xab: {  	s26 =	simm.s32 $execute0_lowered;
	[smem:$0x3FD2] =	sst s25  }
0xac: {  	s6 =	sshll.u32 s26, $0x1;
	_ =	strace $0x80000046;
	[dreg:$0x1] =	wrdreg $0xFFFFFFFF  }
0xad: {  	s28 =	simm.s32 $_size_execute0_lowered;
	s4 =	sadd.s32 s4, s6;
	[dreg:$0x0] =	wrdreg $0x0  }
0xae: {  	s6 =	sshll.u32 s28, $0x1;
	[dreg:$0x2] =	wrdreg s4  }
0xaf: {  	[dreg:$0x3] =	wrdreg s6  }
0xb0: {  	[dreg:$0x4] =	wrdreg $0xC0  }
0xb1: {  	_ =	task [dreg:s8], $0x5FFFF  }
0xb2: {  	[dreg:$0x1] =	wrdreg $0xFFFFFFFF  }
0xb3: {  	[dreg:$0x0] =	wrdreg $0x60  }
0xb4: {  	[dreg:$0x2] =	wrdreg s15  }
0xb5: {  	[dreg:$0x3] =	wrdreg s24  }
0xb6: {  	[dreg:$0x4] =	wrdreg s16  }
0xb7: {  	[dreg:$0x5] =	wrdreg $0x9  }
0xb8: {  	_ =	task.clear_ibuf [dreg:s8], $0x6FFFF;
	_ =	strace $0x90000046  }
0xb9: {  	s29 =	simm.s32 $0x9;
	_ =	strace $0x80000048  }
0xba: {  	_ =	swait.ge [sflag:s29], $0x1  }
0xbb: {  	[sflag:s29] =	ssyncadd.s32 $0xFFFFFFFF  }
0xbc: {  	_ =	strace $0x90000048  }
0xbd: {  	_ =	sfence  }
0xbe: {  	s30 =	sld [smem:$0x0];
	_ =	sdelay $0x2  }
0xbf: {  	s31 =	sshll.u32 s1, $0xD;
	s1 =	sshrl.u32 s1, $0x2  }
0xc0: {  	s3 =	sand.u32 $0x4000, s31;
	s1 =	sadd.s32 s1, s30  }
0xc1: {  	s0 =	sor.u32 s3, s0;
	s1 =	sshll.u32 s1, $0x11  }
0xc2: {  	s0 =	sor.u32 s1, s0  }
0xc3: {  	s0 =	sadd.s32 $0x8F2B, s0  }
0xc4: {  	[sflag:s0] =	ssyncadd.remote.s32 $0x1  }
0xc5: {  	_ =	sfence.sel $0xFFFF  }
0xc6: {  	[dreg:$0x0] =	wrdreg $0xFFFFFFFF;
	(pc) =	sbr.abs _section_cstart, $3  }
0xc7: {  	[dreg:$0x1] =	wrdreg $0xFFFFFFFF  }
0xc8: {  	_ =	task.clear_ibuf [dreg:s8], $0x2FFFF;
	_ =	strace $0x9FFFFFFF  }
0xc9: {  	(tm) =	ssettm $0x7FFFFFFF  }
tec
execute0_lowered:
.L_overlay_start_1:
0x0: {  	(tag) =	ssettag $0x1  }
0x1: {  	s2 =	srdreg.scid  }
0x2: {  	s1 =	rddreg [dreg:$0x0];
	s0 =	stileid.u32;
	s6 =	sand.u32 $0x1, s2  }
0x3: {  	s4 =	rddreg [dreg:$0x1];
	s30 =	sshll.u32 s0, $0x6;
	s3 =	sshll.u32 s6, $0x5  }
0x4: {  	s9 =	rddreg [dreg:$0x2];
	s10 =	sor.u32 s3, s30  }
0x5: {  	s2 =	rddreg [dreg:$0x3];
	s3 =	simm.s32 $0x0;
	s5 =	sshrl.u32 s10, $0x3  }
0x6: {  	s11 =	ssub.s32 $0x2, s6;
	[smem:$0x7FF] =	sst s3;
	s4 =	sadd.s32 s5, s4  }
0x7: {  	_ =	strace $0x80000047;
	s5 =	sadd.s32 $0x1600, s4;
	s4 =	simm.s32 $0x2  }
0x8: {  	[tilespmem:s3], [sflag:$0x2] =	stream.linear.gather [hbm4b:s5+s3], $0x20, $0x38;
	[tilespmem:$0x1080] =	vst v63  }
0x9: {  	s7 =	simm.s32 $0x80;
	s12 =	sshrl.u32 s11, $0x1;
	_ =	swait.ge [sflag:s4], $0x20  }
0xa: {  	s8 =	simm.s32 $0x1;
	s11 =	ssub.s32 s11, s12;
	[sflag:s4] =	ssyncset.done $0x0  }
0xb: {  	s6 =	simm.s32 $0x20;
	s31 =	smax.u32 s11, $0x1;
	[sflag:s4] =	ssyncadd.s32 $0xFFFFFFE0  }
0xc: {  	[tilespmem:s7], [sflag:$0x1] =	stream.indirect.gather [hbm4b:s1+s6], $0x80, s3, s6, $0xb8;
	[tilespmem:$0x1080] =	vst v63  }
0xd: {  	p0 =	sne.s32 s31, $0x1;
	_ =	swait.ge [sflag:s8], $0x1000  }
.Ltmp0:
0xe: {  	s10 =	sshll.u32 s10, $0x4;
	[sflag:s8] =	ssyncset.done $0x0;
	(pc) =	sbr.rel @!p0 .LBB2_2-.Ltmp0, $4  }
0xf: {  	s9 =	sadd.s32 s9, s10;
	[sflag:s8] =	ssyncadd.s32 $0xFFFFF000  }
0x10: {  	[hbm4b:s9+s3] =	stream.linear.scatter [tilespmem:s7], [sflag:$0x2], $0x1000, $0x38;
	[tilespmem:$0x1080] =	vst v63  }
0x11: {  	_ =	swait.ge [sflag:s4], $0x1000  }
0x12: {  	s10 =	sadd.s32 $0xFFFFFFFF, s31;
	[sflag:s4] =	ssyncset.done $0x0  }
.LBB2_1:
0x13: {  	p0 =	sne.s32 s10, $0x1;
	s10 =	sadd.s32 $0xFFFFFFFF, s10;
	[sflag:s4] =	ssyncadd.s32 $0xFFFFF000  }
0x14: {  	[tilespmem:s3], [sflag:$0x2] =	stream.linear.gather [hbm4b:s5+s3], $0x20, $0x38;
	[tilespmem:$0x1080] =	vst v63  }
0x15: {  	_ =	swait.ge [sflag:s4], $0x20  }
0x16: {  	[sflag:s4] =	ssyncset.done $0x0  }
0x17: {  	[sflag:s4] =	ssyncadd.s32 $0xFFFFFFE0  }
0x18: {  	[tilespmem:s7], [sflag:$0x1] =	stream.indirect.gather [hbm4b:s1+s6], $0x80, s3, s6, $0xb8;
	[tilespmem:$0x1080] =	vst v63  }
0x19: {  	_ =	swait.ge [sflag:s8], $0x1000  }
.Ltmp1:
0x1a: {  	[sflag:s8] =	ssyncset.done $0x0;
	(pc) =	sbr.rel @p0 .LBB2_1-.Ltmp1, $4  }
0x1b: {  	[sflag:s8] =	ssyncadd.s32 $0xFFFFF000  }
0x1c: {  	[hbm4b:s9+s3] =	stream.linear.scatter [tilespmem:s7], [sflag:$0x2], $0x1000, $0x38;
	[tilespmem:$0x1080] =	vst v63  }
0x1d: {  	_ =	swait.ge [sflag:s4], $0x1000  }
0x1e: {  	[sflag:s4] =	ssyncset.done $0x0  }
.LBB2_2:
0x1f: {  	[sflag:s4] =	ssyncadd.s32 $0xFFFFF000  }
0x20: {  	_ =	sfence.sel $0x180000  }
0x21: {  	[bflag:$0x0] =	sbarrier.arrive $0xFFFF  }
0x22: {  	p0 =	sne.s32 s0, $0x0;
	_ =	strace $0x90000047  }
0x23: {  	s0 =	sadd.s32 @!p0 $0x100000, s2;
	[bflag:$0x2] =	sbarrier.arrive $0xFFFF  }
0x24: {  	[sflag:s0] =	ssyncadd.tile.s32 @!p0 $0x1;
	_ =	shalt  }
.Lfunc_end2:
_tile_overlayer_lowered:
.L_overlay_start_2:
0x25: {  	(tag) =	ssettag $0x2  }
0x26: {  	s0 =	rddreg [dreg:$0x0];
	s2 =	stileid.u32  }
0x27: {  	s1 =	rddreg [dreg:$0x1];
	p0 =	sne.s32 s2, $0x0  }
0x28: {  	s3 =	rddreg [dreg:$0x2];
	[bflag:$0x3] =	sbarrier.arrive $0xFFFF;
	s2 =	simm.s32 @!p0 $0x1C02  }
0x29: {  	[timem:s3], [sflag:s2] =	dma.local @!p0 [hbm:s0], s1  }
0x2a: {  	s0 =	simm.s32 @!p0 $0x2  }
0x2b: {  	_ =	swait.ge @!p0 [sflag:s0], s1  }
0x2c: {  	s1 =	ssub.s32 @!p0 $0x0, s1;
	[sflag:s0] =	ssyncset.done @!p0 $0x0  }
0x2d: {  	[sflag:s0] =	ssyncadd.s32 @!p0 s1  }
0x2e: {  	[bflag:$0x3] =	sbarrier.arrive $0xFFFF  }
0x2f: {  	_ =	shalt  }

// kernel: kernel.8.cloned.1.call-start
scs
__scs_entry_jumppad:
0x0: {  	(pc) =	sbr.rel $0x88, $3  }
0x1: {  	(tag) =	ssettag $0x0;
	lr =	simm.s32 $0x1  }
0x2: {  	[smem:$0x3F99] =	sst lr;
	_ =	strace $0xD0000000  }
0x3: {  	_ = 	snop  }
0x4: {  	_ = 	snop  }
0x5: {  	_ = 	snop  }
0x6: {  	_ = 	snop  }
0x7: {  	_ = 	snop  }
__scs_overlays_trampoline_lowered:
0x8: {  	[smem:$0x3FA8] =	sst s0  }
0x9: {  	[smem:$0x3FA9] =	sst s1  }
0xa: {  	[smem:$0x3FAA] =	sst s2  }
0xb: {  	[smem:$0x3FAB] =	sst s3  }
0xc: {  	[smem:$0x3FAC] =	sst s4  }
0xd: {  	[smem:$0x3FAD] =	sst s5  }
0xe: {  	[smem:$0x3FAE] =	sst s6  }
0xf: {  	[smem:$0x3FAF] =	sst s7  }
0x10: {  	[smem:$0x3FB0] =	sst s8  }
0x11: {  	[smem:$0x3FB1] =	sst s9;
	s0 =	simm.s32 @!p0 $0x0  }
0x12: {  	s1 =	sld [smem:$0x3F97];
	s0 =	simm.s32 @p0 $0x1  }
0x13: {  	[smem:$0x3FB2] =	sst s0;
	s0 =	simm.s32 @!p1 $0x0  }
0x14: {  	s2 =	sld [smem:$0x3F96];
	s0 =	simm.s32 @p1 $0x1  }
0x15: {  	[smem:$0x3FB3] =	sst s0;
	s0 =	simm.s32 @!p2 $0x0  }
0x16: {  	s3 =	sld [smem:$0x3FDB];
	s0 =	simm.s32 @p2 $0x1  }
0x17: {  	s4 =	simm.s32 $0x1BF5;
	[smem:$0x3FB5] =	sst s0  }
0x18: {  	s0 =	sld [smem:$0x3F98];
	_ =	swait.ge [sflag:s4], $0x0  }
0x19: {  	s7 =	sld [smem:$0x3F99]  }
0x1a: {  	s8 =	sadd.s32 $0xFFFFE003, lr  }
0x1b: {  	s9 =	sadd.s32 $0xFFFFFEF7, lr;
	s5 =	simm.s32 $0xFFFFFFFF;
	p2 =	slt.u32 s8, $0xFFFFF086  }
0x1c: {  	p1 =	slt.u32 s9, $0xF7A;
	s5 =	simm.s32 @!p2 $0x0  }
0x1d: {  	s5 =	simm.s32 @p1 $0x1;
	p0 =	seq.s32 s7, s2  }
0x1e: {  	s7 =	smul.u32 @!p0 $0xF7A, s2;
	p2 =	seq.s32 @!p0 s5, $0x0  }
0x1f: {  	s9 =	smul.u32 $0xF7A, s1;
	s8 =	simm.s32 @!p0 $0x1BF5;
	p2 =	por !p2, p0  }
0x20: {  	[sflag:s8] =	ssyncset.s32 @!p0 $0xFFFFF086;
	s6 =	sadd.s32 @!p0 s3, s7;
	s7 =	simm.s32 @!p0 $0x108  }
0x21: {  	s3 =	sadd.s32 s3, s9;
	s6 =	sadd.s32 @!p0 $0x88, s6;
	s7 =	simm.s32 @p2 $0x1082  }
0x22: {  	[simem:s7], [sflag:s8] =	dma.local @!p0 [hbm:s6], $0xF7A  }
0x23: {  	s9 =	sor.u32 $0xD0000000, s2;
	s6 =	simm.s32 $0x108;
	_ =	swait.ge @!p0 [sflag:s8], $0x0  }
0x24: {  	s3 =	sadd.s32 $0x88, s3;
	s6 =	simm.s32 @!p1 $0x1082;
	[sflag:s4] =	ssyncset.s32 $0xFFFFF086  }
0x25: {  	[simem:s6], [sflag:s4] =	dma.local [hbm:s3], $0xF7A  }
0x26: {  	[smem:$0x3F99] =	sst s1;
	(tag) =	ssettag s2;
	_ =	strace s9  }
0x27: {  	s1 =	sld [smem:$0x3FA9]  }
0x28: {  	s2 =	sld [smem:$0x3FAA]  }
0x29: {  	s4 =	sld [smem:$0x3FAC]  }
0x2a: {  	p0 =	seq.s32 s5, $0x0;
	s5 =	sld [smem:$0x3FAD]  }
0x2b: {  	s6 =	sld [smem:$0x3FAE]  }
0x2c: {  	s7 =	sld [smem:$0x3FAF]  }
0x2d: {  	s3 =	simm.s32 $0x108;
	s8 =	sld [smem:$0x3FB0]  }
0x2e: {  	s3 =	simm.s32 @!p0 $0x1082;
	s9 =	sld [smem:$0x3FB1]  }
0x2f: {  	lr =	sadd.s32 s0, s3;
	s0 =	sld [smem:$0x3FA8]  }
0x30: {  	s3 =	sld [smem:$0x3FAB]  }
0x31: {  	[smem:$0x3FB4] =	sst s10  }
0x32: {  	s10 =	sld [smem:$0x3FB2];
	_ =	sdelay $0x3  }
0x33: {  	p0 =	seq.s32 s10, $0x1;
	s10 =	sld [smem:$0x3FB4];
	_ =	sdelay $0x3  }
0x34: {  	[smem:$0x3FB4] =	sst s10  }
0x35: {  	s10 =	sld [smem:$0x3FB3];
	_ =	sdelay $0x3  }
0x36: {  	p1 =	seq.s32 s10, $0x1;
	s10 =	sld [smem:$0x3FB4];
	_ =	sdelay $0x3  }
0x37: {  	[smem:$0x3FB4] =	sst s10  }
0x38: {  	s10 =	sld [smem:$0x3FB5]  }
0x39: {  	_ = 	snop;
	(pc) =	sbr.ind lr, $3  }
0x3a: {  	_ = 	snop  }
0x3b: {  	_ = 	snop  }
0x3c: {  	p2 =	seq.s32 s10, $0x1;
	s10 =	sld [smem:$0x3FB4]  }
0x3d: {  	_ =	shalt  }
0x3e: {  	_ =	shalt  }
0x3f: {  	_ =	shalt  }
0x40: {  	_ =	shalt  }
0x41: {  	_ =	shalt  }
0x42: {  	_ =	shalt  }
0x43: {  	_ =	shalt  }
0x44: {  	_ =	shalt  }
0x45: {  	_ =	shalt  }
0x46: {  	_ =	shalt  }
0x47: {  	_ =	shalt  }
0x48: {  	_ =	shalt  }
0x49: {  	_ =	shalt  }
0x4a: {  	_ =	shalt  }
0x4b: {  	_ =	shalt  }
0x4c: {  	_ =	shalt  }
0x4d: {  	_ =	shalt  }
0x4e: {  	_ =	shalt  }
0x4f: {  	_ =	shalt  }
0x50: {  	_ =	shalt  }
0x51: {  	_ =	shalt  }
0x52: {  	_ =	shalt  }
0x53: {  	_ =	shalt  }
0x54: {  	_ =	shalt  }
0x55: {  	_ =	shalt  }
0x56: {  	_ =	shalt  }
0x57: {  	_ =	shalt  }
0x58: {  	_ =	shalt  }
0x59: {  	_ =	shalt  }
0x5a: {  	_ =	shalt  }
0x5b: {  	_ =	shalt  }
0x5c: {  	_ =	shalt  }
0x5d: {  	_ =	shalt  }
0x5e: {  	_ =	shalt  }
0x5f: {  	_ =	shalt  }
0x60: {  	_ =	shalt  }
0x61: {  	_ =	shalt  }
0x62: {  	_ =	shalt  }
0x63: {  	_ =	shalt  }
0x64: {  	_ =	shalt  }
0x65: {  	_ =	shalt  }
0x66: {  	_ =	shalt  }
0x67: {  	_ =	shalt  }
0x68: {  	_ =	shalt  }
0x69: {  	_ =	shalt  }
0x6a: {  	_ =	shalt  }
0x6b: {  	_ =	shalt  }
0x6c: {  	_ =	shalt  }
0x6d: {  	_ =	shalt  }
0x6e: {  	_ =	shalt  }
0x6f: {  	_ =	shalt  }
0x70: {  	_ =	shalt  }
0x71: {  	_ =	shalt  }
0x72: {  	_ =	shalt  }
0x73: {  	_ =	shalt  }
0x74: {  	_ =	shalt  }
0x75: {  	_ =	shalt  }
0x76: {  	_ =	shalt  }
0x77: {  	_ =	shalt  }
0x78: {  	_ =	shalt  }
0x79: {  	_ =	shalt  }
0x7a: {  	_ =	shalt  }
0x7b: {  	_ =	shalt  }
0x7c: {  	_ =	shalt  }
0x7d: {  	_ =	shalt  }
0x7e: {  	_ =	shalt  }
0x7f: {  	_ =	shalt  }
0x80: {  	_ =	shalt  }
0x81: {  	_ =	shalt  }
0x82: {  	_ =	shalt  }
0x83: {  	_ =	shalt  }
0x84: {  	_ =	shalt  }
0x85: {  	_ =	shalt  }
0x86: {  	_ =	shalt  }
0x87: {  	_ =	shalt  }
.Lfunc_end0:
.L_simem_size_0:
called_computation.1_lowered:
.L_overlay_start_0:
0x88: {  	s2 =	sld [smem:$0x3FD9]  }
0x89: {  	s3 =	sld [smem:$0x3FFE];
	_ =	sdelay $0x1  }
0x8a: {  	s1 =	srdreg.scid  }
0x8b: {  	s0 =	sand.u32 $0x1, s1  }
0x8c: {  	s14 =	sshll.u32 s0, $0xA;
	s2 =	sadd.s32 s3, s2  }
0x8d: {  	s2 =	sadd.s32 s2, s14  }
0x8e: {  	[smem:$0x3FC0] =	sst s2  }
0x8f: {  	_ = 	snop  }
0x90: {  	s2 =	sld [smem:$0x3FD0];
	_ =	sdelay $0x2  }
0x91: {  	s4 =	simm.s32 $0xA;
	s5 =	simm.s32 $0x10;
	s15 =	sld [smem:$0x3FC8]  }
0x92: {  	[smem:s5], [sflag:s4] =	dma.local [hbm:s2], $0x1  }
0x93: {  	_ =	swait.eq [sflag:s4], $0x1  }
0x94: {  	[sflag:s4] =	ssyncset.done $0x0  }
0x95: {  	[sflag:s4] =	ssyncadd.s32 $0xFFFFFFFF  }
0x96: {  	s16 =	sld [smem:$0x11];
	(tm) =	ssettm $0x1  }
0x97: {  	s17 =	sld [smem:$0x3FFB];
	_ =	sdelay $0x3  }
0x98: {  	_ =	strace s17  }
0x99: {  	s4 =	sld [smem:$0x3FFC];
	_ =	sdelay $0x3  }
0x9a: {  	_ =	strace s4  }
0x9b: {  	s4 =	sld [smem:$0x3FFD];
	_ =	sdelay $0x3  }
0x9c: {  	_ =	strace s4  }
0x9d: {  	_ =	strace $0x8FFFFFFF  }
0x9e: {  	s18 =	sld [smem:$0x3FDB];
	_ =	sdelay $0x1  }
0x9f: {  	s19 =	simm.s32 $_scs_section_size  }
0xa0: {  	s6 =	simm.s32 $_size__tile_overlayer_lowered;
	s7 =	simm.s32 $_tile_overlayer_lowered  }
0xa1: {  	s22 =	simm.s32 $0x1BFF;
	s21 =	sshll.u32 s7, $0x1;
	s4 =	sadd.s32 s19, s18  }
0xa2: {  	s8 =	simm.s32 $0x0;
	s20 =	sshll.u32 s6, $0x1;
	s6 =	sadd.s32 s21, s4  }
0xa3: {  	[timem:s8], [sflag:s22] =	dma.local [hbm:s6], s20  }
0xa4: {  	_ =	swait.ge [sflag:s22], s20  }
0xa5: {  	s5 =	ssub.s32 $0x0, s20;
	[sflag:s22] =	ssyncset.done $0x0  }
0xa6: {  	[sflag:s22] =	ssyncadd.s32 s5;
	_ =	sdelay $0x1  }
0xa7: {  	s23 =	simm.s32 $0x1B8B  }
0xa8: {  	_ =	swait.ge [sflag:s23], $0x1  }
0xa9: {  	[sflag:s23] =	ssyncset.done $0x0  }
0xaa: {  	s25 =	simm.s32 $0x1B8E;
	s24 =	sld [smem:$0x3FFE];
	[sflag:s23] =	ssyncadd.s32 $0xFFFFFFFF  }
0xab: {  	s26 =	simm.s32 $execute0_lowered;
	[smem:$0x3FD2] =	sst s25  }
0xac: {  	s6 =	sshll.u32 s26, $0x1;
	_ =	strace $0x80000049;
	[dreg:$0x1] =	wrdreg $0xFFFFFFFF  }
0xad: {  	s28 =	simm.s32 $_size_execute0_lowered;
	s4 =	sadd.s32 s4, s6;
	[dreg:$0x0] =	wrdreg $0x0  }
0xae: {  	s6 =	sshll.u32 s28, $0x1;
	[dreg:$0x2] =	wrdreg s4  }
0xaf: {  	[dreg:$0x3] =	wrdreg s6  }
0xb0: {  	[dreg:$0x4] =	wrdreg $0xC0  }
0xb1: {  	_ =	task [dreg:s8], $0x5FFFF  }
0xb2: {  	[dreg:$0x1] =	wrdreg $0xFFFFFFFF  }
0xb3: {  	[dreg:$0x0] =	wrdreg $0x60  }
0xb4: {  	[dreg:$0x2] =	wrdreg s15  }
0xb5: {  	[dreg:$0x3] =	wrdreg s24  }
0xb6: {  	[dreg:$0x4] =	wrdreg s16  }
0xb7: {  	[dreg:$0x5] =	wrdreg $0x9  }
0xb8: {  	_ =	task.clear_ibuf [dreg:s8], $0x6FFFF;
	_ =	strace $0x90000049  }
0xb9: {  	s29 =	simm.s32 $0x9;
	_ =	strace $0x8000004B  }
0xba: {  	_ =	swait.ge [sflag:s29], $0x1  }
0xbb: {  	[sflag:s29] =	ssyncadd.s32 $0xFFFFFFFF  }
0xbc: {  	_ =	strace $0x9000004B  }
0xbd: {  	_ =	sfence  }
0xbe: {  	s30 =	sld [smem:$0x0];
	_ =	sdelay $0x2  }
0xbf: {  	s31 =	sshll.u32 s1, $0xD;
	s1 =	sshrl.u32 s1, $0x2  }
0xc0: {  	s3 =	sand.u32 $0x4000, s31;
	s1 =	sadd.s32 s1, s30  }
0xc1: {  	s0 =	sor.u32 s3, s0;
	s1 =	sshll.u32 s1, $0x11  }
0xc2: {  	s0 =	sor.u32 s1, s0  }
0xc3: {  	s0 =	sadd.s32 $0x8F2B, s0  }
0xc4: {  	[sflag:s0] =	ssyncadd.remote.s32 $0x1  }
0xc5: {  	_ =	sfence.sel $0xFFFF  }
0xc6: {  	[dreg:$0x0] =	wrdreg $0xFFFFFFFF;
	(pc) =	sbr.abs _section_cstart, $3  }
0xc7: {  	[dreg:$0x1] =	wrdreg $0xFFFFFFFF  }
0xc8: {  	_ =	task.clear_ibuf [dreg:s8], $0x2FFFF;
	_ =	strace $0x9FFFFFFF  }
0xc9: {  	(tm) =	ssettm $0x7FFFFFFF  }
tec
execute0_lowered:
.L_overlay_start_1:
0x0: {  	(tag) =	ssettag $0x1  }
0x1: {  	s2 =	rddreg [dreg:$0x0]  }
0x2: {  	s3 =	srdreg.scid;
	s0 =	stileid.u32  }
0x3: {  	s7 =	rddreg [dreg:$0x1];
	s1 =	sand.u32 $0x1, s3;
	s4 =	sshll.u32 s0, $0x1  }
0x4: {  	s13 =	rddreg [dreg:$0x2];
	s26 =	simm.s32 $0x0;
	s4 =	sor.u32 s1, s4  }
0x5: {  	s5 =	sshll.u32 s4, $0x2;
	s6 =	sshll.u32 s4, $0x9;
	s4 =	sshll.u32 s4, $0x11  }
0x6: {  	[smem:$0x7FF] =	sst s26;
	s9 =	sor.u32 $0x1000, s4  }
0x7: {  	_ =	strace $0x8000004A;
	s8 =	sadd.s32 s2, s4;
	[smem:$0x7E3] =	sst s9  }
0x8: {  	s5 =	sadd.s32 s5, s7;
	s15 =	sor.u32 $0x5000, s4;
	[dreg:$0x7] =	wrdreg s8  }
0x9: {  	s6 =	sadd.s32 s6, s7;
	s3 =	sadd.s32 $0x1600, s5;
	[smem:$0x7E7] =	sst s15  }
0xa: {  	s6 =	sadd.s32 $0x1800, s6;
	[dreg:$0x4] =	wrdreg s3  }
0xb: {  	s5 =	sadd.s32 $0x5800, s5;
	[dreg:$0x5] =	wrdreg s6  }
0xc: {  	s19 =	sor.u32 $0x2000, s4;
	s10 =	sadd.s32 s2, s9;
	[dreg:$0x6] =	wrdreg s5  }
0xd: {  	s16 =	sor.u32 $0x3000, s4;
	s11 =	sadd.s32 s2, s19;
	[dreg:$0x8] =	wrdreg s10  }
0xe: {  	s18 =	sor.u32 $0x4000, s4;
	s12 =	sadd.s32 s2, s16;
	[dreg:$0x9] =	wrdreg s11  }
0xf: {  	s14 =	sadd.s32 s2, s18;
	[dreg:$0xa] =	wrdreg s12  }
0x10: {  	s31 =	sor.u32 $0x6000, s4;
	s17 =	sadd.s32 s2, s15;
	[dreg:$0xb] =	wrdreg s14  }
0x11: {  	s30 =	sor.u32 $0x8000, s4;
	s20 =	sadd.s32 s2, s31;
	[dreg:$0xc] =	wrdreg s17  }
0x12: {  	s25 =	sor.u32 $0xA000, s4;
	s22 =	sadd.s32 s2, s30;
	[dreg:$0xd] =	wrdreg s20  }
0x13: {  	s8 =	sor.u32 $0x7000, s4;
	s24 =	sadd.s32 s2, s25;
	[dreg:$0xf] =	wrdreg s22  }
0x14: {  	s21 =	sadd.s32 s2, s8;
	[dreg:$0x11] =	wrdreg s24  }
0x15: {  	s11 =	sor.u32 $0xF000, s4;
	[dreg:$0xe] =	wrdreg s21  }
0x16: {  	s14 =	sor.u32 $0x10000, s4;
	[smem:$0x7EC] =	sst s11  }
0x17: {  	s20 =	sor.u32 $0x11000, s4;
	[smem:$0x7EE] =	sst s14  }
0x18: {  	s17 =	sor.u32 $0x9000, s4;
	s24 =	sor.u32 $0x12000, s4;
	[smem:$0x7F0] =	sst s20  }
0x19: {  	s5 =	sor.u32 $0xB000, s4;
	s23 =	sadd.s32 s2, s17;
	[smem:$0x7F1] =	sst s24  }
0x1a: {  	s22 =	sor.u32 $0xC000, s4;
	s3 =	sadd.s32 s2, s5;
	[dreg:$0x10] =	wrdreg s23  }
0x1b: {  	s7 =	sadd.s32 s2, s22;
	[dreg:$0x12] =	wrdreg s3  }
0x1c: {  	s12 =	sadd.s32 s2, s11;
	[dreg:$0x13] =	wrdreg s7  }
0x1d: {  	s15 =	sadd.s32 s2, s14;
	[dreg:$0x16] =	wrdreg s12  }
0x1e: {  	s21 =	sor.u32 $0xD000, s4;
	s17 =	sadd.s32 s13, s17;
	[dreg:$0x17] =	wrdreg s15  }
0x1f: {  	s9 =	sadd.s32 s2, s21;
	[smem:$0x7E9] =	sst s17  }
0x20: {  	s28 =	sor.u32 $0x14000, s4;
	s23 =	sadd.s32 s2, s20;
	[dreg:$0x14] =	wrdreg s9  }
0x21: {  	s12 =	sadd.s32 s2, s28;
	[dreg:$0x18] =	wrdreg s23  }
0x22: {  	s3 =	sor.u32 $0xE000, s4;
	s15 =	sor.u32 $0x16000, s4;
	[dreg:$0x1b] =	wrdreg s12  }
0x23: {  	s17 =	sadd.s32 s13, s5;
	s28 =	sadd.s32 s13, s28;
	[smem:$0x7F3] =	sst s15  }
0x24: {  	s10 =	sadd.s32 s2, s3;
	s5 =	sadd.s32 s13, s3;
	s3 =	sld [smem:$0x7F0]  }
0x25: {  	[smem:$0x7FD] =	sst s28  }
0x26: {  	s9 =	sadd.s32 s2, s24;
	[dreg:$0x15] =	wrdreg s10  }
0x27: {  	s20 =	sadd.s32 s2, s15;
	[dreg:$0x19] =	wrdreg s9  }
0x28: {  	[dreg:$0x1d] =	wrdreg s20  }
0x29: {  	s23 =	sor.u32 $0x15000, s4;
	s10 =	sor.u32 $0x13000, s4;
	[smem:$0x7EB] =	sst s5  }
0x2a: {  	s24 =	sor.u32 $0x17000, s4;
	s14 =	sadd.s32 s2, s23;
	[smem:$0x7F2] =	sst s10  }
0x2b: {  	s7 =	sadd.s32 s2, s24;
	[dreg:$0x1c] =	wrdreg s14  }
0x2c: {  	s23 =	sadd.s32 s13, s23;
	[dreg:$0x1e] =	wrdreg s7  }
0x2d: {  	s20 =	sor.u32 $0x18000, s4;
	s11 =	sadd.s32 s2, s10;
	[smem:$0x7FC] =	sst s23  }
0x2e: {  	s15 =	sor.u32 $0x19000, s4;
	s9 =	sadd.s32 s2, s20;
	[dreg:$0x1a] =	wrdreg s11  }
0x2f: {  	s12 =	sor.u32 $0x1B000, s4;
	s10 =	sadd.s32 s2, s15;
	[dreg:$0x1f] =	wrdreg s9  }
0x30: {  	s7 =	sadd.s32 s2, s12;
	[smem:$0x7D9] =	sst s10  }
0x31: {  	[smem:$0x7DB] =	sst s7  }
0x32: {  	s14 =	sor.u32 $0x1A000, s4;
	s12 =	sadd.s32 s13, s12;
	s5 =	sld [smem:$0x7F2]  }
0x33: {  	s11 =	sadd.s32 s2, s14;
	s10 =	sor.u32 $0x1C000, s4;
	[smem:$0x7F6] =	sst s12  }
0x34: {  	[smem:$0x7DA] =	sst s11;
	s9 =	sadd.s32 s2, s10;
	s11 =	sor.u32 $0x1D000, s4  }
0x35: {  	[smem:$0x7DC] =	sst s9;
	s7 =	sadd.s32 s2, s11;
	s9 =	sor.u32 $0x1E000, s4  }
0x36: {  	[smem:$0x7DD] =	sst s7;
	s6 =	sadd.s32 s2, s9;
	s7 =	sor.u32 $0x1F000, s4  }
0x37: {  	[smem:$0x7DE] =	sst s6;
	s2 =	sadd.s32 s2, s7  }
0x38: {  	[smem:$0x7DF] =	sst s2;
	s2 =	ssub.s32 $0x2, s1;
	s1 =	simm.s32 $0x11080  }
0x39: {  	[smem:$0x7E0] =	sst s1;
	s1 =	simm.s32 $0x20  }
0x3a: {  	s6 =	sshrl.u32 s2, $0x1;
	[smem:$0x7E1] =	sst s1  }
0x3b: {  	s29 =	ssub.s32 s2, s6;
	s2 =	rddreg [dreg:$0x1]  }
0x3c: {  	s6 =	sadd.s32 s13, s4;
	s4 =	sld [smem:$0x7E3]  }
0x3d: {  	[smem:$0x7E2] =	sst s6;
	s6 =	sadd.s32 s13, s19  }
0x3e: {  	s19 =	sadd.s32 s13, s16;
	[smem:$0x7E5] =	sst s6  }
0x3f: {  	s16 =	sadd.s32 s13, s31;
	[smem:$0x7E6] =	sst s19  }
0x40: {  	[smem:$0x7F9] =	sst s16  }
0x41: {  	s6 =	sadd.s32 s13, s30;
	s1 =	sadd.s32 s13, s4;
	s4 =	sld [smem:$0x7E7]  }
0x42: {  	p0 =	por $0x0, $0x0;
	s25 =	sadd.s32 s13, s25;
	[smem:$0x7E8] =	sst s6  }
0x43: {  	s8 =	sadd.s32 s13, s8;
	s22 =	sadd.s32 s13, s22;
	s6 =	sld [smem:$0x7EC]  }
0x44: {  	s12 =	simm.s32 $0x10000;
	s19 =	sadd.s32 s13, s18;
	[smem:$0x7E4] =	sst s1  }
0x45: {  	s18 =	sadd.s32 s13, s4;
	s4 =	sadd.s32 s13, s21;
	s21 =	sld [smem:$0x7EE]  }
0x46: {  	s31 =	sadd.s32 s13, s20;
	s1 =	sadd.s32 s13, s6;
	[smem:$0x7EA] =	sst s4  }
0x47: {  	s20 =	smax.u32 s29, $0x1;
	s30 =	sadd.s32 s13, s15;
	[smem:$0x7ED] =	sst s1  }
0x48: {  	s15 =	smov.u32 s13;
	s1 =	sadd.s32 s13, s21;
	s21 =	sld [smem:$0x7F3]  }
0x49: {  	s6 =	sadd.s32 s13, s3;
	s3 =	sadd.s32 s13, s5;
	s4 =	sld [smem:$0x7F1]  }
0x4a: {  	s5 =	sadd.s32 s13, s24;
	s24 =	smov.u32 s25;
	s25 =	sadd.s32 s13, s14  }
0x4b: {  	s14 =	sadd.s32 s13, s10;
	[smem:$0x7EF] =	sst s1;
	s1 =	sadd.s32 s13, s21  }
0x4c: {  	s4 =	sadd.s32 s13, s4;
	s21 =	sadd.s32 s13, s9;
	[smem:$0x7F4] =	sst s1  }
0x4d: {  	s1 =	smov.u32 s22;
	s22 =	sadd.s32 s13, s11;
	s13 =	sadd.s32 $0xFFFFFFFF, s20  }
0x4e: {  	s2 =	sadd.s32 $0x5A00, s2;
	[smem:$0x7F5] =	sst s5;
	p1 =	sne.s32 s13, $0x0  }
.Ltmp0:
0x4f: {  	s29 =	simm.s32 $0x6;
	[smem:$0x7F7] =	sst s14;
	(pc) =	sbr.rel @!p1 .LBB2_5-.Ltmp0, $4  }
0x50: {  	s10 =	simm.s32 $0x2;
	s5 =	smov.u32 s17;
	[smem:$0x7FA] =	sst s24  }
0x51: {  	s17 =	smov.u32 s8;
	s8 =	simm.s32 $0x8000;
	[smem:$0x7FB] =	sst s5  }
0x52: {  	s9 =	simm.s32 $0x3;
	s20 =	sadd.s32 s15, s7;
	s15 =	simm.s32 $0x10080  }
0x53: {  	s11 =	simm.s32 $0x1;
	s7 =	simm.s32 $0x4;
	[smem:$0x7F8] =	sst s1  }
0x54: {  	s14 =	rddreg [dreg:$0x4]  }
0x55: {  	[tilespmem:s12], [sflag:$0x6] =	stream.linear.gather [hbm4b:s14+s26], $0x20, $0x38;
	[tilespmem:$0x11100] =	vst v63  }
0x56: {  	_ =	swait.ge [sflag:s29], $0x20  }
0x57: {  	[sflag:s29] =	ssyncset.done $0x0  }
0x58: {  	s12 =	rddreg [dreg:$0x5];
	[sflag:s29] =	ssyncadd.s32 $0xFFFFFFE0  }
0x59: {  	[tilespmem:s15], [sflag:$0x6] =	stream.linear.gather [hbm4b:s12+s26], $0x1000, $0x38;
	[tilespmem:$0x11100] =	vst v63  }
0x5a: {  	_ =	swait.ge [sflag:s29], $0x1000  }
0x5b: {  	s12 =	sld [smem:$0x7E0]  }
0x5c: {  	[sflag:s29] =	ssyncset.done $0x0  }
0x5d: {  	s15 =	rddreg [dreg:$0x6];
	[sflag:s29] =	ssyncadd.s32 $0xFFFFF000  }
0x5e: {  	[tilespmem:s12], [sflag:$0x6] =	stream.linear.gather [hbm4b:s15+s26], $0x20, $0x38;
	[tilespmem:$0x11100] =	vst v63  }
0x5f: {  	_ =	swait.ge [sflag:s29], $0x20  }
0x60: {  	[sflag:s29] =	ssyncset.done $0x0  }
0x61: {  	s12 =	rddreg [dreg:$0x7];
	[sflag:s29] =	ssyncadd.s32 $0xFFFFFFE0  }
0x62: {  	[tilespmem:s26], [sflag:$0x1] =	stream.linear.gather [hbm4b:s12+s26], $0x8000, $0x38;
	[tilespmem:$0x11100] =	vst v63  }
0x63: {  	_ =	swait.ge [sflag:s11], $0x8000  }
0x64: {  	s15 =	sld [smem:$0x7E2]  }
0x65: {  	[sflag:s11] =	ssyncset.done $0x0  }
0x66: {  	[sflag:s11] =	ssyncadd.s32 $0xFFFF8000  }
0x67: {  	[hbm4b:s15+s26] =	stream.linear.scatter [tilespmem:s26], [sflag:$0x3], $0x8000, $0x38;
	[tilespmem:$0x11100] =	vst v63  }
0x68: {  	s14 =	rddreg [dreg:$0x8]  }
0x69: {  	[tilespmem:s8], [sflag:$0x2] =	stream.linear.gather [hbm4b:s14+s26], $0x8000, $0x38;
	[tilespmem:$0x11100] =	vst v63  }
0x6a: {  	_ =	swait.ge [sflag:s10], $0x8000  }
0x6b: {  	s15 =	sld [smem:$0x7E4]  }
0x6c: {  	[sflag:s10] =	ssyncset.done $0x0  }
0x6d: {  	[sflag:s10] =	ssyncadd.s32 $0xFFFF8000  }
0x6e: {  	[hbm4b:s15+s26] =	stream.linear.scatter [tilespmem:s8], [sflag:$0x4], $0x8000, $0x38;
	[tilespmem:$0x11100] =	vst v63  }
0x6f: {  	_ =	swait.ge [sflag:s9], $0x8000  }
0x70: {  	[sflag:s9] =	ssyncset.done $0x0  }
0x71: {  	s12 =	rddreg [dreg:$0x9];
	[sflag:s9] =	ssyncadd.s32 $0xFFFF8000  }
0x72: {  	[tilespmem:s26], [sflag:$0x1] =	stream.linear.gather [hbm4b:s12+s26], $0x8000, $0x38;
	[tilespmem:$0x11100] =	vst v63  }
0x73: {  	_ =	swait.ge [sflag:s11], $0x8000  }
0x74: {  	s15 =	sld [smem:$0x7E5]  }
0x75: {  	[sflag:s11] =	ssyncset.done $0x0  }
0x76: {  	[sflag:s11] =	ssyncadd.s32 $0xFFFF8000  }
0x77: {  	[hbm4b:s15+s26] =	stream.linear.scatter [tilespmem:s26], [sflag:$0x3], $0x8000, $0x38;
	[tilespmem:$0x11100] =	vst v63  }
0x78: {  	_ =	swait.ge [sflag:s7], $0x8000  }
0x79: {  	[sflag:s7] =	ssyncset.done $0x0  }
0x7a: {  	s12 =	rddreg [dreg:$0xa];
	[sflag:s7] =	ssyncadd.s32 $0xFFFF8000  }
0x7b: {  	[tilespmem:s8], [sflag:$0x2] =	stream.linear.gather [hbm4b:s12+s26], $0x8000, $0x38;
	[tilespmem:$0x11100] =	vst v63  }
0x7c: {  	_ =	swait.ge [sflag:s10], $0x8000  }
0x7d: {  	s14 =	sld [smem:$0x7E6]  }
0x7e: {  	[sflag:s10] =	ssyncset.done $0x0  }
0x7f: {  	[sflag:s10] =	ssyncadd.s32 $0xFFFF8000  }
0x80: {  	[hbm4b:s14+s26] =	stream.linear.scatter [tilespmem:s8], [sflag:$0x4], $0x8000, $0x38;
	[tilespmem:$0x11100] =	vst v63  }
0x81: {  	_ =	swait.ge [sflag:s9], $0x8000  }
0x82: {  	[sflag:s9] =	ssyncset.done $0x0  }
0x83: {  	s15 =	rddreg [dreg:$0xb];
	[sflag:s9] =	ssyncadd.s32 $0xFFFF8000  }
0x84: {  	[tilespmem:s26], [sflag:$0x1] =	stream.linear.gather [hbm4b:s15+s26], $0x8000, $0x38;
	[tilespmem:$0x11100] =	vst v63  }
0x85: {  	_ =	swait.ge [sflag:s11], $0x8000  }
0x86: {  	[sflag:s11] =	ssyncset.done $0x0  }
0x87: {  	[sflag:s11] =	ssyncadd.s32 $0xFFFF8000  }
0x88: {  	[hbm4b:s19+s26] =	stream.linear.scatter [tilespmem:s26], [sflag:$0x3], $0x8000, $0x38;
	[tilespmem:$0x11100] =	vst v63  }
0x89: {  	_ =	swait.ge [sflag:s7], $0x8000  }
0x8a: {  	[sflag:s7] =	ssyncset.done $0x0  }
0x8b: {  	s12 =	rddreg [dreg:$0xc];
	[sflag:s7] =	ssyncadd.s32 $0xFFFF8000  }
0x8c: {  	[tilespmem:s8], [sflag:$0x2] =	stream.linear.gather [hbm4b:s12+s26], $0x8000, $0x38;
	[tilespmem:$0x11100] =	vst v63  }
0x8d: {  	_ =	swait.ge [sflag:s10], $0x8000  }
0x8e: {  	[sflag:s10] =	ssyncset.done $0x0  }
0x8f: {  	[sflag:s10] =	ssyncadd.s32 $0xFFFF8000  }
0x90: {  	[hbm4b:s18+s26] =	stream.linear.scatter [tilespmem:s8], [sflag:$0x4], $0x8000, $0x38;
	[tilespmem:$0x11100] =	vst v63  }
0x91: {  	_ =	swait.ge [sflag:s9], $0x8000  }
0x92: {  	[sflag:s9] =	ssyncset.done $0x0  }
0x93: {  	s15 =	rddreg [dreg:$0xd];
	[sflag:s9] =	ssyncadd.s32 $0xFFFF8000  }
0x94: {  	[tilespmem:s26], [sflag:$0x1] =	stream.linear.gather [hbm4b:s15+s26], $0x8000, $0x38;
	[tilespmem:$0x11100] =	vst v63  }
0x95: {  	_ =	swait.ge [sflag:s11], $0x8000  }
0x96: {  	[sflag:s11] =	ssyncset.done $0x0  }
0x97: {  	[sflag:s11] =	ssyncadd.s32 $0xFFFF8000  }
0x98: {  	[hbm4b:s16+s26] =	stream.linear.scatter [tilespmem:s26], [sflag:$0x3], $0x8000, $0x38;
	[tilespmem:$0x11100] =	vst v63  }
0x99: {  	_ =	swait.ge [sflag:s7], $0x8000  }
0x9a: {  	[sflag:s7] =	ssyncset.done $0x0  }
0x9b: {  	s16 =	rddreg [dreg:$0xe];
	[sflag:s7] =	ssyncadd.s32 $0xFFFF8000  }
0x9c: {  	[tilespmem:s8], [sflag:$0x2] =	stream.linear.gather [hbm4b:s16+s26], $0x8000, $0x38;
	[tilespmem:$0x11100] =	vst v63  }
0x9d: {  	_ =	swait.ge [sflag:s10], $0x8000  }
0x9e: {  	[sflag:s10] =	ssyncset.done $0x0  }
0x9f: {  	[sflag:s10] =	ssyncadd.s32 $0xFFFF8000  }
0xa0: {  	[hbm4b:s17+s26] =	stream.linear.scatter [tilespmem:s8], [sflag:$0x4], $0x8000, $0x38;
	[tilespmem:$0x11100] =	vst v63  }
0xa1: {  	_ =	swait.ge [sflag:s9], $0x8000  }
0xa2: {  	[sflag:s9] =	ssyncset.done $0x0  }
0xa3: {  	s12 =	rddreg [dreg:$0xf];
	[sflag:s9] =	ssyncadd.s32 $0xFFFF8000  }
0xa4: {  	[tilespmem:s26], [sflag:$0x1] =	stream.linear.gather [hbm4b:s12+s26], $0x8000, $0x38;
	[tilespmem:$0x11100] =	vst v63  }
0xa5: {  	_ =	swait.ge [sflag:s11], $0x8000  }
0xa6: {  	[smem:$0x7CC] =	sst s18  }
0xa7: {  	s18 =	sld [smem:$0x7E8]  }
0xa8: {  	[sflag:s11] =	ssyncset.done $0x0  }
0xa9: {  	[sflag:s11] =	ssyncadd.s32 $0xFFFF8000  }
0xaa: {  	[hbm4b:s18+s26] =	stream.linear.scatter [tilespmem:s26], [sflag:$0x3], $0x8000, $0x38;
	[tilespmem:$0x11100] =	vst v63  }
0xab: {  	_ =	swait.ge [sflag:s7], $0x8000  }
0xac: {  	[sflag:s7] =	ssyncset.done $0x0  }
0xad: {  	s15 =	rddreg [dreg:$0x10];
	[sflag:s7] =	ssyncadd.s32 $0xFFFF8000  }
0xae: {  	[tilespmem:s8], [sflag:$0x2] =	stream.linear.gather [hbm4b:s15+s26], $0x8000, $0x38;
	[tilespmem:$0x11100] =	vst v63  }
0xaf: {  	_ =	swait.ge [sflag:s10], $0x8000  }
0xb0: {  	[smem:$0x7CD] =	sst s19  }
0xb1: {  	s19 =	sld [smem:$0x7E9]  }
0xb2: {  	[sflag:s10] =	ssyncset.done $0x0  }
0xb3: {  	[sflag:s10] =	ssyncadd.s32 $0xFFFF8000  }
0xb4: {  	[hbm4b:s19+s26] =	stream.linear.scatter [tilespmem:s8], [sflag:$0x4], $0x8000, $0x38;
	[tilespmem:$0x11100] =	vst v63  }
0xb5: {  	_ =	swait.ge [sflag:s9], $0x8000  }
0xb6: {  	[sflag:s9] =	ssyncset.done $0x0  }
0xb7: {  	s16 =	rddreg [dreg:$0x11];
	[sflag:s9] =	ssyncadd.s32 $0xFFFF8000  }
0xb8: {  	[tilespmem:s26], [sflag:$0x1] =	stream.linear.gather [hbm4b:s16+s26], $0x8000, $0x38;
	[tilespmem:$0x11100] =	vst v63  }
0xb9: {  	_ =	swait.ge [sflag:s11], $0x8000  }
0xba: {  	[sflag:s11] =	ssyncset.done $0x0  }
0xbb: {  	[sflag:s11] =	ssyncadd.s32 $0xFFFF8000  }
0xbc: {  	[hbm4b:s24+s26] =	stream.linear.scatter [tilespmem:s26], [sflag:$0x3], $0x8000, $0x38;
	[tilespmem:$0x11100] =	vst v63  }
0xbd: {  	_ =	swait.ge [sflag:s7], $0x8000  }
0xbe: {  	[sflag:s7] =	ssyncset.done $0x0  }
0xbf: {  	s12 =	rddreg [dreg:$0x12];
	[sflag:s7] =	ssyncadd.s32 $0xFFFF8000  }
0xc0: {  	[tilespmem:s8], [sflag:$0x2] =	stream.linear.gather [hbm4b:s12+s26], $0x8000, $0x38;
	[tilespmem:$0x11100] =	vst v63  }
0xc1: {  	_ =	swait.ge [sflag:s10], $0x8000  }
0xc2: {  	[sflag:s10] =	ssyncset.done $0x0  }
0xc3: {  	[sflag:s10] =	ssyncadd.s32 $0xFFFF8000  }
0xc4: {  	[hbm4b:s5+s26] =	stream.linear.scatter [tilespmem:s8], [sflag:$0x4], $0x8000, $0x38;
	[tilespmem:$0x11100] =	vst v63  }
0xc5: {  	_ =	swait.ge [sflag:s9], $0x8000  }
0xc6: {  	[sflag:s9] =	ssyncset.done $0x0  }
0xc7: {  	s15 =	rddreg [dreg:$0x13];
	[sflag:s9] =	ssyncadd.s32 $0xFFFF8000  }
0xc8: {  	[tilespmem:s26], [sflag:$0x1] =	stream.linear.gather [hbm4b:s15+s26], $0x8000, $0x38;
	[tilespmem:$0x11100] =	vst v63  }
0xc9: {  	_ =	swait.ge [sflag:s11], $0x8000  }
0xca: {  	[sflag:s11] =	ssyncset.done $0x0  }
0xcb: {  	[sflag:s11] =	ssyncadd.s32 $0xFFFF8000  }
0xcc: {  	[hbm4b:s1+s26] =	stream.linear.scatter [tilespmem:s26], [sflag:$0x3], $0x8000, $0x38;
	[tilespmem:$0x11100] =	vst v63  }
0xcd: {  	_ =	swait.ge [sflag:s7], $0x8000  }
0xce: {  	[sflag:s7] =	ssyncset.done $0x0  }
0xcf: {  	s16 =	rddreg [dreg:$0x14];
	[sflag:s7] =	ssyncadd.s32 $0xFFFF8000  }
0xd0: {  	[tilespmem:s8], [sflag:$0x2] =	stream.linear.gather [hbm4b:s16+s26], $0x8000, $0x38;
	[tilespmem:$0x11100] =	vst v63  }
0xd1: {  	_ =	swait.ge [sflag:s10], $0x8000  }
0xd2: {  	s24 =	sld [smem:$0x7EA]  }
0xd3: {  	[sflag:s10] =	ssyncset.done $0x0  }
0xd4: {  	[sflag:s10] =	ssyncadd.s32 $0xFFFF8000  }
0xd5: {  	[hbm4b:s24+s26] =	stream.linear.scatter [tilespmem:s8], [sflag:$0x4], $0x8000, $0x38;
	[tilespmem:$0x11100] =	vst v63  }
0xd6: {  	_ =	swait.ge [sflag:s9], $0x8000  }
0xd7: {  	[sflag:s9] =	ssyncset.done $0x0  }
0xd8: {  	s1 =	rddreg [dreg:$0x15];
	[sflag:s9] =	ssyncadd.s32 $0xFFFF8000  }
0xd9: {  	[tilespmem:s26], [sflag:$0x1] =	stream.linear.gather [hbm4b:s1+s26], $0x8000, $0x38;
	[tilespmem:$0x11100] =	vst v63  }
0xda: {  	_ =	swait.ge [sflag:s11], $0x8000  }
0xdb: {  	s5 =	sld [smem:$0x7EB]  }
0xdc: {  	[sflag:s11] =	ssyncset.done $0x0  }
0xdd: {  	[sflag:s11] =	ssyncadd.s32 $0xFFFF8000  }
0xde: {  	[hbm4b:s5+s26] =	stream.linear.scatter [tilespmem:s26], [sflag:$0x3], $0x8000, $0x38;
	[tilespmem:$0x11100] =	vst v63  }
0xdf: {  	_ =	swait.ge [sflag:s7], $0x8000  }
0xe0: {  	[sflag:s7] =	ssyncset.done $0x0  }
0xe1: {  	s12 =	rddreg [dreg:$0x16];
	[sflag:s7] =	ssyncadd.s32 $0xFFFF8000  }
0xe2: {  	[tilespmem:s8], [sflag:$0x2] =	stream.linear.gather [hbm4b:s12+s26], $0x8000, $0x38;
	[tilespmem:$0x11100] =	vst v63  }
0xe3: {  	_ =	swait.ge [sflag:s10], $0x8000  }
0xe4: {  	s15 =	sld [smem:$0x7ED]  }
0xe5: {  	[sflag:s10] =	ssyncset.done $0x0  }
0xe6: {  	[sflag:s10] =	ssyncadd.s32 $0xFFFF8000  }
0xe7: {  	[hbm4b:s15+s26] =	stream.linear.scatter [tilespmem:s8], [sflag:$0x4], $0x8000, $0x38;
	[tilespmem:$0x11100] =	vst v63  }
0xe8: {  	_ =	swait.ge [sflag:s9], $0x8000  }
0xe9: {  	[sflag:s9] =	ssyncset.done $0x0  }
0xea: {  	s16 =	rddreg [dreg:$0x17];
	[sflag:s9] =	ssyncadd.s32 $0xFFFF8000  }
0xeb: {  	[tilespmem:s26], [sflag:$0x1] =	stream.linear.gather [hbm4b:s16+s26], $0x8000, $0x38;
	[tilespmem:$0x11100] =	vst v63  }
0xec: {  	_ =	swait.ge [sflag:s11], $0x8000  }
0xed: {  	s24 =	sld [smem:$0x7EF]  }
0xee: {  	[sflag:s11] =	ssyncset.done $0x0  }
0xef: {  	[smem:$0x7D4] =	sst s13;
	[sflag:s11] =	ssyncadd.s32 $0xFFFF8000  }
0xf0: {  	[hbm4b:s24+s26] =	stream.linear.scatter [tilespmem:s26], [sflag:$0x3], $0x8000, $0x38;
	[tilespmem:$0x11100] =	vst v63  }
0xf1: {  	_ =	swait.ge [sflag:s7], $0x8000  }
0xf2: {  	[sflag:s7] =	ssyncset.done $0x0  }
0xf3: {  	s1 =	rddreg [dreg:$0x18];
	[sflag:s7] =	ssyncadd.s32 $0xFFFF8000  }
0xf4: {  	[tilespmem:s8], [sflag:$0x2] =	stream.linear.gather [hbm4b:s1+s26], $0x8000, $0x38;
	[tilespmem:$0x11100] =	vst v63  }
0xf5: {  	_ =	swait.ge [sflag:s10], $0x8000  }
0xf6: {  	[sflag:s10] =	ssyncset.done $0x0  }
0xf7: {  	[smem:$0x7D1] =	sst s6;
	[sflag:s10] =	ssyncadd.s32 $0xFFFF8000  }
0xf8: {  	[hbm4b:s6+s26] =	stream.linear.scatter [tilespmem:s8], [sflag:$0x4], $0x8000, $0x38;
	[tilespmem:$0x11100] =	vst v63  }
0xf9: {  	_ =	swait.ge [sflag:s9], $0x8000  }
0xfa: {  	[sflag:s9] =	ssyncset.done $0x0  }
0xfb: {  	s5 =	rddreg [dreg:$0x19];
	[sflag:s9] =	ssyncadd.s32 $0xFFFF8000  }
0xfc: {  	[tilespmem:s26], [sflag:$0x1] =	stream.linear.gather [hbm4b:s5+s26], $0x8000, $0x38;
	[tilespmem:$0x11100] =	vst v63  }
0xfd: {  	_ =	swait.ge [sflag:s11], $0x8000  }
0xfe: {  	[sflag:s11] =	ssyncset.done $0x0  }
0xff: {  	[smem:$0x7D2] =	sst s4;
	[sflag:s11] =	ssyncadd.s32 $0xFFFF8000  }
0x100: {  	[hbm4b:s4+s26] =	stream.linear.scatter [tilespmem:s26], [sflag:$0x3], $0x8000, $0x38;
	[tilespmem:$0x11100] =	vst v63  }
0x101: {  	_ =	swait.ge [sflag:s7], $0x8000  }
0x102: {  	[sflag:s7] =	ssyncset.done $0x0  }
0x103: {  	s12 =	rddreg [dreg:$0x1a];
	[sflag:s7] =	ssyncadd.s32 $0xFFFF8000  }
0x104: {  	[tilespmem:s8], [sflag:$0x2] =	stream.linear.gather [hbm4b:s12+s26], $0x8000, $0x38;
	[tilespmem:$0x11100] =	vst v63  }
0x105: {  	_ =	swait.ge [sflag:s10], $0x8000  }
0x106: {  	[sflag:s10] =	ssyncset.done $0x0  }
0x107: {  	[smem:$0x7D3] =	sst s3;
	[sflag:s10] =	ssyncadd.s32 $0xFFFF8000  }
0x108: {  	[hbm4b:s3+s26] =	stream.linear.scatter [tilespmem:s8], [sflag:$0x4], $0x8000, $0x38;
	[tilespmem:$0x11100] =	vst v63  }
0x109: {  	_ =	swait.ge [sflag:s9], $0x8000  }
0x10a: {  	[sflag:s9] =	ssyncset.done $0x0  }
0x10b: {  	s13 =	rddreg [dreg:$0x1b];
	[sflag:s9] =	ssyncadd.s32 $0xFFFF8000  }
0x10c: {  	[tilespmem:s26], [sflag:$0x1] =	stream.linear.gather [hbm4b:s13+s26], $0x8000, $0x38;
	[tilespmem:$0x11100] =	vst v63  }
0x10d: {  	_ =	swait.ge [sflag:s11], $0x8000  }
0x10e: {  	[sflag:s11] =	ssyncset.done $0x0  }
0x10f: {  	[sflag:s11] =	ssyncadd.s32 $0xFFFF8000  }
0x110: {  	[hbm4b:s28+s26] =	stream.linear.scatter [tilespmem:s26], [sflag:$0x3], $0x8000, $0x38;
	[tilespmem:$0x11100] =	vst v63  }
0x111: {  	_ =	swait.ge [sflag:s7], $0x8000  }
0x112: {  	[sflag:s7] =	ssyncset.done $0x0  }
0x113: {  	s15 =	rddreg [dreg:$0x1c];
	[sflag:s7] =	ssyncadd.s32 $0xFFFF8000  }
0x114: {  	[tilespmem:s8], [sflag:$0x2] =	stream.linear.gather [hbm4b:s15+s26], $0x8000, $0x38;
	[tilespmem:$0x11100] =	vst v63  }
0x115: {  	_ =	swait.ge [sflag:s10], $0x8000  }
0x116: {  	[sflag:s10] =	ssyncset.done $0x0  }
0x117: {  	[sflag:s10] =	ssyncadd.s32 $0xFFFF8000  }
0x118: {  	[hbm4b:s23+s26] =	stream.linear.scatter [tilespmem:s8], [sflag:$0x4], $0x8000, $0x38;
	[tilespmem:$0x11100] =	vst v63  }
0x119: {  	_ =	swait.ge [sflag:s9], $0x8000  }
0x11a: {  	[sflag:s9] =	ssyncset.done $0x0  }
0x11b: {  	s16 =	rddreg [dreg:$0x1d];
	[sflag:s9] =	ssyncadd.s32 $0xFFFF8000  }
0x11c: {  	[tilespmem:s26], [sflag:$0x1] =	stream.linear.gather [hbm4b:s16+s26], $0x8000, $0x38;
	[tilespmem:$0x11100] =	vst v63  }
0x11d: {  	_ =	swait.ge [sflag:s11], $0x8000  }
0x11e: {  	s24 =	sld [smem:$0x7F4]  }
0x11f: {  	[sflag:s11] =	ssyncset.done $0x0  }
0x120: {  	[sflag:s11] =	ssyncadd.s32 $0xFFFF8000  }
0x121: {  	[hbm4b:s24+s26] =	stream.linear.scatter [tilespmem:s26], [sflag:$0x3], $0x8000, $0x38;
	[tilespmem:$0x11100] =	vst v63  }
0x122: {  	_ =	swait.ge [sflag:s7], $0x8000  }
0x123: {  	[sflag:s7] =	ssyncset.done $0x0  }
0x124: {  	s1 =	rddreg [dreg:$0x1e];
	[sflag:s7] =	ssyncadd.s32 $0xFFFF8000  }
0x125: {  	[tilespmem:s8], [sflag:$0x2] =	stream.linear.gather [hbm4b:s1+s26], $0x8000, $0x38;
	[tilespmem:$0x11100] =	vst v63  }
0x126: {  	_ =	swait.ge [sflag:s10], $0x8000  }
0x127: {  	s5 =	sld [smem:$0x7F5]  }
0x128: {  	[sflag:s10] =	ssyncset.done $0x0  }
0x129: {  	[sflag:s10] =	ssyncadd.s32 $0xFFFF8000  }
0x12a: {  	[hbm4b:s5+s26] =	stream.linear.scatter [tilespmem:s8], [sflag:$0x4], $0x8000, $0x38;
	[tilespmem:$0x11100] =	vst v63  }
0x12b: {  	_ =	swait.ge [sflag:s9], $0x8000  }
0x12c: {  	[sflag:s9] =	ssyncset.done $0x0  }
0x12d: {  	s12 =	rddreg [dreg:$0x1f];
	[sflag:s9] =	ssyncadd.s32 $0xFFFF8000  }
0x12e: {  	[tilespmem:s26], [sflag:$0x1] =	stream.linear.gather [hbm4b:s12+s26], $0x8000, $0x38;
	[tilespmem:$0x11100] =	vst v63  }
0x12f: {  	_ =	swait.ge [sflag:s11], $0x8000  }
0x130: {  	[sflag:s11] =	ssyncset.done $0x0  }
0x131: {  	[sflag:s11] =	ssyncadd.s32 $0xFFFF8000  }
0x132: {  	[hbm4b:s31+s26] =	stream.linear.scatter [tilespmem:s26], [sflag:$0x3], $0x8000, $0x38;
	[tilespmem:$0x11100] =	vst v63  }
0x133: {  	_ =	swait.ge [sflag:s7], $0x8000  }
0x134: {  	s13 =	sld [smem:$0x7D9]  }
0x135: {  	[sflag:s7] =	ssyncset.done $0x0  }
0x136: {  	[sflag:s7] =	ssyncadd.s32 $0xFFFF8000  }
0x137: {  	[tilespmem:s8], [sflag:$0x2] =	stream.linear.gather [hbm4b:s13+s26], $0x8000, $0x38;
	[tilespmem:$0x11100] =	vst v63  }
0x138: {  	_ =	swait.ge [sflag:s10], $0x8000  }
0x139: {  	[sflag:s10] =	ssyncset.done $0x0  }
0x13a: {  	[sflag:s10] =	ssyncadd.s32 $0xFFFF8000  }
0x13b: {  	[hbm4b:s30+s26] =	stream.linear.scatter [tilespmem:s8], [sflag:$0x4], $0x8000, $0x38;
	[tilespmem:$0x11100] =	vst v63  }
0x13c: {  	_ =	swait.ge [sflag:s9], $0x8000  }
0x13d: {  	s15 =	sld [smem:$0x7DA]  }
0x13e: {  	[sflag:s9] =	ssyncset.done $0x0  }
0x13f: {  	[sflag:s9] =	ssyncadd.s32 $0xFFFF8000  }
0x140: {  	[tilespmem:s26], [sflag:$0x1] =	stream.linear.gather [hbm4b:s15+s26], $0x8000, $0x38;
	[tilespmem:$0x11100] =	vst v63  }
0x141: {  	_ =	swait.ge [sflag:s11], $0x8000  }
0x142: {  	[sflag:s11] =	ssyncset.done $0x0  }
0x143: {  	[sflag:s11] =	ssyncadd.s32 $0xFFFF8000  }
0x144: {  	[hbm4b:s25+s26] =	stream.linear.scatter [tilespmem:s26], [sflag:$0x3], $0x8000, $0x38;
	[tilespmem:$0x11100] =	vst v63  }
0x145: {  	_ =	swait.ge [sflag:s7], $0x8000  }
0x146: {  	s16 =	sld [smem:$0x7DB]  }
0x147: {  	[sflag:s7] =	ssyncset.done $0x0  }
0x148: {  	[sflag:s7] =	ssyncadd.s32 $0xFFFF8000  }
0x149: {  	[tilespmem:s8], [sflag:$0x2] =	stream.linear.gather [hbm4b:s16+s26], $0x8000, $0x38;
	[tilespmem:$0x11100] =	vst v63  }
0x14a: {  	_ =	swait.ge [sflag:s10], $0x8000  }
0x14b: {  	s24 =	sld [smem:$0x7F6]  }
0x14c: {  	[sflag:s10] =	ssyncset.done $0x0  }
0x14d: {  	[sflag:s10] =	ssyncadd.s32 $0xFFFF8000  }
0x14e: {  	[hbm4b:s24+s26] =	stream.linear.scatter [tilespmem:s8], [sflag:$0x4], $0x8000, $0x38;
	[tilespmem:$0x11100] =	vst v63  }
0x14f: {  	_ =	swait.ge [sflag:s9], $0x8000  }
0x150: {  	s1 =	sld [smem:$0x7DC]  }
0x151: {  	[sflag:s9] =	ssyncset.done $0x0  }
0x152: {  	[sflag:s9] =	ssyncadd.s32 $0xFFFF8000  }
0x153: {  	[tilespmem:s26], [sflag:$0x1] =	stream.linear.gather [hbm4b:s1+s26], $0x8000, $0x38;
	[tilespmem:$0x11100] =	vst v63  }
0x154: {  	_ =	swait.ge [sflag:s11], $0x8000  }
0x155: {  	s5 =	sld [smem:$0x7F7]  }
0x156: {  	[sflag:s11] =	ssyncset.done $0x0  }
0x157: {  	[sflag:s11] =	ssyncadd.s32 $0xFFFF8000  }
0x158: {  	[hbm4b:s5+s26] =	stream.linear.scatter [tilespmem:s26], [sflag:$0x3], $0x8000, $0x38;
	[tilespmem:$0x11100] =	vst v63  }
0x159: {  	_ =	swait.ge [sflag:s7], $0x8000  }
0x15a: {  	s12 =	sld [smem:$0x7DD]  }
0x15b: {  	[sflag:s7] =	ssyncset.done $0x0  }
0x15c: {  	[sflag:s7] =	ssyncadd.s32 $0xFFFF8000  }
0x15d: {  	[tilespmem:s8], [sflag:$0x2] =	stream.linear.gather [hbm4b:s12+s26], $0x8000, $0x38;
	[tilespmem:$0x11100] =	vst v63  }
0x15e: {  	_ =	swait.ge [sflag:s10], $0x8000  }
0x15f: {  	[sflag:s10] =	ssyncset.done $0x0  }
0x160: {  	[sflag:s10] =	ssyncadd.s32 $0xFFFF8000  }
0x161: {  	[hbm4b:s22+s26] =	stream.linear.scatter [tilespmem:s8], [sflag:$0x4], $0x8000, $0x38;
	[tilespmem:$0x11100] =	vst v63  }
0x162: {  	_ =	swait.ge [sflag:s9], $0x8000  }
0x163: {  	s13 =	sld [smem:$0x7DE]  }
0x164: {  	[sflag:s9] =	ssyncset.done $0x0  }
0x165: {  	[sflag:s9] =	ssyncadd.s32 $0xFFFF8000  }
0x166: {  	[tilespmem:s26], [sflag:$0x1] =	stream.linear.gather [hbm4b:s13+s26], $0x8000, $0x38;
	[tilespmem:$0x11100] =	vst v63  }
0x167: {  	_ =	swait.ge [sflag:s11], $0x8000  }
0x168: {  	[sflag:s11] =	ssyncset.done $0x0  }
0x169: {  	[sflag:s11] =	ssyncadd.s32 $0xFFFF8000  }
0x16a: {  	[hbm4b:s21+s26] =	stream.linear.scatter [tilespmem:s26], [sflag:$0x3], $0x8000, $0x38;
	[tilespmem:$0x11100] =	vst v63  }
0x16b: {  	_ =	swait.ge [sflag:s7], $0x8000  }
0x16c: {  	s15 =	sld [smem:$0x7DF]  }
0x16d: {  	[sflag:s7] =	ssyncset.done $0x0  }
0x16e: {  	[sflag:s7] =	ssyncadd.s32 $0xFFFF8000  }
0x16f: {  	[tilespmem:s8], [sflag:$0x2] =	stream.linear.gather [hbm4b:s15+s26], $0x8000, $0x38;
	[tilespmem:$0x11100] =	vst v63  }
0x170: {  	_ =	swait.ge [sflag:s10], $0x8000  }
0x171: {  	[sflag:s10] =	ssyncset.done $0x0  }
0x172: {  	[sflag:s10] =	ssyncadd.s32 $0xFFFF8000  }
0x173: {  	[hbm4b:s20+s26] =	stream.linear.scatter [tilespmem:s8], [sflag:$0x4], $0x8000, $0x38;
	[tilespmem:$0x11100] =	vst v63  }
0x174: {  	_ =	swait.ge [sflag:s9], $0x8000  }
0x175: {  	[sflag:s9] =	ssyncset.done $0x0  }
0x176: {  	[sflag:s9] =	ssyncadd.s32 $0xFFFF8000  }
0x177: {  	_ =	swait.ge [sflag:s7], $0x8000  }
0x178: {  	s16 =	sld [smem:$0x7E1];
	[sflag:s7] =	ssyncset.done $0x0  }
0x179: {  	[sflag:s7] =	ssyncadd.s32 $0xFFFF8000  }
0x17a: {  	s5 =	simm.s32 $0x10000;
	s12 =	simm.s32 $0x10080;
	s24 =	rddreg [dreg:$0x2]  }
0x17b: {  	[hbm4b:s24+s16] =	stream.indirect.scatter [tilespmem:s12], [sflag:$0x5], $0x80, s5, s16, $0xb8;
	[tilespmem:$0x11100] =	vst v63  }
0x17c: {  	s16 =	simm.s32 $0x5  }
0x17d: {  	_ =	swait.ge [sflag:s16], $0x1000  }
0x17e: {  	[sflag:s16] =	ssyncset.done $0x0  }
0x17f: {  	[sflag:s16] =	ssyncadd.s32 $0xFFFFF000  }
0x180: {  	v0 =	vld [tilespmem:$0x11080];
	_ =	sdelay $0x4  }
0x181: {  	(v2sf) =	vpush v0, $0x0  }
0x182: {  	(v2sf) =	vpush v0, $0x1;
	_ =	sdelay $0x2  }
0x183: {  	(v2sf) =	vpush v0, $0x2;
	_ =	sdelay $0x3  }
0x184: {  	(v2sf) =	vpush v0, $0x3  }
0x185: {  	(v2sf) =	vpush v0, $0x4;
	_ =	sdelay $0x4  }
0x186: {  	(v2sf) =	vpush v0, $0x5  }
0x187: {  	(v2sf) =	vpush v0, $0x6;
	s24 =	spop (v2sf)  }
0x188: {  	s13 =	sld [smem:$0x7F9];
	(v2sf) =	vpush v0, $0x7;
	s1 =	spop (v2sf)  }
0x189: {  	(v2sf) =	vpush v0, $0x8;
	p1 =	seq.s32 s24, $0x0;
	p0 =	seq.s32 s1, $0x0;
	s1 =	sld [smem:$0x7E2]  }
0x18a: {  	[smem:$0x7CE] =	sst s17;
	(v2sf) =	vpush v0, $0x9;
	s15 =	sshll.u32 @!p1 s0, $0x6  }
0x18b: {  	s5 =	spop (v2sf);
	s17 =	simm.s32 @!p1 $0x6;
	(v2sf) =	vpush v0, $0xA;
	s15 =	sor.u32 @!p1 $0x1C06, s15  }
0x18c: {  	[hbm:s1], [sflag:s15] =	dma.local @!p1 [hbm:s2], $0x1000  }
0x18d: {  	s14 =	sshll.u32 @!p0 s0, $0x6;
	_ =	swait.ge @!p1 [sflag:s17], $0x1000  }
0x18e: {  	s24 =	smov.u32 s18;
	s14 =	sor.u32 @!p0 $0x1C06, s14;
	s12 =	sld [smem:$0x7E4]  }
0x18f: {  	s15 =	spop (v2sf);
	[sflag:s17] =	ssyncset.done @!p1 $0x0;
	(v2sf) =	vpush v0, $0xB;
	s18 =	sld [smem:$0x7CC]  }
0x190: {  	s1 =	spop (v2sf);
	[sflag:s17] =	ssyncadd.s32 @!p1 $0xFFFFF000;
	s17 =	simm.s32 @!p0 $0x6;
	(v2sf) =	vpush v0, $0xC  }
0x191: {  	[hbm:s12], [sflag:s14] =	dma.local @!p0 [hbm:s2], $0x1000  }
0x192: {  	p1 =	seq.s32 s5, $0x0;
	_ =	swait.ge @!p0 [sflag:s17], $0x1000  }
0x193: {  	s14 =	sshll.u32 @!p1 s0, $0x6;
	[sflag:s17] =	ssyncset.done @!p0 $0x0  }
0x194: {  	[sflag:s17] =	ssyncadd.s32 @!p0 $0xFFFFF000;
	p0 =	seq.s32 s15, $0x0;
	s15 =	sld [smem:$0x7E5]  }
0x195: {  	s12 =	smov.u32 s19;
	s14 =	sor.u32 @!p1 $0x1C06, s14;
	s16 =	spop (v2sf);
	(v2sf) =	vpush v0, $0xD  }
0x196: {  	s19 =	sld [smem:$0x7CD];
	s5 =	spop (v2sf);
	s17 =	simm.s32 @!p1 $0x6;
	(v2sf) =	vpush v0, $0xE  }
0x197: {  	[hbm:s15], [sflag:s14] =	dma.local @!p1 [hbm:s2], $0x1000  }
0x198: {  	_ =	swait.ge @!p1 [sflag:s17], $0x1000  }
0x199: {  	s15 =	spop (v2sf)  }
0x19a: {  	s29 =	spop (v2sf)  }
0x19b: {  	[smem:$0x7CF] =	sst s29  }
0x19c: {  	s29 =	sld [smem:$0x7E6]  }
0x19d: {  	s14 =	sshll.u32 @!p0 s0, $0x6;
	[sflag:s17] =	ssyncset.done @!p1 $0x0  }
0x19e: {  	s14 =	sor.u32 @!p0 $0x1C06, s14;
	(v2sf) =	vpush v0, $0xF;
	[sflag:s17] =	ssyncadd.s32 @!p1 $0xFFFFF000;
	s17 =	simm.s32 @!p0 $0x6  }
0x19f: {  	[hbm:s29], [sflag:s14] =	dma.local @!p0 [hbm:s2], $0x1000  }
0x1a0: {  	p1 =	seq.s32 s1, $0x0;
	_ =	swait.ge @!p0 [sflag:s17], $0x1000  }
0x1a1: {  	s14 =	sshll.u32 @!p1 s0, $0x6;
	s1 =	spop (v2sf);
	[sflag:s17] =	ssyncset.done @!p0 $0x0  }
0x1a2: {  	s14 =	sor.u32 @!p1 $0x1C06, s14;
	s29 =	spop (v2sf);
	[sflag:s17] =	ssyncadd.s32 @!p0 $0xFFFFF000  }
0x1a3: {  	s17 =	simm.s32 @!p1 $0x6;
	p0 =	seq.s32 s16, $0x0;
	[smem:$0x7D0] =	sst s29  }
0x1a4: {  	[hbm:s19], [sflag:s14] =	dma.local @!p1 [hbm:s2], $0x1000  }
0x1a5: {  	s14 =	sshll.u32 @!p0 s0, $0x6;
	_ =	swait.ge @!p1 [sflag:s17], $0x1000  }
0x1a6: {  	s14 =	sor.u32 @!p0 $0x1C06, s14;
	s16 =	spop (v2sf);
	[sflag:s17] =	ssyncset.done @!p1 $0x0  }
0x1a7: {  	s29 =	spop (v2sf);
	[sflag:s17] =	ssyncadd.s32 @!p1 $0xFFFFF000;
	s17 =	simm.s32 @!p0 $0x6  }
0x1a8: {  	[hbm:s18], [sflag:s14] =	dma.local @!p0 [hbm:s2], $0x1000  }
0x1a9: {  	p1 =	seq.s32 s5, $0x0;
	_ =	swait.ge @!p0 [sflag:s17], $0x1000  }
0x1aa: {  	s14 =	sshll.u32 @!p1 s0, $0x6;
	s19 =	spop (v2sf);
	[sflag:s17] =	ssyncset.done @!p0 $0x0  }
0x1ab: {  	s14 =	sor.u32 @!p1 $0x1C06, s14;
	[sflag:s17] =	ssyncadd.s32 @!p0 $0xFFFFF000;
	s17 =	spop (v2sf)  }
0x1ac: {  	[hbm:s13], [sflag:s14] =	dma.local @!p1 [hbm:s2], $0x1000  }
0x1ad: {  	s14 =	simm.s32 @!p1 $0x6  }
0x1ae: {  	_ =	swait.ge @!p1 [sflag:s14], $0x1000  }
0x1af: {  	p0 =	seq.s32 s15, $0x0;
	s5 =	sld [smem:$0x7CE]  }
0x1b0: {  	s15 =	sshll.u32 @!p0 s0, $0x6;
	[sflag:s14] =	ssyncset.done @!p1 $0x0  }
0x1b1: {  	s15 =	sor.u32 @!p0 $0x1C06, s15;
	s18 =	spop (v2sf);
	[sflag:s14] =	ssyncadd.s32 @!p1 $0xFFFFF000  }
0x1b2: {  	[hbm:s5], [sflag:s15] =	dma.local @!p0 [hbm:s2], $0x1000  }
0x1b3: {  	s5 =	sld [smem:$0x7CF];
	_ =	sdelay $0x1  }
0x1b4: {  	s15 =	simm.s32 @!p0 $0x6  }
0x1b5: {  	_ =	swait.ge @!p0 [sflag:s15], $0x1000;
	p1 =	seq.s32 s5, $0x0  }
0x1b6: {  	[sflag:s15] =	ssyncset.done @!p0 $0x0;
	s13 =	sshll.u32 @!p1 s0, $0x6  }
0x1b7: {  	[sflag:s15] =	ssyncadd.s32 @!p0 $0xFFFFF000;
	s15 =	simm.s32 @!p1 $0x6;
	s13 =	sor.u32 @!p1 $0x1C06, s13  }
0x1b8: {  	[hbm:s24], [sflag:s13] =	dma.local @!p1 [hbm:s2], $0x1000  }
0x1b9: {  	p0 =	seq.s32 s1, $0x0;
	_ =	swait.ge @!p1 [sflag:s15], $0x1000  }
0x1ba: {  	s13 =	sshll.u32 @!p0 s0, $0x6;
	[sflag:s15] =	ssyncset.done @!p1 $0x0  }
0x1bb: {  	s13 =	sor.u32 @!p0 $0x1C06, s13;
	[sflag:s15] =	ssyncadd.s32 @!p1 $0xFFFFF000  }
0x1bc: {  	[hbm:s12], [sflag:s13] =	dma.local @!p0 [hbm:s2], $0x1000  }
0x1bd: {  	s13 =	sld [smem:$0x7D0]  }
0x1be: {  	s15 =	simm.s32 @!p0 $0x6  }
0x1bf: {  	_ =	swait.ge @!p0 [sflag:s15], $0x1000  }
0x1c0: {  	s1 =	sld [smem:$0x7FA];
	p1 =	seq.s32 s13, $0x0  }
0x1c1: {  	[sflag:s15] =	ssyncset.done @!p0 $0x0;
	s13 =	sshll.u32 @!p1 s0, $0x6  }
0x1c2: {  	[sflag:s15] =	ssyncadd.s32 @!p0 $0xFFFFF000;
	s15 =	simm.s32 @!p1 $0x6;
	s13 =	sor.u32 @!p1 $0x1C06, s13  }
0x1c3: {  	[hbm:s1], [sflag:s13] =	dma.local @!p1 [hbm:s2], $0x1000  }
0x1c4: {  	_ =	swait.ge @!p1 [sflag:s15], $0x1000  }
0x1c5: {  	p0 =	seq.s32 s16, $0x0;
	s1 =	sld [smem:$0x7FB]  }
0x1c6: {  	s13 =	sshll.u32 @!p0 s0, $0x6;
	[sflag:s15] =	ssyncset.done @!p1 $0x0  }
0x1c7: {  	s13 =	sor.u32 @!p0 $0x1C06, s13;
	[sflag:s15] =	ssyncadd.s32 @!p1 $0xFFFFF000;
	s15 =	simm.s32 @!p0 $0x6  }
0x1c8: {  	[hbm:s1], [sflag:s13] =	dma.local @!p0 [hbm:s2], $0x1000  }
0x1c9: {  	_ =	swait.ge @!p0 [sflag:s15], $0x1000  }
0x1ca: {  	p1 =	seq.s32 s29, $0x0;
	s1 =	sld [smem:$0x7F8]  }
0x1cb: {  	s13 =	sshll.u32 @!p1 s0, $0x6;
	[sflag:s15] =	ssyncset.done @!p0 $0x0  }
0x1cc: {  	s13 =	sor.u32 @!p1 $0x1C06, s13;
	[sflag:s15] =	ssyncadd.s32 @!p0 $0xFFFFF000;
	s15 =	simm.s32 @!p1 $0x6  }
0x1cd: {  	[hbm:s1], [sflag:s13] =	dma.local @!p1 [hbm:s2], $0x1000  }
0x1ce: {  	_ =	swait.ge @!p1 [sflag:s15], $0x1000  }
0x1cf: {  	p0 =	seq.s32 s19, $0x0;
	s1 =	sld [smem:$0x7EA]  }
0x1d0: {  	s13 =	sshll.u32 @!p0 s0, $0x6;
	[sflag:s15] =	ssyncset.done @!p1 $0x0  }
0x1d1: {  	s13 =	sor.u32 @!p0 $0x1C06, s13;
	[sflag:s15] =	ssyncadd.s32 @!p1 $0xFFFFF000;
	s15 =	simm.s32 @!p0 $0x6  }
0x1d2: {  	[hbm:s1], [sflag:s13] =	dma.local @!p0 [hbm:s2], $0x1000  }
0x1d3: {  	_ =	swait.ge @!p0 [sflag:s15], $0x1000  }
0x1d4: {  	p1 =	seq.s32 s17, $0x0;
	s1 =	sld [smem:$0x7EB]  }
0x1d5: {  	s13 =	sshll.u32 @!p1 s0, $0x6;
	[sflag:s15] =	ssyncset.done @!p0 $0x0  }
0x1d6: {  	s13 =	sor.u32 @!p1 $0x1C06, s13;
	[sflag:s15] =	ssyncadd.s32 @!p0 $0xFFFFF000;
	s15 =	simm.s32 @!p1 $0x6  }
0x1d7: {  	[hbm:s1], [sflag:s13] =	dma.local @!p1 [hbm:s2], $0x1000  }
0x1d8: {  	_ =	swait.ge @!p1 [sflag:s15], $0x1000  }
0x1d9: {  	p0 =	seq.s32 s18, $0x0;
	s1 =	sld [smem:$0x7ED]  }
0x1da: {  	s13 =	sshll.u32 @!p0 s0, $0x6;
	[sflag:s15] =	ssyncset.done @!p1 $0x0  }
0x1db: {  	s14 =	simm.s32 @!p0 $0x6;
	s13 =	sor.u32 @!p0 $0x1C06, s13;
	[sflag:s15] =	ssyncadd.s32 @!p1 $0xFFFFF000  }
0x1dc: {  	[hbm:s1], [sflag:s13] =	dma.local @!p0 [hbm:s2], $0x1000  }
0x1dd: {  	_ =	swait.ge @!p0 [sflag:s14], $0x1000  }
0x1de: {  	[sflag:s14] =	ssyncset.done @!p0 $0x0  }
0x1df: {  	[sflag:s14] =	ssyncadd.s32 @!p0 $0xFFFFF000  }
0x1e0: {  	v63 =	vld [tilespmem:$0x11090];
	_ =	sdelay $0x4  }
0x1e1: {  	(v2sf) =	vpush v63, $0x0;
	_ =	sdelay $0x1  }
0x1e2: {  	(v2sf) =	vpush v63, $0x1  }
0x1e3: {  	(v2sf) =	vpush v63, $0x2;
	_ =	sdelay $0x3  }
0x1e4: {  	(v2sf) =	vpush v63, $0x3  }
0x1e5: {  	(v2sf) =	vpush v63, $0x4;
	_ =	sdelay $0x3  }
0x1e6: {  	(v2sf) =	vpush v63, $0x5  }
0x1e7: {  	(v2sf) =	vpush v63, $0x6;
	_ =	sdelay $0x1  }
0x1e8: {  	(v2sf) =	vpush v63, $0x7;
	s17 =	spop (v2sf)  }
0x1e9: {  	s1 =	sld [smem:$0x7EF];
	(v2sf) =	vpush v63, $0x8;
	p1 =	seq.s32 s17, $0x0  }
0x1ea: {  	s18 =	spop (v2sf);
	(v2sf) =	vpush v63, $0x9;
	s14 =	sshll.u32 @!p1 s0, $0x6  }
0x1eb: {  	s19 =	spop (v2sf);
	s16 =	simm.s32 @!p1 $0x6;
	(v2sf) =	vpush v63, $0xA;
	s14 =	sor.u32 @!p1 $0x1C06, s14  }
0x1ec: {  	[hbm:s1], [sflag:s14] =	dma.local @!p1 [hbm:s2], $0x1000  }
0x1ed: {  	p0 =	seq.s32 s18, $0x0;
	_ =	swait.ge @!p1 [sflag:s16], $0x1000  }
0x1ee: {  	s13 =	sshll.u32 @!p0 s0, $0x6;
	s1 =	sld [smem:$0x7D1]  }
0x1ef: {  	s13 =	sor.u32 @!p0 $0x1C06, s13;
	s24 =	spop (v2sf);
	[sflag:s16] =	ssyncset.done @!p1 $0x0;
	(v2sf) =	vpush v63, $0xB  }
0x1f0: {  	s12 =	spop (v2sf);
	[sflag:s16] =	ssyncadd.s32 @!p1 $0xFFFFF000;
	s16 =	simm.s32 @!p0 $0x6;
	(v2sf) =	vpush v63, $0xC  }
0x1f1: {  	[hbm:s1], [sflag:s13] =	dma.local @!p0 [hbm:s2], $0x1000  }
0x1f2: {  	p1 =	seq.s32 s19, $0x0;
	_ =	swait.ge @!p0 [sflag:s16], $0x1000  }
0x1f3: {  	s13 =	sshll.u32 @!p1 s0, $0x6;
	s1 =	sld [smem:$0x7D2]  }
0x1f4: {  	s13 =	sor.u32 @!p1 $0x1C06, s13;
	s5 =	spop (v2sf);
	[sflag:s16] =	ssyncset.done @!p0 $0x0;
	(v2sf) =	vpush v63, $0xD  }
0x1f5: {  	s18 =	spop (v2sf);
	[sflag:s16] =	ssyncadd.s32 @!p0 $0xFFFFF000;
	s16 =	simm.s32 @!p1 $0x6;
	(v2sf) =	vpush v63, $0xE  }
0x1f6: {  	[hbm:s1], [sflag:s13] =	dma.local @!p1 [hbm:s2], $0x1000  }
0x1f7: {  	p0 =	seq.s32 s24, $0x0;
	_ =	swait.ge @!p1 [sflag:s16], $0x1000  }
0x1f8: {  	s13 =	sshll.u32 @!p0 s0, $0x6;
	s1 =	sld [smem:$0x7D3]  }
0x1f9: {  	s13 =	sor.u32 @!p0 $0x1C06, s13;
	s24 =	spop (v2sf);
	[sflag:s16] =	ssyncset.done @!p1 $0x0  }
0x1fa: {  	s19 =	spop (v2sf);
	(v2sf) =	vpush v63, $0xF;
	[sflag:s16] =	ssyncadd.s32 @!p1 $0xFFFFF000;
	s16 =	simm.s32 @!p0 $0x6  }
0x1fb: {  	[hbm:s1], [sflag:s13] =	dma.local @!p0 [hbm:s2], $0x1000  }
0x1fc: {  	p1 =	seq.s32 s12, $0x0;
	_ =	swait.ge @!p0 [sflag:s16], $0x1000  }
0x1fd: {  	s13 =	sshll.u32 @!p1 s0, $0x6;
	s1 =	sld [smem:$0x7FD]  }
0x1fe: {  	s13 =	sor.u32 @!p1 $0x1C06, s13;
	s17 =	spop (v2sf);
	[sflag:s16] =	ssyncset.done @!p0 $0x0  }
0x1ff: {  	s12 =	spop (v2sf);
	[sflag:s16] =	ssyncadd.s32 @!p0 $0xFFFFF000;
	s16 =	simm.s32 @!p1 $0x6  }
0x200: {  	[hbm:s1], [sflag:s13] =	dma.local @!p1 [hbm:s2], $0x1000  }
0x201: {  	p0 =	seq.s32 s5, $0x0;
	_ =	swait.ge @!p1 [sflag:s16], $0x1000  }
0x202: {  	s13 =	sshll.u32 @!p0 s0, $0x6;
	s1 =	sld [smem:$0x7FC]  }
0x203: {  	s13 =	sor.u32 @!p0 $0x1C06, s13;
	s15 =	spop (v2sf);
	[sflag:s16] =	ssyncset.done @!p1 $0x0  }
0x204: {  	s5 =	spop (v2sf);
	[sflag:s16] =	ssyncadd.s32 @!p1 $0xFFFFF000;
	s16 =	simm.s32 @!p0 $0x6  }
0x205: {  	[hbm:s1], [sflag:s13] =	dma.local @!p0 [hbm:s2], $0x1000  }
0x206: {  	_ =	swait.ge @!p0 [sflag:s16], $0x1000  }
0x207: {  	p1 =	seq.s32 s18, $0x0;
	s1 =	sld [smem:$0x7F4]  }
0x208: {  	s13 =	sshll.u32 @!p1 s0, $0x6;
	s18 =	spop (v2sf);
	[sflag:s16] =	ssyncset.done @!p0 $0x0  }
0x209: {  	s13 =	sor.u32 @!p1 $0x1C06, s13;
	[sflag:s16] =	ssyncadd.s32 @!p0 $0xFFFFF000;
	s16 =	spop (v2sf)  }
0x20a: {  	[hbm:s1], [sflag:s13] =	dma.local @!p1 [hbm:s2], $0x1000  }
0x20b: {  	s13 =	simm.s32 @!p1 $0x6  }
0x20c: {  	_ =	swait.ge @!p1 [sflag:s13], $0x1000  }
0x20d: {  	p0 =	seq.s32 s24, $0x0;
	s1 =	sld [smem:$0x7F5]  }
0x20e: {  	s14 =	sshll.u32 @!p0 s0, $0x6;
	[sflag:s13] =	ssyncset.done @!p1 $0x0  }
0x20f: {  	s14 =	sor.u32 @!p0 $0x1C06, s14;
	s24 =	spop (v2sf);
	[sflag:s13] =	ssyncadd.s32 @!p1 $0xFFFFF000  }
0x210: {  	[hbm:s1], [sflag:s14] =	dma.local @!p0 [hbm:s2], $0x1000  }
0x211: {  	s14 =	simm.s32 @!p0 $0x6  }
0x212: {  	p1 =	seq.s32 s19, $0x0;
	_ =	swait.ge @!p0 [sflag:s14], $0x1000  }
0x213: {  	s19 =	sshll.u32 @!p1 s0, $0x6;
	[sflag:s14] =	ssyncset.done @!p0 $0x0  }
0x214: {  	[sflag:s14] =	ssyncadd.s32 @!p0 $0xFFFFF000;
	s14 =	sor.u32 @!p1 $0x1C06, s19  }
0x215: {  	[hbm:s31], [sflag:s14] =	dma.local @!p1 [hbm:s2], $0x1000  }
0x216: {  	s14 =	simm.s32 @!p1 $0x6  }
0x217: {  	p0 =	seq.s32 s17, $0x0;
	_ =	swait.ge @!p1 [sflag:s14], $0x1000  }
0x218: {  	s17 =	sshll.u32 @!p0 s0, $0x6;
	[sflag:s14] =	ssyncset.done @!p1 $0x0  }
0x219: {  	[sflag:s14] =	ssyncadd.s32 @!p1 $0xFFFFF000;
	s14 =	sor.u32 @!p0 $0x1C06, s17  }
0x21a: {  	[hbm:s30], [sflag:s14] =	dma.local @!p0 [hbm:s2], $0x1000  }
0x21b: {  	s14 =	simm.s32 @!p0 $0x6  }
0x21c: {  	p1 =	seq.s32 s12, $0x0;
	_ =	swait.ge @!p0 [sflag:s14], $0x1000  }
0x21d: {  	s17 =	sshll.u32 @!p1 s0, $0x6;
	[sflag:s14] =	ssyncset.done @!p0 $0x0  }
0x21e: {  	[sflag:s14] =	ssyncadd.s32 @!p0 $0xFFFFF000;
	s14 =	sor.u32 @!p1 $0x1C06, s17  }
0x21f: {  	[hbm:s25], [sflag:s14] =	dma.local @!p1 [hbm:s2], $0x1000  }
0x220: {  	s14 =	simm.s32 @!p1 $0x6  }
0x221: {  	_ =	swait.ge @!p1 [sflag:s14], $0x1000  }
0x222: {  	p0 =	seq.s32 s15, $0x0;
	s1 =	sld [smem:$0x7F6]  }
0x223: {  	s15 =	sshll.u32 @!p0 s0, $0x6;
	[sflag:s14] =	ssyncset.done @!p1 $0x0  }
0x224: {  	[sflag:s14] =	ssyncadd.s32 @!p1 $0xFFFFF000;
	s14 =	sor.u32 @!p0 $0x1C06, s15  }
0x225: {  	[hbm:s1], [sflag:s14] =	dma.local @!p0 [hbm:s2], $0x1000  }
0x226: {  	s14 =	simm.s32 @!p0 $0x6  }
0x227: {  	_ =	swait.ge @!p0 [sflag:s14], $0x1000  }
0x228: {  	p1 =	seq.s32 s5, $0x0;
	s1 =	sld [smem:$0x7F7]  }
0x229: {  	s15 =	sshll.u32 @!p1 s0, $0x6;
	[sflag:s14] =	ssyncset.done @!p0 $0x0  }
0x22a: {  	[sflag:s14] =	ssyncadd.s32 @!p0 $0xFFFFF000;
	s14 =	sor.u32 @!p1 $0x1C06, s15  }
0x22b: {  	[hbm:s1], [sflag:s14] =	dma.local @!p1 [hbm:s2], $0x1000  }
0x22c: {  	s14 =	simm.s32 @!p1 $0x6  }
0x22d: {  	p0 =	seq.s32 s18, $0x0;
	_ =	swait.ge @!p1 [sflag:s14], $0x1000  }
0x22e: {  	s15 =	sshll.u32 @!p0 s0, $0x6;
	[sflag:s14] =	ssyncset.done @!p1 $0x0  }
0x22f: {  	[sflag:s14] =	ssyncadd.s32 @!p1 $0xFFFFF000;
	s14 =	sor.u32 @!p0 $0x1C06, s15  }
0x230: {  	[hbm:s22], [sflag:s14] =	dma.local @!p0 [hbm:s2], $0x1000  }
0x231: {  	s14 =	simm.s32 @!p0 $0x6  }
0x232: {  	p1 =	seq.s32 s16, $0x0;
	_ =	swait.ge @!p0 [sflag:s14], $0x1000  }
0x233: {  	s15 =	sshll.u32 @!p1 s0, $0x6;
	[sflag:s14] =	ssyncset.done @!p0 $0x0  }
0x234: {  	[sflag:s14] =	ssyncadd.s32 @!p0 $0xFFFFF000;
	s14 =	sor.u32 @!p1 $0x1C06, s15  }
0x235: {  	[hbm:s21], [sflag:s14] =	dma.local @!p1 [hbm:s2], $0x1000  }
0x236: {  	s14 =	simm.s32 @!p1 $0x6  }
0x237: {  	p2 =	seq.s32 s24, $0x0;
	_ =	swait.ge @!p1 [sflag:s14], $0x1000  }
0x238: {  	s15 =	sshll.u32 @!p2 s0, $0x6;
	[sflag:s14] =	ssyncset.done @!p1 $0x0;
	s24 =	sld [smem:$0x7D4]  }
0x239: {  	[sflag:s14] =	ssyncadd.s32 @!p1 $0xFFFFF000;
	s14 =	sor.u32 @!p2 $0x1C06, s15  }
0x23a: {  	[hbm:s20], [sflag:s14] =	dma.local @!p2 [hbm:s2], $0x1000  }
0x23b: {  	s29 =	sadd.s32 $0xFFFFFFFF, s24  }
0x23c: {  	s14 =	simm.s32 @!p2 $0x6;
	p1 =	sne.s32 s29, $0x0  }
.Ltmp1:
0x23d: {  	_ =	swait.ge @!p2 [sflag:s14], $0x1000;
	(pc) =	sbr.rel @!p1 .LBB2_2-.Ltmp1, $4  }
0x23e: {  	[smem:$0x7D5] =	sst s20  }
0x23f: {  	[smem:$0x7D6] =	sst s25  }
0x240: {  	[smem:$0x7D7] =	sst s21  }
0x241: {  	p0 =	por $0x1, $0x1;
	[smem:$0x7D8] =	sst s31  }
.LBB2_3:
0x242: {  	s15 =	rddreg [dreg:$0x4];
	[sflag:s14] =	ssyncset.done @!p2 $0x0  }
0x243: {  	s16 =	simm.s32 $0x10000;
	s1 =	simm.s32 $0x6;
	[sflag:s14] =	ssyncadd.s32 @!p2 $0xFFFFF000  }
0x244: {  	[tilespmem:s16], [sflag:$0x6] =	stream.linear.gather [hbm4b:s15+s26], $0x20, $0x38;
	[tilespmem:$0x11100] =	vst v63  }
0x245: {  	_ =	swait.ge [sflag:s1], $0x20  }
0x246: {  	[sflag:s1] =	ssyncset.done $0x0  }
0x247: {  	s17 =	simm.s32 $0x10080;
	s5 =	rddreg [dreg:$0x5];
	[sflag:s1] =	ssyncadd.s32 $0xFFFFFFE0  }
0x248: {  	[tilespmem:s17], [sflag:$0x6] =	stream.linear.gather [hbm4b:s5+s26], $0x1000, $0x38;
	[tilespmem:$0x11100] =	vst v63  }
0x249: {  	_ =	swait.ge [sflag:s1], $0x1000  }
0x24a: {  	s13 =	sld [smem:$0x7E0]  }
0x24b: {  	[sflag:s1] =	ssyncset.done $0x0  }
0x24c: {  	s12 =	rddreg [dreg:$0x6];
	[sflag:s1] =	ssyncadd.s32 $0xFFFFF000  }
0x24d: {  	[tilespmem:s13], [sflag:$0x6] =	stream.linear.gather [hbm4b:s12+s26], $0x20, $0x38;
	[tilespmem:$0x11100] =	vst v63  }
0x24e: {  	_ =	swait.ge [sflag:s1], $0x20  }
0x24f: {  	[sflag:s1] =	ssyncset.done $0x0  }
0x250: {  	s18 =	rddreg [dreg:$0x7];
	[sflag:s1] =	ssyncadd.s32 $0xFFFFFFE0  }
0x251: {  	[tilespmem:s26], [sflag:$0x1] =	stream.linear.gather [hbm4b:s18+s26], $0x8000, $0x38;
	[tilespmem:$0x11100] =	vst v63  }
0x252: {  	_ =	swait.ge [sflag:s11], $0x8000  }
0x253: {  	s18 =	sld [smem:$0x7E2]  }
0x254: {  	[sflag:s11] =	ssyncset.done $0x0  }
0x255: {  	[sflag:s11] =	ssyncadd.s32 $0xFFFF8000  }
0x256: {  	[hbm4b:s18+s26] =	stream.linear.scatter [tilespmem:s26], [sflag:$0x3], $0x8000, $0x38;
	[tilespmem:$0x11100] =	vst v63  }
0x257: {  	s19 =	rddreg [dreg:$0x8]  }
0x258: {  	[tilespmem:s8], [sflag:$0x2] =	stream.linear.gather [hbm4b:s19+s26], $0x8000, $0x38;
	[tilespmem:$0x11100] =	vst v63  }
0x259: {  	_ =	swait.ge [sflag:s10], $0x8000  }
0x25a: {  	s19 =	sld [smem:$0x7E4]  }
0x25b: {  	[sflag:s10] =	ssyncset.done $0x0  }
0x25c: {  	[sflag:s10] =	ssyncadd.s32 $0xFFFF8000  }
0x25d: {  	[hbm4b:s19+s26] =	stream.linear.scatter [tilespmem:s8], [sflag:$0x4], $0x8000, $0x38;
	[tilespmem:$0x11100] =	vst v63  }
0x25e: {  	_ =	swait.ge [sflag:s9], $0x8000  }
0x25f: {  	[sflag:s9] =	ssyncset.done $0x0  }
0x260: {  	s24 =	rddreg [dreg:$0x9];
	[sflag:s9] =	ssyncadd.s32 $0xFFFF8000  }
0x261: {  	[tilespmem:s26], [sflag:$0x1] =	stream.linear.gather [hbm4b:s24+s26], $0x8000, $0x38;
	[tilespmem:$0x11100] =	vst v63  }
0x262: {  	_ =	swait.ge [sflag:s11], $0x8000  }
0x263: {  	s12 =	sld [smem:$0x7E5]  }
0x264: {  	[sflag:s11] =	ssyncset.done $0x0  }
0x265: {  	[sflag:s11] =	ssyncadd.s32 $0xFFFF8000  }
0x266: {  	[hbm4b:s12+s26] =	stream.linear.scatter [tilespmem:s26], [sflag:$0x3], $0x8000, $0x38;
	[tilespmem:$0x11100] =	vst v63  }
0x267: {  	_ =	swait.ge [sflag:s7], $0x8000  }
0x268: {  	[sflag:s7] =	ssyncset.done $0x0  }
0x269: {  	s1 =	rddreg [dreg:$0xa];
	[sflag:s7] =	ssyncadd.s32 $0xFFFF8000  }
0x26a: {  	[tilespmem:s8], [sflag:$0x2] =	stream.linear.gather [hbm4b:s1+s26], $0x8000, $0x38;
	[tilespmem:$0x11100] =	vst v63  }
0x26b: {  	_ =	swait.ge [sflag:s10], $0x8000  }
0x26c: {  	s24 =	sld [smem:$0x7E6]  }
0x26d: {  	[sflag:s10] =	ssyncset.done $0x0  }
0x26e: {  	[sflag:s10] =	ssyncadd.s32 $0xFFFF8000  }
0x26f: {  	[hbm4b:s24+s26] =	stream.linear.scatter [tilespmem:s8], [sflag:$0x4], $0x8000, $0x38;
	[tilespmem:$0x11100] =	vst v63  }
0x270: {  	_ =	swait.ge [sflag:s9], $0x8000  }
0x271: {  	[sflag:s9] =	ssyncset.done $0x0  }
0x272: {  	s5 =	rddreg [dreg:$0xb];
	[sflag:s9] =	ssyncadd.s32 $0xFFFF8000  }
0x273: {  	[tilespmem:s26], [sflag:$0x1] =	stream.linear.gather [hbm4b:s5+s26], $0x8000, $0x38;
	[tilespmem:$0x11100] =	vst v63  }
0x274: {  	_ =	swait.ge [sflag:s11], $0x8000  }
0x275: {  	s5 =	sld [smem:$0x7CD]  }
0x276: {  	[sflag:s11] =	ssyncset.done $0x0  }
0x277: {  	[sflag:s11] =	ssyncadd.s32 $0xFFFF8000  }
0x278: {  	[hbm4b:s5+s26] =	stream.linear.scatter [tilespmem:s26], [sflag:$0x3], $0x8000, $0x38;
	[tilespmem:$0x11100] =	vst v63  }
0x279: {  	_ =	swait.ge [sflag:s7], $0x8000  }
0x27a: {  	[sflag:s7] =	ssyncset.done $0x0  }
0x27b: {  	s13 =	rddreg [dreg:$0xc];
	[sflag:s7] =	ssyncadd.s32 $0xFFFF8000  }
0x27c: {  	[tilespmem:s8], [sflag:$0x2] =	stream.linear.gather [hbm4b:s13+s26], $0x8000, $0x38;
	[tilespmem:$0x11100] =	vst v63  }
0x27d: {  	_ =	swait.ge [sflag:s10], $0x8000  }
0x27e: {  	s15 =	sld [smem:$0x7CC]  }
0x27f: {  	[sflag:s10] =	ssyncset.done $0x0  }
0x280: {  	[sflag:s10] =	ssyncadd.s32 $0xFFFF8000  }
0x281: {  	[hbm4b:s15+s26] =	stream.linear.scatter [tilespmem:s8], [sflag:$0x4], $0x8000, $0x38;
	[tilespmem:$0x11100] =	vst v63  }
0x282: {  	_ =	swait.ge [sflag:s9], $0x8000  }
0x283: {  	[sflag:s9] =	ssyncset.done $0x0  }
0x284: {  	s13 =	rddreg [dreg:$0xd];
	[sflag:s9] =	ssyncadd.s32 $0xFFFF8000  }
0x285: {  	[tilespmem:s26], [sflag:$0x1] =	stream.linear.gather [hbm4b:s13+s26], $0x8000, $0x38;
	[tilespmem:$0x11100] =	vst v63  }
0x286: {  	_ =	swait.ge [sflag:s11], $0x8000  }
0x287: {  	s15 =	sld [smem:$0x7F9]  }
0x288: {  	[sflag:s11] =	ssyncset.done $0x0  }
0x289: {  	[sflag:s11] =	ssyncadd.s32 $0xFFFF8000  }
0x28a: {  	[hbm4b:s15+s26] =	stream.linear.scatter [tilespmem:s26], [sflag:$0x3], $0x8000, $0x38;
	[tilespmem:$0x11100] =	vst v63  }
0x28b: {  	_ =	swait.ge [sflag:s7], $0x8000  }
0x28c: {  	[sflag:s7] =	ssyncset.done $0x0  }
0x28d: {  	s13 =	rddreg [dreg:$0xe];
	[sflag:s7] =	ssyncadd.s32 $0xFFFF8000  }
0x28e: {  	[tilespmem:s8], [sflag:$0x2] =	stream.linear.gather [hbm4b:s13+s26], $0x8000, $0x38;
	[tilespmem:$0x11100] =	vst v63  }
0x28f: {  	_ =	swait.ge [sflag:s10], $0x8000  }
0x290: {  	s15 =	sld [smem:$0x7CE]  }
0x291: {  	[sflag:s10] =	ssyncset.done $0x0  }
0x292: {  	[sflag:s10] =	ssyncadd.s32 $0xFFFF8000  }
0x293: {  	[hbm4b:s15+s26] =	stream.linear.scatter [tilespmem:s8], [sflag:$0x4], $0x8000, $0x38;
	[tilespmem:$0x11100] =	vst v63  }
0x294: {  	_ =	swait.ge [sflag:s9], $0x8000  }
0x295: {  	[sflag:s9] =	ssyncset.done $0x0  }
0x296: {  	s13 =	rddreg [dreg:$0xf];
	[sflag:s9] =	ssyncadd.s32 $0xFFFF8000  }
0x297: {  	[tilespmem:s26], [sflag:$0x1] =	stream.linear.gather [hbm4b:s13+s26], $0x8000, $0x38;
	[tilespmem:$0x11100] =	vst v63  }
0x298: {  	_ =	swait.ge [sflag:s11], $0x8000  }
0x299: {  	s15 =	sld [smem:$0x7E8]  }
0x29a: {  	[sflag:s11] =	ssyncset.done $0x0  }
0x29b: {  	[sflag:s11] =	ssyncadd.s32 $0xFFFF8000  }
0x29c: {  	[hbm4b:s15+s26] =	stream.linear.scatter [tilespmem:s26], [sflag:$0x3], $0x8000, $0x38;
	[tilespmem:$0x11100] =	vst v63  }
0x29d: {  	_ =	swait.ge [sflag:s7], $0x8000  }
0x29e: {  	[sflag:s7] =	ssyncset.done $0x0  }
0x29f: {  	s13 =	rddreg [dreg:$0x10];
	[sflag:s7] =	ssyncadd.s32 $0xFFFF8000  }
0x2a0: {  	[tilespmem:s8], [sflag:$0x2] =	stream.linear.gather [hbm4b:s13+s26], $0x8000, $0x38;
	[tilespmem:$0x11100] =	vst v63  }
0x2a1: {  	_ =	swait.ge [sflag:s10], $0x8000  }
0x2a2: {  	s15 =	sld [smem:$0x7E9]  }
0x2a3: {  	[sflag:s10] =	ssyncset.done $0x0  }
0x2a4: {  	[sflag:s10] =	ssyncadd.s32 $0xFFFF8000  }
0x2a5: {  	[hbm4b:s15+s26] =	stream.linear.scatter [tilespmem:s8], [sflag:$0x4], $0x8000, $0x38;
	[tilespmem:$0x11100] =	vst v63  }
0x2a6: {  	_ =	swait.ge [sflag:s9], $0x8000  }
0x2a7: {  	[sflag:s9] =	ssyncset.done $0x0  }
0x2a8: {  	s13 =	rddreg [dreg:$0x11];
	[sflag:s9] =	ssyncadd.s32 $0xFFFF8000  }
0x2a9: {  	[tilespmem:s26], [sflag:$0x1] =	stream.linear.gather [hbm4b:s13+s26], $0x8000, $0x38;
	[tilespmem:$0x11100] =	vst v63  }
0x2aa: {  	_ =	swait.ge [sflag:s11], $0x8000  }
0x2ab: {  	s15 =	sld [smem:$0x7FA]  }
0x2ac: {  	[sflag:s11] =	ssyncset.done $0x0  }
0x2ad: {  	[sflag:s11] =	ssyncadd.s32 $0xFFFF8000  }
0x2ae: {  	[hbm4b:s15+s26] =	stream.linear.scatter [tilespmem:s26], [sflag:$0x3], $0x8000, $0x38;
	[tilespmem:$0x11100] =	vst v63  }
0x2af: {  	_ =	swait.ge [sflag:s7], $0x8000  }
0x2b0: {  	[sflag:s7] =	ssyncset.done $0x0  }
0x2b1: {  	s13 =	rddreg [dreg:$0x12];
	[sflag:s7] =	ssyncadd.s32 $0xFFFF8000  }
0x2b2: {  	[tilespmem:s8], [sflag:$0x2] =	stream.linear.gather [hbm4b:s13+s26], $0x8000, $0x38;
	[tilespmem:$0x11100] =	vst v63  }
0x2b3: {  	_ =	swait.ge [sflag:s10], $0x8000  }
0x2b4: {  	s15 =	sld [smem:$0x7FB]  }
0x2b5: {  	[sflag:s10] =	ssyncset.done $0x0  }
0x2b6: {  	[sflag:s10] =	ssyncadd.s32 $0xFFFF8000  }
0x2b7: {  	[hbm4b:s15+s26] =	stream.linear.scatter [tilespmem:s8], [sflag:$0x4], $0x8000, $0x38;
	[tilespmem:$0x11100] =	vst v63  }
0x2b8: {  	_ =	swait.ge [sflag:s9], $0x8000  }
0x2b9: {  	[sflag:s9] =	ssyncset.done $0x0  }
0x2ba: {  	s13 =	rddreg [dreg:$0x13];
	[sflag:s9] =	ssyncadd.s32 $0xFFFF8000  }
0x2bb: {  	[tilespmem:s26], [sflag:$0x1] =	stream.linear.gather [hbm4b:s13+s26], $0x8000, $0x38;
	[tilespmem:$0x11100] =	vst v63  }
0x2bc: {  	_ =	swait.ge [sflag:s11], $0x8000  }
0x2bd: {  	s15 =	sld [smem:$0x7F8]  }
0x2be: {  	[sflag:s11] =	ssyncset.done $0x0  }
0x2bf: {  	[sflag:s11] =	ssyncadd.s32 $0xFFFF8000  }
0x2c0: {  	[hbm4b:s15+s26] =	stream.linear.scatter [tilespmem:s26], [sflag:$0x3], $0x8000, $0x38;
	[tilespmem:$0x11100] =	vst v63  }
0x2c1: {  	_ =	swait.ge [sflag:s7], $0x8000  }
0x2c2: {  	[sflag:s7] =	ssyncset.done $0x0  }
0x2c3: {  	s13 =	rddreg [dreg:$0x14];
	[sflag:s7] =	ssyncadd.s32 $0xFFFF8000  }
0x2c4: {  	[tilespmem:s8], [sflag:$0x2] =	stream.linear.gather [hbm4b:s13+s26], $0x8000, $0x38;
	[tilespmem:$0x11100] =	vst v63  }
0x2c5: {  	_ =	swait.ge [sflag:s10], $0x8000  }
0x2c6: {  	s15 =	sld [smem:$0x7EA]  }
0x2c7: {  	[sflag:s10] =	ssyncset.done $0x0  }
0x2c8: {  	[sflag:s10] =	ssyncadd.s32 $0xFFFF8000  }
0x2c9: {  	[hbm4b:s15+s26] =	stream.linear.scatter [tilespmem:s8], [sflag:$0x4], $0x8000, $0x38;
	[tilespmem:$0x11100] =	vst v63  }
0x2ca: {  	_ =	swait.ge [sflag:s9], $0x8000  }
0x2cb: {  	[sflag:s9] =	ssyncset.done $0x0  }
0x2cc: {  	s13 =	rddreg [dreg:$0x15];
	[sflag:s9] =	ssyncadd.s32 $0xFFFF8000  }
0x2cd: {  	[tilespmem:s26], [sflag:$0x1] =	stream.linear.gather [hbm4b:s13+s26], $0x8000, $0x38;
	[tilespmem:$0x11100] =	vst v63  }
0x2ce: {  	_ =	swait.ge [sflag:s11], $0x8000  }
0x2cf: {  	s15 =	sld [smem:$0x7EB]  }
0x2d0: {  	[sflag:s11] =	ssyncset.done $0x0  }
0x2d1: {  	[sflag:s11] =	ssyncadd.s32 $0xFFFF8000  }
0x2d2: {  	[hbm4b:s15+s26] =	stream.linear.scatter [tilespmem:s26], [sflag:$0x3], $0x8000, $0x38;
	[tilespmem:$0x11100] =	vst v63  }
0x2d3: {  	_ =	swait.ge [sflag:s7], $0x8000  }
0x2d4: {  	[sflag:s7] =	ssyncset.done $0x0  }
0x2d5: {  	s13 =	rddreg [dreg:$0x16];
	[sflag:s7] =	ssyncadd.s32 $0xFFFF8000  }
0x2d6: {  	[tilespmem:s8], [sflag:$0x2] =	stream.linear.gather [hbm4b:s13+s26], $0x8000, $0x38;
	[tilespmem:$0x11100] =	vst v63  }
0x2d7: {  	_ =	swait.ge [sflag:s10], $0x8000  }
0x2d8: {  	s15 =	sld [smem:$0x7ED]  }
0x2d9: {  	[sflag:s10] =	ssyncset.done $0x0  }
0x2da: {  	[sflag:s10] =	ssyncadd.s32 $0xFFFF8000  }
0x2db: {  	[hbm4b:s15+s26] =	stream.linear.scatter [tilespmem:s8], [sflag:$0x4], $0x8000, $0x38;
	[tilespmem:$0x11100] =	vst v63  }
0x2dc: {  	_ =	swait.ge [sflag:s9], $0x8000  }
0x2dd: {  	[sflag:s9] =	ssyncset.done $0x0  }
0x2de: {  	s13 =	rddreg [dreg:$0x17];
	[sflag:s9] =	ssyncadd.s32 $0xFFFF8000  }
0x2df: {  	[tilespmem:s26], [sflag:$0x1] =	stream.linear.gather [hbm4b:s13+s26], $0x8000, $0x38;
	[tilespmem:$0x11100] =	vst v63  }
0x2e0: {  	_ =	swait.ge [sflag:s11], $0x8000  }
0x2e1: {  	s15 =	sld [smem:$0x7EF]  }
0x2e2: {  	[sflag:s11] =	ssyncset.done $0x0  }
0x2e3: {  	[sflag:s11] =	ssyncadd.s32 $0xFFFF8000  }
0x2e4: {  	[hbm4b:s15+s26] =	stream.linear.scatter [tilespmem:s26], [sflag:$0x3], $0x8000, $0x38;
	[tilespmem:$0x11100] =	vst v63  }
0x2e5: {  	_ =	swait.ge [sflag:s7], $0x8000  }
0x2e6: {  	[sflag:s7] =	ssyncset.done $0x0  }
0x2e7: {  	s1 =	rddreg [dreg:$0x18];
	[sflag:s7] =	ssyncadd.s32 $0xFFFF8000  }
0x2e8: {  	[tilespmem:s8], [sflag:$0x2] =	stream.linear.gather [hbm4b:s1+s26], $0x8000, $0x38;
	[tilespmem:$0x11100] =	vst v63  }
0x2e9: {  	_ =	swait.ge [sflag:s10], $0x8000  }
0x2ea: {  	[sflag:s10] =	ssyncset.done $0x0  }
0x2eb: {  	[sflag:s10] =	ssyncadd.s32 $0xFFFF8000  }
0x2ec: {  	[hbm4b:s6+s26] =	stream.linear.scatter [tilespmem:s8], [sflag:$0x4], $0x8000, $0x38;
	[tilespmem:$0x11100] =	vst v63  }
0x2ed: {  	_ =	swait.ge [sflag:s9], $0x8000  }
0x2ee: {  	[sflag:s9] =	ssyncset.done $0x0  }
0x2ef: {  	s13 =	rddreg [dreg:$0x19];
	[sflag:s9] =	ssyncadd.s32 $0xFFFF8000  }
0x2f0: {  	[tilespmem:s26], [sflag:$0x1] =	stream.linear.gather [hbm4b:s13+s26], $0x8000, $0x38;
	[tilespmem:$0x11100] =	vst v63  }
0x2f1: {  	_ =	swait.ge [sflag:s11], $0x8000  }
0x2f2: {  	[sflag:s11] =	ssyncset.done $0x0  }
0x2f3: {  	[sflag:s11] =	ssyncadd.s32 $0xFFFF8000  }
0x2f4: {  	[hbm4b:s4+s26] =	stream.linear.scatter [tilespmem:s26], [sflag:$0x3], $0x8000, $0x38;
	[tilespmem:$0x11100] =	vst v63  }
0x2f5: {  	_ =	swait.ge [sflag:s7], $0x8000  }
0x2f6: {  	[sflag:s7] =	ssyncset.done $0x0  }
0x2f7: {  	s15 =	rddreg [dreg:$0x1a];
	[sflag:s7] =	ssyncadd.s32 $0xFFFF8000  }
0x2f8: {  	[tilespmem:s8], [sflag:$0x2] =	stream.linear.gather [hbm4b:s15+s26], $0x8000, $0x38;
	[tilespmem:$0x11100] =	vst v63  }
0x2f9: {  	_ =	swait.ge [sflag:s10], $0x8000  }
0x2fa: {  	[sflag:s10] =	ssyncset.done $0x0  }
0x2fb: {  	[sflag:s10] =	ssyncadd.s32 $0xFFFF8000  }
0x2fc: {  	[hbm4b:s3+s26] =	stream.linear.scatter [tilespmem:s8], [sflag:$0x4], $0x8000, $0x38;
	[tilespmem:$0x11100] =	vst v63  }
0x2fd: {  	_ =	swait.ge [sflag:s9], $0x8000  }
0x2fe: {  	[sflag:s9] =	ssyncset.done $0x0  }
0x2ff: {  	s1 =	rddreg [dreg:$0x1b];
	[sflag:s9] =	ssyncadd.s32 $0xFFFF8000  }
0x300: {  	[tilespmem:s26], [sflag:$0x1] =	stream.linear.gather [hbm4b:s1+s26], $0x8000, $0x38;
	[tilespmem:$0x11100] =	vst v63  }
0x301: {  	_ =	swait.ge [sflag:s11], $0x8000  }
0x302: {  	[sflag:s11] =	ssyncset.done $0x0  }
0x303: {  	[sflag:s11] =	ssyncadd.s32 $0xFFFF8000  }
0x304: {  	[hbm4b:s28+s26] =	stream.linear.scatter [tilespmem:s26], [sflag:$0x3], $0x8000, $0x38;
	[tilespmem:$0x11100] =	vst v63  }
0x305: {  	_ =	swait.ge [sflag:s7], $0x8000  }
0x306: {  	[sflag:s7] =	ssyncset.done $0x0  }
0x307: {  	s13 =	rddreg [dreg:$0x1c];
	[sflag:s7] =	ssyncadd.s32 $0xFFFF8000  }
0x308: {  	[tilespmem:s8], [sflag:$0x2] =	stream.linear.gather [hbm4b:s13+s26], $0x8000, $0x38;
	[tilespmem:$0x11100] =	vst v63  }
0x309: {  	_ =	swait.ge [sflag:s10], $0x8000  }
0x30a: {  	[sflag:s10] =	ssyncset.done $0x0  }
0x30b: {  	[sflag:s10] =	ssyncadd.s32 $0xFFFF8000  }
0x30c: {  	[hbm4b:s23+s26] =	stream.linear.scatter [tilespmem:s8], [sflag:$0x4], $0x8000, $0x38;
	[tilespmem:$0x11100] =	vst v63  }
0x30d: {  	_ =	swait.ge [sflag:s9], $0x8000  }
0x30e: {  	[sflag:s9] =	ssyncset.done $0x0  }
0x30f: {  	s15 =	rddreg [dreg:$0x1d];
	[sflag:s9] =	ssyncadd.s32 $0xFFFF8000  }
0x310: {  	[tilespmem:s26], [sflag:$0x1] =	stream.linear.gather [hbm4b:s15+s26], $0x8000, $0x38;
	[tilespmem:$0x11100] =	vst v63  }
0x311: {  	_ =	swait.ge [sflag:s11], $0x8000  }
0x312: {  	s13 =	sld [smem:$0x7F4]  }
0x313: {  	[sflag:s11] =	ssyncset.done $0x0  }
0x314: {  	[sflag:s11] =	ssyncadd.s32 $0xFFFF8000  }
0x315: {  	[hbm4b:s13+s26] =	stream.linear.scatter [tilespmem:s26], [sflag:$0x3], $0x8000, $0x38;
	[tilespmem:$0x11100] =	vst v63  }
0x316: {  	_ =	swait.ge [sflag:s7], $0x8000  }
0x317: {  	[sflag:s7] =	ssyncset.done $0x0  }
0x318: {  	s1 =	rddreg [dreg:$0x1e];
	[sflag:s7] =	ssyncadd.s32 $0xFFFF8000  }
0x319: {  	[tilespmem:s8], [sflag:$0x2] =	stream.linear.gather [hbm4b:s1+s26], $0x8000, $0x38;
	[tilespmem:$0x11100] =	vst v63  }
0x31a: {  	_ =	swait.ge [sflag:s10], $0x8000  }
0x31b: {  	s1 =	sld [smem:$0x7F5]  }
0x31c: {  	[sflag:s10] =	ssyncset.done $0x0  }
0x31d: {  	[sflag:s10] =	ssyncadd.s32 $0xFFFF8000  }
0x31e: {  	[hbm4b:s1+s26] =	stream.linear.scatter [tilespmem:s8], [sflag:$0x4], $0x8000, $0x38;
	[tilespmem:$0x11100] =	vst v63  }
0x31f: {  	_ =	swait.ge [sflag:s9], $0x8000  }
0x320: {  	[sflag:s9] =	ssyncset.done $0x0  }
0x321: {  	s15 =	rddreg [dreg:$0x1f];
	[sflag:s9] =	ssyncadd.s32 $0xFFFF8000  }
0x322: {  	[tilespmem:s26], [sflag:$0x1] =	stream.linear.gather [hbm4b:s15+s26], $0x8000, $0x38;
	[tilespmem:$0x11100] =	vst v63  }
0x323: {  	_ =	swait.ge [sflag:s11], $0x8000  }
0x324: {  	[sflag:s11] =	ssyncset.done $0x0  }
0x325: {  	[sflag:s11] =	ssyncadd.s32 $0xFFFF8000  }
0x326: {  	[hbm4b:s31+s26] =	stream.linear.scatter [tilespmem:s26], [sflag:$0x3], $0x8000, $0x38;
	[tilespmem:$0x11100] =	vst v63  }
0x327: {  	_ =	swait.ge [sflag:s7], $0x8000  }
0x328: {  	s15 =	sld [smem:$0x7D9]  }
0x329: {  	[sflag:s7] =	ssyncset.done $0x0  }
0x32a: {  	[sflag:s7] =	ssyncadd.s32 $0xFFFF8000  }
0x32b: {  	[tilespmem:s8], [sflag:$0x2] =	stream.linear.gather [hbm4b:s15+s26], $0x8000, $0x38;
	[tilespmem:$0x11100] =	vst v63  }
0x32c: {  	_ =	swait.ge [sflag:s10], $0x8000  }
0x32d: {  	[sflag:s10] =	ssyncset.done $0x0  }
0x32e: {  	[sflag:s10] =	ssyncadd.s32 $0xFFFF8000  }
0x32f: {  	[hbm4b:s30+s26] =	stream.linear.scatter [tilespmem:s8], [sflag:$0x4], $0x8000, $0x38;
	[tilespmem:$0x11100] =	vst v63  }
0x330: {  	_ =	swait.ge [sflag:s9], $0x8000  }
0x331: {  	s15 =	sld [smem:$0x7DA]  }
0x332: {  	[sflag:s9] =	ssyncset.done $0x0  }
0x333: {  	[sflag:s9] =	ssyncadd.s32 $0xFFFF8000  }
0x334: {  	[tilespmem:s26], [sflag:$0x1] =	stream.linear.gather [hbm4b:s15+s26], $0x8000, $0x38;
	[tilespmem:$0x11100] =	vst v63  }
0x335: {  	_ =	swait.ge [sflag:s11], $0x8000  }
0x336: {  	[sflag:s11] =	ssyncset.done $0x0  }
0x337: {  	[sflag:s11] =	ssyncadd.s32 $0xFFFF8000  }
0x338: {  	[hbm4b:s25+s26] =	stream.linear.scatter [tilespmem:s26], [sflag:$0x3], $0x8000, $0x38;
	[tilespmem:$0x11100] =	vst v63  }
0x339: {  	_ =	swait.ge [sflag:s7], $0x8000  }
0x33a: {  	s25 =	sld [smem:$0x7DB]  }
0x33b: {  	[sflag:s7] =	ssyncset.done $0x0  }
0x33c: {  	[sflag:s7] =	ssyncadd.s32 $0xFFFF8000  }
0x33d: {  	[tilespmem:s8], [sflag:$0x2] =	stream.linear.gather [hbm4b:s25+s26], $0x8000, $0x38;
	[tilespmem:$0x11100] =	vst v63  }
0x33e: {  	_ =	swait.ge [sflag:s10], $0x8000  }
0x33f: {  	s25 =	sld [smem:$0x7F6]  }
0x340: {  	[sflag:s10] =	ssyncset.done $0x0  }
0x341: {  	[sflag:s10] =	ssyncadd.s32 $0xFFFF8000  }
0x342: {  	[hbm4b:s25+s26] =	stream.linear.scatter [tilespmem:s8], [sflag:$0x4], $0x8000, $0x38;
	[tilespmem:$0x11100] =	vst v63  }
0x343: {  	_ =	swait.ge [sflag:s9], $0x8000  }
0x344: {  	s15 =	sld [smem:$0x7DC]  }
0x345: {  	[sflag:s9] =	ssyncset.done $0x0  }
0x346: {  	[sflag:s9] =	ssyncadd.s32 $0xFFFF8000  }
0x347: {  	[tilespmem:s26], [sflag:$0x1] =	stream.linear.gather [hbm4b:s15+s26], $0x8000, $0x38;
	[tilespmem:$0x11100] =	vst v63  }
0x348: {  	_ =	swait.ge [sflag:s11], $0x8000  }
0x349: {  	s31 =	sld [smem:$0x7F7]  }
0x34a: {  	[sflag:s11] =	ssyncset.done $0x0  }
0x34b: {  	[sflag:s11] =	ssyncadd.s32 $0xFFFF8000  }
0x34c: {  	[hbm4b:s31+s26] =	stream.linear.scatter [tilespmem:s26], [sflag:$0x3], $0x8000, $0x38;
	[tilespmem:$0x11100] =	vst v63  }
0x34d: {  	_ =	swait.ge [sflag:s7], $0x8000  }
0x34e: {  	s15 =	sld [smem:$0x7DD]  }
0x34f: {  	[sflag:s7] =	ssyncset.done $0x0  }
0x350: {  	[sflag:s7] =	ssyncadd.s32 $0xFFFF8000  }
0x351: {  	[tilespmem:s8], [sflag:$0x2] =	stream.linear.gather [hbm4b:s15+s26], $0x8000, $0x38;
	[tilespmem:$0x11100] =	vst v63  }
0x352: {  	_ =	swait.ge [sflag:s10], $0x8000  }
0x353: {  	[sflag:s10] =	ssyncset.done $0x0  }
0x354: {  	[sflag:s10] =	ssyncadd.s32 $0xFFFF8000  }
0x355: {  	[hbm4b:s22+s26] =	stream.linear.scatter [tilespmem:s8], [sflag:$0x4], $0x8000, $0x38;
	[tilespmem:$0x11100] =	vst v63  }
0x356: {  	_ =	swait.ge [sflag:s9], $0x8000  }
0x357: {  	s15 =	sld [smem:$0x7DE]  }
0x358: {  	[sflag:s9] =	ssyncset.done $0x0  }
0x359: {  	[sflag:s9] =	ssyncadd.s32 $0xFFFF8000  }
0x35a: {  	[tilespmem:s26], [sflag:$0x1] =	stream.linear.gather [hbm4b:s15+s26], $0x8000, $0x38;
	[tilespmem:$0x11100] =	vst v63  }
0x35b: {  	_ =	swait.ge [sflag:s11], $0x8000  }
0x35c: {  	[sflag:s11] =	ssyncset.done $0x0  }
0x35d: {  	[sflag:s11] =	ssyncadd.s32 $0xFFFF8000  }
0x35e: {  	[hbm4b:s21+s26] =	stream.linear.scatter [tilespmem:s26], [sflag:$0x3], $0x8000, $0x38;
	[tilespmem:$0x11100] =	vst v63  }
0x35f: {  	_ =	swait.ge [sflag:s7], $0x8000  }
0x360: {  	s21 =	sld [smem:$0x7DF]  }
0x361: {  	[sflag:s7] =	ssyncset.done $0x0  }
0x362: {  	[sflag:s7] =	ssyncadd.s32 $0xFFFF8000  }
0x363: {  	[tilespmem:s8], [sflag:$0x2] =	stream.linear.gather [hbm4b:s21+s26], $0x8000, $0x38;
	[tilespmem:$0x11100] =	vst v63  }
0x364: {  	_ =	swait.ge [sflag:s10], $0x8000  }
0x365: {  	[sflag:s10] =	ssyncset.done $0x0  }
0x366: {  	[sflag:s10] =	ssyncadd.s32 $0xFFFF8000  }
0x367: {  	[hbm4b:s20+s26] =	stream.linear.scatter [tilespmem:s8], [sflag:$0x4], $0x8000, $0x38;
	[tilespmem:$0x11100] =	vst v63  }
0x368: {  	_ =	swait.ge [sflag:s9], $0x8000  }
0x369: {  	[sflag:s9] =	ssyncset.done $0x0  }
0x36a: {  	[sflag:s9] =	ssyncadd.s32 $0xFFFF8000  }
0x36b: {  	_ =	swait.ge [sflag:s7], $0x8000  }
0x36c: {  	[sflag:s7] =	ssyncset.done $0x0;
	s15 =	sld [smem:$0x7E1]  }
0x36d: {  	[sflag:s7] =	ssyncadd.s32 $0xFFFF8000  }
0x36e: {  	s21 =	simm.s32 $0x5;
	s20 =	rddreg [dreg:$0x2]  }
0x36f: {  	[hbm4b:s20+s15] =	stream.indirect.scatter [tilespmem:s17], [sflag:$0x5], $0x80, s16, s15, $0xb8;
	[tilespmem:$0x11100] =	vst v63  }
0x370: {  	_ =	swait.ge [sflag:s21], $0x1000  }
0x371: {  	[sflag:s21] =	ssyncset.done $0x0  }
0x372: {  	[sflag:s21] =	ssyncadd.s32 $0xFFFFF000  }
0x373: {  	v0 =	vld [tilespmem:$0x11080];
	_ =	sdelay $0x4  }
0x374: {  	(v2sf) =	vpush v0, $0x0  }
0x375: {  	(v2sf) =	vpush v0, $0x1  }
0x376: {  	(v2sf) =	vpush v0, $0x2;
	_ =	sdelay $0x3  }
0x377: {  	(v2sf) =	vpush v0, $0x3  }
0x378: {  	(v2sf) =	vpush v0, $0x4;
	_ =	sdelay $0x3  }
0x379: {  	(v2sf) =	vpush v0, $0x5  }
0x37a: {  	(v2sf) =	vpush v0, $0x6;
	_ =	sdelay $0x2  }
0x37b: {  	(v2sf) =	vpush v0, $0x7;
	s15 =	spop (v2sf)  }
0x37c: {  	(v2sf) =	vpush v0, $0x8;
	p3 =	seq.s32 s15, $0x0;
	s16 =	spop (v2sf)  }
0x37d: {  	s15 =	sshll.u32 @!p3 s0, $0x6;
	s20 =	spop (v2sf);
	(v2sf) =	vpush v0, $0x9  }
0x37e: {  	s17 =	simm.s32 @!p3 $0x6;
	s15 =	sor.u32 @!p3 $0x1C06, s15;
	(v2sf) =	vpush v0, $0xA  }
0x37f: {  	[hbm:s18], [sflag:s15] =	dma.local @!p3 [hbm:s2], $0x1000  }
0x380: {  	_ =	swait.ge @!p3 [sflag:s17], $0x1000  }
0x381: {  	p2 =	seq.s32 s16, $0x0;
	s21 =	spop (v2sf)  }
0x382: {  	s14 =	sshll.u32 @!p2 s0, $0x6;
	[sflag:s17] =	ssyncset.done @!p3 $0x0;
	s18 =	spop (v2sf);
	(v2sf) =	vpush v0, $0xB  }
0x383: {  	s14 =	sor.u32 @!p2 $0x1C06, s14;
	[sflag:s17] =	ssyncadd.s32 @!p3 $0xFFFFF000;
	s17 =	simm.s32 @!p2 $0x6;
	(v2sf) =	vpush v0, $0xC  }
0x384: {  	[hbm:s19], [sflag:s14] =	dma.local @!p2 [hbm:s2], $0x1000  }
0x385: {  	_ =	swait.ge @!p2 [sflag:s17], $0x1000  }
0x386: {  	p3 =	seq.s32 s20, $0x0;
	s16 =	spop (v2sf)  }
0x387: {  	s14 =	sshll.u32 @!p3 s0, $0x6;
	[sflag:s17] =	ssyncset.done @!p2 $0x0;
	s20 =	spop (v2sf);
	(v2sf) =	vpush v0, $0xD  }
0x388: {  	s14 =	sor.u32 @!p3 $0x1C06, s14;
	[sflag:s17] =	ssyncadd.s32 @!p2 $0xFFFFF000;
	p2 =	seq.s32 s21, $0x0;
	(v2sf) =	vpush v0, $0xE  }
0x389: {  	[hbm:s12], [sflag:s14] =	dma.local @!p3 [hbm:s2], $0x1000  }
0x38a: {  	s17 =	simm.s32 @!p3 $0x6;
	s15 =	simm.s32 @!p2 $0x6;
	s14 =	sshll.u32 @!p2 s0, $0x6  }
0x38b: {  	s12 =	smov.u32 s30;
	s30 =	smov.u32 s22;
	_ =	swait.ge @!p3 [sflag:s17], $0x1000  }
0x38c: {  	s14 =	sor.u32 @!p2 $0x1C06, s14;
	s21 =	spop (v2sf);
	[sflag:s17] =	ssyncset.done @!p3 $0x0  }
0x38d: {  	s22 =	spop (v2sf);
	(v2sf) =	vpush v0, $0xF;
	[sflag:s17] =	ssyncadd.s32 @!p3 $0xFFFFF000;
	p3 =	seq.s32 s18, $0x0  }
0x38e: {  	[hbm:s24], [sflag:s14] =	dma.local @!p2 [hbm:s2], $0x1000  }
0x38f: {  	s14 =	sshll.u32 @!p3 s0, $0x6;
	_ =	swait.ge @!p2 [sflag:s15], $0x1000  }
0x390: {  	s14 =	sor.u32 @!p3 $0x1C06, s14;
	s24 =	spop (v2sf);
	[sflag:s15] =	ssyncset.done @!p2 $0x0  }
0x391: {  	s19 =	spop (v2sf);
	[sflag:s15] =	ssyncadd.s32 @!p2 $0xFFFFF000;
	s15 =	simm.s32 @!p3 $0x6  }
0x392: {  	[hbm:s5], [sflag:s14] =	dma.local @!p3 [hbm:s2], $0x1000  }
0x393: {  	_ =	swait.ge @!p3 [sflag:s15], $0x1000  }
0x394: {  	p2 =	seq.s32 s16, $0x0;
	[sflag:s15] =	ssyncset.done @!p3 $0x0  }
0x395: {  	s14 =	sshll.u32 @!p2 s0, $0x6;
	[sflag:s15] =	ssyncadd.s32 @!p3 $0xFFFFF000;
	s15 =	sld [smem:$0x7CC]  }
0x396: {  	s5 =	smov.u32 s1;
	s1 =	smov.u32 s25;
	s18 =	spop (v2sf)  }
0x397: {  	s25 =	simm.s32 @!p2 $0x6;
	s14 =	sor.u32 @!p2 $0x1C06, s14;
	s17 =	spop (v2sf)  }
0x398: {  	[hbm:s15], [sflag:s14] =	dma.local @!p2 [hbm:s2], $0x1000  }
0x399: {  	_ =	swait.ge @!p2 [sflag:s25], $0x1000  }
0x39a: {  	p3 =	seq.s32 s20, $0x0;
	[sflag:s25] =	ssyncset.done @!p2 $0x0  }
0x39b: {  	[sflag:s25] =	ssyncadd.s32 @!p2 $0xFFFFF000;
	p2 =	seq.s32 s21, $0x0;
	s21 =	sld [smem:$0x7F9]  }
0x39c: {  	s14 =	sshll.u32 @!p3 s0, $0x6;
	s16 =	spop (v2sf)  }
0x39d: {  	s20 =	simm.s32 @!p3 $0x6;
	s14 =	sor.u32 @!p3 $0x1C06, s14;
	s15 =	spop (v2sf)  }
0x39e: {  	[hbm:s21], [sflag:s14] =	dma.local @!p3 [hbm:s2], $0x1000  }
0x39f: {  	_ =	swait.ge @!p3 [sflag:s20], $0x1000  }
0x3a0: {  	[sflag:s20] =	ssyncset.done @!p3 $0x0  }
0x3a1: {  	[sflag:s20] =	ssyncadd.s32 @!p3 $0xFFFFF000;
	p3 =	seq.s32 s22, $0x0;
	s22 =	sld [smem:$0x7CE]  }
0x3a2: {  	s21 =	sshll.u32 @!p2 s0, $0x6  }
0x3a3: {  	s21 =	sor.u32 @!p2 $0x1C06, s21;
	s25 =	spop (v2sf);
	s20 =	simm.s32 @!p2 $0x6  }
0x3a4: {  	[hbm:s22], [sflag:s21] =	dma.local @!p2 [hbm:s2], $0x1000  }
0x3a5: {  	_ =	swait.ge @!p2 [sflag:s20], $0x1000  }
0x3a6: {  	s22 =	sld [smem:$0x7E8]  }
0x3a7: {  	s21 =	sshll.u32 @!p3 s0, $0x6;
	[sflag:s20] =	ssyncset.done @!p2 $0x0  }
0x3a8: {  	s21 =	sor.u32 @!p3 $0x1C06, s21;
	[sflag:s20] =	ssyncadd.s32 @!p2 $0xFFFFF000;
	s20 =	simm.s32 @!p3 $0x6  }
0x3a9: {  	[hbm:s22], [sflag:s21] =	dma.local @!p3 [hbm:s2], $0x1000  }
0x3aa: {  	_ =	swait.ge @!p3 [sflag:s20], $0x1000  }
0x3ab: {  	p2 =	seq.s32 s24, $0x0;
	[sflag:s20] =	ssyncset.done @!p3 $0x0  }
0x3ac: {  	[sflag:s20] =	ssyncadd.s32 @!p3 $0xFFFFF000;
	p3 =	seq.s32 s19, $0x0;
	s19 =	sld [smem:$0x7E9]  }
0x3ad: {  	s21 =	sshll.u32 @!p2 s0, $0x6  }
0x3ae: {  	s21 =	sor.u32 @!p2 $0x1C06, s21;
	s20 =	simm.s32 @!p2 $0x6  }
0x3af: {  	[hbm:s19], [sflag:s21] =	dma.local @!p2 [hbm:s2], $0x1000  }
0x3b0: {  	_ =	swait.ge @!p2 [sflag:s20], $0x1000  }
0x3b1: {  	[sflag:s20] =	ssyncset.done @!p2 $0x0  }
0x3b2: {  	[sflag:s20] =	ssyncadd.s32 @!p2 $0xFFFFF000;
	p2 =	seq.s32 s18, $0x0;
	s18 =	sld [smem:$0x7FA]  }
0x3b3: {  	s19 =	sshll.u32 @!p3 s0, $0x6  }
0x3b4: {  	s19 =	sor.u32 @!p3 $0x1C06, s19;
	s20 =	simm.s32 @!p3 $0x6  }
0x3b5: {  	[hbm:s18], [sflag:s19] =	dma.local @!p3 [hbm:s2], $0x1000  }
0x3b6: {  	_ =	swait.ge @!p3 [sflag:s20], $0x1000  }
0x3b7: {  	[sflag:s20] =	ssyncset.done @!p3 $0x0  }
0x3b8: {  	[sflag:s20] =	ssyncadd.s32 @!p3 $0xFFFFF000;
	p3 =	seq.s32 s17, $0x0;
	s17 =	sld [smem:$0x7FB]  }
0x3b9: {  	s18 =	sshll.u32 @!p2 s0, $0x6  }
0x3ba: {  	s19 =	simm.s32 @!p2 $0x6;
	s18 =	sor.u32 @!p2 $0x1C06, s18  }
0x3bb: {  	[hbm:s17], [sflag:s18] =	dma.local @!p2 [hbm:s2], $0x1000  }
0x3bc: {  	_ =	swait.ge @!p2 [sflag:s19], $0x1000  }
0x3bd: {  	[sflag:s19] =	ssyncset.done @!p2 $0x0  }
0x3be: {  	[sflag:s19] =	ssyncadd.s32 @!p2 $0xFFFFF000;
	p2 =	seq.s32 s16, $0x0;
	s16 =	sld [smem:$0x7F8]  }
0x3bf: {  	s17 =	sshll.u32 @!p3 s0, $0x6  }
0x3c0: {  	s18 =	simm.s32 @!p3 $0x6;
	s17 =	sor.u32 @!p3 $0x1C06, s17  }
0x3c1: {  	[hbm:s16], [sflag:s17] =	dma.local @!p3 [hbm:s2], $0x1000  }
0x3c2: {  	_ =	swait.ge @!p3 [sflag:s18], $0x1000  }
0x3c3: {  	[sflag:s18] =	ssyncset.done @!p3 $0x0  }
0x3c4: {  	[sflag:s18] =	ssyncadd.s32 @!p3 $0xFFFFF000;
	p3 =	seq.s32 s15, $0x0;
	s15 =	sld [smem:$0x7EA]  }
0x3c5: {  	s16 =	sshll.u32 @!p2 s0, $0x6  }
0x3c6: {  	s17 =	simm.s32 @!p2 $0x6;
	s16 =	sor.u32 @!p2 $0x1C06, s16  }
0x3c7: {  	[hbm:s15], [sflag:s16] =	dma.local @!p2 [hbm:s2], $0x1000  }
0x3c8: {  	_ =	swait.ge @!p2 [sflag:s17], $0x1000  }
0x3c9: {  	s14 =	sld [smem:$0x7EB]  }
0x3ca: {  	s15 =	sshll.u32 @!p3 s0, $0x6;
	[sflag:s17] =	ssyncset.done @!p2 $0x0  }
0x3cb: {  	s16 =	simm.s32 @!p3 $0x6;
	s15 =	sor.u32 @!p3 $0x1C06, s15;
	[sflag:s17] =	ssyncadd.s32 @!p2 $0xFFFFF000  }
0x3cc: {  	[hbm:s14], [sflag:s15] =	dma.local @!p3 [hbm:s2], $0x1000  }
0x3cd: {  	_ =	swait.ge @!p3 [sflag:s16], $0x1000  }
0x3ce: {  	[sflag:s16] =	ssyncset.done @!p3 $0x0  }
0x3cf: {  	p2 =	seq.s32 s25, $0x0;
	[sflag:s16] =	ssyncadd.s32 @!p3 $0xFFFFF000;
	s16 =	sld [smem:$0x7ED]  }
0x3d0: {  	s14 =	sshll.u32 @!p2 s0, $0x6  }
0x3d1: {  	s15 =	simm.s32 @!p2 $0x6;
	s14 =	sor.u32 @!p2 $0x1C06, s14  }
0x3d2: {  	[hbm:s16], [sflag:s14] =	dma.local @!p2 [hbm:s2], $0x1000  }
0x3d3: {  	_ =	swait.ge @!p2 [sflag:s15], $0x1000  }
0x3d4: {  	[sflag:s15] =	ssyncset.done @!p2 $0x0  }
0x3d5: {  	[sflag:s15] =	ssyncadd.s32 @!p2 $0xFFFFF000  }
0x3d6: {  	v63 =	vld [tilespmem:$0x11090];
	_ =	sdelay $0x4  }
0x3d7: {  	(v2sf) =	vpush v63, $0x0  }
0x3d8: {  	(v2sf) =	vpush v63, $0x1  }
0x3d9: {  	(v2sf) =	vpush v63, $0x2;
	_ =	sdelay $0x3  }
0x3da: {  	(v2sf) =	vpush v63, $0x3  }
0x3db: {  	(v2sf) =	vpush v63, $0x4;
	_ =	sdelay $0x3  }
0x3dc: {  	(v2sf) =	vpush v63, $0x5  }
0x3dd: {  	(v2sf) =	vpush v63, $0x6;
	_ =	sdelay $0x2  }
0x3de: {  	(v2sf) =	vpush v63, $0x7;
	s19 =	spop (v2sf)  }
0x3df: {  	s14 =	sld [smem:$0x7EF];
	(v2sf) =	vpush v63, $0x8;
	p3 =	seq.s32 s19, $0x0;
	s20 =	spop (v2sf)  }
0x3e0: {  	s15 =	sshll.u32 @!p3 s0, $0x6;
	s21 =	spop (v2sf);
	(v2sf) =	vpush v63, $0x9  }
0x3e1: {  	s17 =	simm.s32 @!p3 $0x6;
	s15 =	sor.u32 @!p3 $0x1C06, s15;
	(v2sf) =	vpush v63, $0xA  }
0x3e2: {  	[hbm:s14], [sflag:s15] =	dma.local @!p3 [hbm:s2], $0x1000  }
0x3e3: {  	_ =	swait.ge @!p3 [sflag:s17], $0x1000  }
0x3e4: {  	p2 =	seq.s32 s20, $0x0;
	s22 =	spop (v2sf)  }
0x3e5: {  	s14 =	sshll.u32 @!p2 s0, $0x6;
	[sflag:s17] =	ssyncset.done @!p3 $0x0;
	s24 =	spop (v2sf);
	(v2sf) =	vpush v63, $0xB  }
0x3e6: {  	s14 =	sor.u32 @!p2 $0x1C06, s14;
	[sflag:s17] =	ssyncadd.s32 @!p3 $0xFFFFF000;
	s17 =	simm.s32 @!p2 $0x6;
	(v2sf) =	vpush v63, $0xC  }
0x3e7: {  	[hbm:s6], [sflag:s14] =	dma.local @!p2 [hbm:s2], $0x1000  }
0x3e8: {  	p3 =	seq.s32 s21, $0x0;
	_ =	swait.ge @!p2 [sflag:s17], $0x1000  }
0x3e9: {  	s14 =	sshll.u32 @!p3 s0, $0x6;
	s25 =	spop (v2sf)  }
0x3ea: {  	s14 =	sor.u32 @!p3 $0x1C06, s14;
	[sflag:s17] =	ssyncset.done @!p2 $0x0;
	s20 =	spop (v2sf);
	(v2sf) =	vpush v63, $0xD  }
0x3eb: {  	[sflag:s17] =	ssyncadd.s32 @!p2 $0xFFFFF000;
	s17 =	simm.s32 @!p3 $0x6;
	p2 =	seq.s32 s22, $0x0;
	(v2sf) =	vpush v63, $0xE  }
0x3ec: {  	[hbm:s4], [sflag:s14] =	dma.local @!p3 [hbm:s2], $0x1000  }
0x3ed: {  	s15 =	simm.s32 @!p2 $0x6;
	_ =	swait.ge @!p3 [sflag:s17], $0x1000  }
0x3ee: {  	s14 =	sshll.u32 @!p2 s0, $0x6;
	s21 =	spop (v2sf);
	[sflag:s17] =	ssyncset.done @!p3 $0x0  }
0x3ef: {  	s14 =	sor.u32 @!p2 $0x1C06, s14;
	s22 =	spop (v2sf);
	(v2sf) =	vpush v63, $0xF;
	[sflag:s17] =	ssyncadd.s32 @!p3 $0xFFFFF000  }
0x3f0: {  	[hbm:s3], [sflag:s14] =	dma.local @!p2 [hbm:s2], $0x1000  }
0x3f1: {  	p3 =	seq.s32 s24, $0x0;
	_ =	swait.ge @!p2 [sflag:s15], $0x1000  }
0x3f2: {  	s14 =	sshll.u32 @!p3 s0, $0x6;
	s24 =	spop (v2sf)  }
0x3f3: {  	s14 =	sor.u32 @!p3 $0x1C06, s14;
	[sflag:s15] =	ssyncset.done @!p2 $0x0;
	s19 =	spop (v2sf)  }
0x3f4: {  	[sflag:s15] =	ssyncadd.s32 @!p2 $0xFFFFF000;
	s15 =	simm.s32 @!p3 $0x6;
	p2 =	seq.s32 s25, $0x0  }
0x3f5: {  	[hbm:s28], [sflag:s14] =	dma.local @!p3 [hbm:s2], $0x1000  }
0x3f6: {  	s14 =	sshll.u32 @!p2 s0, $0x6;
	s25 =	simm.s32 @!p2 $0x6;
	_ =	swait.ge @!p3 [sflag:s15], $0x1000  }
0x3f7: {  	s14 =	sor.u32 @!p2 $0x1C06, s14;
	s18 =	spop (v2sf);
	[sflag:s15] =	ssyncset.done @!p3 $0x0  }
0x3f8: {  	s17 =	spop (v2sf);
	[sflag:s15] =	ssyncadd.s32 @!p3 $0xFFFFF000;
	p3 =	seq.s32 s20, $0x0  }
0x3f9: {  	[hbm:s23], [sflag:s14] =	dma.local @!p2 [hbm:s2], $0x1000  }
0x3fa: {  	s14 =	sshll.u32 @!p3 s0, $0x6;
	s20 =	simm.s32 @!p3 $0x6;
	_ =	swait.ge @!p2 [sflag:s25], $0x1000  }
0x3fb: {  	s14 =	sor.u32 @!p3 $0x1C06, s14;
	s16 =	spop (v2sf);
	[sflag:s25] =	ssyncset.done @!p2 $0x0  }
0x3fc: {  	s15 =	spop (v2sf);
	[sflag:s25] =	ssyncadd.s32 @!p2 $0xFFFFF000;
	p2 =	seq.s32 s21, $0x0  }
0x3fd: {  	[hbm:s13], [sflag:s14] =	dma.local @!p3 [hbm:s2], $0x1000  }
0x3fe: {  	s21 =	sshll.u32 @!p2 s0, $0x6;
	_ =	swait.ge @!p3 [sflag:s20], $0x1000  }
0x3ff: {  	s21 =	sor.u32 @!p2 $0x1C06, s21;
	[sflag:s20] =	ssyncset.done @!p3 $0x0  }
0x400: {  	s13 =	spop (v2sf);
	[sflag:s20] =	ssyncadd.s32 @!p3 $0xFFFFF000;
	s20 =	simm.s32 @!p2 $0x6  }
0x401: {  	[hbm:s5], [sflag:s21] =	dma.local @!p2 [hbm:s2], $0x1000  }
0x402: {  	_ =	swait.ge @!p2 [sflag:s20], $0x1000  }
0x403: {  	p3 =	seq.s32 s22, $0x0;
	s5 =	smov.u32 s31;
	s31 =	sld [smem:$0x7D8]  }
0x404: {  	s21 =	sshll.u32 @!p3 s0, $0x6;
	[sflag:s20] =	ssyncset.done @!p2 $0x0  }
0x405: {  	s21 =	sor.u32 @!p3 $0x1C06, s21;
	[sflag:s20] =	ssyncadd.s32 @!p2 $0xFFFFF000;
	s20 =	simm.s32 @!p3 $0x6  }
0x406: {  	[hbm:s31], [sflag:s21] =	dma.local @!p3 [hbm:s2], $0x1000  }
0x407: {  	p2 =	seq.s32 s24, $0x0;
	_ =	swait.ge @!p3 [sflag:s20], $0x1000  }
0x408: {  	s21 =	sshll.u32 @!p2 s0, $0x6;
	[sflag:s20] =	ssyncset.done @!p3 $0x0  }
0x409: {  	s21 =	sor.u32 @!p2 $0x1C06, s21;
	[sflag:s20] =	ssyncadd.s32 @!p3 $0xFFFFF000  }
0x40a: {  	[hbm:s12], [sflag:s21] =	dma.local @!p2 [hbm:s2], $0x1000  }
0x40b: {  	s20 =	simm.s32 @!p2 $0x6;
	s21 =	sld [smem:$0x7D7]  }
0x40c: {  	p3 =	seq.s32 s19, $0x0;
	s25 =	sld [smem:$0x7D6];
	_ =	swait.ge @!p2 [sflag:s20], $0x1000  }
0x40d: {  	s19 =	sshll.u32 @!p3 s0, $0x6;
	[sflag:s20] =	ssyncset.done @!p2 $0x0  }
0x40e: {  	s19 =	sor.u32 @!p3 $0x1C06, s19;
	[sflag:s20] =	ssyncadd.s32 @!p2 $0xFFFFF000;
	s20 =	simm.s32 @!p3 $0x6  }
0x40f: {  	[hbm:s25], [sflag:s19] =	dma.local @!p3 [hbm:s2], $0x1000  }
0x410: {  	p2 =	seq.s32 s18, $0x0;
	_ =	swait.ge @!p3 [sflag:s20], $0x1000  }
0x411: {  	s18 =	sshll.u32 @!p2 s0, $0x6;
	s19 =	simm.s32 @!p2 $0x6;
	[sflag:s20] =	ssyncset.done @!p3 $0x0  }
0x412: {  	s18 =	sor.u32 @!p2 $0x1C06, s18;
	[sflag:s20] =	ssyncadd.s32 @!p3 $0xFFFFF000;
	s20 =	sld [smem:$0x7D5]  }
0x413: {  	[hbm:s1], [sflag:s18] =	dma.local @!p2 [hbm:s2], $0x1000  }
0x414: {  	p3 =	seq.s32 s17, $0x0;
	_ =	swait.ge @!p2 [sflag:s19], $0x1000  }
0x415: {  	s17 =	sshll.u32 @!p3 s0, $0x6;
	[sflag:s19] =	ssyncset.done @!p2 $0x0  }
0x416: {  	s18 =	simm.s32 @!p3 $0x6;
	s17 =	sor.u32 @!p3 $0x1C06, s17;
	[sflag:s19] =	ssyncadd.s32 @!p2 $0xFFFFF000  }
0x417: {  	[hbm:s5], [sflag:s17] =	dma.local @!p3 [hbm:s2], $0x1000  }
0x418: {  	p2 =	seq.s32 s16, $0x0;
	_ =	swait.ge @!p3 [sflag:s18], $0x1000  }
0x419: {  	s22 =	smov.u32 s30;
	s16 =	sshll.u32 @!p2 s0, $0x6;
	[sflag:s18] =	ssyncset.done @!p3 $0x0  }
0x41a: {  	s17 =	simm.s32 @!p2 $0x6;
	s16 =	sor.u32 @!p2 $0x1C06, s16;
	[sflag:s18] =	ssyncadd.s32 @!p3 $0xFFFFF000  }
0x41b: {  	[hbm:s22], [sflag:s16] =	dma.local @!p2 [hbm:s2], $0x1000  }
0x41c: {  	s29 =	sadd.s32 $0xFFFFFFFF, s29;
	p3 =	seq.s32 s15, $0x0;
	_ =	swait.ge @!p2 [sflag:s17], $0x1000  }
0x41d: {  	p1 =	sne.s32 s29, $0x0;
	s15 =	sshll.u32 @!p3 s0, $0x6;
	[sflag:s17] =	ssyncset.done @!p2 $0x0  }
0x41e: {  	s16 =	simm.s32 @!p3 $0x6;
	s15 =	sor.u32 @!p3 $0x1C06, s15;
	[sflag:s17] =	ssyncadd.s32 @!p2 $0xFFFFF000  }
0x41f: {  	[hbm:s21], [sflag:s15] =	dma.local @!p3 [hbm:s2], $0x1000  }
.Ltmp2:
0x420: {  	p2 =	seq.s32 s13, $0x0;
	_ =	swait.ge @!p3 [sflag:s16], $0x1000;
	(pc) =	sbr.rel @p1 .LBB2_3-.Ltmp2, $4  }
0x421: {  	s14 =	sshll.u32 @!p2 s0, $0x6;
	[sflag:s16] =	ssyncset.done @!p3 $0x0  }
0x422: {  	s15 =	sor.u32 @!p2 $0x1C06, s14;
	s14 =	simm.s32 @!p2 $0x6;
	[sflag:s16] =	ssyncadd.s32 @!p3 $0xFFFFF000  }
0x423: {  	[hbm:s20], [sflag:s15] =	dma.local @!p2 [hbm:s2], $0x1000  }
0x424: {  	s30 =	smov.u32 s12;
	_ =	swait.ge @!p2 [sflag:s14], $0x1000  }
0x425: {  	s1 =	sld [smem:$0x7F8]  }
0x426: {  	s5 =	sld [smem:$0x7FB]  }
0x427: {  	s24 =	sld [smem:$0x7FA]  }
0x428: {  	s17 =	sld [smem:$0x7CE]  }
0x429: {  	s16 =	sld [smem:$0x7F9]  }
0x42a: {  	s18 =	sld [smem:$0x7CC]  }
0x42b: {  	s19 =	sld [smem:$0x7CD]  }
0x42c: {  	s12 =	simm.s32 $0x10000;
	s15 =	simm.s32 $0x10080;
	s29 =	simm.s32 $0x6  }
.LBB2_5:
0x42d: {  	p0 =	por p2, !p0  }
0x42e: {  	[sflag:s14] =	ssyncset.done @!p0 $0x0  }
0x42f: {  	s13 =	rddreg [dreg:$0x4];
	[sflag:s14] =	ssyncadd.s32 @!p0 $0xFFFFF000  }
0x430: {  	[tilespmem:s12], [sflag:$0x6] =	stream.linear.gather [hbm4b:s13+s26], $0x20, $0x38;
	[tilespmem:$0x11100] =	vst v63  }
0x431: {  	_ =	swait.ge [sflag:s29], $0x20  }
0x432: {  	[sflag:s29] =	ssyncset.done $0x0  }
0x433: {  	s14 =	rddreg [dreg:$0x5];
	[sflag:s29] =	ssyncadd.s32 $0xFFFFFFE0  }
0x434: {  	[tilespmem:s15], [sflag:$0x6] =	stream.linear.gather [hbm4b:s14+s26], $0x1000, $0x38;
	[tilespmem:$0x11100] =	vst v63  }
0x435: {  	_ =	swait.ge [sflag:s29], $0x1000  }
0x436: {  	s12 =	sld [smem:$0x7E0]  }
0x437: {  	[sflag:s29] =	ssyncset.done $0x0  }
0x438: {  	s15 =	rddreg [dreg:$0x6];
	[sflag:s29] =	ssyncadd.s32 $0xFFFFF000  }
0x439: {  	[tilespmem:s12], [sflag:$0x6] =	stream.linear.gather [hbm4b:s15+s26], $0x20, $0x38;
	[tilespmem:$0x11100] =	vst v63  }
0x43a: {  	_ =	swait.ge [sflag:s29], $0x20  }
0x43b: {  	[sflag:s29] =	ssyncset.done $0x0  }
0x43c: {  	s14 =	rddreg [dreg:$0x7];
	[sflag:s29] =	ssyncadd.s32 $0xFFFFFFE0  }
0x43d: {  	[tilespmem:s26], [sflag:$0x1] =	stream.linear.gather [hbm4b:s14+s26], $0x8000, $0x38;
	[tilespmem:$0x11100] =	vst v63  }
0x43e: {  	_ =	swait.ge [sflag:s11], $0x8000  }
0x43f: {  	s29 =	sld [smem:$0x7E2]  }
0x440: {  	[sflag:s11] =	ssyncset.done $0x0  }
0x441: {  	[sflag:s11] =	ssyncadd.s32 $0xFFFF8000  }
0x442: {  	[hbm4b:s29+s26] =	stream.linear.scatter [tilespmem:s26], [sflag:$0x3], $0x8000, $0x38;
	[tilespmem:$0x11100] =	vst v63  }
0x443: {  	s15 =	rddreg [dreg:$0x8]  }
0x444: {  	[tilespmem:s8], [sflag:$0x2] =	stream.linear.gather [hbm4b:s15+s26], $0x8000, $0x38;
	[tilespmem:$0x11100] =	vst v63  }
0x445: {  	_ =	swait.ge [sflag:s10], $0x8000  }
0x446: {  	s13 =	sld [smem:$0x7E4]  }
0x447: {  	[sflag:s10] =	ssyncset.done $0x0  }
0x448: {  	[sflag:s10] =	ssyncadd.s32 $0xFFFF8000  }
0x449: {  	[hbm4b:s13+s26] =	stream.linear.scatter [tilespmem:s8], [sflag:$0x4], $0x8000, $0x38;
	[tilespmem:$0x11100] =	vst v63  }
0x44a: {  	_ =	swait.ge [sflag:s9], $0x8000  }
0x44b: {  	[sflag:s9] =	ssyncset.done $0x0  }
0x44c: {  	s14 =	rddreg [dreg:$0x9];
	[sflag:s9] =	ssyncadd.s32 $0xFFFF8000  }
0x44d: {  	[tilespmem:s26], [sflag:$0x1] =	stream.linear.gather [hbm4b:s14+s26], $0x8000, $0x38;
	[tilespmem:$0x11100] =	vst v63  }
0x44e: {  	_ =	swait.ge [sflag:s11], $0x8000  }
0x44f: {  	s15 =	sld [smem:$0x7E5]  }
0x450: {  	[sflag:s11] =	ssyncset.done $0x0  }
0x451: {  	[sflag:s11] =	ssyncadd.s32 $0xFFFF8000  }
0x452: {  	[hbm4b:s15+s26] =	stream.linear.scatter [tilespmem:s26], [sflag:$0x3], $0x8000, $0x38;
	[tilespmem:$0x11100] =	vst v63  }
0x453: {  	_ =	swait.ge [sflag:s7], $0x8000  }
0x454: {  	[sflag:s7] =	ssyncset.done $0x0  }
0x455: {  	s29 =	rddreg [dreg:$0xa];
	[sflag:s7] =	ssyncadd.s32 $0xFFFF8000  }
0x456: {  	[tilespmem:s8], [sflag:$0x2] =	stream.linear.gather [hbm4b:s29+s26], $0x8000, $0x38;
	[tilespmem:$0x11100] =	vst v63  }
0x457: {  	_ =	swait.ge [sflag:s10], $0x8000  }
0x458: {  	s13 =	sld [smem:$0x7E6]  }
0x459: {  	[sflag:s10] =	ssyncset.done $0x0  }
0x45a: {  	[sflag:s10] =	ssyncadd.s32 $0xFFFF8000  }
0x45b: {  	[hbm4b:s13+s26] =	stream.linear.scatter [tilespmem:s8], [sflag:$0x4], $0x8000, $0x38;
	[tilespmem:$0x11100] =	vst v63  }
0x45c: {  	_ =	swait.ge [sflag:s9], $0x8000  }
0x45d: {  	[sflag:s9] =	ssyncset.done $0x0  }
0x45e: {  	s14 =	rddreg [dreg:$0xb];
	[sflag:s9] =	ssyncadd.s32 $0xFFFF8000  }
0x45f: {  	[tilespmem:s26], [sflag:$0x1] =	stream.linear.gather [hbm4b:s14+s26], $0x8000, $0x38;
	[tilespmem:$0x11100] =	vst v63  }
0x460: {  	_ =	swait.ge [sflag:s11], $0x8000  }
0x461: {  	[sflag:s11] =	ssyncset.done $0x0  }
0x462: {  	[sflag:s11] =	ssyncadd.s32 $0xFFFF8000  }
0x463: {  	[hbm4b:s19+s26] =	stream.linear.scatter [tilespmem:s26], [sflag:$0x3], $0x8000, $0x38;
	[tilespmem:$0x11100] =	vst v63  }
0x464: {  	_ =	swait.ge [sflag:s7], $0x8000  }
0x465: {  	[sflag:s7] =	ssyncset.done $0x0  }
0x466: {  	s15 =	rddreg [dreg:$0xc];
	[sflag:s7] =	ssyncadd.s32 $0xFFFF8000  }
0x467: {  	[tilespmem:s8], [sflag:$0x2] =	stream.linear.gather [hbm4b:s15+s26], $0x8000, $0x38;
	[tilespmem:$0x11100] =	vst v63  }
0x468: {  	_ =	swait.ge [sflag:s10], $0x8000  }
0x469: {  	[sflag:s10] =	ssyncset.done $0x0  }
0x46a: {  	[sflag:s10] =	ssyncadd.s32 $0xFFFF8000  }
0x46b: {  	[hbm4b:s18+s26] =	stream.linear.scatter [tilespmem:s8], [sflag:$0x4], $0x8000, $0x38;
	[tilespmem:$0x11100] =	vst v63  }
0x46c: {  	_ =	swait.ge [sflag:s9], $0x8000  }
0x46d: {  	[sflag:s9] =	ssyncset.done $0x0  }
0x46e: {  	s29 =	rddreg [dreg:$0xd];
	[sflag:s9] =	ssyncadd.s32 $0xFFFF8000  }
0x46f: {  	[tilespmem:s26], [sflag:$0x1] =	stream.linear.gather [hbm4b:s29+s26], $0x8000, $0x38;
	[tilespmem:$0x11100] =	vst v63  }
0x470: {  	_ =	swait.ge [sflag:s11], $0x8000  }
0x471: {  	[sflag:s11] =	ssyncset.done $0x0  }
0x472: {  	[sflag:s11] =	ssyncadd.s32 $0xFFFF8000  }
0x473: {  	[hbm4b:s16+s26] =	stream.linear.scatter [tilespmem:s26], [sflag:$0x3], $0x8000, $0x38;
	[tilespmem:$0x11100] =	vst v63  }
0x474: {  	_ =	swait.ge [sflag:s7], $0x8000  }
0x475: {  	[sflag:s7] =	ssyncset.done $0x0  }
0x476: {  	s13 =	rddreg [dreg:$0xe];
	[sflag:s7] =	ssyncadd.s32 $0xFFFF8000  }
0x477: {  	[tilespmem:s8], [sflag:$0x2] =	stream.linear.gather [hbm4b:s13+s26], $0x8000, $0x38;
	[tilespmem:$0x11100] =	vst v63  }
0x478: {  	_ =	swait.ge [sflag:s10], $0x8000  }
0x479: {  	[sflag:s10] =	ssyncset.done $0x0  }
0x47a: {  	[sflag:s10] =	ssyncadd.s32 $0xFFFF8000  }
0x47b: {  	[hbm4b:s17+s26] =	stream.linear.scatter [tilespmem:s8], [sflag:$0x4], $0x8000, $0x38;
	[tilespmem:$0x11100] =	vst v63  }
0x47c: {  	_ =	swait.ge [sflag:s9], $0x8000  }
0x47d: {  	[sflag:s9] =	ssyncset.done $0x0  }
0x47e: {  	s14 =	rddreg [dreg:$0xf];
	[sflag:s9] =	ssyncadd.s32 $0xFFFF8000  }
0x47f: {  	[tilespmem:s26], [sflag:$0x1] =	stream.linear.gather [hbm4b:s14+s26], $0x8000, $0x38;
	[tilespmem:$0x11100] =	vst v63  }
0x480: {  	_ =	swait.ge [sflag:s11], $0x8000  }
0x481: {  	s29 =	smov.u32 s17;
	s17 =	sld [smem:$0x7E8]  }
0x482: {  	[sflag:s11] =	ssyncset.done $0x0  }
0x483: {  	[sflag:s11] =	ssyncadd.s32 $0xFFFF8000  }
0x484: {  	[hbm4b:s17+s26] =	stream.linear.scatter [tilespmem:s26], [sflag:$0x3], $0x8000, $0x38;
	[tilespmem:$0x11100] =	vst v63  }
0x485: {  	_ =	swait.ge [sflag:s7], $0x8000  }
0x486: {  	[sflag:s7] =	ssyncset.done $0x0  }
0x487: {  	s15 =	rddreg [dreg:$0x10];
	[sflag:s7] =	ssyncadd.s32 $0xFFFF8000  }
0x488: {  	[tilespmem:s8], [sflag:$0x2] =	stream.linear.gather [hbm4b:s15+s26], $0x8000, $0x38;
	[tilespmem:$0x11100] =	vst v63  }
0x489: {  	_ =	swait.ge [sflag:s10], $0x8000  }
0x48a: {  	s15 =	sld [smem:$0x7E9]  }
0x48b: {  	[sflag:s10] =	ssyncset.done $0x0  }
0x48c: {  	[sflag:s10] =	ssyncadd.s32 $0xFFFF8000  }
0x48d: {  	[hbm4b:s15+s26] =	stream.linear.scatter [tilespmem:s8], [sflag:$0x4], $0x8000, $0x38;
	[tilespmem:$0x11100] =	vst v63  }
0x48e: {  	_ =	swait.ge [sflag:s9], $0x8000  }
0x48f: {  	[sflag:s9] =	ssyncset.done $0x0  }
0x490: {  	s16 =	rddreg [dreg:$0x11];
	[sflag:s9] =	ssyncadd.s32 $0xFFFF8000  }
0x491: {  	[tilespmem:s26], [sflag:$0x1] =	stream.linear.gather [hbm4b:s16+s26], $0x8000, $0x38;
	[tilespmem:$0x11100] =	vst v63  }
0x492: {  	_ =	swait.ge [sflag:s11], $0x8000  }
0x493: {  	[sflag:s11] =	ssyncset.done $0x0  }
0x494: {  	[sflag:s11] =	ssyncadd.s32 $0xFFFF8000  }
0x495: {  	[hbm4b:s24+s26] =	stream.linear.scatter [tilespmem:s26], [sflag:$0x3], $0x8000, $0x38;
	[tilespmem:$0x11100] =	vst v63  }
0x496: {  	_ =	swait.ge [sflag:s7], $0x8000  }
0x497: {  	[sflag:s7] =	ssyncset.done $0x0  }
0x498: {  	s24 =	rddreg [dreg:$0x12];
	[sflag:s7] =	ssyncadd.s32 $0xFFFF8000  }
0x499: {  	[tilespmem:s8], [sflag:$0x2] =	stream.linear.gather [hbm4b:s24+s26], $0x8000, $0x38;
	[tilespmem:$0x11100] =	vst v63  }
0x49a: {  	_ =	swait.ge [sflag:s10], $0x8000  }
0x49b: {  	[sflag:s10] =	ssyncset.done $0x0  }
0x49c: {  	[sflag:s10] =	ssyncadd.s32 $0xFFFF8000  }
0x49d: {  	[hbm4b:s5+s26] =	stream.linear.scatter [tilespmem:s8], [sflag:$0x4], $0x8000, $0x38;
	[tilespmem:$0x11100] =	vst v63  }
0x49e: {  	_ =	swait.ge [sflag:s9], $0x8000  }
0x49f: {  	[sflag:s9] =	ssyncset.done $0x0  }
0x4a0: {  	s13 =	rddreg [dreg:$0x13];
	[sflag:s9] =	ssyncadd.s32 $0xFFFF8000  }
0x4a1: {  	[tilespmem:s26], [sflag:$0x1] =	stream.linear.gather [hbm4b:s13+s26], $0x8000, $0x38;
	[tilespmem:$0x11100] =	vst v63  }
0x4a2: {  	_ =	swait.ge [sflag:s11], $0x8000  }
0x4a3: {  	[sflag:s11] =	ssyncset.done $0x0  }
0x4a4: {  	[sflag:s11] =	ssyncadd.s32 $0xFFFF8000  }
0x4a5: {  	[hbm4b:s1+s26] =	stream.linear.scatter [tilespmem:s26], [sflag:$0x3], $0x8000, $0x38;
	[tilespmem:$0x11100] =	vst v63  }
0x4a6: {  	_ =	swait.ge [sflag:s7], $0x8000  }
0x4a7: {  	[sflag:s7] =	ssyncset.done $0x0  }
0x4a8: {  	s14 =	rddreg [dreg:$0x14];
	[sflag:s7] =	ssyncadd.s32 $0xFFFF8000  }
0x4a9: {  	[tilespmem:s8], [sflag:$0x2] =	stream.linear.gather [hbm4b:s14+s26], $0x8000, $0x38;
	[tilespmem:$0x11100] =	vst v63  }
0x4aa: {  	_ =	swait.ge [sflag:s10], $0x8000  }
0x4ab: {  	s16 =	sld [smem:$0x7EA]  }
0x4ac: {  	[sflag:s10] =	ssyncset.done $0x0  }
0x4ad: {  	[sflag:s10] =	ssyncadd.s32 $0xFFFF8000  }
0x4ae: {  	[hbm4b:s16+s26] =	stream.linear.scatter [tilespmem:s8], [sflag:$0x4], $0x8000, $0x38;
	[tilespmem:$0x11100] =	vst v63  }
0x4af: {  	_ =	swait.ge [sflag:s9], $0x8000  }
0x4b0: {  	[sflag:s9] =	ssyncset.done $0x0  }
0x4b1: {  	s24 =	rddreg [dreg:$0x15];
	[sflag:s9] =	ssyncadd.s32 $0xFFFF8000  }
0x4b2: {  	[tilespmem:s26], [sflag:$0x1] =	stream.linear.gather [hbm4b:s24+s26], $0x8000, $0x38;
	[tilespmem:$0x11100] =	vst v63  }
0x4b3: {  	_ =	swait.ge [sflag:s11], $0x8000  }
0x4b4: {  	s1 =	sld [smem:$0x7EB]  }
0x4b5: {  	[sflag:s11] =	ssyncset.done $0x0  }
0x4b6: {  	[sflag:s11] =	ssyncadd.s32 $0xFFFF8000  }
0x4b7: {  	[hbm4b:s1+s26] =	stream.linear.scatter [tilespmem:s26], [sflag:$0x3], $0x8000, $0x38;
	[tilespmem:$0x11100] =	vst v63  }
0x4b8: {  	_ =	swait.ge [sflag:s7], $0x8000  }
0x4b9: {  	[sflag:s7] =	ssyncset.done $0x0  }
0x4ba: {  	s5 =	rddreg [dreg:$0x16];
	[sflag:s7] =	ssyncadd.s32 $0xFFFF8000  }
0x4bb: {  	[tilespmem:s8], [sflag:$0x2] =	stream.linear.gather [hbm4b:s5+s26], $0x8000, $0x38;
	[tilespmem:$0x11100] =	vst v63  }
0x4bc: {  	_ =	swait.ge [sflag:s10], $0x8000  }
0x4bd: {  	s24 =	sld [smem:$0x7ED]  }
0x4be: {  	[sflag:s10] =	ssyncset.done $0x0  }
0x4bf: {  	[sflag:s10] =	ssyncadd.s32 $0xFFFF8000  }
0x4c0: {  	[hbm4b:s24+s26] =	stream.linear.scatter [tilespmem:s8], [sflag:$0x4], $0x8000, $0x38;
	[tilespmem:$0x11100] =	vst v63  }
0x4c1: {  	_ =	swait.ge [sflag:s9], $0x8000  }
0x4c2: {  	[sflag:s9] =	ssyncset.done $0x0  }
0x4c3: {  	s13 =	rddreg [dreg:$0x17];
	[sflag:s9] =	ssyncadd.s32 $0xFFFF8000  }
0x4c4: {  	[tilespmem:s26], [sflag:$0x1] =	stream.linear.gather [hbm4b:s13+s26], $0x8000, $0x38;
	[tilespmem:$0x11100] =	vst v63  }
0x4c5: {  	_ =	swait.ge [sflag:s11], $0x8000  }
0x4c6: {  	s14 =	sld [smem:$0x7EF]  }
0x4c7: {  	[sflag:s11] =	ssyncset.done $0x0  }
0x4c8: {  	[sflag:s11] =	ssyncadd.s32 $0xFFFF8000  }
0x4c9: {  	[hbm4b:s14+s26] =	stream.linear.scatter [tilespmem:s26], [sflag:$0x3], $0x8000, $0x38;
	[tilespmem:$0x11100] =	vst v63  }
0x4ca: {  	_ =	swait.ge [sflag:s7], $0x8000  }
0x4cb: {  	[sflag:s7] =	ssyncset.done $0x0  }
0x4cc: {  	s16 =	rddreg [dreg:$0x18];
	[sflag:s7] =	ssyncadd.s32 $0xFFFF8000  }
0x4cd: {  	[tilespmem:s8], [sflag:$0x2] =	stream.linear.gather [hbm4b:s16+s26], $0x8000, $0x38;
	[tilespmem:$0x11100] =	vst v63  }
0x4ce: {  	_ =	swait.ge [sflag:s10], $0x8000  }
0x4cf: {  	[sflag:s10] =	ssyncset.done $0x0  }
0x4d0: {  	[sflag:s10] =	ssyncadd.s32 $0xFFFF8000  }
0x4d1: {  	[hbm4b:s6+s26] =	stream.linear.scatter [tilespmem:s8], [sflag:$0x4], $0x8000, $0x38;
	[tilespmem:$0x11100] =	vst v63  }
0x4d2: {  	_ =	swait.ge [sflag:s9], $0x8000  }
0x4d3: {  	[sflag:s9] =	ssyncset.done $0x0  }
0x4d4: {  	s1 =	rddreg [dreg:$0x19];
	[sflag:s9] =	ssyncadd.s32 $0xFFFF8000  }
0x4d5: {  	[tilespmem:s26], [sflag:$0x1] =	stream.linear.gather [hbm4b:s1+s26], $0x8000, $0x38;
	[tilespmem:$0x11100] =	vst v63  }
0x4d6: {  	_ =	swait.ge [sflag:s11], $0x8000  }
0x4d7: {  	[sflag:s11] =	ssyncset.done $0x0  }
0x4d8: {  	[sflag:s11] =	ssyncadd.s32 $0xFFFF8000  }
0x4d9: {  	[hbm4b:s4+s26] =	stream.linear.scatter [tilespmem:s26], [sflag:$0x3], $0x8000, $0x38;
	[tilespmem:$0x11100] =	vst v63  }
0x4da: {  	_ =	swait.ge [sflag:s7], $0x8000  }
0x4db: {  	[sflag:s7] =	ssyncset.done $0x0  }
0x4dc: {  	s5 =	rddreg [dreg:$0x1a];
	[sflag:s7] =	ssyncadd.s32 $0xFFFF8000  }
0x4dd: {  	[tilespmem:s8], [sflag:$0x2] =	stream.linear.gather [hbm4b:s5+s26], $0x8000, $0x38;
	[tilespmem:$0x11100] =	vst v63  }
0x4de: {  	_ =	swait.ge [sflag:s10], $0x8000  }
0x4df: {  	[sflag:s10] =	ssyncset.done $0x0  }
0x4e0: {  	[sflag:s10] =	ssyncadd.s32 $0xFFFF8000  }
0x4e1: {  	[hbm4b:s3+s26] =	stream.linear.scatter [tilespmem:s8], [sflag:$0x4], $0x8000, $0x38;
	[tilespmem:$0x11100] =	vst v63  }
0x4e2: {  	_ =	swait.ge [sflag:s9], $0x8000  }
0x4e3: {  	[sflag:s9] =	ssyncset.done $0x0  }
0x4e4: {  	s16 =	smov.u32 s6;
	s6 =	rddreg [dreg:$0x1b];
	[sflag:s9] =	ssyncadd.s32 $0xFFFF8000  }
0x4e5: {  	[tilespmem:s26], [sflag:$0x1] =	stream.linear.gather [hbm4b:s6+s26], $0x8000, $0x38;
	[tilespmem:$0x11100] =	vst v63  }
0x4e6: {  	_ =	swait.ge [sflag:s11], $0x8000  }
0x4e7: {  	[sflag:s11] =	ssyncset.done $0x0  }
0x4e8: {  	[sflag:s11] =	ssyncadd.s32 $0xFFFF8000  }
0x4e9: {  	[hbm4b:s28+s26] =	stream.linear.scatter [tilespmem:s26], [sflag:$0x3], $0x8000, $0x38;
	[tilespmem:$0x11100] =	vst v63  }
0x4ea: {  	_ =	swait.ge [sflag:s7], $0x8000  }
0x4eb: {  	[sflag:s7] =	ssyncset.done $0x0  }
0x4ec: {  	s1 =	rddreg [dreg:$0x1c];
	[sflag:s7] =	ssyncadd.s32 $0xFFFF8000  }
0x4ed: {  	[tilespmem:s8], [sflag:$0x2] =	stream.linear.gather [hbm4b:s1+s26], $0x8000, $0x38;
	[tilespmem:$0x11100] =	vst v63  }
0x4ee: {  	_ =	swait.ge [sflag:s10], $0x8000  }
0x4ef: {  	[sflag:s10] =	ssyncset.done $0x0  }
0x4f0: {  	[sflag:s10] =	ssyncadd.s32 $0xFFFF8000  }
0x4f1: {  	[hbm4b:s23+s26] =	stream.linear.scatter [tilespmem:s8], [sflag:$0x4], $0x8000, $0x38;
	[tilespmem:$0x11100] =	vst v63  }
0x4f2: {  	_ =	swait.ge [sflag:s9], $0x8000  }
0x4f3: {  	[sflag:s9] =	ssyncset.done $0x0  }
0x4f4: {  	s13 =	smov.u32 s3;
	s3 =	rddreg [dreg:$0x1d];
	[sflag:s9] =	ssyncadd.s32 $0xFFFF8000  }
0x4f5: {  	[tilespmem:s26], [sflag:$0x1] =	stream.linear.gather [hbm4b:s3+s26], $0x8000, $0x38;
	[tilespmem:$0x11100] =	vst v63  }
0x4f6: {  	_ =	swait.ge [sflag:s11], $0x8000  }
0x4f7: {  	s5 =	sld [smem:$0x7F4]  }
0x4f8: {  	[sflag:s11] =	ssyncset.done $0x0  }
0x4f9: {  	[sflag:s11] =	ssyncadd.s32 $0xFFFF8000  }
0x4fa: {  	[hbm4b:s5+s26] =	stream.linear.scatter [tilespmem:s26], [sflag:$0x3], $0x8000, $0x38;
	[tilespmem:$0x11100] =	vst v63  }
0x4fb: {  	_ =	swait.ge [sflag:s7], $0x8000  }
0x4fc: {  	[sflag:s7] =	ssyncset.done $0x0  }
0x4fd: {  	s14 =	smov.u32 s4;
	s4 =	rddreg [dreg:$0x1e];
	[sflag:s7] =	ssyncadd.s32 $0xFFFF8000  }
0x4fe: {  	[tilespmem:s8], [sflag:$0x2] =	stream.linear.gather [hbm4b:s4+s26], $0x8000, $0x38;
	[tilespmem:$0x11100] =	vst v63  }
0x4ff: {  	_ =	swait.ge [sflag:s10], $0x8000  }
0x500: {  	s1 =	sld [smem:$0x7F5]  }
0x501: {  	[sflag:s10] =	ssyncset.done $0x0  }
0x502: {  	[sflag:s10] =	ssyncadd.s32 $0xFFFF8000  }
0x503: {  	[hbm4b:s1+s26] =	stream.linear.scatter [tilespmem:s8], [sflag:$0x4], $0x8000, $0x38;
	[tilespmem:$0x11100] =	vst v63  }
0x504: {  	_ =	swait.ge [sflag:s9], $0x8000  }
0x505: {  	[sflag:s9] =	ssyncset.done $0x0  }
0x506: {  	s6 =	rddreg [dreg:$0x1f];
	[sflag:s9] =	ssyncadd.s32 $0xFFFF8000  }
0x507: {  	[tilespmem:s26], [sflag:$0x1] =	stream.linear.gather [hbm4b:s6+s26], $0x8000, $0x38;
	[tilespmem:$0x11100] =	vst v63  }
0x508: {  	_ =	swait.ge [sflag:s11], $0x8000  }
0x509: {  	[sflag:s11] =	ssyncset.done $0x0  }
0x50a: {  	[sflag:s11] =	ssyncadd.s32 $0xFFFF8000  }
0x50b: {  	[hbm4b:s31+s26] =	stream.linear.scatter [tilespmem:s26], [sflag:$0x3], $0x8000, $0x38;
	[tilespmem:$0x11100] =	vst v63  }
0x50c: {  	_ =	swait.ge [sflag:s7], $0x8000  }
0x50d: {  	s28 =	sld [smem:$0x7D9]  }
0x50e: {  	[sflag:s7] =	ssyncset.done $0x0  }
0x50f: {  	[sflag:s7] =	ssyncadd.s32 $0xFFFF8000  }
0x510: {  	[tilespmem:s8], [sflag:$0x2] =	stream.linear.gather [hbm4b:s28+s26], $0x8000, $0x38;
	[tilespmem:$0x11100] =	vst v63  }
0x511: {  	_ =	swait.ge [sflag:s10], $0x8000  }
0x512: {  	[sflag:s10] =	ssyncset.done $0x0  }
0x513: {  	[sflag:s10] =	ssyncadd.s32 $0xFFFF8000  }
0x514: {  	[hbm4b:s30+s26] =	stream.linear.scatter [tilespmem:s8], [sflag:$0x4], $0x8000, $0x38;
	[tilespmem:$0x11100] =	vst v63  }
0x515: {  	s23 =	smov.u32 s15;
	_ =	swait.ge [sflag:s9], $0x8000  }
0x516: {  	s15 =	smov.u32 s17;
	s17 =	smov.u32 s29;
	s29 =	sld [smem:$0x7DA]  }
0x517: {  	[sflag:s9] =	ssyncset.done $0x0  }
0x518: {  	[sflag:s9] =	ssyncadd.s32 $0xFFFF8000  }
0x519: {  	[tilespmem:s26], [sflag:$0x1] =	stream.linear.gather [hbm4b:s29+s26], $0x8000, $0x38;
	[tilespmem:$0x11100] =	vst v63  }
0x51a: {  	_ =	swait.ge [sflag:s11], $0x8000  }
0x51b: {  	[sflag:s11] =	ssyncset.done $0x0  }
0x51c: {  	[sflag:s11] =	ssyncadd.s32 $0xFFFF8000  }
0x51d: {  	[hbm4b:s25+s26] =	stream.linear.scatter [tilespmem:s26], [sflag:$0x3], $0x8000, $0x38;
	[tilespmem:$0x11100] =	vst v63  }
0x51e: {  	_ =	swait.ge [sflag:s7], $0x8000  }
0x51f: {  	s6 =	sld [smem:$0x7DB]  }
0x520: {  	[sflag:s7] =	ssyncset.done $0x0  }
0x521: {  	[sflag:s7] =	ssyncadd.s32 $0xFFFF8000  }
0x522: {  	[tilespmem:s8], [sflag:$0x2] =	stream.linear.gather [hbm4b:s6+s26], $0x8000, $0x38;
	[tilespmem:$0x11100] =	vst v63  }
0x523: {  	_ =	swait.ge [sflag:s10], $0x8000  }
0x524: {  	s29 =	sld [smem:$0x7F6]  }
0x525: {  	[sflag:s10] =	ssyncset.done $0x0  }
0x526: {  	[sflag:s10] =	ssyncadd.s32 $0xFFFF8000  }
0x527: {  	[hbm4b:s29+s26] =	stream.linear.scatter [tilespmem:s8], [sflag:$0x4], $0x8000, $0x38;
	[tilespmem:$0x11100] =	vst v63  }
0x528: {  	_ =	swait.ge [sflag:s9], $0x8000  }
0x529: {  	s28 =	sld [smem:$0x7DC]  }
0x52a: {  	[sflag:s9] =	ssyncset.done $0x0  }
0x52b: {  	[sflag:s9] =	ssyncadd.s32 $0xFFFF8000  }
0x52c: {  	[tilespmem:s26], [sflag:$0x1] =	stream.linear.gather [hbm4b:s28+s26], $0x8000, $0x38;
	[tilespmem:$0x11100] =	vst v63  }
0x52d: {  	_ =	swait.ge [sflag:s11], $0x8000  }
0x52e: {  	s28 =	sld [smem:$0x7F7]  }
0x52f: {  	[sflag:s11] =	ssyncset.done $0x0  }
0x530: {  	[sflag:s11] =	ssyncadd.s32 $0xFFFF8000  }
0x531: {  	[hbm4b:s28+s26] =	stream.linear.scatter [tilespmem:s26], [sflag:$0x3], $0x8000, $0x38;
	[tilespmem:$0x11100] =	vst v63  }
0x532: {  	_ =	swait.ge [sflag:s7], $0x8000  }
0x533: {  	s6 =	sld [smem:$0x7DD]  }
0x534: {  	[sflag:s7] =	ssyncset.done $0x0  }
0x535: {  	[sflag:s7] =	ssyncadd.s32 $0xFFFF8000  }
0x536: {  	[tilespmem:s8], [sflag:$0x2] =	stream.linear.gather [hbm4b:s6+s26], $0x8000, $0x38;
	[tilespmem:$0x11100] =	vst v63  }
0x537: {  	_ =	swait.ge [sflag:s10], $0x8000  }
0x538: {  	[sflag:s10] =	ssyncset.done $0x0  }
0x539: {  	[sflag:s10] =	ssyncadd.s32 $0xFFFF8000  }
0x53a: {  	[hbm4b:s22+s26] =	stream.linear.scatter [tilespmem:s8], [sflag:$0x4], $0x8000, $0x38;
	[tilespmem:$0x11100] =	vst v63  }
0x53b: {  	_ =	swait.ge [sflag:s9], $0x8000  }
0x53c: {  	s6 =	sld [smem:$0x7DE]  }
0x53d: {  	[sflag:s9] =	ssyncset.done $0x0  }
0x53e: {  	[sflag:s9] =	ssyncadd.s32 $0xFFFF8000  }
0x53f: {  	[tilespmem:s26], [sflag:$0x1] =	stream.linear.gather [hbm4b:s6+s26], $0x8000, $0x38;
	[tilespmem:$0x11100] =	vst v63  }
0x540: {  	_ =	swait.ge [sflag:s11], $0x8000  }
0x541: {  	[sflag:s11] =	ssyncset.done $0x0  }
0x542: {  	[sflag:s11] =	ssyncadd.s32 $0xFFFF8000  }
0x543: {  	[hbm4b:s21+s26] =	stream.linear.scatter [tilespmem:s26], [sflag:$0x3], $0x8000, $0x38;
	[tilespmem:$0x11100] =	vst v63  }
0x544: {  	_ =	swait.ge [sflag:s7], $0x8000  }
0x545: {  	s6 =	sld [smem:$0x7DF]  }
0x546: {  	[sflag:s7] =	ssyncset.done $0x0  }
0x547: {  	[sflag:s7] =	ssyncadd.s32 $0xFFFF8000  }
0x548: {  	[tilespmem:s8], [sflag:$0x2] =	stream.linear.gather [hbm4b:s6+s26], $0x8000, $0x38;
	[tilespmem:$0x11100] =	vst v63  }
0x549: {  	_ =	swait.ge [sflag:s10], $0x8000  }
0x54a: {  	[sflag:s10] =	ssyncset.done $0x0  }
0x54b: {  	[sflag:s10] =	ssyncadd.s32 $0xFFFF8000  }
0x54c: {  	[hbm4b:s20+s26] =	stream.linear.scatter [tilespmem:s8], [sflag:$0x4], $0x8000, $0x38;
	[tilespmem:$0x11100] =	vst v63  }
0x54d: {  	_ =	swait.ge [sflag:s9], $0x8000  }
0x54e: {  	[sflag:s9] =	ssyncset.done $0x0  }
0x54f: {  	[sflag:s9] =	ssyncadd.s32 $0xFFFF8000  }
0x550: {  	_ =	swait.ge [sflag:s7], $0x8000  }
0x551: {  	s9 =	sld [smem:$0x7E1];
	[sflag:s7] =	ssyncset.done $0x0  }
0x552: {  	s3 =	simm.s32 $0x10000;
	[sflag:s7] =	ssyncadd.s32 $0xFFFF8000  }
0x553: {  	s4 =	simm.s32 $0x10080;
	s11 =	simm.s32 $0x5;
	s10 =	rddreg [dreg:$0x2]  }
0x554: {  	[hbm4b:s10+s9] =	stream.indirect.scatter [tilespmem:s4], [sflag:$0x5], $0x80, s3, s9, $0xb8;
	[tilespmem:$0x11100] =	vst v63  }
0x555: {  	_ =	swait.ge [sflag:s11], $0x1000  }
0x556: {  	[sflag:s11] =	ssyncset.done $0x0  }
0x557: {  	[sflag:s11] =	ssyncadd.s32 $0xFFFFF000  }
0x558: {  	v0 =	vld [tilespmem:$0x11080];
	_ =	sdelay $0x4  }
0x559: {  	(v2sf) =	vpush v0, $0x0;
	_ =	sdelay $0x1  }
0x55a: {  	(v2sf) =	vpush v0, $0x1  }
0x55b: {  	(v2sf) =	vpush v0, $0x2;
	_ =	sdelay $0x3  }
0x55c: {  	(v2sf) =	vpush v0, $0x3  }
0x55d: {  	(v2sf) =	vpush v0, $0x4;
	_ =	sdelay $0x3  }
0x55e: {  	(v2sf) =	vpush v0, $0x5  }
0x55f: {  	(v2sf) =	vpush v0, $0x6;
	_ =	sdelay $0x1  }
0x560: {  	(v2sf) =	vpush v0, $0x7;
	s12 =	spop (v2sf)  }
0x561: {  	s3 =	sld [smem:$0x7E2];
	(v2sf) =	vpush v0, $0x8;
	p1 =	seq.s32 s12, $0x0  }
0x562: {  	(v2sf) =	vpush v0, $0x9;
	s26 =	spop (v2sf);
	s8 =	sshll.u32 @!p1 s0, $0x6  }
0x563: {  	(v2sf) =	vpush v0, $0xA;
	s4 =	spop (v2sf);
	s6 =	simm.s32 @!p1 $0x6;
	s8 =	sor.u32 @!p1 $0x1C06, s8  }
0x564: {  	[hbm:s3], [sflag:s8] =	dma.local @!p1 [hbm:s2], $0x1000  }
0x565: {  	p0 =	seq.s32 s26, $0x0;
	_ =	swait.ge @!p1 [sflag:s6], $0x1000  }
0x566: {  	s12 =	smov.u32 s5;
	s7 =	sshll.u32 @!p0 s0, $0x6;
	s3 =	sld [smem:$0x7E4]  }
0x567: {  	s5 =	simm.s32 @!p0 $0x6;
	[sflag:s6] =	ssyncset.done @!p1 $0x0;
	(v2sf) =	vpush v0, $0xB;
	s8 =	spop (v2sf)  }
0x568: {  	[sflag:s6] =	ssyncadd.s32 @!p1 $0xFFFFF000;
	s6 =	sor.u32 @!p0 $0x1C06, s7;
	(v2sf) =	vpush v0, $0xC;
	s10 =	spop (v2sf)  }
0x569: {  	[hbm:s3], [sflag:s6] =	dma.local @!p0 [hbm:s2], $0x1000  }
0x56a: {  	p1 =	seq.s32 s4, $0x0;
	_ =	swait.ge @!p0 [sflag:s5], $0x1000  }
0x56b: {  	s4 =	simm.s32 @!p1 $0x6;
	s3 =	sld [smem:$0x7E5]  }
0x56c: {  	s6 =	sshll.u32 @!p1 s0, $0x6;
	[sflag:s5] =	ssyncset.done @!p0 $0x0;
	(v2sf) =	vpush v0, $0xD;
	s11 =	spop (v2sf)  }
0x56d: {  	[sflag:s5] =	ssyncadd.s32 @!p0 $0xFFFFF000;
	s5 =	sor.u32 @!p1 $0x1C06, s6;
	(v2sf) =	vpush v0, $0xE;
	s26 =	spop (v2sf)  }
0x56e: {  	[hbm:s3], [sflag:s5] =	dma.local @!p1 [hbm:s2], $0x1000  }
0x56f: {  	_ =	swait.ge @!p1 [sflag:s4], $0x1000  }
0x570: {  	p0 =	seq.s32 s8, $0x0;
	s3 =	sld [smem:$0x7E6]  }
0x571: {  	s5 =	sshll.u32 @!p0 s0, $0x6;
	[sflag:s4] =	ssyncset.done @!p1 $0x0;
	s8 =	spop (v2sf)  }
0x572: {  	(v2sf) =	vpush v0, $0xF;
	[sflag:s4] =	ssyncadd.s32 @!p1 $0xFFFFF000;
	s4 =	sor.u32 @!p0 $0x1C06, s5;
	s5 =	spop (v2sf)  }
0x573: {  	[hbm:s3], [sflag:s4] =	dma.local @!p0 [hbm:s2], $0x1000  }
0x574: {  	s3 =	simm.s32 @!p0 $0x6  }
0x575: {  	p1 =	seq.s32 s10, $0x0;
	_ =	swait.ge @!p0 [sflag:s3], $0x1000  }
0x576: {  	s4 =	sshll.u32 @!p1 s0, $0x6;
	[sflag:s3] =	ssyncset.done @!p0 $0x0;
	s7 =	spop (v2sf)  }
0x577: {  	[sflag:s3] =	ssyncadd.s32 @!p0 $0xFFFFF000;
	s3 =	sor.u32 @!p1 $0x1C06, s4;
	s4 =	spop (v2sf)  }
0x578: {  	[hbm:s19], [sflag:s3] =	dma.local @!p1 [hbm:s2], $0x1000  }
0x579: {  	p0 =	seq.s32 s11, $0x0;
	s3 =	simm.s32 @!p1 $0x6  }
0x57a: {  	s11 =	smov.u32 s1;
	s9 =	sshll.u32 @!p0 s0, $0x6;
	_ =	swait.ge @!p1 [sflag:s3], $0x1000  }
0x57b: {  	s1 =	simm.s32 @!p0 $0x6;
	[sflag:s3] =	ssyncset.done @!p1 $0x0;
	s10 =	spop (v2sf)  }
0x57c: {  	[sflag:s3] =	ssyncadd.s32 @!p1 $0xFFFFF000;
	s3 =	sor.u32 @!p0 $0x1C06, s9;
	s9 =	spop (v2sf)  }
0x57d: {  	[hbm:s18], [sflag:s3] =	dma.local @!p0 [hbm:s2], $0x1000  }
0x57e: {  	_ =	swait.ge @!p0 [sflag:s1], $0x1000  }
0x57f: {  	p1 =	seq.s32 s26, $0x0;
	s18 =	sld [smem:$0x7F9]  }
0x580: {  	s3 =	sshll.u32 @!p1 s0, $0x6;
	[sflag:s1] =	ssyncset.done @!p0 $0x0;
	s19 =	spop (v2sf)  }
0x581: {  	[sflag:s1] =	ssyncadd.s32 @!p0 $0xFFFFF000;
	s1 =	sor.u32 @!p1 $0x1C06, s3;
	s26 =	spop (v2sf)  }
0x582: {  	[hbm:s18], [sflag:s1] =	dma.local @!p1 [hbm:s2], $0x1000  }
0x583: {  	s1 =	simm.s32 @!p1 $0x6  }
0x584: {  	p0 =	seq.s32 s8, $0x0;
	_ =	swait.ge @!p1 [sflag:s1], $0x1000  }
0x585: {  	s8 =	sshll.u32 @!p0 s0, $0x6;
	[sflag:s1] =	ssyncset.done @!p1 $0x0  }
0x586: {  	s18 =	spop (v2sf);
	[sflag:s1] =	ssyncadd.s32 @!p1 $0xFFFFF000;
	s1 =	sor.u32 @!p0 $0x1C06, s8  }
0x587: {  	[hbm:s17], [sflag:s1] =	dma.local @!p0 [hbm:s2], $0x1000  }
0x588: {  	s1 =	simm.s32 @!p0 $0x6  }
0x589: {  	p1 =	seq.s32 s5, $0x0;
	_ =	swait.ge @!p0 [sflag:s1], $0x1000  }
0x58a: {  	s5 =	sshll.u32 @!p1 s0, $0x6;
	[sflag:s1] =	ssyncset.done @!p0 $0x0  }
0x58b: {  	[sflag:s1] =	ssyncadd.s32 @!p0 $0xFFFFF000;
	s1 =	sor.u32 @!p1 $0x1C06, s5  }
0x58c: {  	[hbm:s15], [sflag:s1] =	dma.local @!p1 [hbm:s2], $0x1000  }
0x58d: {  	s1 =	simm.s32 @!p1 $0x6  }
0x58e: {  	p0 =	seq.s32 s7, $0x0;
	_ =	swait.ge @!p1 [sflag:s1], $0x1000  }
0x58f: {  	s5 =	sshll.u32 @!p0 s0, $0x6;
	[sflag:s1] =	ssyncset.done @!p1 $0x0  }
0x590: {  	[sflag:s1] =	ssyncadd.s32 @!p1 $0xFFFFF000;
	s1 =	sor.u32 @!p0 $0x1C06, s5  }
0x591: {  	[hbm:s23], [sflag:s1] =	dma.local @!p0 [hbm:s2], $0x1000  }
0x592: {  	s1 =	simm.s32 @!p0 $0x6  }
0x593: {  	p1 =	seq.s32 s4, $0x0;
	_ =	swait.ge @!p0 [sflag:s1], $0x1000  }
0x594: {  	s4 =	sshll.u32 @!p1 s0, $0x6;
	[sflag:s1] =	ssyncset.done @!p0 $0x0  }
0x595: {  	[sflag:s1] =	ssyncadd.s32 @!p0 $0xFFFFF000;
	s1 =	sor.u32 @!p1 $0x1C06, s4;
	s4 =	sld [smem:$0x7FA]  }
0x596: {  	_ =	sdelay $0x1  }
0x597: {  	[hbm:s4], [sflag:s1] =	dma.local @!p1 [hbm:s2], $0x1000  }
0x598: {  	s1 =	simm.s32 @!p1 $0x6  }
0x599: {  	p0 =	seq.s32 s10, $0x0;
	_ =	swait.ge @!p1 [sflag:s1], $0x1000  }
0x59a: {  	s4 =	sshll.u32 @!p0 s0, $0x6;
	[sflag:s1] =	ssyncset.done @!p1 $0x0  }
0x59b: {  	[sflag:s1] =	ssyncadd.s32 @!p1 $0xFFFFF000;
	s1 =	sor.u32 @!p0 $0x1C06, s4;
	s4 =	sld [smem:$0x7FB]  }
0x59c: {  	_ =	sdelay $0x1  }
0x59d: {  	[hbm:s4], [sflag:s1] =	dma.local @!p0 [hbm:s2], $0x1000  }
0x59e: {  	s1 =	simm.s32 @!p0 $0x6  }
0x59f: {  	p1 =	seq.s32 s9, $0x0;
	_ =	swait.ge @!p0 [sflag:s1], $0x1000  }
0x5a0: {  	s4 =	sshll.u32 @!p1 s0, $0x6;
	[sflag:s1] =	ssyncset.done @!p0 $0x0  }
0x5a1: {  	[sflag:s1] =	ssyncadd.s32 @!p0 $0xFFFFF000;
	s1 =	sor.u32 @!p1 $0x1C06, s4;
	s4 =	sld [smem:$0x7F8]  }
0x5a2: {  	_ =	sdelay $0x1  }
0x5a3: {  	[hbm:s4], [sflag:s1] =	dma.local @!p1 [hbm:s2], $0x1000  }
0x5a4: {  	s1 =	simm.s32 @!p1 $0x6  }
0x5a5: {  	p0 =	seq.s32 s19, $0x0;
	_ =	swait.ge @!p1 [sflag:s1], $0x1000  }
0x5a6: {  	s4 =	sshll.u32 @!p0 s0, $0x6;
	[sflag:s1] =	ssyncset.done @!p1 $0x0  }
0x5a7: {  	[sflag:s1] =	ssyncadd.s32 @!p1 $0xFFFFF000;
	s1 =	sor.u32 @!p0 $0x1C06, s4;
	s4 =	sld [smem:$0x7EA]  }
0x5a8: {  	_ =	sdelay $0x1  }
0x5a9: {  	[hbm:s4], [sflag:s1] =	dma.local @!p0 [hbm:s2], $0x1000  }
0x5aa: {  	s1 =	simm.s32 @!p0 $0x6  }
0x5ab: {  	p1 =	seq.s32 s26, $0x0;
	_ =	swait.ge @!p0 [sflag:s1], $0x1000  }
0x5ac: {  	s3 =	sshll.u32 @!p1 s0, $0x6;
	[sflag:s1] =	ssyncset.done @!p0 $0x0  }
0x5ad: {  	[sflag:s1] =	ssyncadd.s32 @!p0 $0xFFFFF000;
	s1 =	sor.u32 @!p1 $0x1C06, s3;
	s3 =	sld [smem:$0x7EB]  }
0x5ae: {  	_ =	sdelay $0x1  }
0x5af: {  	[hbm:s3], [sflag:s1] =	dma.local @!p1 [hbm:s2], $0x1000  }
0x5b0: {  	s1 =	simm.s32 @!p1 $0x6  }
0x5b1: {  	p0 =	seq.s32 s18, $0x0;
	_ =	swait.ge @!p1 [sflag:s1], $0x1000  }
0x5b2: {  	s3 =	sshll.u32 @!p0 s0, $0x6;
	[sflag:s1] =	ssyncset.done @!p1 $0x0  }
0x5b3: {  	s3 =	sor.u32 @!p0 $0x1C06, s3;
	[sflag:s1] =	ssyncadd.s32 @!p1 $0xFFFFF000;
	s1 =	simm.s32 @!p0 $0x6  }
0x5b4: {  	[hbm:s24], [sflag:s3] =	dma.local @!p0 [hbm:s2], $0x1000  }
0x5b5: {  	_ =	swait.ge @!p0 [sflag:s1], $0x1000  }
0x5b6: {  	[sflag:s1] =	ssyncset.done @!p0 $0x0  }
0x5b7: {  	[sflag:s1] =	ssyncadd.s32 @!p0 $0xFFFFF000  }
0x5b8: {  	v63 =	vld [tilespmem:$0x11090];
	_ =	sdelay $0x4  }
0x5b9: {  	(v2sf) =	vpush v63, $0x0;
	_ =	sdelay $0x1  }
0x5ba: {  	(v2sf) =	vpush v63, $0x1  }
0x5bb: {  	(v2sf) =	vpush v63, $0x2;
	_ =	sdelay $0x3  }
0x5bc: {  	(v2sf) =	vpush v63, $0x3  }
0x5bd: {  	(v2sf) =	vpush v63, $0x4;
	_ =	sdelay $0x3  }
0x5be: {  	(v2sf) =	vpush v63, $0x5  }
0x5bf: {  	(v2sf) =	vpush v63, $0x6;
	_ =	sdelay $0x1  }
0x5c0: {  	(v2sf) =	vpush v63, $0x7;
	s19 =	spop (v2sf)  }
0x5c1: {  	s5 =	sld [smem:$0x7EF];
	(v2sf) =	vpush v63, $0x8;
	p1 =	seq.s32 s19, $0x0  }
0x5c2: {  	s23 =	spop (v2sf);
	(v2sf) =	vpush v63, $0x9;
	s3 =	sshll.u32 @!p1 s0, $0x6  }
0x5c3: {  	s24 =	spop (v2sf);
	(v2sf) =	vpush v63, $0xA;
	s3 =	sor.u32 @!p1 $0x1C06, s3  }
0x5c4: {  	[hbm:s5], [sflag:s3] =	dma.local @!p1 [hbm:s2], $0x1000  }
0x5c5: {  	s3 =	simm.s32 @!p1 $0x6  }
0x5c6: {  	p0 =	seq.s32 s23, $0x0;
	_ =	swait.ge @!p1 [sflag:s3], $0x1000  }
0x5c7: {  	s1 =	sshll.u32 @!p0 s0, $0x6;
	s26 =	spop (v2sf);
	[sflag:s3] =	ssyncset.done @!p1 $0x0;
	(v2sf) =	vpush v63, $0xB  }
0x5c8: {  	s1 =	sor.u32 @!p0 $0x1C06, s1;
	[sflag:s3] =	ssyncadd.s32 @!p1 $0xFFFFF000;
	s6 =	spop (v2sf);
	(v2sf) =	vpush v63, $0xC  }
0x5c9: {  	[hbm:s16], [sflag:s1] =	dma.local @!p0 [hbm:s2], $0x1000  }
0x5ca: {  	s1 =	simm.s32 @!p0 $0x6  }
0x5cb: {  	p1 =	seq.s32 s24, $0x0;
	_ =	swait.ge @!p0 [sflag:s1], $0x1000  }
0x5cc: {  	s4 =	sshll.u32 @!p1 s0, $0x6;
	s7 =	spop (v2sf);
	[sflag:s1] =	ssyncset.done @!p0 $0x0;
	(v2sf) =	vpush v63, $0xD  }
0x5cd: {  	s4 =	sor.u32 @!p1 $0x1C06, s4;
	[sflag:s1] =	ssyncadd.s32 @!p0 $0xFFFFF000;
	s8 =	spop (v2sf);
	(v2sf) =	vpush v63, $0xE  }
0x5ce: {  	[hbm:s14], [sflag:s4] =	dma.local @!p1 [hbm:s2], $0x1000  }
0x5cf: {  	s4 =	simm.s32 @!p1 $0x6  }
0x5d0: {  	p0 =	seq.s32 s26, $0x0;
	_ =	swait.ge @!p1 [sflag:s4], $0x1000  }
0x5d1: {  	s5 =	sshll.u32 @!p0 s0, $0x6;
	s14 =	spop (v2sf);
	[sflag:s4] =	ssyncset.done @!p1 $0x0  }
0x5d2: {  	s5 =	sor.u32 @!p0 $0x1C06, s5;
	[sflag:s4] =	ssyncadd.s32 @!p1 $0xFFFFF000;
	s15 =	spop (v2sf);
	(v2sf) =	vpush v63, $0xF  }
0x5d3: {  	[hbm:s13], [sflag:s5] =	dma.local @!p0 [hbm:s2], $0x1000  }
0x5d4: {  	s5 =	simm.s32 @!p0 $0x6  }
0x5d5: {  	_ =	swait.ge @!p0 [sflag:s5], $0x1000  }
0x5d6: {  	p1 =	seq.s32 s6, $0x0;
	s9 =	sld [smem:$0x7FD]  }
0x5d7: {  	s3 =	sshll.u32 @!p1 s0, $0x6;
	s16 =	spop (v2sf);
	[sflag:s5] =	ssyncset.done @!p0 $0x0  }
0x5d8: {  	s3 =	sor.u32 @!p1 $0x1C06, s3;
	[sflag:s5] =	ssyncadd.s32 @!p0 $0xFFFFF000;
	s17 =	spop (v2sf)  }
0x5d9: {  	[hbm:s9], [sflag:s3] =	dma.local @!p1 [hbm:s2], $0x1000  }
0x5da: {  	s3 =	simm.s32 @!p1 $0x6  }
0x5db: {  	_ =	swait.ge @!p1 [sflag:s3], $0x1000  }
0x5dc: {  	p0 =	seq.s32 s7, $0x0;
	s10 =	sld [smem:$0x7FC]  }
0x5dd: {  	s6 =	sshll.u32 @!p0 s0, $0x6;
	s18 =	spop (v2sf);
	[sflag:s3] =	ssyncset.done @!p1 $0x0  }
0x5de: {  	s6 =	sor.u32 @!p0 $0x1C06, s6;
	[sflag:s3] =	ssyncadd.s32 @!p1 $0xFFFFF000;
	s19 =	spop (v2sf)  }
0x5df: {  	[hbm:s10], [sflag:s6] =	dma.local @!p0 [hbm:s2], $0x1000  }
0x5e0: {  	s6 =	simm.s32 @!p0 $0x6  }
0x5e1: {  	p1 =	seq.s32 s8, $0x0;
	_ =	swait.ge @!p0 [sflag:s6], $0x1000  }
0x5e2: {  	s1 =	sshll.u32 @!p1 s0, $0x6;
	s23 =	spop (v2sf);
	[sflag:s6] =	ssyncset.done @!p0 $0x0  }
0x5e3: {  	s1 =	sor.u32 @!p1 $0x1C06, s1;
	[sflag:s6] =	ssyncadd.s32 @!p0 $0xFFFFF000;
	s24 =	spop (v2sf)  }
0x5e4: {  	[hbm:s12], [sflag:s1] =	dma.local @!p1 [hbm:s2], $0x1000  }
0x5e5: {  	s1 =	simm.s32 @!p1 $0x6  }
0x5e6: {  	p0 =	seq.s32 s14, $0x0;
	_ =	swait.ge @!p1 [sflag:s1], $0x1000  }
0x5e7: {  	s7 =	sshll.u32 @!p0 s0, $0x6;
	[sflag:s1] =	ssyncset.done @!p1 $0x0  }
0x5e8: {  	s7 =	sor.u32 @!p0 $0x1C06, s7;
	s26 =	spop (v2sf);
	[sflag:s1] =	ssyncadd.s32 @!p1 $0xFFFFF000  }
0x5e9: {  	[hbm:s11], [sflag:s7] =	dma.local @!p0 [hbm:s2], $0x1000  }
0x5ea: {  	s7 =	simm.s32 @!p0 $0x6  }
0x5eb: {  	p1 =	seq.s32 s15, $0x0;
	_ =	swait.ge @!p0 [sflag:s7], $0x1000  }
0x5ec: {  	s4 =	sshll.u32 @!p1 s0, $0x6;
	[sflag:s7] =	ssyncset.done @!p0 $0x0  }
0x5ed: {  	s4 =	sor.u32 @!p1 $0x1C06, s4;
	[sflag:s7] =	ssyncadd.s32 @!p0 $0xFFFFF000  }
0x5ee: {  	[hbm:s31], [sflag:s4] =	dma.local @!p1 [hbm:s2], $0x1000  }
0x5ef: {  	s4 =	simm.s32 @!p1 $0x6  }
0x5f0: {  	p0 =	seq.s32 s16, $0x0;
	_ =	swait.ge @!p1 [sflag:s4], $0x1000  }
0x5f1: {  	s7 =	sshll.u32 @!p0 s0, $0x6;
	[sflag:s4] =	ssyncset.done @!p1 $0x0  }
0x5f2: {  	[sflag:s4] =	ssyncadd.s32 @!p1 $0xFFFFF000;
	s4 =	sor.u32 @!p0 $0x1C06, s7  }
0x5f3: {  	[hbm:s30], [sflag:s4] =	dma.local @!p0 [hbm:s2], $0x1000  }
0x5f4: {  	s4 =	simm.s32 @!p0 $0x6  }
0x5f5: {  	p1 =	seq.s32 s17, $0x0;
	_ =	swait.ge @!p0 [sflag:s4], $0x1000  }
0x5f6: {  	s5 =	sshll.u32 @!p1 s0, $0x6;
	[sflag:s4] =	ssyncset.done @!p0 $0x0  }
0x5f7: {  	[sflag:s4] =	ssyncadd.s32 @!p0 $0xFFFFF000;
	s4 =	sor.u32 @!p1 $0x1C06, s5  }
0x5f8: {  	[hbm:s25], [sflag:s4] =	dma.local @!p1 [hbm:s2], $0x1000  }
0x5f9: {  	s4 =	simm.s32 @!p1 $0x6  }
0x5fa: {  	p0 =	seq.s32 s18, $0x0;
	_ =	swait.ge @!p1 [sflag:s4], $0x1000  }
0x5fb: {  	s5 =	sshll.u32 @!p0 s0, $0x6;
	[sflag:s4] =	ssyncset.done @!p1 $0x0  }
0x5fc: {  	[sflag:s4] =	ssyncadd.s32 @!p1 $0xFFFFF000;
	s4 =	sor.u32 @!p0 $0x1C06, s5  }
0x5fd: {  	[hbm:s29], [sflag:s4] =	dma.local @!p0 [hbm:s2], $0x1000  }
0x5fe: {  	s4 =	simm.s32 @!p0 $0x6  }
0x5ff: {  	p1 =	seq.s32 s19, $0x0;
	_ =	swait.ge @!p0 [sflag:s4], $0x1000  }
0x600: {  	s3 =	sshll.u32 @!p1 s0, $0x6;
	[sflag:s4] =	ssyncset.done @!p0 $0x0  }
0x601: {  	s3 =	sor.u32 @!p1 $0x1C06, s3;
	[sflag:s4] =	ssyncadd.s32 @!p0 $0xFFFFF000  }
0x602: {  	[hbm:s28], [sflag:s3] =	dma.local @!p1 [hbm:s2], $0x1000  }
0x603: {  	s3 =	simm.s32 @!p1 $0x6  }
0x604: {  	p0 =	seq.s32 s23, $0x0;
	_ =	swait.ge @!p1 [sflag:s3], $0x1000  }
0x605: {  	s4 =	sshll.u32 @!p0 s0, $0x6;
	[sflag:s3] =	ssyncset.done @!p1 $0x0  }
0x606: {  	[sflag:s3] =	ssyncadd.s32 @!p1 $0xFFFFF000;
	s3 =	sor.u32 @!p0 $0x1C06, s4  }
0x607: {  	[hbm:s22], [sflag:s3] =	dma.local @!p0 [hbm:s2], $0x1000  }
0x608: {  	s3 =	simm.s32 @!p0 $0x6  }
0x609: {  	p1 =	seq.s32 s24, $0x0;
	_ =	swait.ge @!p0 [sflag:s3], $0x1000  }
0x60a: {  	s4 =	sshll.u32 @!p1 s0, $0x6;
	[sflag:s3] =	ssyncset.done @!p0 $0x0  }
0x60b: {  	[sflag:s3] =	ssyncadd.s32 @!p0 $0xFFFFF000;
	s3 =	sor.u32 @!p1 $0x1C06, s4  }
0x60c: {  	[hbm:s21], [sflag:s3] =	dma.local @!p1 [hbm:s2], $0x1000  }
0x60d: {  	s3 =	simm.s32 @!p1 $0x6  }
0x60e: {  	p0 =	seq.s32 s26, $0x0;
	_ =	swait.ge @!p1 [sflag:s3], $0x1000  }
0x60f: {  	s1 =	sshll.u32 @!p0 s0, $0x6;
	[sflag:s3] =	ssyncset.done @!p1 $0x0  }
0x610: {  	s1 =	sor.u32 @!p0 $0x1C06, s1;
	[sflag:s3] =	ssyncadd.s32 @!p1 $0xFFFFF000  }
0x611: {  	[hbm:s20], [sflag:s1] =	dma.local @!p0 [hbm:s2], $0x1000  }
0x612: {  	s1 =	simm.s32 @!p0 $0x6  }
0x613: {  	_ =	swait.ge @!p0 [sflag:s1], $0x1000  }
0x614: {  	[sflag:s1] =	ssyncset.done @!p0 $0x0  }
0x615: {  	[sflag:s1] =	ssyncadd.s32 @!p0 $0xFFFFF000  }
0x616: {  	_ =	sfence.sel $0x180000  }
0x617: {  	[bflag:$0x0] =	sbarrier.arrive $0xFFFF  }
0x618: {  	_ =	strace $0x9000004A  }
0x619: {  	[bflag:$0x2] =	sbarrier.arrive $0xFFFF  }
0x61a: {  	p0 =	sne.s32 s0, $0x0;
	s0 =	rddreg [dreg:$0x3]  }
0x61b: {  	s0 =	sadd.s32 @!p0 $0x100000, s0  }
0x61c: {  	[sflag:s0] =	ssyncadd.tile.s32 @!p0 $0x1;
	_ =	shalt  }
.LBB2_2:
0x61d: {  	s1 =	sld [smem:$0x7F8]  }
0x61e: {  	s5 =	sld [smem:$0x7FB]  }
0x61f: {  	s24 =	sld [smem:$0x7FA]  }
.Ltmp3:
0x620: {  	s17 =	sld [smem:$0x7CE];
	(pc) =	sbr.rel .LBB2_5-.Ltmp3, $4  }
0x621: {  	s16 =	sld [smem:$0x7F9]  }
0x622: {  	s18 =	sld [smem:$0x7CC]  }
0x623: {  	s19 =	sld [smem:$0x7CD]  }
0x624: {  	s12 =	simm.s32 $0x10000;
	s15 =	simm.s32 $0x10080;
	s29 =	simm.s32 $0x6  }
.Lfunc_end2:
_tile_overlayer_lowered:
.L_overlay_start_2:
0x625: {  	(tag) =	ssettag $0x2  }
0x626: {  	s0 =	rddreg [dreg:$0x0];
	s2 =	stileid.u32  }
0x627: {  	s1 =	rddreg [dreg:$0x1];
	p0 =	sne.s32 s2, $0x0  }
0x628: {  	s3 =	rddreg [dreg:$0x2];
	[bflag:$0x3] =	sbarrier.arrive $0xFFFF;
	s2 =	simm.s32 @!p0 $0x1C06  }
0x629: {  	[timem:s3], [sflag:s2] =	dma.local @!p0 [hbm:s0], s1  }
0x62a: {  	s0 =	simm.s32 @!p0 $0x6  }
0x62b: {  	_ =	swait.ge @!p0 [sflag:s0], s1  }
0x62c: {  	s1 =	ssub.s32 @!p0 $0x0, s1;
	[sflag:s0] =	ssyncset.done @!p0 $0x0  }
0x62d: {  	[sflag:s0] =	ssyncadd.s32 @!p0 s1  }
0x62e: {  	[bflag:$0x3] =	sbarrier.arrive $0xFFFF  }
0x62f: {  	_ =	shalt  }

</sc_bundles>
